<compile_context>
chip_gen: v7x
topology: tpu7x:2x2x1
jax: 0.10.2.dev20260603
libtpu: 0.0.44.dev20260713+nightly
codegen_flags: <defaults>
</compile_context>

<pallas_src>
import functools

import jax
import jax.numpy as jnp
from jax import lax
from jax.experimental import pallas as pl
from jax.experimental.pallas import tpu as pltpu
from jax.experimental.pallas import tpu_sc as plsc

N = 10000
E = 320000
D = 128

NC, NS = 2, 16
NW = NC * NS
CH = 128
NCHUNK = E // CH
CPT = NCHUNK // NW
XTRA = NCHUNK - CPT * NW
NP = 10240
RPT = NP // NS
SUP = 3
NSU = CPT // SUP

_MESH = plsc.VectorSubcoreMesh(
    core_axis_name="c", subcore_axis_name="s", num_cores=NC, num_subcores=NS
)


def _worker():
    return lax.axis_index("s") * NC + lax.axis_index("c")


def _deg_body(edge_hbm, deg0_hbm, deg1_hbm, ones_v, cidx_v, zrow_v, deg_sh,
              semI, semS):
    c = lax.axis_index("c")
    s = lax.axis_index("s")
    w = _worker()

    def fill(i, _):
        ones_v[pl.ds(i * 16, 16)] = jnp.ones((16,), jnp.float32)
        zrow_v[pl.ds(i * 16, 16)] = jnp.zeros((16,), jnp.float32)
        return 0

    lax.fori_loop(0, CH // 16, fill, 0)

    def col_src(ch):
        return edge_hbm.at[1, pl.ds(pl.multiple_of(ch * CH, CH), CH)]

    def iload(j, _):
        pltpu.async_copy(col_src(w * CPT + j), cidx_v.at[j], semI)
        return 0

    lax.fori_loop(0, CPT, iload, 0)

    @pl.when(w < XTRA)
    def _():
        pltpu.async_copy(col_src(NW * CPT + w), cidx_v.at[CPT], semI)

    def zloop(i, _):
        pltpu.sync_copy(zrow_v, deg_sh.at[pl.ds(s * RPT + i * CH, CH)])
        return 0

    lax.fori_loop(0, RPT // CH, zloop, 0)

    def idrain(j, _):
        pltpu.make_async_copy(col_src(w * CPT + j), cidx_v.at[j], semI).wait()
        return 0

    lax.fori_loop(0, CPT, idrain, 0)

    @pl.when(w < XTRA)
    def _():
        pltpu.make_async_copy(col_src(NW * CPT + w), cidx_v.at[CPT],
                              semI).wait()

    plsc.subcore_barrier()

    def body(j, _):
        pltpu.async_copy(ones_v, deg_sh.at[cidx_v.at[j]], semS, add=True)
        return 0

    lax.fori_loop(0, CPT, body, 0)

    @pl.when(w < XTRA)
    def _():
        pltpu.async_copy(ones_v, deg_sh.at[cidx_v.at[CPT]], semS, add=True)

    def drain(j, _):
        pltpu.make_async_copy(ones_v, deg_sh.at[cidx_v.at[j]], semS).wait()
        return 0

    lax.fori_loop(0, CPT, drain, 0)

    @pl.when(w < XTRA)
    def _():
        pltpu.make_async_copy(ones_v, deg_sh.at[cidx_v.at[CPT]], semS).wait()

    plsc.subcore_barrier()

    @pl.when(c == 0)
    def _():
        pltpu.sync_copy(deg_sh.at[pl.ds(s * RPT, RPT)],
                        deg0_hbm.at[pl.ds(s * RPT, RPT)])

    @pl.when(c == 1)
    def _():
        pltpu.sync_copy(deg_sh.at[pl.ds(s * RPT, RPT)],
                        deg1_hbm.at[pl.ds(s * RPT, RPT)])


_deg_call = functools.partial(
    pl.kernel,
    out_type=(
        jax.ShapeDtypeStruct((NP,), jnp.float32),
        jax.ShapeDtypeStruct((NP,), jnp.float32),
    ),
    mesh=_MESH,
    scratch_types=[
        pltpu.VMEM((CH,), jnp.float32),
        pltpu.VMEM((CPT + 1, CH), jnp.int32),
        pltpu.VMEM((CH,), jnp.float32),
        pltpu.VMEM_SHARED((NP,), jnp.float32),
        pltpu.SemaphoreType.DMA,
        pltpu.SemaphoreType.DMA,
    ],
)(_deg_body)


def _mm_body(x_ref, w_ref, d0_ref, d1_ref, h2_ref, dinv_ref):
    deg = d0_ref[...] + d1_ref[...] + 1.0
    dinv = lax.rsqrt(deg)
    h = jnp.dot(x_ref[...], w_ref[...], preferred_element_type=jnp.float32)
    h2_ref[...] = h * dinv
    dinv_ref[...] = dinv


_MMR = 2000


def _mm_call(x, W, d0, d1):
    grid = N // _MMR
    return pl.pallas_call(
        _mm_body,
        grid=(grid,),
        in_specs=[
            pl.BlockSpec((_MMR, D), lambda i: (i, 0)),
            pl.BlockSpec((D, D), lambda i: (0, 0)),
            pl.BlockSpec((_MMR, 1), lambda i: (i, 0)),
            pl.BlockSpec((_MMR, 1), lambda i: (i, 0)),
        ],
        out_specs=[
            pl.BlockSpec((_MMR, D), lambda i: (i, 0)),
            pl.BlockSpec((_MMR, 1), lambda i: (i, 0)),
        ],
        out_shape=[
            jax.ShapeDtypeStruct((N, D), jnp.float32),
            jax.ShapeDtypeStruct((N, 1), jnp.float32),
        ],
    )(x, W, d0, d1)


def _scat_body(edge_hbm, h2_hbm, p0_hbm, p1_hbm,
               ridx_v, cidx_v, rows_v, acc_sh, semI, semG, semS):
    c = lax.axis_index("c")
    s = lax.axis_index("s")
    w = _worker()

    def row_src(ch):
        return edge_hbm.at[0, pl.ds(pl.multiple_of(ch * CH, CH), CH)]

    def col_src(ch):
        return edge_hbm.at[1, pl.ds(pl.multiple_of(ch * CH, CH), CH)]

    def load_idx(t, q):
        for u in range(SUP):
            ch = w * CPT + t * SUP + u
            pltpu.async_copy(row_src(ch), ridx_v.at[q, u], semI.at[q])
            pltpu.async_copy(col_src(ch), cidx_v.at[q, u], semI.at[q])

    def idx_wait(t, q):
        for u in range(SUP):
            ch = w * CPT + t * SUP + u
            pltpu.make_async_copy(row_src(ch), ridx_v.at[q, u],
                                  semI.at[q]).wait()
            pltpu.make_async_copy(col_src(ch), cidx_v.at[q, u],
                                  semI.at[q]).wait()

    load_idx(0, 0)
    load_idx(1, 1)

    def zb(i, _):
        def zb2(j, _):
            rows_v[0, i, pl.ds(j * 16, 16)] = jnp.zeros((16,), jnp.float32)
            return 0
        lax.fori_loop(0, D // 16, zb2, 0)
        return 0

    lax.fori_loop(0, CH, zb, 0)

    for k in range(RPT // CH):
        pltpu.sync_copy(rows_v.at[0], acc_sh.at[pl.ds(s * RPT + k * CH, CH)])
    plsc.subcore_barrier()

    def gather(q, u, buf):
        pltpu.async_copy(h2_hbm.at[ridx_v.at[q, u]], rows_v.at[buf],
                         semG.at[buf])

    def gather_wait(q, u, buf):
        pltpu.make_async_copy(h2_hbm.at[ridx_v.at[q, u]], rows_v.at[buf],
                              semG.at[buf]).wait()

    def scat_start(q, u, buf):
        pltpu.async_copy(rows_v.at[buf], acc_sh.at[cidx_v.at[q, u]],
                         semS.at[buf], add=True)

    def scat_wait(q, u, buf):
        pltpu.make_async_copy(rows_v.at[buf], acc_sh.at[cidx_v.at[q, u]],
                              semS.at[buf]).wait()

    idx_wait(0, 0)
    gather(0, 0, 0)

    def body(tp, _):
        for tt in range(2):
            t = tp * 2 + tt
            for u in range(SUP):
                j = t * SUP + u
                buf = (tt + u) % 2
                qm = (tt ^ 1, SUP - 1) if u == 0 else (tt, u - 1)

                @pl.when(j > 0)
                def _():
                    scat_wait(qm[0], qm[1], buf ^ 1)

                if u == 0:
                    @pl.when(jnp.logical_and(t >= 1, t + 1 < NSU))
                    def _():
                        load_idx(t + 1, tt ^ 1)

                if u == SUP - 1:
                    @pl.when(t + 1 < NSU)
                    def _():
                        idx_wait(t + 1, tt ^ 1)
                        gather(tt ^ 1, 0, buf ^ 1)
                else:
                    gather(tt, u + 1, buf ^ 1)

                gather_wait(tt, u, buf)
                scat_start(tt, u, buf)
        return 0

    lax.fori_loop(0, NSU // 2, body, 0)
    scat_wait(1, SUP - 1, (1 + SUP - 1) % 2)

    @pl.when(w < XTRA)
    def _():
        ch = NW * CPT + w
        pltpu.async_copy(row_src(ch), ridx_v.at[0, 0], semI.at[0])
        pltpu.async_copy(col_src(ch), cidx_v.at[0, 0], semI.at[0])
        pltpu.make_async_copy(row_src(ch), ridx_v.at[0, 0], semI.at[0]).wait()
        pltpu.make_async_copy(col_src(ch), cidx_v.at[0, 0], semI.at[0]).wait()
        pltpu.async_copy(h2_hbm.at[ridx_v.at[0, 0]], rows_v.at[0], semG.at[0])
        pltpu.make_async_copy(h2_hbm.at[ridx_v.at[0, 0]], rows_v.at[0],
                              semG.at[0]).wait()
        pltpu.sync_copy(rows_v.at[0], acc_sh.at[cidx_v.at[0, 0]], add=True)

    plsc.subcore_barrier()

    @pl.when(c == 0)
    def _():
        pltpu.sync_copy(acc_sh.at[pl.ds(s * RPT, RPT)],
                        p0_hbm.at[pl.ds(s * RPT, RPT)])

    @pl.when(c == 1)
    def _():
        pltpu.sync_copy(acc_sh.at[pl.ds(s * RPT, RPT)],
                        p1_hbm.at[pl.ds(s * RPT, RPT)])


_scat_call = functools.partial(
    pl.kernel,
    out_type=(
        jax.ShapeDtypeStruct((NP, D), jnp.float32),
        jax.ShapeDtypeStruct((NP, D), jnp.float32),
    ),
    mesh=_MESH,
    scratch_types=[
        pltpu.VMEM((2, SUP, CH), jnp.int32),
        pltpu.VMEM((2, SUP, CH), jnp.int32),
        pltpu.VMEM((2, CH, D), jnp.float32),
        pltpu.VMEM_SHARED((NP, D), jnp.float32),
        pltpu.SemaphoreType.DMA((2,)),
        pltpu.SemaphoreType.DMA((2,)),
        pltpu.SemaphoreType.DMA((2,)),
    ],
)(_scat_body)


def _comb_body(p0_ref, p1_ref, h2_ref, dinv_ref, b_ref, out_ref):
    out_ref[...] = (
        dinv_ref[...] * (p0_ref[...] + p1_ref[...] + h2_ref[...]) + b_ref[...]
    )


def _comb_call(p0, p1, h2, dinv, b2):
    grid = N // _MMR
    return pl.pallas_call(
        _comb_body,
        grid=(grid,),
        in_specs=[
            pl.BlockSpec((_MMR, D), lambda i: (i, 0)),
            pl.BlockSpec((_MMR, D), lambda i: (i, 0)),
            pl.BlockSpec((_MMR, D), lambda i: (i, 0)),
            pl.BlockSpec((_MMR, 1), lambda i: (i, 0)),
            pl.BlockSpec((1, D), lambda i: (0, 0)),
        ],
        out_specs=pl.BlockSpec((_MMR, D), lambda i: (i, 0)),
        out_shape=jax.ShapeDtypeStruct((N, D), jnp.float32),
    )(p0, p1, h2, dinv, b2)


def kernel(x, edge_index, W, b):
    deg0, deg1 = _deg_call(edge_index)
    d0 = deg0.reshape(NP, 1)
    d1 = deg1.reshape(NP, 1)
    h2, dinv = _mm_call(x, W, d0, d1)
    p0, p1 = _scat_call(edge_index, h2)
    b2 = b.reshape(1, D)
    return _comb_call(p0, p1, h2, dinv, b2)

# --- scband reference (transcript-rebuilt; emitter-appended) ---
"""Pipeline reference for scband-link-predictor-gnn-22376779612381 (READ-ONLY COPY).

The authoritative reference and input builder live on the scoring server;
editing this copy changes nothing except your own understanding.
"""

import jax, jax.numpy as jnp
import numpy as np

N = 10000
E = 320000
D_IN = 128
D_H = 128

def setup_inputs(seed: int = 0) -> dict:
    key = jax.random.key(seed)
    k1, k2, k3 = jax.random.split(key, 3)
    x = jax.random.normal(k1, (N, D_IN), dtype=jnp.float32)
    edge_index = jax.random.randint(k2, (2, E), 0, N, dtype=jnp.int32)
    # GCNConv learned params: lin weight [in, hidden] (transposed vs torch) and bias [hidden]
    W = jax.random.normal(k3, (D_IN, D_H), dtype=jnp.float32) * 0.05
    b = jnp.zeros((D_H,), dtype=jnp.float32)
    return {"x": x, "edge_index": edge_index, "W": W, "b": b}

def reference(x, edge_index, W, b):
    # Faithful GCNConv: add self-loops, symmetric normalization D^-1/2 (A+I) D^-1/2 X W + b.
    # The original forward only applies the GCN layer (edge_mlp is unused in forward).
    n = x.shape[0]
    x = x.astype(jnp.float32)
    loop = jnp.arange(n, dtype=edge_index.dtype)
    row = jnp.concatenate([edge_index[0], loop])  # source nodes
    col = jnp.concatenate([edge_index[1], loop])  # destination nodes (aggregation targets)
    deg = jnp.zeros((n,), dtype=x.dtype).at[col].add(1.0)
    dinv = jax.lax.rsqrt(deg)
    norm = (dinv[row] * dinv[col])[:, None]
    h = x @ W
    msg = h[row] * norm  # gather (SparseCore-friendly)
    out = jnp.zeros((n, W.shape[1]), dtype=h.dtype).at[col].add(msg)  # scatter-add
    out = out + b
    return out

if __name__ == "__main__":
    import jax
    _d = setup_inputs()
    print(jax.jit(kernel)(*tuple(_d.values())))

</pallas_src>

<mosaic_0001>
#map = affine_map<(d0, d1) -> (0, 0)>
#map1 = affine_map<(d0, d1) -> (0)>
module attributes {stable_mosaic.version = 14 : i64} {
  func.func @_deg_body(%arg0: i32, %arg1: i32, %arg2: memref<2x320000xi32, #tpu.memory_space<hbm>>, %arg3: memref<10240xf32, #tpu.memory_space<hbm>>, %arg4: memref<10240xf32, #tpu.memory_space<hbm>>, %arg5: memref<128xf32, #tpu.memory_space<vmem>>, %arg6: memref<79x128xi32, #tpu.memory_space<vmem>>, %arg7: memref<128xf32, #tpu.memory_space<vmem>>, %arg8: memref<10240xf32, #tpu.memory_space<vmem_shared>>, %arg9: memref<!tpu.dma_semaphore, #tpu.memory_space<semaphore_mem>>, %arg10: memref<!tpu.dma_semaphore, #tpu.memory_space<semaphore_mem>>) attributes {dimension_semantics = [#tpu.dimension_semantics<core_parallel>, #tpu.dimension_semantics<subcore_parallel>], iteration_bounds = array<i64: 2, 16>, scalar_prefetch = 0 : i64, scratch_operands = 6 : i64, tpu.core_type = #tpu.core_type<sc_vector_subcore>, window_params = [{transform_indices = #map}, {transform_indices = #map1}, {transform_indices = #map1}]} {
    %mul3A = arith.constant 2 : i32
    %mul3A_0 = arith.muli %arg1, %mul3A : i32
    %add3A = arith.addi %mul3A_0, %arg0 : i32
    %scan3A = arith.constant 0 : i32
    %scan3A_1 = arith.constant 0 : i32
    %scan3A_2 = arith.constant 8 : i32
    %scan3A_3 = arith.addi %scan3A_1, %scan3A_2 : i32
    %scan3A_4 = arith.constant 1 : i32
    %scan3A_5 = scf.for %scan3A_69 = %scan3A_1 to %scan3A_3 step %scan3A_4 iter_args(%scan3A_70 = %scan3A) -> (i32)  : i32 {
      %broadcast_in_dim3A = arith.constant 1.000000e+00 : f32
      %broadcast_in_dim3A_71 = vector.broadcast %broadcast_in_dim3A : f32 to vector<16xf32>
      %mul3A_72 = arith.constant 16 : i32
      %mul3A_73 = arith.muli %scan3A_69, %mul3A_72 : i32
      %swap3A = arith.index_cast %mul3A_73 : i32 to index
      %swap3A_74 = tpu.vector_load %arg5[%swap3A] {strides = array<i32>} : memref<128xf32, #tpu.memory_space<vmem>>, vector<16xf32>,
      %swap3A_75 = vector.shape_cast %swap3A_74 : vector<16xf32> to vector<16xf32>
      %swap3A_76 = vector.shape_cast %broadcast_in_dim3A_71 : vector<16xf32> to vector<16xf32>
      tpu.vector_store %arg5[%swap3A], %swap3A_76 {strides = array<i32>} : memref<128xf32, #tpu.memory_space<vmem>>, vector<16xf32>,
      %broadcast_in_dim3A_77 = arith.constant 0.000000e+00 : f32
      %broadcast_in_dim3A_78 = vector.broadcast %broadcast_in_dim3A_77 : f32 to vector<16xf32>
      %mul3A_79 = arith.constant 16 : i32
      %mul3A_80 = arith.muli %scan3A_69, %mul3A_79 : i32
      %swap3A_81 = arith.index_cast %mul3A_80 : i32 to index
      %swap3A_82 = tpu.vector_load %arg7[%swap3A_81] {strides = array<i32>} : memref<128xf32, #tpu.memory_space<vmem>>, vector<16xf32>,
      %swap3A_83 = vector.shape_cast %swap3A_82 : vector<16xf32> to vector<16xf32>
      %swap3A_84 = vector.shape_cast %broadcast_in_dim3A_78 : vector<16xf32> to vector<16xf32>
      tpu.vector_store %arg7[%swap3A_81], %swap3A_84 {strides = array<i32>} : memref<128xf32, #tpu.memory_space<vmem>>, vector<16xf32>,
      %scan3A_85 = arith.constant 0 : i32
      scf.yield %scan3A_85 : i32
    }
    %scan3A_6 = arith.constant 8 : i32
    %scan3A_7 = arith.constant 0 : i32
    %scan3A_8 = arith.constant 0 : i32
    %scan3A_9 = arith.constant 78 : i32
    %scan3A_10 = arith.addi %scan3A_8, %scan3A_9 : i32
    %scan3A_11 = arith.constant 1 : i32
    %scan3A_12 = scf.for %scan3A_69 = %scan3A_8 to %scan3A_10 step %scan3A_11 iter_args(%scan3A_70 = %scan3A_7) -> (i32)  : i32 {
      %mul3A_71 = arith.constant 78 : i32
      %mul3A_72 = arith.muli %add3A, %mul3A_71 : i32
      %add3A_73 = arith.addi %mul3A_72, %scan3A_69 : i32
      %mul3A_74 = arith.constant 128 : i32
      %mul3A_75 = arith.muli %add3A_73, %mul3A_74 : i32
      %multiple_of3A = tpu.assume_multiple %mul3A_75, 128 : i32
      %dma_start3A = arith.constant 1 : i32
      %dma_start3A_76 = arith.constant 0 : i32
      %dma_start3A_77 = tpu.memref_slice %arg6[%scan3A_69, %dma_start3A_76] : memref<79x128xi32, #tpu.memory_space<vmem>> -> memref<1x128xi32, #tpu.memory_space<vmem>>
      %dma_start3A_78 = tpu.memref_squeeze %dma_start3A_77 : memref<1x128xi32, #tpu.memory_space<vmem>> -> memref<128xi32, #tpu.memory_space<vmem>>
      %dma_start3A_79 = tpu.memref_slice %arg2[%dma_start3A, %multiple_of3A] : memref<2x320000xi32, #tpu.memory_space<hbm>> -> memref<1x128xi32, #tpu.memory_space<hbm>>
      %dma_start3A_80 = tpu.memref_squeeze %dma_start3A_79 : memref<1x128xi32, #tpu.memory_space<hbm>> -> memref<128xi32, #tpu.memory_space<hbm>>
      %dma_start3A_81 = arith.constant 0 : i32
      %dma_start3A_82 = tpu.memref_slice %arg6[%scan3A_69, %dma_start3A_81] : memref<79x128xi32, #tpu.memory_space<vmem>> -> memref<1x128xi32, #tpu.memory_space<vmem>>
      %dma_start3A_83 = tpu.memref_squeeze %dma_start3A_82 : memref<1x128xi32, #tpu.memory_space<vmem>> -> memref<128xi32, #tpu.memory_space<vmem>>
      %dma_start3A_84 = tpu.memref_slice %arg2[%dma_start3A, %multiple_of3A] : memref<2x320000xi32, #tpu.memory_space<hbm>> -> memref<1x128xi32, #tpu.memory_space<hbm>>
      %dma_start3A_85 = tpu.memref_squeeze %dma_start3A_84 : memref<1x128xi32, #tpu.memory_space<hbm>> -> memref<128xi32, #tpu.memory_space<hbm>>
      tpu.enqueue_dma source(%dma_start3A_85 : memref<128xi32, #tpu.memory_space<hbm>>) target(%dma_start3A_83 : memref<128xi32, #tpu.memory_space<vmem>>) target_semaphore(%arg9 : memref<!tpu.dma_semaphore, #tpu.memory_space<semaphore_mem>>)
      %scan3A_86 = arith.constant 0 : i32
      scf.yield %scan3A_86 : i32
    }
    %scan3A_13 = arith.constant 78 : i32
    %lt3A = arith.constant 4 : i32
    %lt3A_14 = arith.cmpi slt, %add3A, %lt3A : i32
    %convert_element_type3A = arith.extui %lt3A_14 : i1 to i32
    %cond3A = arith.constant 0 : i32
    %cond3A_15 = arith.cmpi ne, %convert_element_type3A, %cond3A : i32
    scf.if %cond3A_15 {
      %add3A_69 = arith.constant 2496 : i32
      %add3A_70 = arith.addi %add3A_69, %add3A : i32
      %mul3A_71 = arith.constant 128 : i32
      %mul3A_72 = arith.muli %add3A_70, %mul3A_71 : i32
      %multiple_of3A = tpu.assume_multiple %mul3A_72, 128 : i32
      %dma_start3A = arith.constant 1 : i32
      %dma_start3A_73 = arith.constant 78 : i32
      %dma_start3A_74 = arith.constant 0 : i32
      %dma_start3A_75 = tpu.memref_slice %arg6[%dma_start3A_73, %dma_start3A_74] : memref<79x128xi32, #tpu.memory_space<vmem>> -> memref<1x128xi32, #tpu.memory_space<vmem>>
      %dma_start3A_76 = tpu.memref_squeeze %dma_start3A_75 : memref<1x128xi32, #tpu.memory_space<vmem>> -> memref<128xi32, #tpu.memory_space<vmem>>
      %dma_start3A_77 = tpu.memref_slice %arg2[%dma_start3A, %multiple_of3A] : memref<2x320000xi32, #tpu.memory_space<hbm>> -> memref<1x128xi32, #tpu.memory_space<hbm>>
      %dma_start3A_78 = tpu.memref_squeeze %dma_start3A_77 : memref<1x128xi32, #tpu.memory_space<hbm>> -> memref<128xi32, #tpu.memory_space<hbm>>
      %dma_start3A_79 = arith.constant 0 : i32
      %dma_start3A_80 = tpu.memref_slice %arg6[%dma_start3A_73, %dma_start3A_79] : memref<79x128xi32, #tpu.memory_space<vmem>> -> memref<1x128xi32, #tpu.memory_space<vmem>>
      %dma_start3A_81 = tpu.memref_squeeze %dma_start3A_80 : memref<1x128xi32, #tpu.memory_space<vmem>> -> memref<128xi32, #tpu.memory_space<vmem>>
      %dma_start3A_82 = tpu.memref_slice %arg2[%dma_start3A, %multiple_of3A] : memref<2x320000xi32, #tpu.memory_space<hbm>> -> memref<1x128xi32, #tpu.memory_space<hbm>>
      %dma_start3A_83 = tpu.memref_squeeze %dma_start3A_82 : memref<1x128xi32, #tpu.memory_space<hbm>> -> memref<128xi32, #tpu.memory_space<hbm>>
      tpu.enqueue_dma source(%dma_start3A_83 : memref<128xi32, #tpu.memory_space<hbm>>) target(%dma_start3A_81 : memref<128xi32, #tpu.memory_space<vmem>>) target_semaphore(%arg9 : memref<!tpu.dma_semaphore, #tpu.memory_space<semaphore_mem>>)
    } else {
    }
    %scan3A_16 = arith.constant 0 : i32
    %scan3A_17 = arith.constant 0 : i32
    %scan3A_18 = arith.constant 5 : i32
    %scan3A_19 = arith.addi %scan3A_17, %scan3A_18 : i32
    %scan3A_20 = arith.constant 1 : i32
    %scan3A_21 = scf.for %scan3A_69 = %scan3A_17 to %scan3A_19 step %scan3A_20 iter_args(%scan3A_70 = %scan3A_16) -> (i32)  : i32 {
      %mul3A_71 = arith.constant 640 : i32
      %mul3A_72 = arith.muli %arg1, %mul3A_71 : i32
      %mul3A_73 = arith.constant 128 : i32
      %mul3A_74 = arith.muli %scan3A_69, %mul3A_73 : i32
      %add3A_75 = arith.addi %mul3A_72, %mul3A_74 : i32
      "tpu.region"() ({
        %run_scoped3A = tpu.sem_alloc : memref<!tpu.dma_semaphore, #tpu.memory_space<semaphore_mem>>
        %dma_start3A = tpu.memref_slice %arg8[%add3A_75] : memref<10240xf32, #tpu.memory_space<vmem_shared>> -> memref<128xf32, #tpu.memory_space<vmem_shared>>
        %dma_start3A_77 = tpu.memref_slice %arg8[%add3A_75] : memref<10240xf32, #tpu.memory_space<vmem_shared>> -> memref<128xf32, #tpu.memory_space<vmem_shared>>
        tpu.enqueue_dma source(%arg7 : memref<128xf32, #tpu.memory_space<vmem>>) target(%dma_start3A_77 : memref<128xf32, #tpu.memory_space<vmem_shared>>) target_semaphore(%run_scoped3A : memref<!tpu.dma_semaphore, #tpu.memory_space<semaphore_mem>>)
        %dma_wait3A = tpu.memref_slice %arg8[%add3A_75] : memref<10240xf32, #tpu.memory_space<vmem_shared>> -> memref<128xf32, #tpu.memory_space<vmem_shared>>
        %dma_wait3A_78 = tpu.memref_slice %arg8[%add3A_75] : memref<10240xf32, #tpu.memory_space<vmem_shared>> -> memref<128xf32, #tpu.memory_space<vmem_shared>>
        tpu.wait_dma2 semaphore(%run_scoped3A : memref<!tpu.dma_semaphore, #tpu.memory_space<semaphore_mem>>) src(%arg7 : memref<128xf32, #tpu.memory_space<vmem>>) dst(%dma_wait3A_78 : memref<128xf32, #tpu.memory_space<vmem_shared>>)
        tpu.yield
      }) : () -> ()
      %scan3A_76 = arith.constant 0 : i32
      scf.yield %scan3A_76 : i32
    }
    %scan3A_22 = arith.constant 5 : i32
    %scan3A_23 = arith.constant 0 : i32
    %scan3A_24 = arith.constant 0 : i32
    %scan3A_25 = arith.constant 78 : i32
    %scan3A_26 = arith.addi %scan3A_24, %scan3A_25 : i32
    %scan3A_27 = arith.constant 1 : i32
    %scan3A_28 = scf.for %scan3A_69 = %scan3A_24 to %scan3A_26 step %scan3A_27 iter_args(%scan3A_70 = %scan3A_23) -> (i32)  : i32 {
      %mul3A_71 = arith.constant 78 : i32
      %mul3A_72 = arith.muli %add3A, %mul3A_71 : i32
      %add3A_73 = arith.addi %mul3A_72, %scan3A_69 : i32
      %mul3A_74 = arith.constant 128 : i32
      %mul3A_75 = arith.muli %add3A_73, %mul3A_74 : i32
      %multiple_of3A = tpu.assume_multiple %mul3A_75, 128 : i32
      %dma_wait3A = arith.constant 1 : i32
      %dma_wait3A_76 = arith.constant 0 : i32
      %dma_wait3A_77 = tpu.memref_slice %arg6[%scan3A_69, %dma_wait3A_76] : memref<79x128xi32, #tpu.memory_space<vmem>> -> memref<1x128xi32, #tpu.memory_space<vmem>>
      %dma_wait3A_78 = tpu.memref_squeeze %dma_wait3A_77 : memref<1x128xi32, #tpu.memory_space<vmem>> -> memref<128xi32, #tpu.memory_space<vmem>>
      %dma_wait3A_79 = tpu.memref_slice %arg2[%dma_wait3A, %multiple_of3A] : memref<2x320000xi32, #tpu.memory_space<hbm>> -> memref<1x128xi32, #tpu.memory_space<hbm>>
      %dma_wait3A_80 = tpu.memref_squeeze %dma_wait3A_79 : memref<1x128xi32, #tpu.memory_space<hbm>> -> memref<128xi32, #tpu.memory_space<hbm>>
      %dma_wait3A_81 = arith.constant 0 : i32
      %dma_wait3A_82 = tpu.memref_slice %arg6[%scan3A_69, %dma_wait3A_81] : memref<79x128xi32, #tpu.memory_space<vmem>> -> memref<1x128xi32, #tpu.memory_space<vmem>>
      %dma_wait3A_83 = tpu.memref_squeeze %dma_wait3A_82 : memref<1x128xi32, #tpu.memory_space<vmem>> -> memref<128xi32, #tpu.memory_space<vmem>>
      %dma_wait3A_84 = tpu.memref_slice %arg2[%dma_wait3A, %multiple_of3A] : memref<2x320000xi32, #tpu.memory_space<hbm>> -> memref<1x128xi32, #tpu.memory_space<hbm>>
      %dma_wait3A_85 = tpu.memref_squeeze %dma_wait3A_84 : memref<1x128xi32, #tpu.memory_space<hbm>> -> memref<128xi32, #tpu.memory_space<hbm>>
      tpu.wait_dma2 semaphore(%arg9 : memref<!tpu.dma_semaphore, #tpu.memory_space<semaphore_mem>>) src(%dma_wait3A_85 : memref<128xi32, #tpu.memory_space<hbm>>) dst(%dma_wait3A_83 : memref<128xi32, #tpu.memory_space<vmem>>)
      %scan3A_86 = arith.constant 0 : i32
      scf.yield %scan3A_86 : i32
    }
    %scan3A_29 = arith.constant 78 : i32
    %lt3A_30 = arith.constant 4 : i32
    %lt3A_31 = arith.cmpi slt, %add3A, %lt3A_30 : i32
    %convert_element_type3A_32 = arith.extui %lt3A_31 : i1 to i32
    %cond3A_33 = arith.constant 0 : i32
    %cond3A_34 = arith.cmpi ne, %convert_element_type3A_32, %cond3A_33 : i32
    scf.if %cond3A_34 {
      %add3A_69 = arith.constant 2496 : i32
      %add3A_70 = arith.addi %add3A_69, %add3A : i32
      %mul3A_71 = arith.constant 128 : i32
      %mul3A_72 = arith.muli %add3A_70, %mul3A_71 : i32
      %multiple_of3A = tpu.assume_multiple %mul3A_72, 128 : i32
      %dma_wait3A = arith.constant 1 : i32
      %dma_wait3A_73 = arith.constant 78 : i32
      %dma_wait3A_74 = arith.constant 0 : i32
      %dma_wait3A_75 = tpu.memref_slice %arg6[%dma_wait3A_73, %dma_wait3A_74] : memref<79x128xi32, #tpu.memory_space<vmem>> -> memref<1x128xi32, #tpu.memory_space<vmem>>
      %dma_wait3A_76 = tpu.memref_squeeze %dma_wait3A_75 : memref<1x128xi32, #tpu.memory_space<vmem>> -> memref<128xi32, #tpu.memory_space<vmem>>
      %dma_wait3A_77 = tpu.memref_slice %arg2[%dma_wait3A, %multiple_of3A] : memref<2x320000xi32, #tpu.memory_space<hbm>> -> memref<1x128xi32, #tpu.memory_space<hbm>>
      %dma_wait3A_78 = tpu.memref_squeeze %dma_wait3A_77 : memref<1x128xi32, #tpu.memory_space<hbm>> -> memref<128xi32, #tpu.memory_space<hbm>>
      %dma_wait3A_79 = arith.constant 0 : i32
      %dma_wait3A_80 = tpu.memref_slice %arg6[%dma_wait3A_73, %dma_wait3A_79] : memref<79x128xi32, #tpu.memory_space<vmem>> -> memref<1x128xi32, #tpu.memory_space<vmem>>
      %dma_wait3A_81 = tpu.memref_squeeze %dma_wait3A_80 : memref<1x128xi32, #tpu.memory_space<vmem>> -> memref<128xi32, #tpu.memory_space<vmem>>
      %dma_wait3A_82 = tpu.memref_slice %arg2[%dma_wait3A, %multiple_of3A] : memref<2x320000xi32, #tpu.memory_space<hbm>> -> memref<1x128xi32, #tpu.memory_space<hbm>>
      %dma_wait3A_83 = tpu.memref_squeeze %dma_wait3A_82 : memref<1x128xi32, #tpu.memory_space<hbm>> -> memref<128xi32, #tpu.memory_space<hbm>>
      tpu.wait_dma2 semaphore(%arg9 : memref<!tpu.dma_semaphore, #tpu.memory_space<semaphore_mem>>) src(%dma_wait3A_83 : memref<128xi32, #tpu.memory_space<hbm>>) dst(%dma_wait3A_81 : memref<128xi32, #tpu.memory_space<vmem>>)
    } else {
    }
    %barrier3A = arith.constant 0 : index
    tpu.barrier barrier_id(%barrier3A)
    %scan3A_35 = arith.constant 0 : i32
    %scan3A_36 = arith.constant 0 : i32
    %scan3A_37 = arith.constant 78 : i32
    %scan3A_38 = arith.addi %scan3A_36, %scan3A_37 : i32
    %scan3A_39 = arith.constant 1 : i32
    %scan3A_40 = scf.for %scan3A_69 = %scan3A_36 to %scan3A_38 step %scan3A_39 iter_args(%scan3A_70 = %scan3A_35) -> (i32)  : i32 {
      %dma_start3A = arith.constant 0 : i32
      %dma_start3A_71 = tpu.memref_slice %arg6[%scan3A_69, %dma_start3A] : memref<79x128xi32, #tpu.memory_space<vmem>> -> memref<1x128xi32, #tpu.memory_space<vmem>>
      %dma_start3A_72 = tpu.memref_squeeze %dma_start3A_71 : memref<1x128xi32, #tpu.memory_space<vmem>> -> memref<128xi32, #tpu.memory_space<vmem>>
      %dma_start3A_73 = arith.constant 0 : i32
      %dma_start3A_74 = tpu.memref_slice %arg8[%dma_start3A_73] : memref<10240xf32, #tpu.memory_space<vmem_shared>> -> memref<10240xf32, #tpu.memory_space<vmem_shared>>
      tpu.enqueue_indirect_dma source(%arg5 : memref<128xf32, #tpu.memory_space<vmem>>) target(%dma_start3A_74 : memref<10240xf32, #tpu.memory_space<vmem_shared>>) offsets(%dma_start3A_72 : memref<128xi32, #tpu.memory_space<vmem>>) semaphore(%arg10 : memref<!tpu.dma_semaphore, #tpu.memory_space<semaphore_mem>>) {add = true}
      %scan3A_75 = arith.constant 0 : i32
      scf.yield %scan3A_75 : i32
    }
    %scan3A_41 = arith.constant 78 : i32
    %lt3A_42 = arith.constant 4 : i32
    %lt3A_43 = arith.cmpi slt, %add3A, %lt3A_42 : i32
    %convert_element_type3A_44 = arith.extui %lt3A_43 : i1 to i32
    %cond3A_45 = arith.constant 0 : i32
    %cond3A_46 = arith.cmpi ne, %convert_element_type3A_44, %cond3A_45 : i32
    scf.if %cond3A_46 {
      %dma_start3A = arith.constant 78 : i32
      %dma_start3A_69 = arith.constant 0 : i32
      %dma_start3A_70 = tpu.memref_slice %arg6[%dma_start3A, %dma_start3A_69] : memref<79x128xi32, #tpu.memory_space<vmem>> -> memref<1x128xi32, #tpu.memory_space<vmem>>
      %dma_start3A_71 = tpu.memref_squeeze %dma_start3A_70 : memref<1x128xi32, #tpu.memory_space<vmem>> -> memref<128xi32, #tpu.memory_space<vmem>>
      %dma_start3A_72 = arith.constant 0 : i32
      %dma_start3A_73 = tpu.memref_slice %arg8[%dma_start3A_72] : memref<10240xf32, #tpu.memory_space<vmem_shared>> -> memref<10240xf32, #tpu.memory_space<vmem_shared>>
      tpu.enqueue_indirect_dma source(%arg5 : memref<128xf32, #tpu.memory_space<vmem>>) target(%dma_start3A_73 : memref<10240xf32, #tpu.memory_space<vmem_shared>>) offsets(%dma_start3A_71 : memref<128xi32, #tpu.memory_space<vmem>>) semaphore(%arg10 : memref<!tpu.dma_semaphore, #tpu.memory_space<semaphore_mem>>) {add = true}
    } else {
    }
    %scan3A_47 = arith.constant 0 : i32
    %scan3A_48 = arith.constant 0 : i32
    %scan3A_49 = arith.constant 78 : i32
    %scan3A_50 = arith.addi %scan3A_48, %scan3A_49 : i32
    %scan3A_51 = arith.constant 1 : i32
    %scan3A_52 = scf.for %scan3A_69 = %scan3A_48 to %scan3A_50 step %scan3A_51 iter_args(%scan3A_70 = %scan3A_47) -> (i32)  : i32 {
      %dma_wait3A = arith.constant 0 : i32
      %dma_wait3A_71 = tpu.memref_slice %arg6[%scan3A_69, %dma_wait3A] : memref<79x128xi32, #tpu.memory_space<vmem>> -> memref<1x128xi32, #tpu.memory_space<vmem>>
      %dma_wait3A_72 = tpu.memref_squeeze %dma_wait3A_71 : memref<1x128xi32, #tpu.memory_space<vmem>> -> memref<128xi32, #tpu.memory_space<vmem>>
      %dma_wait3A_73 = arith.constant 0 : i32
      %dma_wait3A_74 = tpu.memref_slice %arg8[%dma_wait3A_73] : memref<10240xf32, #tpu.memory_space<vmem_shared>> -> memref<10240xf32, #tpu.memory_space<vmem_shared>>
      tpu.wait_indirect_dma semaphore(%arg10 : memref<!tpu.dma_semaphore, #tpu.memory_space<semaphore_mem>>) src(%arg5 : memref<128xf32, #tpu.memory_space<vmem>>) dst(%dma_wait3A_74 : memref<10240xf32, #tpu.memory_space<vmem_shared>>)
      %scan3A_75 = arith.constant 0 : i32
      scf.yield %scan3A_75 : i32
    }
    %scan3A_53 = arith.constant 78 : i32
    %lt3A_54 = arith.constant 4 : i32
    %lt3A_55 = arith.cmpi slt, %add3A, %lt3A_54 : i32
    %convert_element_type3A_56 = arith.extui %lt3A_55 : i1 to i32
    %cond3A_57 = arith.constant 0 : i32
    %cond3A_58 = arith.cmpi ne, %convert_element_type3A_56, %cond3A_57 : i32
    scf.if %cond3A_58 {
      %dma_wait3A = arith.constant 78 : i32
      %dma_wait3A_69 = arith.constant 0 : i32
      %dma_wait3A_70 = tpu.memref_slice %arg6[%dma_wait3A, %dma_wait3A_69] : memref<79x128xi32, #tpu.memory_space<vmem>> -> memref<1x128xi32, #tpu.memory_space<vmem>>
      %dma_wait3A_71 = tpu.memref_squeeze %dma_wait3A_70 : memref<1x128xi32, #tpu.memory_space<vmem>> -> memref<128xi32, #tpu.memory_space<vmem>>
      %dma_wait3A_72 = arith.constant 0 : i32
      %dma_wait3A_73 = tpu.memref_slice %arg8[%dma_wait3A_72] : memref<10240xf32, #tpu.memory_space<vmem_shared>> -> memref<10240xf32, #tpu.memory_space<vmem_shared>>
      tpu.wait_indirect_dma semaphore(%arg10 : memref<!tpu.dma_semaphore, #tpu.memory_space<semaphore_mem>>) src(%arg5 : memref<128xf32, #tpu.memory_space<vmem>>) dst(%dma_wait3A_73 : memref<10240xf32, #tpu.memory_space<vmem_shared>>)
    } else {
    }
    %barrier3A_59 = arith.constant 0 : index
    tpu.barrier barrier_id(%barrier3A_59)
    %eq3A = arith.constant 0 : i32
    %eq3A_60 = arith.cmpi eq, %arg0, %eq3A : i32
    %convert_element_type3A_61 = arith.extui %eq3A_60 : i1 to i32
    %cond3A_62 = arith.constant 0 : i32
    %cond3A_63 = arith.cmpi ne, %convert_element_type3A_61, %cond3A_62 : i32
    scf.if %cond3A_63 {
      %mul3A_69 = arith.constant 640 : i32
      %mul3A_70 = arith.muli %arg1, %mul3A_69 : i32
      %mul3A_71 = arith.constant 640 : i32
      %mul3A_72 = arith.muli %arg1, %mul3A_71 : i32
      "tpu.region"() ({
        %run_scoped3A = tpu.sem_alloc : memref<!tpu.dma_semaphore, #tpu.memory_space<semaphore_mem>>
        %dma_start3A = tpu.memref_slice %arg3[%mul3A_72] : memref<10240xf32, #tpu.memory_space<hbm>> -> memref<640xf32, #tpu.memory_space<hbm>>
        %dma_start3A_73 = tpu.memref_slice %arg8[%mul3A_70] : memref<10240xf32, #tpu.memory_space<vmem_shared>> -> memref<640xf32, #tpu.memory_space<vmem_shared>>
        tpu.enqueue_dma source(%dma_start3A_73 : memref<640xf32, #tpu.memory_space<vmem_shared>>) target(%dma_start3A : memref<640xf32, #tpu.memory_space<hbm>>) target_semaphore(%run_scoped3A : memref<!tpu.dma_semaphore, #tpu.memory_space<semaphore_mem>>)
        %dma_wait3A = tpu.memref_slice %arg3[%mul3A_72] : memref<10240xf32, #tpu.memory_space<hbm>> -> memref<640xf32, #tpu.memory_space<hbm>>
        %dma_wait3A_74 = tpu.memref_slice %arg8[%mul3A_70] : memref<10240xf32, #tpu.memory_space<vmem_shared>> -> memref<640xf32, #tpu.memory_space<vmem_shared>>
        tpu.wait_dma2 semaphore(%run_scoped3A : memref<!tpu.dma_semaphore, #tpu.memory_space<semaphore_mem>>) src(%dma_wait3A_74 : memref<640xf32, #tpu.memory_space<vmem_shared>>) dst(%dma_wait3A : memref<640xf32, #tpu.memory_space<hbm>>)
        tpu.yield
      }) : () -> ()
    } else {
    }
    %eq3A_64 = arith.constant 1 : i32
    %eq3A_65 = arith.cmpi eq, %arg0, %eq3A_64 : i32
    %convert_element_type3A_66 = arith.extui %eq3A_65 : i1 to i32
    %cond3A_67 = arith.constant 0 : i32
    %cond3A_68 = arith.cmpi ne, %convert_element_type3A_66, %cond3A_67 : i32
    scf.if %cond3A_68 {
      %mul3A_69 = arith.constant 640 : i32
      %mul3A_70 = arith.muli %arg1, %mul3A_69 : i32
      %mul3A_71 = arith.constant 640 : i32
      %mul3A_72 = arith.muli %arg1, %mul3A_71 : i32
      "tpu.region"() ({
        %run_scoped3A = tpu.sem_alloc : memref<!tpu.dma_semaphore, #tpu.memory_space<semaphore_mem>>
        %dma_start3A = tpu.memref_slice %arg4[%mul3A_72] : memref<10240xf32, #tpu.memory_space<hbm>> -> memref<640xf32, #tpu.memory_space<hbm>>
        %dma_start3A_73 = tpu.memref_slice %arg8[%mul3A_70] : memref<10240xf32, #tpu.memory_space<vmem_shared>> -> memref<640xf32, #tpu.memory_space<vmem_shared>>
        tpu.enqueue_dma source(%dma_start3A_73 : memref<640xf32, #tpu.memory_space<vmem_shared>>) target(%dma_start3A : memref<640xf32, #tpu.memory_space<hbm>>) target_semaphore(%run_scoped3A : memref<!tpu.dma_semaphore, #tpu.memory_space<semaphore_mem>>)
        %dma_wait3A = tpu.memref_slice %arg4[%mul3A_72] : memref<10240xf32, #tpu.memory_space<hbm>> -> memref<640xf32, #tpu.memory_space<hbm>>
        %dma_wait3A_74 = tpu.memref_slice %arg8[%mul3A_70] : memref<10240xf32, #tpu.memory_space<vmem_shared>> -> memref<640xf32, #tpu.memory_space<vmem_shared>>
        tpu.wait_dma2 semaphore(%run_scoped3A : memref<!tpu.dma_semaphore, #tpu.memory_space<semaphore_mem>>) src(%dma_wait3A_74 : memref<640xf32, #tpu.memory_space<vmem_shared>>) dst(%dma_wait3A : memref<640xf32, #tpu.memory_space<hbm>>)
        tpu.yield
      }) : () -> ()
    } else {
    }
    return
  }
}

#map = affine_map<(d0, d1) -> (0, 0)>
module attributes {stable_mosaic.version = 14 : i64} {
  func.func @_scat_body(%arg0: i32, %arg1: i32, %arg2: memref<2x320000xi32, #tpu.memory_space<hbm>>, %arg3: memref<10000x128xf32, #tpu.memory_space<hbm>>, %arg4: memref<10240x128xf32, #tpu.memory_space<hbm>>, %arg5: memref<10240x128xf32, #tpu.memory_space<hbm>>, %arg6: memref<2x3x128xi32, #tpu.memory_space<vmem>>, %arg7: memref<2x3x128xi32, #tpu.memory_space<vmem>>, %arg8: memref<2x128x128xf32, #tpu.memory_space<vmem>>, %arg9: memref<10240x128xf32, #tpu.memory_space<vmem_shared>>, %arg10: memref<2x!tpu.dma_semaphore, #tpu.memory_space<semaphore_mem>>, %arg11: memref<2x!tpu.dma_semaphore, #tpu.memory_space<semaphore_mem>>, %arg12: memref<2x!tpu.dma_semaphore, #tpu.memory_space<semaphore_mem>>) attributes {dimension_semantics = [#tpu.dimension_semantics<core_parallel>, #tpu.dimension_semantics<subcore_parallel>], iteration_bounds = array<i64: 2, 16>, scalar_prefetch = 0 : i64, scratch_operands = 7 : i64, tpu.core_type = #tpu.core_type<sc_vector_subcore>, window_params = [{transform_indices = #map}, {transform_indices = #map}, {transform_indices = #map}, {transform_indices = #map}]} {
    %mul3A = arith.constant 2 : i32
    %mul3A_0 = arith.muli %arg1, %mul3A : i32
    %add3A = arith.addi %mul3A_0, %arg0 : i32
    %mul3A_1 = arith.constant 78 : i32
    %mul3A_2 = arith.muli %add3A, %mul3A_1 : i32
    %add3A_3 = arith.constant 0 : i32
    %add3A_4 = arith.addi %mul3A_2, %add3A_3 : i32
    %add3A_5 = arith.constant 0 : i32
    %add3A_6 = arith.addi %add3A_4, %add3A_5 : i32
    %mul3A_7 = arith.constant 128 : i32
    %mul3A_8 = arith.muli %add3A_6, %mul3A_7 : i32
    %multiple_of3A = tpu.assume_multiple %mul3A_8, 128 : i32
    %dma_start3A = arith.constant 0 : i32
    %dma_start3A_9 = arith.constant 0 : i32
    %dma_start3A_10 = arith.constant 0 : i32
    %dma_start3A_11 = arith.constant 0 : i32
    %dma_start3A_12 = arith.constant 0 : i32
    %dma_start3A_13 = tpu.memref_slice %arg6[%dma_start3A_9, %dma_start3A_10, %dma_start3A_12] : memref<2x3x128xi32, #tpu.memory_space<vmem>> -> memref<1x1x128xi32, #tpu.memory_space<vmem>>
    %dma_start3A_14 = tpu.memref_squeeze %dma_start3A_13 : memref<1x1x128xi32, #tpu.memory_space<vmem>> -> memref<128xi32, #tpu.memory_space<vmem>>
    %dma_start3A_15 = tpu.memref_slice %arg2[%dma_start3A, %multiple_of3A] : memref<2x320000xi32, #tpu.memory_space<hbm>> -> memref<1x128xi32, #tpu.memory_space<hbm>>
    %dma_start3A_16 = tpu.memref_squeeze %dma_start3A_15 : memref<1x128xi32, #tpu.memory_space<hbm>> -> memref<128xi32, #tpu.memory_space<hbm>>
    %dma_start3A_17 = tpu.memref_slice %arg10[%dma_start3A_11] : memref<2x!tpu.dma_semaphore, #tpu.memory_space<semaphore_mem>> -> memref<1x!tpu.dma_semaphore, #tpu.memory_space<semaphore_mem>>
    %dma_start3A_18 = tpu.memref_squeeze %dma_start3A_17 : memref<1x!tpu.dma_semaphore, #tpu.memory_space<semaphore_mem>> -> memref<!tpu.dma_semaphore, #tpu.memory_space<semaphore_mem>>
    %dma_start3A_19 = arith.constant 0 : i32
    %dma_start3A_20 = tpu.memref_slice %arg6[%dma_start3A_9, %dma_start3A_10, %dma_start3A_19] : memref<2x3x128xi32, #tpu.memory_space<vmem>> -> memref<1x1x128xi32, #tpu.memory_space<vmem>>
    %dma_start3A_21 = tpu.memref_squeeze %dma_start3A_20 : memref<1x1x128xi32, #tpu.memory_space<vmem>> -> memref<128xi32, #tpu.memory_space<vmem>>
    %dma_start3A_22 = tpu.memref_slice %arg2[%dma_start3A, %multiple_of3A] : memref<2x320000xi32, #tpu.memory_space<hbm>> -> memref<1x128xi32, #tpu.memory_space<hbm>>
    %dma_start3A_23 = tpu.memref_squeeze %dma_start3A_22 : memref<1x128xi32, #tpu.memory_space<hbm>> -> memref<128xi32, #tpu.memory_space<hbm>>
    tpu.enqueue_dma source(%dma_start3A_23 : memref<128xi32, #tpu.memory_space<hbm>>) target(%dma_start3A_21 : memref<128xi32, #tpu.memory_space<vmem>>) target_semaphore(%dma_start3A_18 : memref<!tpu.dma_semaphore, #tpu.memory_space<semaphore_mem>>)
    %mul3A_24 = arith.constant 128 : i32
    %mul3A_25 = arith.muli %add3A_6, %mul3A_24 : i32
    %multiple_of3A_26 = tpu.assume_multiple %mul3A_25, 128 : i32
    %dma_start3A_27 = arith.constant 1 : i32
    %dma_start3A_28 = arith.constant 0 : i32
    %dma_start3A_29 = arith.constant 0 : i32
    %dma_start3A_30 = arith.constant 0 : i32
    %dma_start3A_31 = arith.constant 0 : i32
    %dma_start3A_32 = tpu.memref_slice %arg7[%dma_start3A_28, %dma_start3A_29, %dma_start3A_31] : memref<2x3x128xi32, #tpu.memory_space<vmem>> -> memref<1x1x128xi32, #tpu.memory_space<vmem>>
    %dma_start3A_33 = tpu.memref_squeeze %dma_start3A_32 : memref<1x1x128xi32, #tpu.memory_space<vmem>> -> memref<128xi32, #tpu.memory_space<vmem>>
    %dma_start3A_34 = tpu.memref_slice %arg2[%dma_start3A_27, %multiple_of3A_26] : memref<2x320000xi32, #tpu.memory_space<hbm>> -> memref<1x128xi32, #tpu.memory_space<hbm>>
    %dma_start3A_35 = tpu.memref_squeeze %dma_start3A_34 : memref<1x128xi32, #tpu.memory_space<hbm>> -> memref<128xi32, #tpu.memory_space<hbm>>
    %dma_start3A_36 = tpu.memref_slice %arg10[%dma_start3A_30] : memref<2x!tpu.dma_semaphore, #tpu.memory_space<semaphore_mem>> -> memref<1x!tpu.dma_semaphore, #tpu.memory_space<semaphore_mem>>
    %dma_start3A_37 = tpu.memref_squeeze %dma_start3A_36 : memref<1x!tpu.dma_semaphore, #tpu.memory_space<semaphore_mem>> -> memref<!tpu.dma_semaphore, #tpu.memory_space<semaphore_mem>>
    %dma_start3A_38 = arith.constant 0 : i32
    %dma_start3A_39 = tpu.memref_slice %arg7[%dma_start3A_28, %dma_start3A_29, %dma_start3A_38] : memref<2x3x128xi32, #tpu.memory_space<vmem>> -> memref<1x1x128xi32, #tpu.memory_space<vmem>>
    %dma_start3A_40 = tpu.memref_squeeze %dma_start3A_39 : memref<1x1x128xi32, #tpu.memory_space<vmem>> -> memref<128xi32, #tpu.memory_space<vmem>>
    %dma_start3A_41 = tpu.memref_slice %arg2[%dma_start3A_27, %multiple_of3A_26] : memref<2x320000xi32, #tpu.memory_space<hbm>> -> memref<1x128xi32, #tpu.memory_space<hbm>>
    %dma_start3A_42 = tpu.memref_squeeze %dma_start3A_41 : memref<1x128xi32, #tpu.memory_space<hbm>> -> memref<128xi32, #tpu.memory_space<hbm>>
    tpu.enqueue_dma source(%dma_start3A_42 : memref<128xi32, #tpu.memory_space<hbm>>) target(%dma_start3A_40 : memref<128xi32, #tpu.memory_space<vmem>>) target_semaphore(%dma_start3A_37 : memref<!tpu.dma_semaphore, #tpu.memory_space<semaphore_mem>>)
    %mul3A_43 = arith.constant 78 : i32
    %mul3A_44 = arith.muli %add3A, %mul3A_43 : i32
    %add3A_45 = arith.constant 0 : i32
    %add3A_46 = arith.addi %mul3A_44, %add3A_45 : i32
    %add3A_47 = arith.constant 1 : i32
    %add3A_48 = arith.addi %add3A_46, %add3A_47 : i32
    %mul3A_49 = arith.constant 128 : i32
    %mul3A_50 = arith.muli %add3A_48, %mul3A_49 : i32
    %multiple_of3A_51 = tpu.assume_multiple %mul3A_50, 128 : i32
    %dma_start3A_52 = arith.constant 0 : i32
    %dma_start3A_53 = arith.constant 0 : i32
    %dma_start3A_54 = arith.constant 1 : i32
    %dma_start3A_55 = arith.constant 0 : i32
    %dma_start3A_56 = arith.constant 0 : i32
    %dma_start3A_57 = tpu.memref_slice %arg6[%dma_start3A_53, %dma_start3A_54, %dma_start3A_56] : memref<2x3x128xi32, #tpu.memory_space<vmem>> -> memref<1x1x128xi32, #tpu.memory_space<vmem>>
    %dma_start3A_58 = tpu.memref_squeeze %dma_start3A_57 : memref<1x1x128xi32, #tpu.memory_space<vmem>> -> memref<128xi32, #tpu.memory_space<vmem>>
    %dma_start3A_59 = tpu.memref_slice %arg2[%dma_start3A_52, %multiple_of3A_51] : memref<2x320000xi32, #tpu.memory_space<hbm>> -> memref<1x128xi32, #tpu.memory_space<hbm>>
    %dma_start3A_60 = tpu.memref_squeeze %dma_start3A_59 : memref<1x128xi32, #tpu.memory_space<hbm>> -> memref<128xi32, #tpu.memory_space<hbm>>
    %dma_start3A_61 = tpu.memref_slice %arg10[%dma_start3A_55] : memref<2x!tpu.dma_semaphore, #tpu.memory_space<semaphore_mem>> -> memref<1x!tpu.dma_semaphore, #tpu.memory_space<semaphore_mem>>
    %dma_start3A_62 = tpu.memref_squeeze %dma_start3A_61 : memref<1x!tpu.dma_semaphore, #tpu.memory_space<semaphore_mem>> -> memref<!tpu.dma_semaphore, #tpu.memory_space<semaphore_mem>>
    %dma_start3A_63 = arith.constant 0 : i32
    %dma_start3A_64 = tpu.memref_slice %arg6[%dma_start3A_53, %dma_start3A_54, %dma_start3A_63] : memref<2x3x128xi32, #tpu.memory_space<vmem>> -> memref<1x1x128xi32, #tpu.memory_space<vmem>>
    %dma_start3A_65 = tpu.memref_squeeze %dma_start3A_64 : memref<1x1x128xi32, #tpu.memory_space<vmem>> -> memref<128xi32, #tpu.memory_space<vmem>>
    %dma_start3A_66 = tpu.memref_slice %arg2[%dma_start3A_52, %multiple_of3A_51] : memref<2x320000xi32, #tpu.memory_space<hbm>> -> memref<1x128xi32, #tpu.memory_space<hbm>>
    %dma_start3A_67 = tpu.memref_squeeze %dma_start3A_66 : memref<1x128xi32, #tpu.memory_space<hbm>> -> memref<128xi32, #tpu.memory_space<hbm>>
    tpu.enqueue_dma source(%dma_start3A_67 : memref<128xi32, #tpu.memory_space<hbm>>) target(%dma_start3A_65 : memref<128xi32, #tpu.memory_space<vmem>>) target_semaphore(%dma_start3A_62 : memref<!tpu.dma_semaphore, #tpu.memory_space<semaphore_mem>>)
    %mul3A_68 = arith.constant 128 : i32
    %mul3A_69 = arith.muli %add3A_48, %mul3A_68 : i32
    %multiple_of3A_70 = tpu.assume_multiple %mul3A_69, 128 : i32
    %dma_start3A_71 = arith.constant 1 : i32
    %dma_start3A_72 = arith.constant 0 : i32
    %dma_start3A_73 = arith.constant 1 : i32
    %dma_start3A_74 = arith.constant 0 : i32
    %dma_start3A_75 = arith.constant 0 : i32
    %dma_start3A_76 = tpu.memref_slice %arg7[%dma_start3A_72, %dma_start3A_73, %dma_start3A_75] : memref<2x3x128xi32, #tpu.memory_space<vmem>> -> memref<1x1x128xi32, #tpu.memory_space<vmem>>
    %dma_start3A_77 = tpu.memref_squeeze %dma_start3A_76 : memref<1x1x128xi32, #tpu.memory_space<vmem>> -> memref<128xi32, #tpu.memory_space<vmem>>
    %dma_start3A_78 = tpu.memref_slice %arg2[%dma_start3A_71, %multiple_of3A_70] : memref<2x320000xi32, #tpu.memory_space<hbm>> -> memref<1x128xi32, #tpu.memory_space<hbm>>
    %dma_start3A_79 = tpu.memref_squeeze %dma_start3A_78 : memref<1x128xi32, #tpu.memory_space<hbm>> -> memref<128xi32, #tpu.memory_space<hbm>>
    %dma_start3A_80 = tpu.memref_slice %arg10[%dma_start3A_74] : memref<2x!tpu.dma_semaphore, #tpu.memory_space<semaphore_mem>> -> memref<1x!tpu.dma_semaphore, #tpu.memory_space<semaphore_mem>>
    %dma_start3A_81 = tpu.memref_squeeze %dma_start3A_80 : memref<1x!tpu.dma_semaphore, #tpu.memory_space<semaphore_mem>> -> memref<!tpu.dma_semaphore, #tpu.memory_space<semaphore_mem>>
    %dma_start3A_82 = arith.constant 0 : i32
    %dma_start3A_83 = tpu.memref_slice %arg7[%dma_start3A_72, %dma_start3A_73, %dma_start3A_82] : memref<2x3x128xi32, #tpu.memory_space<vmem>> -> memref<1x1x128xi32, #tpu.memory_space<vmem>>
    %dma_start3A_84 = tpu.memref_squeeze %dma_start3A_83 : memref<1x1x128xi32, #tpu.memory_space<vmem>> -> memref<128xi32, #tpu.memory_space<vmem>>
    %dma_start3A_85 = tpu.memref_slice %arg2[%dma_start3A_71, %multiple_of3A_70] : memref<2x320000xi32, #tpu.memory_space<hbm>> -> memref<1x128xi32, #tpu.memory_space<hbm>>
    %dma_start3A_86 = tpu.memref_squeeze %dma_start3A_85 : memref<1x128xi32, #tpu.memory_space<hbm>> -> memref<128xi32, #tpu.memory_space<hbm>>
    tpu.enqueue_dma source(%dma_start3A_86 : memref<128xi32, #tpu.memory_space<hbm>>) target(%dma_start3A_84 : memref<128xi32, #tpu.memory_space<vmem>>) target_semaphore(%dma_start3A_81 : memref<!tpu.dma_semaphore, #tpu.memory_space<semaphore_mem>>)
    %mul3A_87 = arith.constant 78 : i32
    %mul3A_88 = arith.muli %add3A, %mul3A_87 : i32
    %add3A_89 = arith.constant 0 : i32
    %add3A_90 = arith.addi %mul3A_88, %add3A_89 : i32
    %add3A_91 = arith.constant 2 : i32
    %add3A_92 = arith.addi %add3A_90, %add3A_91 : i32
    %mul3A_93 = arith.constant 128 : i32
    %mul3A_94 = arith.muli %add3A_92, %mul3A_93 : i32
    %multiple_of3A_95 = tpu.assume_multiple %mul3A_94, 128 : i32
    %dma_start3A_96 = arith.constant 0 : i32
    %dma_start3A_97 = arith.constant 0 : i32
    %dma_start3A_98 = arith.constant 2 : i32
    %dma_start3A_99 = arith.constant 0 : i32
    %dma_start3A_100 = arith.constant 0 : i32
    %dma_start3A_101 = tpu.memref_slice %arg6[%dma_start3A_97, %dma_start3A_98, %dma_start3A_100] : memref<2x3x128xi32, #tpu.memory_space<vmem>> -> memref<1x1x128xi32, #tpu.memory_space<vmem>>
    %dma_start3A_102 = tpu.memref_squeeze %dma_start3A_101 : memref<1x1x128xi32, #tpu.memory_space<vmem>> -> memref<128xi32, #tpu.memory_space<vmem>>
    %dma_start3A_103 = tpu.memref_slice %arg2[%dma_start3A_96, %multiple_of3A_95] : memref<2x320000xi32, #tpu.memory_space<hbm>> -> memref<1x128xi32, #tpu.memory_space<hbm>>
    %dma_start3A_104 = tpu.memref_squeeze %dma_start3A_103 : memref<1x128xi32, #tpu.memory_space<hbm>> -> memref<128xi32, #tpu.memory_space<hbm>>
    %dma_start3A_105 = tpu.memref_slice %arg10[%dma_start3A_99] : memref<2x!tpu.dma_semaphore, #tpu.memory_space<semaphore_mem>> -> memref<1x!tpu.dma_semaphore, #tpu.memory_space<semaphore_mem>>
    %dma_start3A_106 = tpu.memref_squeeze %dma_start3A_105 : memref<1x!tpu.dma_semaphore, #tpu.memory_space<semaphore_mem>> -> memref<!tpu.dma_semaphore, #tpu.memory_space<semaphore_mem>>
    %dma_start3A_107 = arith.constant 0 : i32
    %dma_start3A_108 = tpu.memref_slice %arg6[%dma_start3A_97, %dma_start3A_98, %dma_start3A_107] : memref<2x3x128xi32, #tpu.memory_space<vmem>> -> memref<1x1x128xi32, #tpu.memory_space<vmem>>
    %dma_start3A_109 = tpu.memref_squeeze %dma_start3A_108 : memref<1x1x128xi32, #tpu.memory_space<vmem>> -> memref<128xi32, #tpu.memory_space<vmem>>
    %dma_start3A_110 = tpu.memref_slice %arg2[%dma_start3A_96, %multiple_of3A_95] : memref<2x320000xi32, #tpu.memory_space<hbm>> -> memref<1x128xi32, #tpu.memory_space<hbm>>
    %dma_start3A_111 = tpu.memref_squeeze %dma_start3A_110 : memref<1x128xi32, #tpu.memory_space<hbm>> -> memref<128xi32, #tpu.memory_space<hbm>>
    tpu.enqueue_dma source(%dma_start3A_111 : memref<128xi32, #tpu.memory_space<hbm>>) target(%dma_start3A_109 : memref<128xi32, #tpu.memory_space<vmem>>) target_semaphore(%dma_start3A_106 : memref<!tpu.dma_semaphore, #tpu.memory_space<semaphore_mem>>)
    %mul3A_112 = arith.constant 128 : i32
    %mul3A_113 = arith.muli %add3A_92, %mul3A_112 : i32
    %multiple_of3A_114 = tpu.assume_multiple %mul3A_113, 128 : i32
    %dma_start3A_115 = arith.constant 1 : i32
    %dma_start3A_116 = arith.constant 0 : i32
    %dma_start3A_117 = arith.constant 2 : i32
    %dma_start3A_118 = arith.constant 0 : i32
    %dma_start3A_119 = arith.constant 0 : i32
    %dma_start3A_120 = tpu.memref_slice %arg7[%dma_start3A_116, %dma_start3A_117, %dma_start3A_119] : memref<2x3x128xi32, #tpu.memory_space<vmem>> -> memref<1x1x128xi32, #tpu.memory_space<vmem>>
    %dma_start3A_121 = tpu.memref_squeeze %dma_start3A_120 : memref<1x1x128xi32, #tpu.memory_space<vmem>> -> memref<128xi32, #tpu.memory_space<vmem>>
    %dma_start3A_122 = tpu.memref_slice %arg2[%dma_start3A_115, %multiple_of3A_114] : memref<2x320000xi32, #tpu.memory_space<hbm>> -> memref<1x128xi32, #tpu.memory_space<hbm>>
    %dma_start3A_123 = tpu.memref_squeeze %dma_start3A_122 : memref<1x128xi32, #tpu.memory_space<hbm>> -> memref<128xi32, #tpu.memory_space<hbm>>
    %dma_start3A_124 = tpu.memref_slice %arg10[%dma_start3A_118] : memref<2x!tpu.dma_semaphore, #tpu.memory_space<semaphore_mem>> -> memref<1x!tpu.dma_semaphore, #tpu.memory_space<semaphore_mem>>
    %dma_start3A_125 = tpu.memref_squeeze %dma_start3A_124 : memref<1x!tpu.dma_semaphore, #tpu.memory_space<semaphore_mem>> -> memref<!tpu.dma_semaphore, #tpu.memory_space<semaphore_mem>>
    %dma_start3A_126 = arith.constant 0 : i32
    %dma_start3A_127 = tpu.memref_slice %arg7[%dma_start3A_116, %dma_start3A_117, %dma_start3A_126] : memref<2x3x128xi32, #tpu.memory_space<vmem>> -> memref<1x1x128xi32, #tpu.memory_space<vmem>>
    %dma_start3A_128 = tpu.memref_squeeze %dma_start3A_127 : memref<1x1x128xi32, #tpu.memory_space<vmem>> -> memref<128xi32, #tpu.memory_space<vmem>>
    %dma_start3A_129 = tpu.memref_slice %arg2[%dma_start3A_115, %multiple_of3A_114] : memref<2x320000xi32, #tpu.memory_space<hbm>> -> memref<1x128xi32, #tpu.memory_space<hbm>>
    %dma_start3A_130 = tpu.memref_squeeze %dma_start3A_129 : memref<1x128xi32, #tpu.memory_space<hbm>> -> memref<128xi32, #tpu.memory_space<hbm>>
    tpu.enqueue_dma source(%dma_start3A_130 : memref<128xi32, #tpu.memory_space<hbm>>) target(%dma_start3A_128 : memref<128xi32, #tpu.memory_space<vmem>>) target_semaphore(%dma_start3A_125 : memref<!tpu.dma_semaphore, #tpu.memory_space<semaphore_mem>>)
    %mul3A_131 = arith.constant 78 : i32
    %mul3A_132 = arith.muli %add3A, %mul3A_131 : i32
    %add3A_133 = arith.constant 3 : i32
    %add3A_134 = arith.addi %mul3A_132, %add3A_133 : i32
    %add3A_135 = arith.constant 0 : i32
    %add3A_136 = arith.addi %add3A_134, %add3A_135 : i32
    %mul3A_137 = arith.constant 128 : i32
    %mul3A_138 = arith.muli %add3A_136, %mul3A_137 : i32
    %multiple_of3A_139 = tpu.assume_multiple %mul3A_138, 128 : i32
    %dma_start3A_140 = arith.constant 0 : i32
    %dma_start3A_141 = arith.constant 1 : i32
    %dma_start3A_142 = arith.constant 0 : i32
    %dma_start3A_143 = arith.constant 1 : i32
    %dma_start3A_144 = arith.constant 0 : i32
    %dma_start3A_145 = tpu.memref_slice %arg6[%dma_start3A_141, %dma_start3A_142, %dma_start3A_144] : memref<2x3x128xi32, #tpu.memory_space<vmem>> -> memref<1x1x128xi32, #tpu.memory_space<vmem>>
    %dma_start3A_146 = tpu.memref_squeeze %dma_start3A_145 : memref<1x1x128xi32, #tpu.memory_space<vmem>> -> memref<128xi32, #tpu.memory_space<vmem>>
    %dma_start3A_147 = tpu.memref_slice %arg2[%dma_start3A_140, %multiple_of3A_139] : memref<2x320000xi32, #tpu.memory_space<hbm>> -> memref<1x128xi32, #tpu.memory_space<hbm>>
    %dma_start3A_148 = tpu.memref_squeeze %dma_start3A_147 : memref<1x128xi32, #tpu.memory_space<hbm>> -> memref<128xi32, #tpu.memory_space<hbm>>
    %dma_start3A_149 = tpu.memref_slice %arg10[%dma_start3A_143] : memref<2x!tpu.dma_semaphore, #tpu.memory_space<semaphore_mem>> -> memref<1x!tpu.dma_semaphore, #tpu.memory_space<semaphore_mem>>
    %dma_start3A_150 = tpu.memref_squeeze %dma_start3A_149 : memref<1x!tpu.dma_semaphore, #tpu.memory_space<semaphore_mem>> -> memref<!tpu.dma_semaphore, #tpu.memory_space<semaphore_mem>>
    %dma_start3A_151 = arith.constant 0 : i32
    %dma_start3A_152 = tpu.memref_slice %arg6[%dma_start3A_141, %dma_start3A_142, %dma_start3A_151] : memref<2x3x128xi32, #tpu.memory_space<vmem>> -> memref<1x1x128xi32, #tpu.memory_space<vmem>>
    %dma_start3A_153 = tpu.memref_squeeze %dma_start3A_152 : memref<1x1x128xi32, #tpu.memory_space<vmem>> -> memref<128xi32, #tpu.memory_space<vmem>>
    %dma_start3A_154 = tpu.memref_slice %arg2[%dma_start3A_140, %multiple_of3A_139] : memref<2x320000xi32, #tpu.memory_space<hbm>> -> memref<1x128xi32, #tpu.memory_space<hbm>>
    %dma_start3A_155 = tpu.memref_squeeze %dma_start3A_154 : memref<1x128xi32, #tpu.memory_space<hbm>> -> memref<128xi32, #tpu.memory_space<hbm>>
    tpu.enqueue_dma source(%dma_start3A_155 : memref<128xi32, #tpu.memory_space<hbm>>) target(%dma_start3A_153 : memref<128xi32, #tpu.memory_space<vmem>>) target_semaphore(%dma_start3A_150 : memref<!tpu.dma_semaphore, #tpu.memory_space<semaphore_mem>>)
    %mul3A_156 = arith.constant 128 : i32
    %mul3A_157 = arith.muli %add3A_136, %mul3A_156 : i32
    %multiple_of3A_158 = tpu.assume_multiple %mul3A_157, 128 : i32
    %dma_start3A_159 = arith.constant 1 : i32
    %dma_start3A_160 = arith.constant 1 : i32
    %dma_start3A_161 = arith.constant 0 : i32
    %dma_start3A_162 = arith.constant 1 : i32
    %dma_start3A_163 = arith.constant 0 : i32
    %dma_start3A_164 = tpu.memref_slice %arg7[%dma_start3A_160, %dma_start3A_161, %dma_start3A_163] : memref<2x3x128xi32, #tpu.memory_space<vmem>> -> memref<1x1x128xi32, #tpu.memory_space<vmem>>
    %dma_start3A_165 = tpu.memref_squeeze %dma_start3A_164 : memref<1x1x128xi32, #tpu.memory_space<vmem>> -> memref<128xi32, #tpu.memory_space<vmem>>
    %dma_start3A_166 = tpu.memref_slice %arg2[%dma_start3A_159, %multiple_of3A_158] : memref<2x320000xi32, #tpu.memory_space<hbm>> -> memref<1x128xi32, #tpu.memory_space<hbm>>
    %dma_start3A_167 = tpu.memref_squeeze %dma_start3A_166 : memref<1x128xi32, #tpu.memory_space<hbm>> -> memref<128xi32, #tpu.memory_space<hbm>>
    %dma_start3A_168 = tpu.memref_slice %arg10[%dma_start3A_162] : memref<2x!tpu.dma_semaphore, #tpu.memory_space<semaphore_mem>> -> memref<1x!tpu.dma_semaphore, #tpu.memory_space<semaphore_mem>>
    %dma_start3A_169 = tpu.memref_squeeze %dma_start3A_168 : memref<1x!tpu.dma_semaphore, #tpu.memory_space<semaphore_mem>> -> memref<!tpu.dma_semaphore, #tpu.memory_space<semaphore_mem>>
    %dma_start3A_170 = arith.constant 0 : i32
    %dma_start3A_171 = tpu.memref_slice %arg7[%dma_start3A_160, %dma_start3A_161, %dma_start3A_170] : memref<2x3x128xi32, #tpu.memory_space<vmem>> -> memref<1x1x128xi32, #tpu.memory_space<vmem>>
    %dma_start3A_172 = tpu.memref_squeeze %dma_start3A_171 : memref<1x1x128xi32, #tpu.memory_space<vmem>> -> memref<128xi32, #tpu.memory_space<vmem>>
    %dma_start3A_173 = tpu.memref_slice %arg2[%dma_start3A_159, %multiple_of3A_158] : memref<2x320000xi32, #tpu.memory_space<hbm>> -> memref<1x128xi32, #tpu.memory_space<hbm>>
    %dma_start3A_174 = tpu.memref_squeeze %dma_start3A_173 : memref<1x128xi32, #tpu.memory_space<hbm>> -> memref<128xi32, #tpu.memory_space<hbm>>
    tpu.enqueue_dma source(%dma_start3A_174 : memref<128xi32, #tpu.memory_space<hbm>>) target(%dma_start3A_172 : memref<128xi32, #tpu.memory_space<vmem>>) target_semaphore(%dma_start3A_169 : memref<!tpu.dma_semaphore, #tpu.memory_space<semaphore_mem>>)
    %mul3A_175 = arith.constant 78 : i32
    %mul3A_176 = arith.muli %add3A, %mul3A_175 : i32
    %add3A_177 = arith.constant 3 : i32
    %add3A_178 = arith.addi %mul3A_176, %add3A_177 : i32
    %add3A_179 = arith.constant 1 : i32
    %add3A_180 = arith.addi %add3A_178, %add3A_179 : i32
    %mul3A_181 = arith.constant 128 : i32
    %mul3A_182 = arith.muli %add3A_180, %mul3A_181 : i32
    %multiple_of3A_183 = tpu.assume_multiple %mul3A_182, 128 : i32
    %dma_start3A_184 = arith.constant 0 : i32
    %dma_start3A_185 = arith.constant 1 : i32
    %dma_start3A_186 = arith.constant 1 : i32
    %dma_start3A_187 = arith.constant 1 : i32
    %dma_start3A_188 = arith.constant 0 : i32
    %dma_start3A_189 = tpu.memref_slice %arg6[%dma_start3A_185, %dma_start3A_186, %dma_start3A_188] : memref<2x3x128xi32, #tpu.memory_space<vmem>> -> memref<1x1x128xi32, #tpu.memory_space<vmem>>
    %dma_start3A_190 = tpu.memref_squeeze %dma_start3A_189 : memref<1x1x128xi32, #tpu.memory_space<vmem>> -> memref<128xi32, #tpu.memory_space<vmem>>
    %dma_start3A_191 = tpu.memref_slice %arg2[%dma_start3A_184, %multiple_of3A_183] : memref<2x320000xi32, #tpu.memory_space<hbm>> -> memref<1x128xi32, #tpu.memory_space<hbm>>
    %dma_start3A_192 = tpu.memref_squeeze %dma_start3A_191 : memref<1x128xi32, #tpu.memory_space<hbm>> -> memref<128xi32, #tpu.memory_space<hbm>>
    %dma_start3A_193 = tpu.memref_slice %arg10[%dma_start3A_187] : memref<2x!tpu.dma_semaphore, #tpu.memory_space<semaphore_mem>> -> memref<1x!tpu.dma_semaphore, #tpu.memory_space<semaphore_mem>>
    %dma_start3A_194 = tpu.memref_squeeze %dma_start3A_193 : memref<1x!tpu.dma_semaphore, #tpu.memory_space<semaphore_mem>> -> memref<!tpu.dma_semaphore, #tpu.memory_space<semaphore_mem>>
    %dma_start3A_195 = arith.constant 0 : i32
    %dma_start3A_196 = tpu.memref_slice %arg6[%dma_start3A_185, %dma_start3A_186, %dma_start3A_195] : memref<2x3x128xi32, #tpu.memory_space<vmem>> -> memref<1x1x128xi32, #tpu.memory_space<vmem>>
    %dma_start3A_197 = tpu.memref_squeeze %dma_start3A_196 : memref<1x1x128xi32, #tpu.memory_space<vmem>> -> memref<128xi32, #tpu.memory_space<vmem>>
    %dma_start3A_198 = tpu.memref_slice %arg2[%dma_start3A_184, %multiple_of3A_183] : memref<2x320000xi32, #tpu.memory_space<hbm>> -> memref<1x128xi32, #tpu.memory_space<hbm>>
    %dma_start3A_199 = tpu.memref_squeeze %dma_start3A_198 : memref<1x128xi32, #tpu.memory_space<hbm>> -> memref<128xi32, #tpu.memory_space<hbm>>
    tpu.enqueue_dma source(%dma_start3A_199 : memref<128xi32, #tpu.memory_space<hbm>>) target(%dma_start3A_197 : memref<128xi32, #tpu.memory_space<vmem>>) target_semaphore(%dma_start3A_194 : memref<!tpu.dma_semaphore, #tpu.memory_space<semaphore_mem>>)
    %mul3A_200 = arith.constant 128 : i32
    %mul3A_201 = arith.muli %add3A_180, %mul3A_200 : i32
    %multiple_of3A_202 = tpu.assume_multiple %mul3A_201, 128 : i32
    %dma_start3A_203 = arith.constant 1 : i32
    %dma_start3A_204 = arith.constant 1 : i32
    %dma_start3A_205 = arith.constant 1 : i32
    %dma_start3A_206 = arith.constant 1 : i32
    %dma_start3A_207 = arith.constant 0 : i32
    %dma_start3A_208 = tpu.memref_slice %arg7[%dma_start3A_204, %dma_start3A_205, %dma_start3A_207] : memref<2x3x128xi32, #tpu.memory_space<vmem>> -> memref<1x1x128xi32, #tpu.memory_space<vmem>>
    %dma_start3A_209 = tpu.memref_squeeze %dma_start3A_208 : memref<1x1x128xi32, #tpu.memory_space<vmem>> -> memref<128xi32, #tpu.memory_space<vmem>>
    %dma_start3A_210 = tpu.memref_slice %arg2[%dma_start3A_203, %multiple_of3A_202] : memref<2x320000xi32, #tpu.memory_space<hbm>> -> memref<1x128xi32, #tpu.memory_space<hbm>>
    %dma_start3A_211 = tpu.memref_squeeze %dma_start3A_210 : memref<1x128xi32, #tpu.memory_space<hbm>> -> memref<128xi32, #tpu.memory_space<hbm>>
    %dma_start3A_212 = tpu.memref_slice %arg10[%dma_start3A_206] : memref<2x!tpu.dma_semaphore, #tpu.memory_space<semaphore_mem>> -> memref<1x!tpu.dma_semaphore, #tpu.memory_space<semaphore_mem>>
    %dma_start3A_213 = tpu.memref_squeeze %dma_start3A_212 : memref<1x!tpu.dma_semaphore, #tpu.memory_space<semaphore_mem>> -> memref<!tpu.dma_semaphore, #tpu.memory_space<semaphore_mem>>
    %dma_start3A_214 = arith.constant 0 : i32
    %dma_start3A_215 = tpu.memref_slice %arg7[%dma_start3A_204, %dma_start3A_205, %dma_start3A_214] : memref<2x3x128xi32, #tpu.memory_space<vmem>> -> memref<1x1x128xi32, #tpu.memory_space<vmem>>
    %dma_start3A_216 = tpu.memref_squeeze %dma_start3A_215 : memref<1x1x128xi32, #tpu.memory_space<vmem>> -> memref<128xi32, #tpu.memory_space<vmem>>
    %dma_start3A_217 = tpu.memref_slice %arg2[%dma_start3A_203, %multiple_of3A_202] : memref<2x320000xi32, #tpu.memory_space<hbm>> -> memref<1x128xi32, #tpu.memory_space<hbm>>
    %dma_start3A_218 = tpu.memref_squeeze %dma_start3A_217 : memref<1x128xi32, #tpu.memory_space<hbm>> -> memref<128xi32, #tpu.memory_space<hbm>>
    tpu.enqueue_dma source(%dma_start3A_218 : memref<128xi32, #tpu.memory_space<hbm>>) target(%dma_start3A_216 : memref<128xi32, #tpu.memory_space<vmem>>) target_semaphore(%dma_start3A_213 : memref<!tpu.dma_semaphore, #tpu.memory_space<semaphore_mem>>)
    %mul3A_219 = arith.constant 78 : i32
    %mul3A_220 = arith.muli %add3A, %mul3A_219 : i32
    %add3A_221 = arith.constant 3 : i32
    %add3A_222 = arith.addi %mul3A_220, %add3A_221 : i32
    %add3A_223 = arith.constant 2 : i32
    %add3A_224 = arith.addi %add3A_222, %add3A_223 : i32
    %mul3A_225 = arith.constant 128 : i32
    %mul3A_226 = arith.muli %add3A_224, %mul3A_225 : i32
    %multiple_of3A_227 = tpu.assume_multiple %mul3A_226, 128 : i32
    %dma_start3A_228 = arith.constant 0 : i32
    %dma_start3A_229 = arith.constant 1 : i32
    %dma_start3A_230 = arith.constant 2 : i32
    %dma_start3A_231 = arith.constant 1 : i32
    %dma_start3A_232 = arith.constant 0 : i32
    %dma_start3A_233 = tpu.memref_slice %arg6[%dma_start3A_229, %dma_start3A_230, %dma_start3A_232] : memref<2x3x128xi32, #tpu.memory_space<vmem>> -> memref<1x1x128xi32, #tpu.memory_space<vmem>>
    %dma_start3A_234 = tpu.memref_squeeze %dma_start3A_233 : memref<1x1x128xi32, #tpu.memory_space<vmem>> -> memref<128xi32, #tpu.memory_space<vmem>>
    %dma_start3A_235 = tpu.memref_slice %arg2[%dma_start3A_228, %multiple_of3A_227] : memref<2x320000xi32, #tpu.memory_space<hbm>> -> memref<1x128xi32, #tpu.memory_space<hbm>>
    %dma_start3A_236 = tpu.memref_squeeze %dma_start3A_235 : memref<1x128xi32, #tpu.memory_space<hbm>> -> memref<128xi32, #tpu.memory_space<hbm>>
    %dma_start3A_237 = tpu.memref_slice %arg10[%dma_start3A_231] : memref<2x!tpu.dma_semaphore, #tpu.memory_space<semaphore_mem>> -> memref<1x!tpu.dma_semaphore, #tpu.memory_space<semaphore_mem>>
    %dma_start3A_238 = tpu.memref_squeeze %dma_start3A_237 : memref<1x!tpu.dma_semaphore, #tpu.memory_space<semaphore_mem>> -> memref<!tpu.dma_semaphore, #tpu.memory_space<semaphore_mem>>
    %dma_start3A_239 = arith.constant 0 : i32
    %dma_start3A_240 = tpu.memref_slice %arg6[%dma_start3A_229, %dma_start3A_230, %dma_start3A_239] : memref<2x3x128xi32, #tpu.memory_space<vmem>> -> memref<1x1x128xi32, #tpu.memory_space<vmem>>
    %dma_start3A_241 = tpu.memref_squeeze %dma_start3A_240 : memref<1x1x128xi32, #tpu.memory_space<vmem>> -> memref<128xi32, #tpu.memory_space<vmem>>
    %dma_start3A_242 = tpu.memref_slice %arg2[%dma_start3A_228, %multiple_of3A_227] : memref<2x320000xi32, #tpu.memory_space<hbm>> -> memref<1x128xi32, #tpu.memory_space<hbm>>
    %dma_start3A_243 = tpu.memref_squeeze %dma_start3A_242 : memref<1x128xi32, #tpu.memory_space<hbm>> -> memref<128xi32, #tpu.memory_space<hbm>>
    tpu.enqueue_dma source(%dma_start3A_243 : memref<128xi32, #tpu.memory_space<hbm>>) target(%dma_start3A_241 : memref<128xi32, #tpu.memory_space<vmem>>) target_semaphore(%dma_start3A_238 : memref<!tpu.dma_semaphore, #tpu.memory_space<semaphore_mem>>)
    %mul3A_244 = arith.constant 128 : i32
    %mul3A_245 = arith.muli %add3A_224, %mul3A_244 : i32
    %multiple_of3A_246 = tpu.assume_multiple %mul3A_245, 128 : i32
    %dma_start3A_247 = arith.constant 1 : i32
    %dma_start3A_248 = arith.constant 1 : i32
    %dma_start3A_249 = arith.constant 2 : i32
    %dma_start3A_250 = arith.constant 1 : i32
    %dma_start3A_251 = arith.constant 0 : i32
    %dma_start3A_252 = tpu.memref_slice %arg7[%dma_start3A_248, %dma_start3A_249, %dma_start3A_251] : memref<2x3x128xi32, #tpu.memory_space<vmem>> -> memref<1x1x128xi32, #tpu.memory_space<vmem>>
    %dma_start3A_253 = tpu.memref_squeeze %dma_start3A_252 : memref<1x1x128xi32, #tpu.memory_space<vmem>> -> memref<128xi32, #tpu.memory_space<vmem>>
    %dma_start3A_254 = tpu.memref_slice %arg2[%dma_start3A_247, %multiple_of3A_246] : memref<2x320000xi32, #tpu.memory_space<hbm>> -> memref<1x128xi32, #tpu.memory_space<hbm>>
    %dma_start3A_255 = tpu.memref_squeeze %dma_start3A_254 : memref<1x128xi32, #tpu.memory_space<hbm>> -> memref<128xi32, #tpu.memory_space<hbm>>
    %dma_start3A_256 = tpu.memref_slice %arg10[%dma_start3A_250] : memref<2x!tpu.dma_semaphore, #tpu.memory_space<semaphore_mem>> -> memref<1x!tpu.dma_semaphore, #tpu.memory_space<semaphore_mem>>
    %dma_start3A_257 = tpu.memref_squeeze %dma_start3A_256 : memref<1x!tpu.dma_semaphore, #tpu.memory_space<semaphore_mem>> -> memref<!tpu.dma_semaphore, #tpu.memory_space<semaphore_mem>>
    %dma_start3A_258 = arith.constant 0 : i32
    %dma_start3A_259 = tpu.memref_slice %arg7[%dma_start3A_248, %dma_start3A_249, %dma_start3A_258] : memref<2x3x128xi32, #tpu.memory_space<vmem>> -> memref<1x1x128xi32, #tpu.memory_space<vmem>>
    %dma_start3A_260 = tpu.memref_squeeze %dma_start3A_259 : memref<1x1x128xi32, #tpu.memory_space<vmem>> -> memref<128xi32, #tpu.memory_space<vmem>>
    %dma_start3A_261 = tpu.memref_slice %arg2[%dma_start3A_247, %multiple_of3A_246] : memref<2x320000xi32, #tpu.memory_space<hbm>> -> memref<1x128xi32, #tpu.memory_space<hbm>>
    %dma_start3A_262 = tpu.memref_squeeze %dma_start3A_261 : memref<1x128xi32, #tpu.memory_space<hbm>> -> memref<128xi32, #tpu.memory_space<hbm>>
    tpu.enqueue_dma source(%dma_start3A_262 : memref<128xi32, #tpu.memory_space<hbm>>) target(%dma_start3A_260 : memref<128xi32, #tpu.memory_space<vmem>>) target_semaphore(%dma_start3A_257 : memref<!tpu.dma_semaphore, #tpu.memory_space<semaphore_mem>>)
    %scan3A = arith.constant 0 : i32
    %scan3A_263 = arith.constant 0 : i32
    %scan3A_264 = arith.constant 128 : i32
    %scan3A_265 = arith.addi %scan3A_263, %scan3A_264 : i32
    %scan3A_266 = arith.constant 1 : i32
    %scan3A_267 = scf.for %scan3A_475 = %scan3A_263 to %scan3A_265 step %scan3A_266 iter_args(%scan3A_476 = %scan3A) -> (i32)  : i32 {
      %scan3A_477 = arith.constant 0 : i32
      %scan3A_478 = arith.constant 0 : i32
      %scan3A_479 = arith.constant 8 : i32
      %scan3A_480 = arith.addi %scan3A_478, %scan3A_479 : i32
      %scan3A_481 = arith.constant 1 : i32
      %scan3A_482 = scf.for %scan3A_485 = %scan3A_478 to %scan3A_480 step %scan3A_481 iter_args(%scan3A_486 = %scan3A_477) -> (i32)  : i32 {
        %broadcast_in_dim3A = arith.constant 0.000000e+00 : f32
        %broadcast_in_dim3A_487 = vector.broadcast %broadcast_in_dim3A : f32 to vector<16xf32>
        %mul3A_488 = arith.constant 16 : i32
        %mul3A_489 = arith.muli %scan3A_485, %mul3A_488 : i32
        %swap3A = arith.constant 0 : i32
        %swap3A_490 = arith.index_cast %swap3A : i32 to index
        %swap3A_491 = arith.index_cast %scan3A_475 : i32 to index
        %swap3A_492 = arith.index_cast %mul3A_489 : i32 to index
        %swap3A_493 = tpu.vector_load %arg8[%swap3A_490, %swap3A_491, %swap3A_492] {strides = array<i32>} : memref<2x128x128xf32, #tpu.memory_space<vmem>>, vector<1x1x16xf32>,
        %swap3A_494 = vector.shape_cast %swap3A_493 : vector<1x1x16xf32> to vector<16xf32>
        %swap3A_495 = vector.shape_cast %broadcast_in_dim3A_487 : vector<16xf32> to vector<1x1x16xf32>
        tpu.vector_store %arg8[%swap3A_490, %swap3A_491, %swap3A_492], %swap3A_495 {strides = array<i32>} : memref<2x128x128xf32, #tpu.memory_space<vmem>>, vector<1x1x16xf32>,
        %scan3A_496 = arith.constant 0 : i32
        scf.yield %scan3A_496 : i32
      }
      %scan3A_483 = arith.constant 8 : i32
      %scan3A_484 = arith.constant 0 : i32
      scf.yield %scan3A_484 : i32
    }
    %scan3A_268 = arith.constant 128 : i32
    %mul3A_269 = arith.constant 640 : i32
    %mul3A_270 = arith.muli %arg1, %mul3A_269 : i32
    %add3A_271 = arith.constant 0 : i32
    %add3A_272 = arith.addi %mul3A_270, %add3A_271 : i32
    %run_scoped3A = arith.constant 0 : i32
    "tpu.region"() ({
      %run_scoped3A_475 = tpu.sem_alloc : memref<!tpu.dma_semaphore, #tpu.memory_space<semaphore_mem>>
      %dma_start3A_476 = arith.constant 0 : i32
      %dma_start3A_477 = arith.constant 0 : i32
      %dma_start3A_478 = tpu.memref_slice %arg8[%run_scoped3A, %dma_start3A_476, %dma_start3A_477] : memref<2x128x128xf32, #tpu.memory_space<vmem>> -> memref<1x128x128xf32, #tpu.memory_space<vmem>>
      %dma_start3A_479 = tpu.memref_squeeze %dma_start3A_478 : memref<1x128x128xf32, #tpu.memory_space<vmem>> -> memref<128x128xf32, #tpu.memory_space<vmem>>
      %dma_start3A_480 = arith.constant 0 : i32
      %dma_start3A_481 = tpu.memref_slice %arg9[%add3A_272, %dma_start3A_480] : memref<10240x128xf32, #tpu.memory_space<vmem_shared>> -> memref<128x128xf32, #tpu.memory_space<vmem_shared>>
      %dma_start3A_482 = arith.constant 0 : i32
      %dma_start3A_483 = tpu.memref_slice %arg9[%add3A_272, %dma_start3A_482] : memref<10240x128xf32, #tpu.memory_space<vmem_shared>> -> memref<128x128xf32, #tpu.memory_space<vmem_shared>>
      %dma_start3A_484 = arith.constant 0 : i32
      %dma_start3A_485 = arith.constant 0 : i32
      %dma_start3A_486 = tpu.memref_slice %arg8[%run_scoped3A, %dma_start3A_484, %dma_start3A_485] : memref<2x128x128xf32, #tpu.memory_space<vmem>> -> memref<1x128x128xf32, #tpu.memory_space<vmem>>
      %dma_start3A_487 = tpu.memref_squeeze %dma_start3A_486 : memref<1x128x128xf32, #tpu.memory_space<vmem>> -> memref<128x128xf32, #tpu.memory_space<vmem>>
      tpu.enqueue_dma source(%dma_start3A_487 : memref<128x128xf32, #tpu.memory_space<vmem>>) target(%dma_start3A_483 : memref<128x128xf32, #tpu.memory_space<vmem_shared>>) target_semaphore(%run_scoped3A_475 : memref<!tpu.dma_semaphore, #tpu.memory_space<semaphore_mem>>)
      %dma_wait3A_488 = arith.constant 0 : i32
      %dma_wait3A_489 = arith.constant 0 : i32
      %dma_wait3A_490 = tpu.memref_slice %arg8[%run_scoped3A, %dma_wait3A_488, %dma_wait3A_489] : memref<2x128x128xf32, #tpu.memory_space<vmem>> -> memref<1x128x128xf32, #tpu.memory_space<vmem>>
      %dma_wait3A_491 = tpu.memref_squeeze %dma_wait3A_490 : memref<1x128x128xf32, #tpu.memory_space<vmem>> -> memref<128x128xf32, #tpu.memory_space<vmem>>
      %dma_wait3A_492 = arith.constant 0 : i32
      %dma_wait3A_493 = tpu.memref_slice %arg9[%add3A_272, %dma_wait3A_492] : memref<10240x128xf32, #tpu.memory_space<vmem_shared>> -> memref<128x128xf32, #tpu.memory_space<vmem_shared>>
      %dma_wait3A_494 = arith.constant 0 : i32
      %dma_wait3A_495 = tpu.memref_slice %arg9[%add3A_272, %dma_wait3A_494] : memref<10240x128xf32, #tpu.memory_space<vmem_shared>> -> memref<128x128xf32, #tpu.memory_space<vmem_shared>>
      %dma_wait3A_496 = arith.constant 0 : i32
      %dma_wait3A_497 = arith.constant 0 : i32
      %dma_wait3A_498 = tpu.memref_slice %arg8[%run_scoped3A, %dma_wait3A_496, %dma_wait3A_497] : memref<2x128x128xf32, #tpu.memory_space<vmem>> -> memref<1x128x128xf32, #tpu.memory_space<vmem>>
      %dma_wait3A_499 = tpu.memref_squeeze %dma_wait3A_498 : memref<1x128x128xf32, #tpu.memory_space<vmem>> -> memref<128x128xf32, #tpu.memory_space<vmem>>
      tpu.wait_dma2 semaphore(%run_scoped3A_475 : memref<!tpu.dma_semaphore, #tpu.memory_space<semaphore_mem>>) src(%dma_wait3A_499 : memref<128x128xf32, #tpu.memory_space<vmem>>) dst(%dma_wait3A_495 : memref<128x128xf32, #tpu.memory_space<vmem_shared>>)
      tpu.yield
    }) : () -> ()
    %mul3A_273 = arith.constant 640 : i32
    %mul3A_274 = arith.muli %arg1, %mul3A_273 : i32
    %add3A_275 = arith.constant 128 : i32
    %add3A_276 = arith.addi %mul3A_274, %add3A_275 : i32
    %run_scoped3A_277 = arith.constant 0 : i32
    "tpu.region"() ({
      %run_scoped3A_475 = tpu.sem_alloc : memref<!tpu.dma_semaphore, #tpu.memory_space<semaphore_mem>>
      %dma_start3A_476 = arith.constant 0 : i32
      %dma_start3A_477 = arith.constant 0 : i32
      %dma_start3A_478 = tpu.memref_slice %arg8[%run_scoped3A_277, %dma_start3A_476, %dma_start3A_477] : memref<2x128x128xf32, #tpu.memory_space<vmem>> -> memref<1x128x128xf32, #tpu.memory_space<vmem>>
      %dma_start3A_479 = tpu.memref_squeeze %dma_start3A_478 : memref<1x128x128xf32, #tpu.memory_space<vmem>> -> memref<128x128xf32, #tpu.memory_space<vmem>>
      %dma_start3A_480 = arith.constant 0 : i32
      %dma_start3A_481 = tpu.memref_slice %arg9[%add3A_276, %dma_start3A_480] : memref<10240x128xf32, #tpu.memory_space<vmem_shared>> -> memref<128x128xf32, #tpu.memory_space<vmem_shared>>
      %dma_start3A_482 = arith.constant 0 : i32
      %dma_start3A_483 = tpu.memref_slice %arg9[%add3A_276, %dma_start3A_482] : memref<10240x128xf32, #tpu.memory_space<vmem_shared>> -> memref<128x128xf32, #tpu.memory_space<vmem_shared>>
      %dma_start3A_484 = arith.constant 0 : i32
      %dma_start3A_485 = arith.constant 0 : i32
      %dma_start3A_486 = tpu.memref_slice %arg8[%run_scoped3A_277, %dma_start3A_484, %dma_start3A_485] : memref<2x128x128xf32, #tpu.memory_space<vmem>> -> memref<1x128x128xf32, #tpu.memory_space<vmem>>
      %dma_start3A_487 = tpu.memref_squeeze %dma_start3A_486 : memref<1x128x128xf32, #tpu.memory_space<vmem>> -> memref<128x128xf32, #tpu.memory_space<vmem>>
      tpu.enqueue_dma source(%dma_start3A_487 : memref<128x128xf32, #tpu.memory_space<vmem>>) target(%dma_start3A_483 : memref<128x128xf32, #tpu.memory_space<vmem_shared>>) target_semaphore(%run_scoped3A_475 : memref<!tpu.dma_semaphore, #tpu.memory_space<semaphore_mem>>)
      %dma_wait3A_488 = arith.constant 0 : i32
      %dma_wait3A_489 = arith.constant 0 : i32
      %dma_wait3A_490 = tpu.memref_slice %arg8[%run_scoped3A_277, %dma_wait3A_488, %dma_wait3A_489] : memref<2x128x128xf32, #tpu.memory_space<vmem>> -> memref<1x128x128xf32, #tpu.memory_space<vmem>>
      %dma_wait3A_491 = tpu.memref_squeeze %dma_wait3A_490 : memref<1x128x128xf32, #tpu.memory_space<vmem>> -> memref<128x128xf32, #tpu.memory_space<vmem>>
      %dma_wait3A_492 = arith.constant 0 : i32
      %dma_wait3A_493 = tpu.memref_slice %arg9[%add3A_276, %dma_wait3A_492] : memref<10240x128xf32, #tpu.memory_space<vmem_shared>> -> memref<128x128xf32, #tpu.memory_space<vmem_shared>>
      %dma_wait3A_494 = arith.constant 0 : i32
      %dma_wait3A_495 = tpu.memref_slice %arg9[%add3A_276, %dma_wait3A_494] : memref<10240x128xf32, #tpu.memory_space<vmem_shared>> -> memref<128x128xf32, #tpu.memory_space<vmem_shared>>
      %dma_wait3A_496 = arith.constant 0 : i32
      %dma_wait3A_497 = arith.constant 0 : i32
      %dma_wait3A_498 = tpu.memref_slice %arg8[%run_scoped3A_277, %dma_wait3A_496, %dma_wait3A_497] : memref<2x128x128xf32, #tpu.memory_space<vmem>> -> memref<1x128x128xf32, #tpu.memory_space<vmem>>
      %dma_wait3A_499 = tpu.memref_squeeze %dma_wait3A_498 : memref<1x128x128xf32, #tpu.memory_space<vmem>> -> memref<128x128xf32, #tpu.memory_space<vmem>>
      tpu.wait_dma2 semaphore(%run_scoped3A_475 : memref<!tpu.dma_semaphore, #tpu.memory_space<semaphore_mem>>) src(%dma_wait3A_499 : memref<128x128xf32, #tpu.memory_space<vmem>>) dst(%dma_wait3A_495 : memref<128x128xf32, #tpu.memory_space<vmem_shared>>)
      tpu.yield
    }) : () -> ()
    %mul3A_278 = arith.constant 640 : i32
    %mul3A_279 = arith.muli %arg1, %mul3A_278 : i32
    %add3A_280 = arith.constant 256 : i32
    %add3A_281 = arith.addi %mul3A_279, %add3A_280 : i32
    %run_scoped3A_282 = arith.constant 0 : i32
    "tpu.region"() ({
      %run_scoped3A_475 = tpu.sem_alloc : memref<!tpu.dma_semaphore, #tpu.memory_space<semaphore_mem>>
      %dma_start3A_476 = arith.constant 0 : i32
      %dma_start3A_477 = arith.constant 0 : i32
      %dma_start3A_478 = tpu.memref_slice %arg8[%run_scoped3A_282, %dma_start3A_476, %dma_start3A_477] : memref<2x128x128xf32, #tpu.memory_space<vmem>> -> memref<1x128x128xf32, #tpu.memory_space<vmem>>
      %dma_start3A_479 = tpu.memref_squeeze %dma_start3A_478 : memref<1x128x128xf32, #tpu.memory_space<vmem>> -> memref<128x128xf32, #tpu.memory_space<vmem>>
      %dma_start3A_480 = arith.constant 0 : i32
      %dma_start3A_481 = tpu.memref_slice %arg9[%add3A_281, %dma_start3A_480] : memref<10240x128xf32, #tpu.memory_space<vmem_shared>> -> memref<128x128xf32, #tpu.memory_space<vmem_shared>>
      %dma_start3A_482 = arith.constant 0 : i32
      %dma_start3A_483 = tpu.memref_slice %arg9[%add3A_281, %dma_start3A_482] : memref<10240x128xf32, #tpu.memory_space<vmem_shared>> -> memref<128x128xf32, #tpu.memory_space<vmem_shared>>
      %dma_start3A_484 = arith.constant 0 : i32
      %dma_start3A_485 = arith.constant 0 : i32
      %dma_start3A_486 = tpu.memref_slice %arg8[%run_scoped3A_282, %dma_start3A_484, %dma_start3A_485] : memref<2x128x128xf32, #tpu.memory_space<vmem>> -> memref<1x128x128xf32, #tpu.memory_space<vmem>>
      %dma_start3A_487 = tpu.memref_squeeze %dma_start3A_486 : memref<1x128x128xf32, #tpu.memory_space<vmem>> -> memref<128x128xf32, #tpu.memory_space<vmem>>
      tpu.enqueue_dma source(%dma_start3A_487 : memref<128x128xf32, #tpu.memory_space<vmem>>) target(%dma_start3A_483 : memref<128x128xf32, #tpu.memory_space<vmem_shared>>) target_semaphore(%run_scoped3A_475 : memref<!tpu.dma_semaphore, #tpu.memory_space<semaphore_mem>>)
      %dma_wait3A_488 = arith.constant 0 : i32
      %dma_wait3A_489 = arith.constant 0 : i32
      %dma_wait3A_490 = tpu.memref_slice %arg8[%run_scoped3A_282, %dma_wait3A_488, %dma_wait3A_489] : memref<2x128x128xf32, #tpu.memory_space<vmem>> -> memref<1x128x128xf32, #tpu.memory_space<vmem>>
      %dma_wait3A_491 = tpu.memref_squeeze %dma_wait3A_490 : memref<1x128x128xf32, #tpu.memory_space<vmem>> -> memref<128x128xf32, #tpu.memory_space<vmem>>
      %dma_wait3A_492 = arith.constant 0 : i32
      %dma_wait3A_493 = tpu.memref_slice %arg9[%add3A_281, %dma_wait3A_492] : memref<10240x128xf32, #tpu.memory_space<vmem_shared>> -> memref<128x128xf32, #tpu.memory_space<vmem_shared>>
      %dma_wait3A_494 = arith.constant 0 : i32
      %dma_wait3A_495 = tpu.memref_slice %arg9[%add3A_281, %dma_wait3A_494] : memref<10240x128xf32, #tpu.memory_space<vmem_shared>> -> memref<128x128xf32, #tpu.memory_space<vmem_shared>>
      %dma_wait3A_496 = arith.constant 0 : i32
      %dma_wait3A_497 = arith.constant 0 : i32
      %dma_wait3A_498 = tpu.memref_slice %arg8[%run_scoped3A_282, %dma_wait3A_496, %dma_wait3A_497] : memref<2x128x128xf32, #tpu.memory_space<vmem>> -> memref<1x128x128xf32, #tpu.memory_space<vmem>>
      %dma_wait3A_499 = tpu.memref_squeeze %dma_wait3A_498 : memref<1x128x128xf32, #tpu.memory_space<vmem>> -> memref<128x128xf32, #tpu.memory_space<vmem>>
      tpu.wait_dma2 semaphore(%run_scoped3A_475 : memref<!tpu.dma_semaphore, #tpu.memory_space<semaphore_mem>>) src(%dma_wait3A_499 : memref<128x128xf32, #tpu.memory_space<vmem>>) dst(%dma_wait3A_495 : memref<128x128xf32, #tpu.memory_space<vmem_shared>>)
      tpu.yield
    }) : () -> ()
    %mul3A_283 = arith.constant 640 : i32
    %mul3A_284 = arith.muli %arg1, %mul3A_283 : i32
    %add3A_285 = arith.constant 384 : i32
    %add3A_286 = arith.addi %mul3A_284, %add3A_285 : i32
    %run_scoped3A_287 = arith.constant 0 : i32
    "tpu.region"() ({
      %run_scoped3A_475 = tpu.sem_alloc : memref<!tpu.dma_semaphore, #tpu.memory_space<semaphore_mem>>
      %dma_start3A_476 = arith.constant 0 : i32
      %dma_start3A_477 = arith.constant 0 : i32
      %dma_start3A_478 = tpu.memref_slice %arg8[%run_scoped3A_287, %dma_start3A_476, %dma_start3A_477] : memref<2x128x128xf32, #tpu.memory_space<vmem>> -> memref<1x128x128xf32, #tpu.memory_space<vmem>>
      %dma_start3A_479 = tpu.memref_squeeze %dma_start3A_478 : memref<1x128x128xf32, #tpu.memory_space<vmem>> -> memref<128x128xf32, #tpu.memory_space<vmem>>
      %dma_start3A_480 = arith.constant 0 : i32
      %dma_start3A_481 = tpu.memref_slice %arg9[%add3A_286, %dma_start3A_480] : memref<10240x128xf32, #tpu.memory_space<vmem_shared>> -> memref<128x128xf32, #tpu.memory_space<vmem_shared>>
      %dma_start3A_482 = arith.constant 0 : i32
      %dma_start3A_483 = tpu.memref_slice %arg9[%add3A_286, %dma_start3A_482] : memref<10240x128xf32, #tpu.memory_space<vmem_shared>> -> memref<128x128xf32, #tpu.memory_space<vmem_shared>>
      %dma_start3A_484 = arith.constant 0 : i32
      %dma_start3A_485 = arith.constant 0 : i32
      %dma_start3A_486 = tpu.memref_slice %arg8[%run_scoped3A_287, %dma_start3A_484, %dma_start3A_485] : memref<2x128x128xf32, #tpu.memory_space<vmem>> -> memref<1x128x128xf32, #tpu.memory_space<vmem>>
      %dma_start3A_487 = tpu.memref_squeeze %dma_start3A_486 : memref<1x128x128xf32, #tpu.memory_space<vmem>> -> memref<128x128xf32, #tpu.memory_space<vmem>>
      tpu.enqueue_dma source(%dma_start3A_487 : memref<128x128xf32, #tpu.memory_space<vmem>>) target(%dma_start3A_483 : memref<128x128xf32, #tpu.memory_space<vmem_shared>>) target_semaphore(%run_scoped3A_475 : memref<!tpu.dma_semaphore, #tpu.memory_space<semaphore_mem>>)
      %dma_wait3A_488 = arith.constant 0 : i32
      %dma_wait3A_489 = arith.constant 0 : i32
      %dma_wait3A_490 = tpu.memref_slice %arg8[%run_scoped3A_287, %dma_wait3A_488, %dma_wait3A_489] : memref<2x128x128xf32, #tpu.memory_space<vmem>> -> memref<1x128x128xf32, #tpu.memory_space<vmem>>
      %dma_wait3A_491 = tpu.memref_squeeze %dma_wait3A_490 : memref<1x128x128xf32, #tpu.memory_space<vmem>> -> memref<128x128xf32, #tpu.memory_space<vmem>>
      %dma_wait3A_492 = arith.constant 0 : i32
      %dma_wait3A_493 = tpu.memref_slice %arg9[%add3A_286, %dma_wait3A_492] : memref<10240x128xf32, #tpu.memory_space<vmem_shared>> -> memref<128x128xf32, #tpu.memory_space<vmem_shared>>
      %dma_wait3A_494 = arith.constant 0 : i32
      %dma_wait3A_495 = tpu.memref_slice %arg9[%add3A_286, %dma_wait3A_494] : memref<10240x128xf32, #tpu.memory_space<vmem_shared>> -> memref<128x128xf32, #tpu.memory_space<vmem_shared>>
      %dma_wait3A_496 = arith.constant 0 : i32
      %dma_wait3A_497 = arith.constant 0 : i32
      %dma_wait3A_498 = tpu.memref_slice %arg8[%run_scoped3A_287, %dma_wait3A_496, %dma_wait3A_497] : memref<2x128x128xf32, #tpu.memory_space<vmem>> -> memref<1x128x128xf32, #tpu.memory_space<vmem>>
      %dma_wait3A_499 = tpu.memref_squeeze %dma_wait3A_498 : memref<1x128x128xf32, #tpu.memory_space<vmem>> -> memref<128x128xf32, #tpu.memory_space<vmem>>
      tpu.wait_dma2 semaphore(%run_scoped3A_475 : memref<!tpu.dma_semaphore, #tpu.memory_space<semaphore_mem>>) src(%dma_wait3A_499 : memref<128x128xf32, #tpu.memory_space<vmem>>) dst(%dma_wait3A_495 : memref<128x128xf32, #tpu.memory_space<vmem_shared>>)
      tpu.yield
    }) : () -> ()
    %mul3A_288 = arith.constant 640 : i32
    %mul3A_289 = arith.muli %arg1, %mul3A_288 : i32
    %add3A_290 = arith.constant 512 : i32
    %add3A_291 = arith.addi %mul3A_289, %add3A_290 : i32
    %run_scoped3A_292 = arith.constant 0 : i32
    "tpu.region"() ({
      %run_scoped3A_475 = tpu.sem_alloc : memref<!tpu.dma_semaphore, #tpu.memory_space<semaphore_mem>>
      %dma_start3A_476 = arith.constant 0 : i32
      %dma_start3A_477 = arith.constant 0 : i32
      %dma_start3A_478 = tpu.memref_slice %arg8[%run_scoped3A_292, %dma_start3A_476, %dma_start3A_477] : memref<2x128x128xf32, #tpu.memory_space<vmem>> -> memref<1x128x128xf32, #tpu.memory_space<vmem>>
      %dma_start3A_479 = tpu.memref_squeeze %dma_start3A_478 : memref<1x128x128xf32, #tpu.memory_space<vmem>> -> memref<128x128xf32, #tpu.memory_space<vmem>>
      %dma_start3A_480 = arith.constant 0 : i32
      %dma_start3A_481 = tpu.memref_slice %arg9[%add3A_291, %dma_start3A_480] : memref<10240x128xf32, #tpu.memory_space<vmem_shared>> -> memref<128x128xf32, #tpu.memory_space<vmem_shared>>
      %dma_start3A_482 = arith.constant 0 : i32
      %dma_start3A_483 = tpu.memref_slice %arg9[%add3A_291, %dma_start3A_482] : memref<10240x128xf32, #tpu.memory_space<vmem_shared>> -> memref<128x128xf32, #tpu.memory_space<vmem_shared>>
      %dma_start3A_484 = arith.constant 0 : i32
      %dma_start3A_485 = arith.constant 0 : i32
      %dma_start3A_486 = tpu.memref_slice %arg8[%run_scoped3A_292, %dma_start3A_484, %dma_start3A_485] : memref<2x128x128xf32, #tpu.memory_space<vmem>> -> memref<1x128x128xf32, #tpu.memory_space<vmem>>
      %dma_start3A_487 = tpu.memref_squeeze %dma_start3A_486 : memref<1x128x128xf32, #tpu.memory_space<vmem>> -> memref<128x128xf32, #tpu.memory_space<vmem>>
      tpu.enqueue_dma source(%dma_start3A_487 : memref<128x128xf32, #tpu.memory_space<vmem>>) target(%dma_start3A_483 : memref<128x128xf32, #tpu.memory_space<vmem_shared>>) target_semaphore(%run_scoped3A_475 : memref<!tpu.dma_semaphore, #tpu.memory_space<semaphore_mem>>)
      %dma_wait3A_488 = arith.constant 0 : i32
      %dma_wait3A_489 = arith.constant 0 : i32
      %dma_wait3A_490 = tpu.memref_slice %arg8[%run_scoped3A_292, %dma_wait3A_488, %dma_wait3A_489] : memref<2x128x128xf32, #tpu.memory_space<vmem>> -> memref<1x128x128xf32, #tpu.memory_space<vmem>>
      %dma_wait3A_491 = tpu.memref_squeeze %dma_wait3A_490 : memref<1x128x128xf32, #tpu.memory_space<vmem>> -> memref<128x128xf32, #tpu.memory_space<vmem>>
      %dma_wait3A_492 = arith.constant 0 : i32
      %dma_wait3A_493 = tpu.memref_slice %arg9[%add3A_291, %dma_wait3A_492] : memref<10240x128xf32, #tpu.memory_space<vmem_shared>> -> memref<128x128xf32, #tpu.memory_space<vmem_shared>>
      %dma_wait3A_494 = arith.constant 0 : i32
      %dma_wait3A_495 = tpu.memref_slice %arg9[%add3A_291, %dma_wait3A_494] : memref<10240x128xf32, #tpu.memory_space<vmem_shared>> -> memref<128x128xf32, #tpu.memory_space<vmem_shared>>
      %dma_wait3A_496 = arith.constant 0 : i32
      %dma_wait3A_497 = arith.constant 0 : i32
      %dma_wait3A_498 = tpu.memref_slice %arg8[%run_scoped3A_292, %dma_wait3A_496, %dma_wait3A_497] : memref<2x128x128xf32, #tpu.memory_space<vmem>> -> memref<1x128x128xf32, #tpu.memory_space<vmem>>
      %dma_wait3A_499 = tpu.memref_squeeze %dma_wait3A_498 : memref<1x128x128xf32, #tpu.memory_space<vmem>> -> memref<128x128xf32, #tpu.memory_space<vmem>>
      tpu.wait_dma2 semaphore(%run_scoped3A_475 : memref<!tpu.dma_semaphore, #tpu.memory_space<semaphore_mem>>) src(%dma_wait3A_499 : memref<128x128xf32, #tpu.memory_space<vmem>>) dst(%dma_wait3A_495 : memref<128x128xf32, #tpu.memory_space<vmem_shared>>)
      tpu.yield
    }) : () -> ()
    %barrier3A = arith.constant 0 : index
    tpu.barrier barrier_id(%barrier3A)
    %mul3A_293 = arith.constant 78 : i32
    %mul3A_294 = arith.muli %add3A, %mul3A_293 : i32
    %add3A_295 = arith.constant 0 : i32
    %add3A_296 = arith.addi %mul3A_294, %add3A_295 : i32
    %add3A_297 = arith.constant 0 : i32
    %add3A_298 = arith.addi %add3A_296, %add3A_297 : i32
    %mul3A_299 = arith.constant 128 : i32
    %mul3A_300 = arith.muli %add3A_298, %mul3A_299 : i32
    %multiple_of3A_301 = tpu.assume_multiple %mul3A_300, 128 : i32
    %dma_wait3A = arith.constant 0 : i32
    %dma_wait3A_302 = arith.constant 0 : i32
    %dma_wait3A_303 = arith.constant 0 : i32
    %dma_wait3A_304 = arith.constant 0 : i32
    %dma_wait3A_305 = arith.constant 0 : i32
    %dma_wait3A_306 = tpu.memref_slice %arg6[%dma_wait3A_302, %dma_wait3A_303, %dma_wait3A_305] : memref<2x3x128xi32, #tpu.memory_space<vmem>> -> memref<1x1x128xi32, #tpu.memory_space<vmem>>
    %dma_wait3A_307 = tpu.memref_squeeze %dma_wait3A_306 : memref<1x1x128xi32, #tpu.memory_space<vmem>> -> memref<128xi32, #tpu.memory_space<vmem>>
    %dma_wait3A_308 = tpu.memref_slice %arg2[%dma_wait3A, %multiple_of3A_301] : memref<2x320000xi32, #tpu.memory_space<hbm>> -> memref<1x128xi32, #tpu.memory_space<hbm>>
    %dma_wait3A_309 = tpu.memref_squeeze %dma_wait3A_308 : memref<1x128xi32, #tpu.memory_space<hbm>> -> memref<128xi32, #tpu.memory_space<hbm>>
    %dma_wait3A_310 = tpu.memref_slice %arg10[%dma_wait3A_304] : memref<2x!tpu.dma_semaphore, #tpu.memory_space<semaphore_mem>> -> memref<1x!tpu.dma_semaphore, #tpu.memory_space<semaphore_mem>>
    %dma_wait3A_311 = tpu.memref_squeeze %dma_wait3A_310 : memref<1x!tpu.dma_semaphore, #tpu.memory_space<semaphore_mem>> -> memref<!tpu.dma_semaphore, #tpu.memory_space<semaphore_mem>>
    %dma_wait3A_312 = arith.constant 0 : i32
    %dma_wait3A_313 = tpu.memref_slice %arg6[%dma_wait3A_302, %dma_wait3A_303, %dma_wait3A_312] : memref<2x3x128xi32, #tpu.memory_space<vmem>> -> memref<1x1x128xi32, #tpu.memory_space<vmem>>
    %dma_wait3A_314 = tpu.memref_squeeze %dma_wait3A_313 : memref<1x1x128xi32, #tpu.memory_space<vmem>> -> memref<128xi32, #tpu.memory_space<vmem>>
    %dma_wait3A_315 = tpu.memref_slice %arg2[%dma_wait3A, %multiple_of3A_301] : memref<2x320000xi32, #tpu.memory_space<hbm>> -> memref<1x128xi32, #tpu.memory_space<hbm>>
    %dma_wait3A_316 = tpu.memref_squeeze %dma_wait3A_315 : memref<1x128xi32, #tpu.memory_space<hbm>> -> memref<128xi32, #tpu.memory_space<hbm>>
    tpu.wait_dma2 semaphore(%dma_wait3A_311 : memref<!tpu.dma_semaphore, #tpu.memory_space<semaphore_mem>>) src(%dma_wait3A_316 : memref<128xi32, #tpu.memory_space<hbm>>) dst(%dma_wait3A_314 : memref<128xi32, #tpu.memory_space<vmem>>)
    %mul3A_317 = arith.constant 128 : i32
    %mul3A_318 = arith.muli %add3A_298, %mul3A_317 : i32
    %multiple_of3A_319 = tpu.assume_multiple %mul3A_318, 128 : i32
    %dma_wait3A_320 = arith.constant 1 : i32
    %dma_wait3A_321 = arith.constant 0 : i32
    %dma_wait3A_322 = arith.constant 0 : i32
    %dma_wait3A_323 = arith.constant 0 : i32
    %dma_wait3A_324 = arith.constant 0 : i32
    %dma_wait3A_325 = tpu.memref_slice %arg7[%dma_wait3A_321, %dma_wait3A_322, %dma_wait3A_324] : memref<2x3x128xi32, #tpu.memory_space<vmem>> -> memref<1x1x128xi32, #tpu.memory_space<vmem>>
    %dma_wait3A_326 = tpu.memref_squeeze %dma_wait3A_325 : memref<1x1x128xi32, #tpu.memory_space<vmem>> -> memref<128xi32, #tpu.memory_space<vmem>>
    %dma_wait3A_327 = tpu.memref_slice %arg2[%dma_wait3A_320, %multiple_of3A_319] : memref<2x320000xi32, #tpu.memory_space<hbm>> -> memref<1x128xi32, #tpu.memory_space<hbm>>
    %dma_wait3A_328 = tpu.memref_squeeze %dma_wait3A_327 : memref<1x128xi32, #tpu.memory_space<hbm>> -> memref<128xi32, #tpu.memory_space<hbm>>
    %dma_wait3A_329 = tpu.memref_slice %arg10[%dma_wait3A_323] : memref<2x!tpu.dma_semaphore, #tpu.memory_space<semaphore_mem>> -> memref<1x!tpu.dma_semaphore, #tpu.memory_space<semaphore_mem>>
    %dma_wait3A_330 = tpu.memref_squeeze %dma_wait3A_329 : memref<1x!tpu.dma_semaphore, #tpu.memory_space<semaphore_mem>> -> memref<!tpu.dma_semaphore, #tpu.memory_space<semaphore_mem>>
    %dma_wait3A_331 = arith.constant 0 : i32
    %dma_wait3A_332 = tpu.memref_slice %arg7[%dma_wait3A_321, %dma_wait3A_322, %dma_wait3A_331] : memref<2x3x128xi32, #tpu.memory_space<vmem>> -> memref<1x1x128xi32, #tpu.memory_space<vmem>>
    %dma_wait3A_333 = tpu.memref_squeeze %dma_wait3A_332 : memref<1x1x128xi32, #tpu.memory_space<vmem>> -> memref<128xi32, #tpu.memory_space<vmem>>
    %dma_wait3A_334 = tpu.memref_slice %arg2[%dma_wait3A_320, %multiple_of3A_319] : memref<2x320000xi32, #tpu.memory_space<hbm>> -> memref<1x128xi32, #tpu.memory_space<hbm>>
    %dma_wait3A_335 = tpu.memref_squeeze %dma_wait3A_334 : memref<1x128xi32, #tpu.memory_space<hbm>> -> memref<128xi32, #tpu.memory_space<hbm>>
    tpu.wait_dma2 semaphore(%dma_wait3A_330 : memref<!tpu.dma_semaphore, #tpu.memory_space<semaphore_mem>>) src(%dma_wait3A_335 : memref<128xi32, #tpu.memory_space<hbm>>) dst(%dma_wait3A_333 : memref<128xi32, #tpu.memory_space<vmem>>)
    %mul3A_336 = arith.constant 78 : i32
    %mul3A_337 = arith.muli %add3A, %mul3A_336 : i32
    %add3A_338 = arith.constant 0 : i32
    %add3A_339 = arith.addi %mul3A_337, %add3A_338 : i32
    %add3A_340 = arith.constant 1 : i32
    %add3A_341 = arith.addi %add3A_339, %add3A_340 : i32
    %mul3A_342 = arith.constant 128 : i32
    %mul3A_343 = arith.muli %add3A_341, %mul3A_342 : i32
    %multiple_of3A_344 = tpu.assume_multiple %mul3A_343, 128 : i32
    %dma_wait3A_345 = arith.constant 0 : i32
    %dma_wait3A_346 = arith.constant 0 : i32
    %dma_wait3A_347 = arith.constant 1 : i32
    %dma_wait3A_348 = arith.constant 0 : i32
    %dma_wait3A_349 = arith.constant 0 : i32
    %dma_wait3A_350 = tpu.memref_slice %arg6[%dma_wait3A_346, %dma_wait3A_347, %dma_wait3A_349] : memref<2x3x128xi32, #tpu.memory_space<vmem>> -> memref<1x1x128xi32, #tpu.memory_space<vmem>>
    %dma_wait3A_351 = tpu.memref_squeeze %dma_wait3A_350 : memref<1x1x128xi32, #tpu.memory_space<vmem>> -> memref<128xi32, #tpu.memory_space<vmem>>
    %dma_wait3A_352 = tpu.memref_slice %arg2[%dma_wait3A_345, %multiple_of3A_344] : memref<2x320000xi32, #tpu.memory_space<hbm>> -> memref<1x128xi32, #tpu.memory_space<hbm>>
    %dma_wait3A_353 = tpu.memref_squeeze %dma_wait3A_352 : memref<1x128xi32, #tpu.memory_space<hbm>> -> memref<128xi32, #tpu.memory_space<hbm>>
    %dma_wait3A_354 = tpu.memref_slice %arg10[%dma_wait3A_348] : memref<2x!tpu.dma_semaphore, #tpu.memory_space<semaphore_mem>> -> memref<1x!tpu.dma_semaphore, #tpu.memory_space<semaphore_mem>>
    %dma_wait3A_355 = tpu.memref_squeeze %dma_wait3A_354 : memref<1x!tpu.dma_semaphore, #tpu.memory_space<semaphore_mem>> -> memref<!tpu.dma_semaphore, #tpu.memory_space<semaphore_mem>>
    %dma_wait3A_356 = arith.constant 0 : i32
    %dma_wait3A_357 = tpu.memref_slice %arg6[%dma_wait3A_346, %dma_wait3A_347, %dma_wait3A_356] : memref<2x3x128xi32, #tpu.memory_space<vmem>> -> memref<1x1x128xi32, #tpu.memory_space<vmem>>
    %dma_wait3A_358 = tpu.memref_squeeze %dma_wait3A_357 : memref<1x1x128xi32, #tpu.memory_space<vmem>> -> memref<128xi32, #tpu.memory_space<vmem>>
    %dma_wait3A_359 = tpu.memref_slice %arg2[%dma_wait3A_345, %multiple_of3A_344] : memref<2x320000xi32, #tpu.memory_space<hbm>> -> memref<1x128xi32, #tpu.memory_space<hbm>>
    %dma_wait3A_360 = tpu.memref_squeeze %dma_wait3A_359 : memref<1x128xi32, #tpu.memory_space<hbm>> -> memref<128xi32, #tpu.memory_space<hbm>>
    tpu.wait_dma2 semaphore(%dma_wait3A_355 : memref<!tpu.dma_semaphore, #tpu.memory_space<semaphore_mem>>) src(%dma_wait3A_360 : memref<128xi32, #tpu.memory_space<hbm>>) dst(%dma_wait3A_358 : memref<128xi32, #tpu.memory_space<vmem>>)
    %mul3A_361 = arith.constant 128 : i32
    %mul3A_362 = arith.muli %add3A_341, %mul3A_361 : i32
    %multiple_of3A_363 = tpu.assume_multiple %mul3A_362, 128 : i32
    %dma_wait3A_364 = arith.constant 1 : i32
    %dma_wait3A_365 = arith.constant 0 : i32
    %dma_wait3A_366 = arith.constant 1 : i32
    %dma_wait3A_367 = arith.constant 0 : i32
    %dma_wait3A_368 = arith.constant 0 : i32
    %dma_wait3A_369 = tpu.memref_slice %arg7[%dma_wait3A_365, %dma_wait3A_366, %dma_wait3A_368] : memref<2x3x128xi32, #tpu.memory_space<vmem>> -> memref<1x1x128xi32, #tpu.memory_space<vmem>>
    %dma_wait3A_370 = tpu.memref_squeeze %dma_wait3A_369 : memref<1x1x128xi32, #tpu.memory_space<vmem>> -> memref<128xi32, #tpu.memory_space<vmem>>
    %dma_wait3A_371 = tpu.memref_slice %arg2[%dma_wait3A_364, %multiple_of3A_363] : memref<2x320000xi32, #tpu.memory_space<hbm>> -> memref<1x128xi32, #tpu.memory_space<hbm>>
    %dma_wait3A_372 = tpu.memref_squeeze %dma_wait3A_371 : memref<1x128xi32, #tpu.memory_space<hbm>> -> memref<128xi32, #tpu.memory_space<hbm>>
    %dma_wait3A_373 = tpu.memref_slice %arg10[%dma_wait3A_367] : memref<2x!tpu.dma_semaphore, #tpu.memory_space<semaphore_mem>> -> memref<1x!tpu.dma_semaphore, #tpu.memory_space<semaphore_mem>>
    %dma_wait3A_374 = tpu.memref_squeeze %dma_wait3A_373 : memref<1x!tpu.dma_semaphore, #tpu.memory_space<semaphore_mem>> -> memref<!tpu.dma_semaphore, #tpu.memory_space<semaphore_mem>>
    %dma_wait3A_375 = arith.constant 0 : i32
    %dma_wait3A_376 = tpu.memref_slice %arg7[%dma_wait3A_365, %dma_wait3A_366, %dma_wait3A_375] : memref<2x3x128xi32, #tpu.memory_space<vmem>> -> memref<1x1x128xi32, #tpu.memory_space<vmem>>
    %dma_wait3A_377 = tpu.memref_squeeze %dma_wait3A_376 : memref<1x1x128xi32, #tpu.memory_space<vmem>> -> memref<128xi32, #tpu.memory_space<vmem>>
    %dma_wait3A_378 = tpu.memref_slice %arg2[%dma_wait3A_364, %multiple_of3A_363] : memref<2x320000xi32, #tpu.memory_space<hbm>> -> memref<1x128xi32, #tpu.memory_space<hbm>>
    %dma_wait3A_379 = tpu.memref_squeeze %dma_wait3A_378 : memref<1x128xi32, #tpu.memory_space<hbm>> -> memref<128xi32, #tpu.memory_space<hbm>>
    tpu.wait_dma2 semaphore(%dma_wait3A_374 : memref<!tpu.dma_semaphore, #tpu.memory_space<semaphore_mem>>) src(%dma_wait3A_379 : memref<128xi32, #tpu.memory_space<hbm>>) dst(%dma_wait3A_377 : memref<128xi32, #tpu.memory_space<vmem>>)
    %mul3A_380 = arith.constant 78 : i32
    %mul3A_381 = arith.muli %add3A, %mul3A_380 : i32
    %add3A_382 = arith.constant 0 : i32
    %add3A_383 = arith.addi %mul3A_381, %add3A_382 : i32
    %add3A_384 = arith.constant 2 : i32
    %add3A_385 = arith.addi %add3A_383, %add3A_384 : i32
    %mul3A_386 = arith.constant 128 : i32
    %mul3A_387 = arith.muli %add3A_385, %mul3A_386 : i32
    %multiple_of3A_388 = tpu.assume_multiple %mul3A_387, 128 : i32
    %dma_wait3A_389 = arith.constant 0 : i32
    %dma_wait3A_390 = arith.constant 0 : i32
    %dma_wait3A_391 = arith.constant 2 : i32
    %dma_wait3A_392 = arith.constant 0 : i32
    %dma_wait3A_393 = arith.constant 0 : i32
    %dma_wait3A_394 = tpu.memref_slice %arg6[%dma_wait3A_390, %dma_wait3A_391, %dma_wait3A_393] : memref<2x3x128xi32, #tpu.memory_space<vmem>> -> memref<1x1x128xi32, #tpu.memory_space<vmem>>
    %dma_wait3A_395 = tpu.memref_squeeze %dma_wait3A_394 : memref<1x1x128xi32, #tpu.memory_space<vmem>> -> memref<128xi32, #tpu.memory_space<vmem>>
    %dma_wait3A_396 = tpu.memref_slice %arg2[%dma_wait3A_389, %multiple_of3A_388] : memref<2x320000xi32, #tpu.memory_space<hbm>> -> memref<1x128xi32, #tpu.memory_space<hbm>>
    %dma_wait3A_397 = tpu.memref_squeeze %dma_wait3A_396 : memref<1x128xi32, #tpu.memory_space<hbm>> -> memref<128xi32, #tpu.memory_space<hbm>>
    %dma_wait3A_398 = tpu.memref_slice %arg10[%dma_wait3A_392] : memref<2x!tpu.dma_semaphore, #tpu.memory_space<semaphore_mem>> -> memref<1x!tpu.dma_semaphore, #tpu.memory_space<semaphore_mem>>
    %dma_wait3A_399 = tpu.memref_squeeze %dma_wait3A_398 : memref<1x!tpu.dma_semaphore, #tpu.memory_space<semaphore_mem>> -> memref<!tpu.dma_semaphore, #tpu.memory_space<semaphore_mem>>
    %dma_wait3A_400 = arith.constant 0 : i32
    %dma_wait3A_401 = tpu.memref_slice %arg6[%dma_wait3A_390, %dma_wait3A_391, %dma_wait3A_400] : memref<2x3x128xi32, #tpu.memory_space<vmem>> -> memref<1x1x128xi32, #tpu.memory_space<vmem>>
    %dma_wait3A_402 = tpu.memref_squeeze %dma_wait3A_401 : memref<1x1x128xi32, #tpu.memory_space<vmem>> -> memref<128xi32, #tpu.memory_space<vmem>>
    %dma_wait3A_403 = tpu.memref_slice %arg2[%dma_wait3A_389, %multiple_of3A_388] : memref<2x320000xi32, #tpu.memory_space<hbm>> -> memref<1x128xi32, #tpu.memory_space<hbm>>
    %dma_wait3A_404 = tpu.memref_squeeze %dma_wait3A_403 : memref<1x128xi32, #tpu.memory_space<hbm>> -> memref<128xi32, #tpu.memory_space<hbm>>
    tpu.wait_dma2 semaphore(%dma_wait3A_399 : memref<!tpu.dma_semaphore, #tpu.memory_space<semaphore_mem>>) src(%dma_wait3A_404 : memref<128xi32, #tpu.memory_space<hbm>>) dst(%dma_wait3A_402 : memref<128xi32, #tpu.memory_space<vmem>>)
    %mul3A_405 = arith.constant 128 : i32
    %mul3A_406 = arith.muli %add3A_385, %mul3A_405 : i32
    %multiple_of3A_407 = tpu.assume_multiple %mul3A_406, 128 : i32
    %dma_wait3A_408 = arith.constant 1 : i32
    %dma_wait3A_409 = arith.constant 0 : i32
    %dma_wait3A_410 = arith.constant 2 : i32
    %dma_wait3A_411 = arith.constant 0 : i32
    %dma_wait3A_412 = arith.constant 0 : i32
    %dma_wait3A_413 = tpu.memref_slice %arg7[%dma_wait3A_409, %dma_wait3A_410, %dma_wait3A_412] : memref<2x3x128xi32, #tpu.memory_space<vmem>> -> memref<1x1x128xi32, #tpu.memory_space<vmem>>
    %dma_wait3A_414 = tpu.memref_squeeze %dma_wait3A_413 : memref<1x1x128xi32, #tpu.memory_space<vmem>> -> memref<128xi32, #tpu.memory_space<vmem>>
    %dma_wait3A_415 = tpu.memref_slice %arg2[%dma_wait3A_408, %multiple_of3A_407] : memref<2x320000xi32, #tpu.memory_space<hbm>> -> memref<1x128xi32, #tpu.memory_space<hbm>>
    %dma_wait3A_416 = tpu.memref_squeeze %dma_wait3A_415 : memref<1x128xi32, #tpu.memory_space<hbm>> -> memref<128xi32, #tpu.memory_space<hbm>>
    %dma_wait3A_417 = tpu.memref_slice %arg10[%dma_wait3A_411] : memref<2x!tpu.dma_semaphore, #tpu.memory_space<semaphore_mem>> -> memref<1x!tpu.dma_semaphore, #tpu.memory_space<semaphore_mem>>
    %dma_wait3A_418 = tpu.memref_squeeze %dma_wait3A_417 : memref<1x!tpu.dma_semaphore, #tpu.memory_space<semaphore_mem>> -> memref<!tpu.dma_semaphore, #tpu.memory_space<semaphore_mem>>
    %dma_wait3A_419 = arith.constant 0 : i32
    %dma_wait3A_420 = tpu.memref_slice %arg7[%dma_wait3A_409, %dma_wait3A_410, %dma_wait3A_419] : memref<2x3x128xi32, #tpu.memory_space<vmem>> -> memref<1x1x128xi32, #tpu.memory_space<vmem>>
    %dma_wait3A_421 = tpu.memref_squeeze %dma_wait3A_420 : memref<1x1x128xi32, #tpu.memory_space<vmem>> -> memref<128xi32, #tpu.memory_space<vmem>>
    %dma_wait3A_422 = tpu.memref_slice %arg2[%dma_wait3A_408, %multiple_of3A_407] : memref<2x320000xi32, #tpu.memory_space<hbm>> -> memref<1x128xi32, #tpu.memory_space<hbm>>
    %dma_wait3A_423 = tpu.memref_squeeze %dma_wait3A_422 : memref<1x128xi32, #tpu.memory_space<hbm>> -> memref<128xi32, #tpu.memory_space<hbm>>
    tpu.wait_dma2 semaphore(%dma_wait3A_418 : memref<!tpu.dma_semaphore, #tpu.memory_space<semaphore_mem>>) src(%dma_wait3A_423 : memref<128xi32, #tpu.memory_space<hbm>>) dst(%dma_wait3A_421 : memref<128xi32, #tpu.memory_space<vmem>>)
    %dma_start3A_424 = arith.constant 0 : i32
    %dma_start3A_425 = arith.constant 0 : i32
    %dma_start3A_426 = arith.constant 0 : i32
    %dma_start3A_427 = arith.constant 0 : i32
    %dma_start3A_428 = arith.constant 0 : i32
    %dma_start3A_429 = arith.constant 0 : i32
    %dma_start3A_430 = tpu.memref_slice %arg8[%dma_start3A_426, %dma_start3A_428, %dma_start3A_429] : memref<2x128x128xf32, #tpu.memory_space<vmem>> -> memref<1x128x128xf32, #tpu.memory_space<vmem>>
    %dma_start3A_431 = tpu.memref_squeeze %dma_start3A_430 : memref<1x128x128xf32, #tpu.memory_space<vmem>> -> memref<128x128xf32, #tpu.memory_space<vmem>>
    %dma_start3A_432 = arith.constant 0 : i32
    %dma_start3A_433 = tpu.memref_slice %arg6[%dma_start3A_424, %dma_start3A_425, %dma_start3A_432] : memref<2x3x128xi32, #tpu.memory_space<vmem>> -> memref<1x1x128xi32, #tpu.memory_space<vmem>>
    %dma_start3A_434 = tpu.memref_squeeze %dma_start3A_433 : memref<1x1x128xi32, #tpu.memory_space<vmem>> -> memref<128xi32, #tpu.memory_space<vmem>>
    %dma_start3A_435 = arith.constant 0 : i32
    %dma_start3A_436 = arith.constant 0 : i32
    %dma_start3A_437 = tpu.memref_slice %arg3[%dma_start3A_435, %dma_start3A_436] : memref<10000x128xf32, #tpu.memory_space<hbm>> -> memref<10000x128xf32, #tpu.memory_space<hbm>>
    %dma_start3A_438 = tpu.memref_slice %arg11[%dma_start3A_427] : memref<2x!tpu.dma_semaphore, #tpu.memory_space<semaphore_mem>> -> memref<1x!tpu.dma_semaphore, #tpu.memory_space<semaphore_mem>>
    %dma_start3A_439 = tpu.memref_squeeze %dma_start3A_438 : memref<1x!tpu.dma_semaphore, #tpu.memory_space<semaphore_mem>> -> memref<!tpu.dma_semaphore, #tpu.memory_space<semaphore_mem>>
    tpu.enqueue_indirect_dma source(%dma_start3A_437 : memref<10000x128xf32, #tpu.memory_space<hbm>>) target(%dma_start3A_431 : memref<128x128xf32, #tpu.memory_space<vmem>>) offsets(%dma_start3A_434 : memref<128xi32, #tpu.memory_space<vmem>>) semaphore(%dma_start3A_439 : memref<!tpu.dma_semaphore, #tpu.memory_space<semaphore_mem>>)
    %scan3A_440 = arith.constant 0 : i32
    %scan3A_441 = arith.constant 0 : i32
    %scan3A_442 = arith.constant 13 : i32
    %scan3A_443 = arith.addi %scan3A_441, %scan3A_442 : i32
    %scan3A_444 = arith.constant 1 : i32
    %scan3A_445 = scf.for %scan3A_475 = %scan3A_441 to %scan3A_443 step %scan3A_444 iter_args(%scan3A_476 = %scan3A_440) -> (i32)  : i32 {
      %mul3A_477 = arith.constant 2 : i32
      %mul3A_478 = arith.muli %scan3A_475, %mul3A_477 : i32
      %add3A_479 = arith.constant 0 : i32
      %add3A_480 = arith.addi %mul3A_478, %add3A_479 : i32
      %mul3A_481 = arith.constant 3 : i32
      %mul3A_482 = arith.muli %add3A_480, %mul3A_481 : i32
      %add3A_483 = arith.constant 0 : i32
      %add3A_484 = arith.addi %mul3A_482, %add3A_483 : i32
      %gt3A = arith.constant 0 : i32
      %gt3A_485 = arith.cmpi sgt, %add3A_484, %gt3A : i32
      %convert_element_type3A_486 = arith.extui %gt3A_485 : i1 to i32
      %cond3A_487 = arith.constant 0 : i32
      %cond3A_488 = arith.cmpi ne, %convert_element_type3A_486, %cond3A_487 : i32
      scf.if %cond3A_488 {
        %dma_wait3A_827 = arith.constant 1 : i32
        %dma_wait3A_828 = arith.constant 1 : i32
        %dma_wait3A_829 = arith.constant 2 : i32
        %dma_wait3A_830 = arith.constant 1 : i32
        %dma_wait3A_831 = arith.constant 0 : i32
        %dma_wait3A_832 = arith.constant 0 : i32
        %dma_wait3A_833 = tpu.memref_slice %arg8[%dma_wait3A_827, %dma_wait3A_831, %dma_wait3A_832] : memref<2x128x128xf32, #tpu.memory_space<vmem>> -> memref<1x128x128xf32, #tpu.memory_space<vmem>>
        %dma_wait3A_834 = tpu.memref_squeeze %dma_wait3A_833 : memref<1x128x128xf32, #tpu.memory_space<vmem>> -> memref<128x128xf32, #tpu.memory_space<vmem>>
        %dma_wait3A_835 = arith.constant 0 : i32
        %dma_wait3A_836 = tpu.memref_slice %arg7[%dma_wait3A_828, %dma_wait3A_829, %dma_wait3A_835] : memref<2x3x128xi32, #tpu.memory_space<vmem>> -> memref<1x1x128xi32, #tpu.memory_space<vmem>>
        %dma_wait3A_837 = tpu.memref_squeeze %dma_wait3A_836 : memref<1x1x128xi32, #tpu.memory_space<vmem>> -> memref<128xi32, #tpu.memory_space<vmem>>
        %dma_wait3A_838 = arith.constant 0 : i32
        %dma_wait3A_839 = arith.constant 0 : i32
        %dma_wait3A_840 = tpu.memref_slice %arg9[%dma_wait3A_838, %dma_wait3A_839] : memref<10240x128xf32, #tpu.memory_space<vmem_shared>> -> memref<10240x128xf32, #tpu.memory_space<vmem_shared>>
        %dma_wait3A_841 = tpu.memref_slice %arg12[%dma_wait3A_830] : memref<2x!tpu.dma_semaphore, #tpu.memory_space<semaphore_mem>> -> memref<1x!tpu.dma_semaphore, #tpu.memory_space<semaphore_mem>>
        %dma_wait3A_842 = tpu.memref_squeeze %dma_wait3A_841 : memref<1x!tpu.dma_semaphore, #tpu.memory_space<semaphore_mem>> -> memref<!tpu.dma_semaphore, #tpu.memory_space<semaphore_mem>>
        tpu.wait_indirect_dma semaphore(%dma_wait3A_842 : memref<!tpu.dma_semaphore, #tpu.memory_space<semaphore_mem>>) src(%dma_wait3A_834 : memref<128x128xf32, #tpu.memory_space<vmem>>) dst(%dma_wait3A_840 : memref<10240x128xf32, #tpu.memory_space<vmem_shared>>)
      } else {
      }
      %ge3A = arith.constant 1 : i32
      %ge3A_489 = arith.cmpi sge, %add3A_480, %ge3A : i32
      %add3A_490 = arith.constant 1 : i32
      %add3A_491 = arith.addi %add3A_480, %add3A_490 : i32
      %lt3A_492 = arith.constant 26 : i32
      %lt3A_493 = arith.cmpi slt, %add3A_491, %lt3A_492 : i32
      %and3A = arith.andi %ge3A_489, %lt3A_493 : i1
      %convert_element_type3A_494 = arith.extui %and3A : i1 to i32
      %cond3A_495 = arith.constant 0 : i32
      %cond3A_496 = arith.cmpi ne, %convert_element_type3A_494, %cond3A_495 : i32
      scf.if %cond3A_496 {
        %add3A_827 = arith.constant 1 : i32
        %add3A_828 = arith.addi %add3A_480, %add3A_827 : i32
        %mul3A_829 = arith.constant 78 : i32
        %mul3A_830 = arith.muli %add3A, %mul3A_829 : i32
        %mul3A_831 = arith.constant 3 : i32
        %mul3A_832 = arith.muli %add3A_828, %mul3A_831 : i32
        %add3A_833 = arith.addi %mul3A_830, %mul3A_832 : i32
        %add3A_834 = arith.constant 0 : i32
        %add3A_835 = arith.addi %add3A_833, %add3A_834 : i32
        %mul3A_836 = arith.constant 128 : i32
        %mul3A_837 = arith.muli %add3A_835, %mul3A_836 : i32
        %multiple_of3A_838 = tpu.assume_multiple %mul3A_837, 128 : i32
        %dma_start3A_839 = arith.constant 0 : i32
        %dma_start3A_840 = arith.constant 1 : i32
        %dma_start3A_841 = arith.constant 0 : i32
        %dma_start3A_842 = arith.constant 1 : i32
        %dma_start3A_843 = arith.constant 0 : i32
        %dma_start3A_844 = tpu.memref_slice %arg6[%dma_start3A_840, %dma_start3A_841, %dma_start3A_843] : memref<2x3x128xi32, #tpu.memory_space<vmem>> -> memref<1x1x128xi32, #tpu.memory_space<vmem>>
        %dma_start3A_845 = tpu.memref_squeeze %dma_start3A_844 : memref<1x1x128xi32, #tpu.memory_space<vmem>> -> memref<128xi32, #tpu.memory_space<vmem>>
        %dma_start3A_846 = tpu.memref_slice %arg2[%dma_start3A_839, %multiple_of3A_838] : memref<2x320000xi32, #tpu.memory_space<hbm>> -> memref<1x128xi32, #tpu.memory_space<hbm>>
        %dma_start3A_847 = tpu.memref_squeeze %dma_start3A_846 : memref<1x128xi32, #tpu.memory_space<hbm>> -> memref<128xi32, #tpu.memory_space<hbm>>
        %dma_start3A_848 = tpu.memref_slice %arg10[%dma_start3A_842] : memref<2x!tpu.dma_semaphore, #tpu.memory_space<semaphore_mem>> -> memref<1x!tpu.dma_semaphore, #tpu.memory_space<semaphore_mem>>
        %dma_start3A_849 = tpu.memref_squeeze %dma_start3A_848 : memref<1x!tpu.dma_semaphore, #tpu.memory_space<semaphore_mem>> -> memref<!tpu.dma_semaphore, #tpu.memory_space<semaphore_mem>>
        %dma_start3A_850 = arith.constant 0 : i32
        %dma_start3A_851 = tpu.memref_slice %arg6[%dma_start3A_840, %dma_start3A_841, %dma_start3A_850] : memref<2x3x128xi32, #tpu.memory_space<vmem>> -> memref<1x1x128xi32, #tpu.memory_space<vmem>>
        %dma_start3A_852 = tpu.memref_squeeze %dma_start3A_851 : memref<1x1x128xi32, #tpu.memory_space<vmem>> -> memref<128xi32, #tpu.memory_space<vmem>>
        %dma_start3A_853 = tpu.memref_slice %arg2[%dma_start3A_839, %multiple_of3A_838] : memref<2x320000xi32, #tpu.memory_space<hbm>> -> memref<1x128xi32, #tpu.memory_space<hbm>>
        %dma_start3A_854 = tpu.memref_squeeze %dma_start3A_853 : memref<1x128xi32, #tpu.memory_space<hbm>> -> memref<128xi32, #tpu.memory_space<hbm>>
        tpu.enqueue_dma source(%dma_start3A_854 : memref<128xi32, #tpu.memory_space<hbm>>) target(%dma_start3A_852 : memref<128xi32, #tpu.memory_space<vmem>>) target_semaphore(%dma_start3A_849 : memref<!tpu.dma_semaphore, #tpu.memory_space<semaphore_mem>>)
        %mul3A_855 = arith.constant 128 : i32
        %mul3A_856 = arith.muli %add3A_835, %mul3A_855 : i32
        %multiple_of3A_857 = tpu.assume_multiple %mul3A_856, 128 : i32
        %dma_start3A_858 = arith.constant 1 : i32
        %dma_start3A_859 = arith.constant 1 : i32
        %dma_start3A_860 = arith.constant 0 : i32
        %dma_start3A_861 = arith.constant 1 : i32
        %dma_start3A_862 = arith.constant 0 : i32
        %dma_start3A_863 = tpu.memref_slice %arg7[%dma_start3A_859, %dma_start3A_860, %dma_start3A_862] : memref<2x3x128xi32, #tpu.memory_space<vmem>> -> memref<1x1x128xi32, #tpu.memory_space<vmem>>
        %dma_start3A_864 = tpu.memref_squeeze %dma_start3A_863 : memref<1x1x128xi32, #tpu.memory_space<vmem>> -> memref<128xi32, #tpu.memory_space<vmem>>
        %dma_start3A_865 = tpu.memref_slice %arg2[%dma_start3A_858, %multiple_of3A_857] : memref<2x320000xi32, #tpu.memory_space<hbm>> -> memref<1x128xi32, #tpu.memory_space<hbm>>
        %dma_start3A_866 = tpu.memref_squeeze %dma_start3A_865 : memref<1x128xi32, #tpu.memory_space<hbm>> -> memref<128xi32, #tpu.memory_space<hbm>>
        %dma_start3A_867 = tpu.memref_slice %arg10[%dma_start3A_861] : memref<2x!tpu.dma_semaphore, #tpu.memory_space<semaphore_mem>> -> memref<1x!tpu.dma_semaphore, #tpu.memory_space<semaphore_mem>>
        %dma_start3A_868 = tpu.memref_squeeze %dma_start3A_867 : memref<1x!tpu.dma_semaphore, #tpu.memory_space<semaphore_mem>> -> memref<!tpu.dma_semaphore, #tpu.memory_space<semaphore_mem>>
        %dma_start3A_869 = arith.constant 0 : i32
        %dma_start3A_870 = tpu.memref_slice %arg7[%dma_start3A_859, %dma_start3A_860, %dma_start3A_869] : memref<2x3x128xi32, #tpu.memory_space<vmem>> -> memref<1x1x128xi32, #tpu.memory_space<vmem>>
        %dma_start3A_871 = tpu.memref_squeeze %dma_start3A_870 : memref<1x1x128xi32, #tpu.memory_space<vmem>> -> memref<128xi32, #tpu.memory_space<vmem>>
        %dma_start3A_872 = tpu.memref_slice %arg2[%dma_start3A_858, %multiple_of3A_857] : memref<2x320000xi32, #tpu.memory_space<hbm>> -> memref<1x128xi32, #tpu.memory_space<hbm>>
        %dma_start3A_873 = tpu.memref_squeeze %dma_start3A_872 : memref<1x128xi32, #tpu.memory_space<hbm>> -> memref<128xi32, #tpu.memory_space<hbm>>
        tpu.enqueue_dma source(%dma_start3A_873 : memref<128xi32, #tpu.memory_space<hbm>>) target(%dma_start3A_871 : memref<128xi32, #tpu.memory_space<vmem>>) target_semaphore(%dma_start3A_868 : memref<!tpu.dma_semaphore, #tpu.memory_space<semaphore_mem>>)
        %mul3A_874 = arith.constant 78 : i32
        %mul3A_875 = arith.muli %add3A, %mul3A_874 : i32
        %mul3A_876 = arith.constant 3 : i32
        %mul3A_877 = arith.muli %add3A_828, %mul3A_876 : i32
        %add3A_878 = arith.addi %mul3A_875, %mul3A_877 : i32
        %add3A_879 = arith.constant 1 : i32
        %add3A_880 = arith.addi %add3A_878, %add3A_879 : i32
        %mul3A_881 = arith.constant 128 : i32
        %mul3A_882 = arith.muli %add3A_880, %mul3A_881 : i32
        %multiple_of3A_883 = tpu.assume_multiple %mul3A_882, 128 : i32
        %dma_start3A_884 = arith.constant 0 : i32
        %dma_start3A_885 = arith.constant 1 : i32
        %dma_start3A_886 = arith.constant 1 : i32
        %dma_start3A_887 = arith.constant 1 : i32
        %dma_start3A_888 = arith.constant 0 : i32
        %dma_start3A_889 = tpu.memref_slice %arg6[%dma_start3A_885, %dma_start3A_886, %dma_start3A_888] : memref<2x3x128xi32, #tpu.memory_space<vmem>> -> memref<1x1x128xi32, #tpu.memory_space<vmem>>
        %dma_start3A_890 = tpu.memref_squeeze %dma_start3A_889 : memref<1x1x128xi32, #tpu.memory_space<vmem>> -> memref<128xi32, #tpu.memory_space<vmem>>
        %dma_start3A_891 = tpu.memref_slice %arg2[%dma_start3A_884, %multiple_of3A_883] : memref<2x320000xi32, #tpu.memory_space<hbm>> -> memref<1x128xi32, #tpu.memory_space<hbm>>
        %dma_start3A_892 = tpu.memref_squeeze %dma_start3A_891 : memref<1x128xi32, #tpu.memory_space<hbm>> -> memref<128xi32, #tpu.memory_space<hbm>>
        %dma_start3A_893 = tpu.memref_slice %arg10[%dma_start3A_887] : memref<2x!tpu.dma_semaphore, #tpu.memory_space<semaphore_mem>> -> memref<1x!tpu.dma_semaphore, #tpu.memory_space<semaphore_mem>>
        %dma_start3A_894 = tpu.memref_squeeze %dma_start3A_893 : memref<1x!tpu.dma_semaphore, #tpu.memory_space<semaphore_mem>> -> memref<!tpu.dma_semaphore, #tpu.memory_space<semaphore_mem>>
        %dma_start3A_895 = arith.constant 0 : i32
        %dma_start3A_896 = tpu.memref_slice %arg6[%dma_start3A_885, %dma_start3A_886, %dma_start3A_895] : memref<2x3x128xi32, #tpu.memory_space<vmem>> -> memref<1x1x128xi32, #tpu.memory_space<vmem>>
        %dma_start3A_897 = tpu.memref_squeeze %dma_start3A_896 : memref<1x1x128xi32, #tpu.memory_space<vmem>> -> memref<128xi32, #tpu.memory_space<vmem>>
        %dma_start3A_898 = tpu.memref_slice %arg2[%dma_start3A_884, %multiple_of3A_883] : memref<2x320000xi32, #tpu.memory_space<hbm>> -> memref<1x128xi32, #tpu.memory_space<hbm>>
        %dma_start3A_899 = tpu.memref_squeeze %dma_start3A_898 : memref<1x128xi32, #tpu.memory_space<hbm>> -> memref<128xi32, #tpu.memory_space<hbm>>
        tpu.enqueue_dma source(%dma_start3A_899 : memref<128xi32, #tpu.memory_space<hbm>>) target(%dma_start3A_897 : memref<128xi32, #tpu.memory_space<vmem>>) target_semaphore(%dma_start3A_894 : memref<!tpu.dma_semaphore, #tpu.memory_space<semaphore_mem>>)
        %mul3A_900 = arith.constant 128 : i32
        %mul3A_901 = arith.muli %add3A_880, %mul3A_900 : i32
        %multiple_of3A_902 = tpu.assume_multiple %mul3A_901, 128 : i32
        %dma_start3A_903 = arith.constant 1 : i32
        %dma_start3A_904 = arith.constant 1 : i32
        %dma_start3A_905 = arith.constant 1 : i32
        %dma_start3A_906 = arith.constant 1 : i32
        %dma_start3A_907 = arith.constant 0 : i32
        %dma_start3A_908 = tpu.memref_slice %arg7[%dma_start3A_904, %dma_start3A_905, %dma_start3A_907] : memref<2x3x128xi32, #tpu.memory_space<vmem>> -> memref<1x1x128xi32, #tpu.memory_space<vmem>>
        %dma_start3A_909 = tpu.memref_squeeze %dma_start3A_908 : memref<1x1x128xi32, #tpu.memory_space<vmem>> -> memref<128xi32, #tpu.memory_space<vmem>>
        %dma_start3A_910 = tpu.memref_slice %arg2[%dma_start3A_903, %multiple_of3A_902] : memref<2x320000xi32, #tpu.memory_space<hbm>> -> memref<1x128xi32, #tpu.memory_space<hbm>>
        %dma_start3A_911 = tpu.memref_squeeze %dma_start3A_910 : memref<1x128xi32, #tpu.memory_space<hbm>> -> memref<128xi32, #tpu.memory_space<hbm>>
        %dma_start3A_912 = tpu.memref_slice %arg10[%dma_start3A_906] : memref<2x!tpu.dma_semaphore, #tpu.memory_space<semaphore_mem>> -> memref<1x!tpu.dma_semaphore, #tpu.memory_space<semaphore_mem>>
        %dma_start3A_913 = tpu.memref_squeeze %dma_start3A_912 : memref<1x!tpu.dma_semaphore, #tpu.memory_space<semaphore_mem>> -> memref<!tpu.dma_semaphore, #tpu.memory_space<semaphore_mem>>
        %dma_start3A_914 = arith.constant 0 : i32
        %dma_start3A_915 = tpu.memref_slice %arg7[%dma_start3A_904, %dma_start3A_905, %dma_start3A_914] : memref<2x3x128xi32, #tpu.memory_space<vmem>> -> memref<1x1x128xi32, #tpu.memory_space<vmem>>
        %dma_start3A_916 = tpu.memref_squeeze %dma_start3A_915 : memref<1x1x128xi32, #tpu.memory_space<vmem>> -> memref<128xi32, #tpu.memory_space<vmem>>
        %dma_start3A_917 = tpu.memref_slice %arg2[%dma_start3A_903, %multiple_of3A_902] : memref<2x320000xi32, #tpu.memory_space<hbm>> -> memref<1x128xi32, #tpu.memory_space<hbm>>
        %dma_start3A_918 = tpu.memref_squeeze %dma_start3A_917 : memref<1x128xi32, #tpu.memory_space<hbm>> -> memref<128xi32, #tpu.memory_space<hbm>>
        tpu.enqueue_dma source(%dma_start3A_918 : memref<128xi32, #tpu.memory_space<hbm>>) target(%dma_start3A_916 : memref<128xi32, #tpu.memory_space<vmem>>) target_semaphore(%dma_start3A_913 : memref<!tpu.dma_semaphore, #tpu.memory_space<semaphore_mem>>)
        %mul3A_919 = arith.constant 78 : i32
        %mul3A_920 = arith.muli %add3A, %mul3A_919 : i32
        %mul3A_921 = arith.constant 3 : i32
        %mul3A_922 = arith.muli %add3A_828, %mul3A_921 : i32
        %add3A_923 = arith.addi %mul3A_920, %mul3A_922 : i32
        %add3A_924 = arith.constant 2 : i32
        %add3A_925 = arith.addi %add3A_923, %add3A_924 : i32
        %mul3A_926 = arith.constant 128 : i32
        %mul3A_927 = arith.muli %add3A_925, %mul3A_926 : i32
        %multiple_of3A_928 = tpu.assume_multiple %mul3A_927, 128 : i32
        %dma_start3A_929 = arith.constant 0 : i32
        %dma_start3A_930 = arith.constant 1 : i32
        %dma_start3A_931 = arith.constant 2 : i32
        %dma_start3A_932 = arith.constant 1 : i32
        %dma_start3A_933 = arith.constant 0 : i32
        %dma_start3A_934 = tpu.memref_slice %arg6[%dma_start3A_930, %dma_start3A_931, %dma_start3A_933] : memref<2x3x128xi32, #tpu.memory_space<vmem>> -> memref<1x1x128xi32, #tpu.memory_space<vmem>>
        %dma_start3A_935 = tpu.memref_squeeze %dma_start3A_934 : memref<1x1x128xi32, #tpu.memory_space<vmem>> -> memref<128xi32, #tpu.memory_space<vmem>>
        %dma_start3A_936 = tpu.memref_slice %arg2[%dma_start3A_929, %multiple_of3A_928] : memref<2x320000xi32, #tpu.memory_space<hbm>> -> memref<1x128xi32, #tpu.memory_space<hbm>>
        %dma_start3A_937 = tpu.memref_squeeze %dma_start3A_936 : memref<1x128xi32, #tpu.memory_space<hbm>> -> memref<128xi32, #tpu.memory_space<hbm>>
        %dma_start3A_938 = tpu.memref_slice %arg10[%dma_start3A_932] : memref<2x!tpu.dma_semaphore, #tpu.memory_space<semaphore_mem>> -> memref<1x!tpu.dma_semaphore, #tpu.memory_space<semaphore_mem>>
        %dma_start3A_939 = tpu.memref_squeeze %dma_start3A_938 : memref<1x!tpu.dma_semaphore, #tpu.memory_space<semaphore_mem>> -> memref<!tpu.dma_semaphore, #tpu.memory_space<semaphore_mem>>
        %dma_start3A_940 = arith.constant 0 : i32
        %dma_start3A_941 = tpu.memref_slice %arg6[%dma_start3A_930, %dma_start3A_931, %dma_start3A_940] : memref<2x3x128xi32, #tpu.memory_space<vmem>> -> memref<1x1x128xi32, #tpu.memory_space<vmem>>
        %dma_start3A_942 = tpu.memref_squeeze %dma_start3A_941 : memref<1x1x128xi32, #tpu.memory_space<vmem>> -> memref<128xi32, #tpu.memory_space<vmem>>
        %dma_start3A_943 = tpu.memref_slice %arg2[%dma_start3A_929, %multiple_of3A_928] : memref<2x320000xi32, #tpu.memory_space<hbm>> -> memref<1x128xi32, #tpu.memory_space<hbm>>
        %dma_start3A_944 = tpu.memref_squeeze %dma_start3A_943 : memref<1x128xi32, #tpu.memory_space<hbm>> -> memref<128xi32, #tpu.memory_space<hbm>>
        tpu.enqueue_dma source(%dma_start3A_944 : memref<128xi32, #tpu.memory_space<hbm>>) target(%dma_start3A_942 : memref<128xi32, #tpu.memory_space<vmem>>) target_semaphore(%dma_start3A_939 : memref<!tpu.dma_semaphore, #tpu.memory_space<semaphore_mem>>)
        %mul3A_945 = arith.constant 128 : i32
        %mul3A_946 = arith.muli %add3A_925, %mul3A_945 : i32
        %multiple_of3A_947 = tpu.assume_multiple %mul3A_946, 128 : i32
        %dma_start3A_948 = arith.constant 1 : i32
        %dma_start3A_949 = arith.constant 1 : i32
        %dma_start3A_950 = arith.constant 2 : i32
        %dma_start3A_951 = arith.constant 1 : i32
        %dma_start3A_952 = arith.constant 0 : i32
        %dma_start3A_953 = tpu.memref_slice %arg7[%dma_start3A_949, %dma_start3A_950, %dma_start3A_952] : memref<2x3x128xi32, #tpu.memory_space<vmem>> -> memref<1x1x128xi32, #tpu.memory_space<vmem>>
        %dma_start3A_954 = tpu.memref_squeeze %dma_start3A_953 : memref<1x1x128xi32, #tpu.memory_space<vmem>> -> memref<128xi32, #tpu.memory_space<vmem>>
        %dma_start3A_955 = tpu.memref_slice %arg2[%dma_start3A_948, %multiple_of3A_947] : memref<2x320000xi32, #tpu.memory_space<hbm>> -> memref<1x128xi32, #tpu.memory_space<hbm>>
        %dma_start3A_956 = tpu.memref_squeeze %dma_start3A_955 : memref<1x128xi32, #tpu.memory_space<hbm>> -> memref<128xi32, #tpu.memory_space<hbm>>
        %dma_start3A_957 = tpu.memref_slice %arg10[%dma_start3A_951] : memref<2x!tpu.dma_semaphore, #tpu.memory_space<semaphore_mem>> -> memref<1x!tpu.dma_semaphore, #tpu.memory_space<semaphore_mem>>
        %dma_start3A_958 = tpu.memref_squeeze %dma_start3A_957 : memref<1x!tpu.dma_semaphore, #tpu.memory_space<semaphore_mem>> -> memref<!tpu.dma_semaphore, #tpu.memory_space<semaphore_mem>>
        %dma_start3A_959 = arith.constant 0 : i32
        %dma_start3A_960 = tpu.memref_slice %arg7[%dma_start3A_949, %dma_start3A_950, %dma_start3A_959] : memref<2x3x128xi32, #tpu.memory_space<vmem>> -> memref<1x1x128xi32, #tpu.memory_space<vmem>>
        %dma_start3A_961 = tpu.memref_squeeze %dma_start3A_960 : memref<1x1x128xi32, #tpu.memory_space<vmem>> -> memref<128xi32, #tpu.memory_space<vmem>>
        %dma_start3A_962 = tpu.memref_slice %arg2[%dma_start3A_948, %multiple_of3A_947] : memref<2x320000xi32, #tpu.memory_space<hbm>> -> memref<1x128xi32, #tpu.memory_space<hbm>>
        %dma_start3A_963 = tpu.memref_squeeze %dma_start3A_962 : memref<1x128xi32, #tpu.memory_space<hbm>> -> memref<128xi32, #tpu.memory_space<hbm>>
        tpu.enqueue_dma source(%dma_start3A_963 : memref<128xi32, #tpu.memory_space<hbm>>) target(%dma_start3A_961 : memref<128xi32, #tpu.memory_space<vmem>>) target_semaphore(%dma_start3A_958 : memref<!tpu.dma_semaphore, #tpu.memory_space<semaphore_mem>>)
      } else {
      }
      %dma_start3A_497 = arith.constant 0 : i32
      %dma_start3A_498 = arith.constant 1 : i32
      %dma_start3A_499 = arith.constant 1 : i32
      %dma_start3A_500 = arith.constant 1 : i32
      %dma_start3A_501 = arith.constant 0 : i32
      %dma_start3A_502 = arith.constant 0 : i32
      %dma_start3A_503 = tpu.memref_slice %arg8[%dma_start3A_499, %dma_start3A_501, %dma_start3A_502] : memref<2x128x128xf32, #tpu.memory_space<vmem>> -> memref<1x128x128xf32, #tpu.memory_space<vmem>>
      %dma_start3A_504 = tpu.memref_squeeze %dma_start3A_503 : memref<1x128x128xf32, #tpu.memory_space<vmem>> -> memref<128x128xf32, #tpu.memory_space<vmem>>
      %dma_start3A_505 = arith.constant 0 : i32
      %dma_start3A_506 = tpu.memref_slice %arg6[%dma_start3A_497, %dma_start3A_498, %dma_start3A_505] : memref<2x3x128xi32, #tpu.memory_space<vmem>> -> memref<1x1x128xi32, #tpu.memory_space<vmem>>
      %dma_start3A_507 = tpu.memref_squeeze %dma_start3A_506 : memref<1x1x128xi32, #tpu.memory_space<vmem>> -> memref<128xi32, #tpu.memory_space<vmem>>
      %dma_start3A_508 = arith.constant 0 : i32
      %dma_start3A_509 = arith.constant 0 : i32
      %dma_start3A_510 = tpu.memref_slice %arg3[%dma_start3A_508, %dma_start3A_509] : memref<10000x128xf32, #tpu.memory_space<hbm>> -> memref<10000x128xf32, #tpu.memory_space<hbm>>
      %dma_start3A_511 = tpu.memref_slice %arg11[%dma_start3A_500] : memref<2x!tpu.dma_semaphore, #tpu.memory_space<semaphore_mem>> -> memref<1x!tpu.dma_semaphore, #tpu.memory_space<semaphore_mem>>
      %dma_start3A_512 = tpu.memref_squeeze %dma_start3A_511 : memref<1x!tpu.dma_semaphore, #tpu.memory_space<semaphore_mem>> -> memref<!tpu.dma_semaphore, #tpu.memory_space<semaphore_mem>>
      tpu.enqueue_indirect_dma source(%dma_start3A_510 : memref<10000x128xf32, #tpu.memory_space<hbm>>) target(%dma_start3A_504 : memref<128x128xf32, #tpu.memory_space<vmem>>) offsets(%dma_start3A_507 : memref<128xi32, #tpu.memory_space<vmem>>) semaphore(%dma_start3A_512 : memref<!tpu.dma_semaphore, #tpu.memory_space<semaphore_mem>>)
      %dma_wait3A_513 = arith.constant 0 : i32
      %dma_wait3A_514 = arith.constant 0 : i32
      %dma_wait3A_515 = arith.constant 0 : i32
      %dma_wait3A_516 = arith.constant 0 : i32
      %dma_wait3A_517 = arith.constant 0 : i32
      %dma_wait3A_518 = arith.constant 0 : i32
      %dma_wait3A_519 = tpu.memref_slice %arg8[%dma_wait3A_515, %dma_wait3A_517, %dma_wait3A_518] : memref<2x128x128xf32, #tpu.memory_space<vmem>> -> memref<1x128x128xf32, #tpu.memory_space<vmem>>
      %dma_wait3A_520 = tpu.memref_squeeze %dma_wait3A_519 : memref<1x128x128xf32, #tpu.memory_space<vmem>> -> memref<128x128xf32, #tpu.memory_space<vmem>>
      %dma_wait3A_521 = arith.constant 0 : i32
      %dma_wait3A_522 = tpu.memref_slice %arg6[%dma_wait3A_513, %dma_wait3A_514, %dma_wait3A_521] : memref<2x3x128xi32, #tpu.memory_space<vmem>> -> memref<1x1x128xi32, #tpu.memory_space<vmem>>
      %dma_wait3A_523 = tpu.memref_squeeze %dma_wait3A_522 : memref<1x1x128xi32, #tpu.memory_space<vmem>> -> memref<128xi32, #tpu.memory_space<vmem>>
      %dma_wait3A_524 = arith.constant 0 : i32
      %dma_wait3A_525 = arith.constant 0 : i32
      %dma_wait3A_526 = tpu.memref_slice %arg3[%dma_wait3A_524, %dma_wait3A_525] : memref<10000x128xf32, #tpu.memory_space<hbm>> -> memref<10000x128xf32, #tpu.memory_space<hbm>>
      %dma_wait3A_527 = tpu.memref_slice %arg11[%dma_wait3A_516] : memref<2x!tpu.dma_semaphore, #tpu.memory_space<semaphore_mem>> -> memref<1x!tpu.dma_semaphore, #tpu.memory_space<semaphore_mem>>
      %dma_wait3A_528 = tpu.memref_squeeze %dma_wait3A_527 : memref<1x!tpu.dma_semaphore, #tpu.memory_space<semaphore_mem>> -> memref<!tpu.dma_semaphore, #tpu.memory_space<semaphore_mem>>
      tpu.wait_indirect_dma semaphore(%dma_wait3A_528 : memref<!tpu.dma_semaphore, #tpu.memory_space<semaphore_mem>>) src(%dma_wait3A_526 : memref<10000x128xf32, #tpu.memory_space<hbm>>) dst(%dma_wait3A_520 : memref<128x128xf32, #tpu.memory_space<vmem>>)
      %dma_start3A_529 = arith.constant 0 : i32
      %dma_start3A_530 = arith.constant 0 : i32
      %dma_start3A_531 = arith.constant 0 : i32
      %dma_start3A_532 = arith.constant 0 : i32
      %dma_start3A_533 = arith.constant 0 : i32
      %dma_start3A_534 = arith.constant 0 : i32
      %dma_start3A_535 = tpu.memref_slice %arg8[%dma_start3A_529, %dma_start3A_533, %dma_start3A_534] : memref<2x128x128xf32, #tpu.memory_space<vmem>> -> memref<1x128x128xf32, #tpu.memory_space<vmem>>
      %dma_start3A_536 = tpu.memref_squeeze %dma_start3A_535 : memref<1x128x128xf32, #tpu.memory_space<vmem>> -> memref<128x128xf32, #tpu.memory_space<vmem>>
      %dma_start3A_537 = arith.constant 0 : i32
      %dma_start3A_538 = tpu.memref_slice %arg7[%dma_start3A_530, %dma_start3A_531, %dma_start3A_537] : memref<2x3x128xi32, #tpu.memory_space<vmem>> -> memref<1x1x128xi32, #tpu.memory_space<vmem>>
      %dma_start3A_539 = tpu.memref_squeeze %dma_start3A_538 : memref<1x1x128xi32, #tpu.memory_space<vmem>> -> memref<128xi32, #tpu.memory_space<vmem>>
      %dma_start3A_540 = arith.constant 0 : i32
      %dma_start3A_541 = arith.constant 0 : i32
      %dma_start3A_542 = tpu.memref_slice %arg9[%dma_start3A_540, %dma_start3A_541] : memref<10240x128xf32, #tpu.memory_space<vmem_shared>> -> memref<10240x128xf32, #tpu.memory_space<vmem_shared>>
      %dma_start3A_543 = tpu.memref_slice %arg12[%dma_start3A_532] : memref<2x!tpu.dma_semaphore, #tpu.memory_space<semaphore_mem>> -> memref<1x!tpu.dma_semaphore, #tpu.memory_space<semaphore_mem>>
      %dma_start3A_544 = tpu.memref_squeeze %dma_start3A_543 : memref<1x!tpu.dma_semaphore, #tpu.memory_space<semaphore_mem>> -> memref<!tpu.dma_semaphore, #tpu.memory_space<semaphore_mem>>
      tpu.enqueue_indirect_dma source(%dma_start3A_536 : memref<128x128xf32, #tpu.memory_space<vmem>>) target(%dma_start3A_542 : memref<10240x128xf32, #tpu.memory_space<vmem_shared>>) offsets(%dma_start3A_539 : memref<128xi32, #tpu.memory_space<vmem>>) semaphore(%dma_start3A_544 : memref<!tpu.dma_semaphore, #tpu.memory_space<semaphore_mem>>) {add = true}
      %mul3A_545 = arith.constant 3 : i32
      %mul3A_546 = arith.muli %add3A_480, %mul3A_545 : i32
      %add3A_547 = arith.constant 1 : i32
      %add3A_548 = arith.addi %mul3A_546, %add3A_547 : i32
      %gt3A_549 = arith.constant 0 : i32
      %gt3A_550 = arith.cmpi sgt, %add3A_548, %gt3A_549 : i32
      %convert_element_type3A_551 = arith.extui %gt3A_550 : i1 to i32
      %cond3A_552 = arith.constant 0 : i32
      %cond3A_553 = arith.cmpi ne, %convert_element_type3A_551, %cond3A_552 : i32
      scf.if %cond3A_553 {
        %dma_wait3A_827 = arith.constant 0 : i32
        %dma_wait3A_828 = arith.constant 0 : i32
        %dma_wait3A_829 = arith.constant 0 : i32
        %dma_wait3A_830 = arith.constant 0 : i32
        %dma_wait3A_831 = arith.constant 0 : i32
        %dma_wait3A_832 = arith.constant 0 : i32
        %dma_wait3A_833 = tpu.memref_slice %arg8[%dma_wait3A_827, %dma_wait3A_831, %dma_wait3A_832] : memref<2x128x128xf32, #tpu.memory_space<vmem>> -> memref<1x128x128xf32, #tpu.memory_space<vmem>>
        %dma_wait3A_834 = tpu.memref_squeeze %dma_wait3A_833 : memref<1x128x128xf32, #tpu.memory_space<vmem>> -> memref<128x128xf32, #tpu.memory_space<vmem>>
        %dma_wait3A_835 = arith.constant 0 : i32
        %dma_wait3A_836 = tpu.memref_slice %arg7[%dma_wait3A_828, %dma_wait3A_829, %dma_wait3A_835] : memref<2x3x128xi32, #tpu.memory_space<vmem>> -> memref<1x1x128xi32, #tpu.memory_space<vmem>>
        %dma_wait3A_837 = tpu.memref_squeeze %dma_wait3A_836 : memref<1x1x128xi32, #tpu.memory_space<vmem>> -> memref<128xi32, #tpu.memory_space<vmem>>
        %dma_wait3A_838 = arith.constant 0 : i32
        %dma_wait3A_839 = arith.constant 0 : i32
        %dma_wait3A_840 = tpu.memref_slice %arg9[%dma_wait3A_838, %dma_wait3A_839] : memref<10240x128xf32, #tpu.memory_space<vmem_shared>> -> memref<10240x128xf32, #tpu.memory_space<vmem_shared>>
        %dma_wait3A_841 = tpu.memref_slice %arg12[%dma_wait3A_830] : memref<2x!tpu.dma_semaphore, #tpu.memory_space<semaphore_mem>> -> memref<1x!tpu.dma_semaphore, #tpu.memory_space<semaphore_mem>>
        %dma_wait3A_842 = tpu.memref_squeeze %dma_wait3A_841 : memref<1x!tpu.dma_semaphore, #tpu.memory_space<semaphore_mem>> -> memref<!tpu.dma_semaphore, #tpu.memory_space<semaphore_mem>>
        tpu.wait_indirect_dma semaphore(%dma_wait3A_842 : memref<!tpu.dma_semaphore, #tpu.memory_space<semaphore_mem>>) src(%dma_wait3A_834 : memref<128x128xf32, #tpu.memory_space<vmem>>) dst(%dma_wait3A_840 : memref<10240x128xf32, #tpu.memory_space<vmem_shared>>)
      } else {
      }
      %dma_start3A_554 = arith.constant 0 : i32
      %dma_start3A_555 = arith.constant 2 : i32
      %dma_start3A_556 = arith.constant 0 : i32
      %dma_start3A_557 = arith.constant 0 : i32
      %dma_start3A_558 = arith.constant 0 : i32
      %dma_start3A_559 = arith.constant 0 : i32
      %dma_start3A_560 = tpu.memref_slice %arg8[%dma_start3A_556, %dma_start3A_558, %dma_start3A_559] : memref<2x128x128xf32, #tpu.memory_space<vmem>> -> memref<1x128x128xf32, #tpu.memory_space<vmem>>
      %dma_start3A_561 = tpu.memref_squeeze %dma_start3A_560 : memref<1x128x128xf32, #tpu.memory_space<vmem>> -> memref<128x128xf32, #tpu.memory_space<vmem>>
      %dma_start3A_562 = arith.constant 0 : i32
      %dma_start3A_563 = tpu.memref_slice %arg6[%dma_start3A_554, %dma_start3A_555, %dma_start3A_562] : memref<2x3x128xi32, #tpu.memory_space<vmem>> -> memref<1x1x128xi32, #tpu.memory_space<vmem>>
      %dma_start3A_564 = tpu.memref_squeeze %dma_start3A_563 : memref<1x1x128xi32, #tpu.memory_space<vmem>> -> memref<128xi32, #tpu.memory_space<vmem>>
      %dma_start3A_565 = arith.constant 0 : i32
      %dma_start3A_566 = arith.constant 0 : i32
      %dma_start3A_567 = tpu.memref_slice %arg3[%dma_start3A_565, %dma_start3A_566] : memref<10000x128xf32, #tpu.memory_space<hbm>> -> memref<10000x128xf32, #tpu.memory_space<hbm>>
      %dma_start3A_568 = tpu.memref_slice %arg11[%dma_start3A_557] : memref<2x!tpu.dma_semaphore, #tpu.memory_space<semaphore_mem>> -> memref<1x!tpu.dma_semaphore, #tpu.memory_space<semaphore_mem>>
      %dma_start3A_569 = tpu.memref_squeeze %dma_start3A_568 : memref<1x!tpu.dma_semaphore, #tpu.memory_space<semaphore_mem>> -> memref<!tpu.dma_semaphore, #tpu.memory_space<semaphore_mem>>
      tpu.enqueue_indirect_dma source(%dma_start3A_567 : memref<10000x128xf32, #tpu.memory_space<hbm>>) target(%dma_start3A_561 : memref<128x128xf32, #tpu.memory_space<vmem>>) offsets(%dma_start3A_564 : memref<128xi32, #tpu.memory_space<vmem>>) semaphore(%dma_start3A_569 : memref<!tpu.dma_semaphore, #tpu.memory_space<semaphore_mem>>)
      %dma_wait3A_570 = arith.constant 0 : i32
      %dma_wait3A_571 = arith.constant 1 : i32
      %dma_wait3A_572 = arith.constant 1 : i32
      %dma_wait3A_573 = arith.constant 1 : i32
      %dma_wait3A_574 = arith.constant 0 : i32
      %dma_wait3A_575 = arith.constant 0 : i32
      %dma_wait3A_576 = tpu.memref_slice %arg8[%dma_wait3A_572, %dma_wait3A_574, %dma_wait3A_575] : memref<2x128x128xf32, #tpu.memory_space<vmem>> -> memref<1x128x128xf32, #tpu.memory_space<vmem>>
      %dma_wait3A_577 = tpu.memref_squeeze %dma_wait3A_576 : memref<1x128x128xf32, #tpu.memory_space<vmem>> -> memref<128x128xf32, #tpu.memory_space<vmem>>
      %dma_wait3A_578 = arith.constant 0 : i32
      %dma_wait3A_579 = tpu.memref_slice %arg6[%dma_wait3A_570, %dma_wait3A_571, %dma_wait3A_578] : memref<2x3x128xi32, #tpu.memory_space<vmem>> -> memref<1x1x128xi32, #tpu.memory_space<vmem>>
      %dma_wait3A_580 = tpu.memref_squeeze %dma_wait3A_579 : memref<1x1x128xi32, #tpu.memory_space<vmem>> -> memref<128xi32, #tpu.memory_space<vmem>>
      %dma_wait3A_581 = arith.constant 0 : i32
      %dma_wait3A_582 = arith.constant 0 : i32
      %dma_wait3A_583 = tpu.memref_slice %arg3[%dma_wait3A_581, %dma_wait3A_582] : memref<10000x128xf32, #tpu.memory_space<hbm>> -> memref<10000x128xf32, #tpu.memory_space<hbm>>
      %dma_wait3A_584 = tpu.memref_slice %arg11[%dma_wait3A_573] : memref<2x!tpu.dma_semaphore, #tpu.memory_space<semaphore_mem>> -> memref<1x!tpu.dma_semaphore, #tpu.memory_space<semaphore_mem>>
      %dma_wait3A_585 = tpu.memref_squeeze %dma_wait3A_584 : memref<1x!tpu.dma_semaphore, #tpu.memory_space<semaphore_mem>> -> memref<!tpu.dma_semaphore, #tpu.memory_space<semaphore_mem>>
      tpu.wait_indirect_dma semaphore(%dma_wait3A_585 : memref<!tpu.dma_semaphore, #tpu.memory_space<semaphore_mem>>) src(%dma_wait3A_583 : memref<10000x128xf32, #tpu.memory_space<hbm>>) dst(%dma_wait3A_577 : memref<128x128xf32, #tpu.memory_space<vmem>>)
      %dma_start3A_586 = arith.constant 1 : i32
      %dma_start3A_587 = arith.constant 0 : i32
      %dma_start3A_588 = arith.constant 1 : i32
      %dma_start3A_589 = arith.constant 1 : i32
      %dma_start3A_590 = arith.constant 0 : i32
      %dma_start3A_591 = arith.constant 0 : i32
      %dma_start3A_592 = tpu.memref_slice %arg8[%dma_start3A_586, %dma_start3A_590, %dma_start3A_591] : memref<2x128x128xf32, #tpu.memory_space<vmem>> -> memref<1x128x128xf32, #tpu.memory_space<vmem>>
      %dma_start3A_593 = tpu.memref_squeeze %dma_start3A_592 : memref<1x128x128xf32, #tpu.memory_space<vmem>> -> memref<128x128xf32, #tpu.memory_space<vmem>>
      %dma_start3A_594 = arith.constant 0 : i32
      %dma_start3A_595 = tpu.memref_slice %arg7[%dma_start3A_587, %dma_start3A_588, %dma_start3A_594] : memref<2x3x128xi32, #tpu.memory_space<vmem>> -> memref<1x1x128xi32, #tpu.memory_space<vmem>>
      %dma_start3A_596 = tpu.memref_squeeze %dma_start3A_595 : memref<1x1x128xi32, #tpu.memory_space<vmem>> -> memref<128xi32, #tpu.memory_space<vmem>>
      %dma_start3A_597 = arith.constant 0 : i32
      %dma_start3A_598 = arith.constant 0 : i32
      %dma_start3A_599 = tpu.memref_slice %arg9[%dma_start3A_597, %dma_start3A_598] : memref<10240x128xf32, #tpu.memory_space<vmem_shared>> -> memref<10240x128xf32, #tpu.memory_space<vmem_shared>>
      %dma_start3A_600 = tpu.memref_slice %arg12[%dma_start3A_589] : memref<2x!tpu.dma_semaphore, #tpu.memory_space<semaphore_mem>> -> memref<1x!tpu.dma_semaphore, #tpu.memory_space<semaphore_mem>>
      %dma_start3A_601 = tpu.memref_squeeze %dma_start3A_600 : memref<1x!tpu.dma_semaphore, #tpu.memory_space<semaphore_mem>> -> memref<!tpu.dma_semaphore, #tpu.memory_space<semaphore_mem>>
      tpu.enqueue_indirect_dma source(%dma_start3A_593 : memref<128x128xf32, #tpu.memory_space<vmem>>) target(%dma_start3A_599 : memref<10240x128xf32, #tpu.memory_space<vmem_shared>>) offsets(%dma_start3A_596 : memref<128xi32, #tpu.memory_space<vmem>>) semaphore(%dma_start3A_601 : memref<!tpu.dma_semaphore, #tpu.memory_space<semaphore_mem>>) {add = true}
      %mul3A_602 = arith.constant 3 : i32
      %mul3A_603 = arith.muli %add3A_480, %mul3A_602 : i32
      %add3A_604 = arith.constant 2 : i32
      %add3A_605 = arith.addi %mul3A_603, %add3A_604 : i32
      %gt3A_606 = arith.constant 0 : i32
      %gt3A_607 = arith.cmpi sgt, %add3A_605, %gt3A_606 : i32
      %convert_element_type3A_608 = arith.extui %gt3A_607 : i1 to i32
      %cond3A_609 = arith.constant 0 : i32
      %cond3A_610 = arith.cmpi ne, %convert_element_type3A_608, %cond3A_609 : i32
      scf.if %cond3A_610 {
        %dma_wait3A_827 = arith.constant 1 : i32
        %dma_wait3A_828 = arith.constant 0 : i32
        %dma_wait3A_829 = arith.constant 1 : i32
        %dma_wait3A_830 = arith.constant 1 : i32
        %dma_wait3A_831 = arith.constant 0 : i32
        %dma_wait3A_832 = arith.constant 0 : i32
        %dma_wait3A_833 = tpu.memref_slice %arg8[%dma_wait3A_827, %dma_wait3A_831, %dma_wait3A_832] : memref<2x128x128xf32, #tpu.memory_space<vmem>> -> memref<1x128x128xf32, #tpu.memory_space<vmem>>
        %dma_wait3A_834 = tpu.memref_squeeze %dma_wait3A_833 : memref<1x128x128xf32, #tpu.memory_space<vmem>> -> memref<128x128xf32, #tpu.memory_space<vmem>>
        %dma_wait3A_835 = arith.constant 0 : i32
        %dma_wait3A_836 = tpu.memref_slice %arg7[%dma_wait3A_828, %dma_wait3A_829, %dma_wait3A_835] : memref<2x3x128xi32, #tpu.memory_space<vmem>> -> memref<1x1x128xi32, #tpu.memory_space<vmem>>
        %dma_wait3A_837 = tpu.memref_squeeze %dma_wait3A_836 : memref<1x1x128xi32, #tpu.memory_space<vmem>> -> memref<128xi32, #tpu.memory_space<vmem>>
        %dma_wait3A_838 = arith.constant 0 : i32
        %dma_wait3A_839 = arith.constant 0 : i32
        %dma_wait3A_840 = tpu.memref_slice %arg9[%dma_wait3A_838, %dma_wait3A_839] : memref<10240x128xf32, #tpu.memory_space<vmem_shared>> -> memref<10240x128xf32, #tpu.memory_space<vmem_shared>>
        %dma_wait3A_841 = tpu.memref_slice %arg12[%dma_wait3A_830] : memref<2x!tpu.dma_semaphore, #tpu.memory_space<semaphore_mem>> -> memref<1x!tpu.dma_semaphore, #tpu.memory_space<semaphore_mem>>
        %dma_wait3A_842 = tpu.memref_squeeze %dma_wait3A_841 : memref<1x!tpu.dma_semaphore, #tpu.memory_space<semaphore_mem>> -> memref<!tpu.dma_semaphore, #tpu.memory_space<semaphore_mem>>
        tpu.wait_indirect_dma semaphore(%dma_wait3A_842 : memref<!tpu.dma_semaphore, #tpu.memory_space<semaphore_mem>>) src(%dma_wait3A_834 : memref<128x128xf32, #tpu.memory_space<vmem>>) dst(%dma_wait3A_840 : memref<10240x128xf32, #tpu.memory_space<vmem_shared>>)
      } else {
      }
      %add3A_611 = arith.constant 1 : i32
      %add3A_612 = arith.addi %add3A_480, %add3A_611 : i32
      %lt3A_613 = arith.constant 26 : i32
      %lt3A_614 = arith.cmpi slt, %add3A_612, %lt3A_613 : i32
      %convert_element_type3A_615 = arith.extui %lt3A_614 : i1 to i32
      %cond3A_616 = arith.constant 0 : i32
      %cond3A_617 = arith.cmpi ne, %convert_element_type3A_615, %cond3A_616 : i32
      scf.if %cond3A_617 {
        %add3A_827 = arith.constant 1 : i32
        %add3A_828 = arith.addi %add3A_480, %add3A_827 : i32
        %mul3A_829 = arith.constant 78 : i32
        %mul3A_830 = arith.muli %add3A, %mul3A_829 : i32
        %mul3A_831 = arith.constant 3 : i32
        %mul3A_832 = arith.muli %add3A_828, %mul3A_831 : i32
        %add3A_833 = arith.addi %mul3A_830, %mul3A_832 : i32
        %add3A_834 = arith.constant 0 : i32
        %add3A_835 = arith.addi %add3A_833, %add3A_834 : i32
        %mul3A_836 = arith.constant 128 : i32
        %mul3A_837 = arith.muli %add3A_835, %mul3A_836 : i32
        %multiple_of3A_838 = tpu.assume_multiple %mul3A_837, 128 : i32
        %dma_wait3A_839 = arith.constant 0 : i32
        %dma_wait3A_840 = arith.constant 1 : i32
        %dma_wait3A_841 = arith.constant 0 : i32
        %dma_wait3A_842 = arith.constant 1 : i32
        %dma_wait3A_843 = arith.constant 0 : i32
        %dma_wait3A_844 = tpu.memref_slice %arg6[%dma_wait3A_840, %dma_wait3A_841, %dma_wait3A_843] : memref<2x3x128xi32, #tpu.memory_space<vmem>> -> memref<1x1x128xi32, #tpu.memory_space<vmem>>
        %dma_wait3A_845 = tpu.memref_squeeze %dma_wait3A_844 : memref<1x1x128xi32, #tpu.memory_space<vmem>> -> memref<128xi32, #tpu.memory_space<vmem>>
        %dma_wait3A_846 = tpu.memref_slice %arg2[%dma_wait3A_839, %multiple_of3A_838] : memref<2x320000xi32, #tpu.memory_space<hbm>> -> memref<1x128xi32, #tpu.memory_space<hbm>>
        %dma_wait3A_847 = tpu.memref_squeeze %dma_wait3A_846 : memref<1x128xi32, #tpu.memory_space<hbm>> -> memref<128xi32, #tpu.memory_space<hbm>>
        %dma_wait3A_848 = tpu.memref_slice %arg10[%dma_wait3A_842] : memref<2x!tpu.dma_semaphore, #tpu.memory_space<semaphore_mem>> -> memref<1x!tpu.dma_semaphore, #tpu.memory_space<semaphore_mem>>
        %dma_wait3A_849 = tpu.memref_squeeze %dma_wait3A_848 : memref<1x!tpu.dma_semaphore, #tpu.memory_space<semaphore_mem>> -> memref<!tpu.dma_semaphore, #tpu.memory_space<semaphore_mem>>
        %dma_wait3A_850 = arith.constant 0 : i32
        %dma_wait3A_851 = tpu.memref_slice %arg6[%dma_wait3A_840, %dma_wait3A_841, %dma_wait3A_850] : memref<2x3x128xi32, #tpu.memory_space<vmem>> -> memref<1x1x128xi32, #tpu.memory_space<vmem>>
        %dma_wait3A_852 = tpu.memref_squeeze %dma_wait3A_851 : memref<1x1x128xi32, #tpu.memory_space<vmem>> -> memref<128xi32, #tpu.memory_space<vmem>>
        %dma_wait3A_853 = tpu.memref_slice %arg2[%dma_wait3A_839, %multiple_of3A_838] : memref<2x320000xi32, #tpu.memory_space<hbm>> -> memref<1x128xi32, #tpu.memory_space<hbm>>
        %dma_wait3A_854 = tpu.memref_squeeze %dma_wait3A_853 : memref<1x128xi32, #tpu.memory_space<hbm>> -> memref<128xi32, #tpu.memory_space<hbm>>
        tpu.wait_dma2 semaphore(%dma_wait3A_849 : memref<!tpu.dma_semaphore, #tpu.memory_space<semaphore_mem>>) src(%dma_wait3A_854 : memref<128xi32, #tpu.memory_space<hbm>>) dst(%dma_wait3A_852 : memref<128xi32, #tpu.memory_space<vmem>>)
        %mul3A_855 = arith.constant 128 : i32
        %mul3A_856 = arith.muli %add3A_835, %mul3A_855 : i32
        %multiple_of3A_857 = tpu.assume_multiple %mul3A_856, 128 : i32
        %dma_wait3A_858 = arith.constant 1 : i32
        %dma_wait3A_859 = arith.constant 1 : i32
        %dma_wait3A_860 = arith.constant 0 : i32
        %dma_wait3A_861 = arith.constant 1 : i32
        %dma_wait3A_862 = arith.constant 0 : i32
        %dma_wait3A_863 = tpu.memref_slice %arg7[%dma_wait3A_859, %dma_wait3A_860, %dma_wait3A_862] : memref<2x3x128xi32, #tpu.memory_space<vmem>> -> memref<1x1x128xi32, #tpu.memory_space<vmem>>
        %dma_wait3A_864 = tpu.memref_squeeze %dma_wait3A_863 : memref<1x1x128xi32, #tpu.memory_space<vmem>> -> memref<128xi32, #tpu.memory_space<vmem>>
        %dma_wait3A_865 = tpu.memref_slice %arg2[%dma_wait3A_858, %multiple_of3A_857] : memref<2x320000xi32, #tpu.memory_space<hbm>> -> memref<1x128xi32, #tpu.memory_space<hbm>>
        %dma_wait3A_866 = tpu.memref_squeeze %dma_wait3A_865 : memref<1x128xi32, #tpu.memory_space<hbm>> -> memref<128xi32, #tpu.memory_space<hbm>>
        %dma_wait3A_867 = tpu.memref_slice %arg10[%dma_wait3A_861] : memref<2x!tpu.dma_semaphore, #tpu.memory_space<semaphore_mem>> -> memref<1x!tpu.dma_semaphore, #tpu.memory_space<semaphore_mem>>
        %dma_wait3A_868 = tpu.memref_squeeze %dma_wait3A_867 : memref<1x!tpu.dma_semaphore, #tpu.memory_space<semaphore_mem>> -> memref<!tpu.dma_semaphore, #tpu.memory_space<semaphore_mem>>
        %dma_wait3A_869 = arith.constant 0 : i32
        %dma_wait3A_870 = tpu.memref_slice %arg7[%dma_wait3A_859, %dma_wait3A_860, %dma_wait3A_869] : memref<2x3x128xi32, #tpu.memory_space<vmem>> -> memref<1x1x128xi32, #tpu.memory_space<vmem>>
        %dma_wait3A_871 = tpu.memref_squeeze %dma_wait3A_870 : memref<1x1x128xi32, #tpu.memory_space<vmem>> -> memref<128xi32, #tpu.memory_space<vmem>>
        %dma_wait3A_872 = tpu.memref_slice %arg2[%dma_wait3A_858, %multiple_of3A_857] : memref<2x320000xi32, #tpu.memory_space<hbm>> -> memref<1x128xi32, #tpu.memory_space<hbm>>
        %dma_wait3A_873 = tpu.memref_squeeze %dma_wait3A_872 : memref<1x128xi32, #tpu.memory_space<hbm>> -> memref<128xi32, #tpu.memory_space<hbm>>
        tpu.wait_dma2 semaphore(%dma_wait3A_868 : memref<!tpu.dma_semaphore, #tpu.memory_space<semaphore_mem>>) src(%dma_wait3A_873 : memref<128xi32, #tpu.memory_space<hbm>>) dst(%dma_wait3A_871 : memref<128xi32, #tpu.memory_space<vmem>>)
        %mul3A_874 = arith.constant 78 : i32
        %mul3A_875 = arith.muli %add3A, %mul3A_874 : i32
        %mul3A_876 = arith.constant 3 : i32
        %mul3A_877 = arith.muli %add3A_828, %mul3A_876 : i32
        %add3A_878 = arith.addi %mul3A_875, %mul3A_877 : i32
        %add3A_879 = arith.constant 1 : i32
        %add3A_880 = arith.addi %add3A_878, %add3A_879 : i32
        %mul3A_881 = arith.constant 128 : i32
        %mul3A_882 = arith.muli %add3A_880, %mul3A_881 : i32
        %multiple_of3A_883 = tpu.assume_multiple %mul3A_882, 128 : i32
        %dma_wait3A_884 = arith.constant 0 : i32
        %dma_wait3A_885 = arith.constant 1 : i32
        %dma_wait3A_886 = arith.constant 1 : i32
        %dma_wait3A_887 = arith.constant 1 : i32
        %dma_wait3A_888 = arith.constant 0 : i32
        %dma_wait3A_889 = tpu.memref_slice %arg6[%dma_wait3A_885, %dma_wait3A_886, %dma_wait3A_888] : memref<2x3x128xi32, #tpu.memory_space<vmem>> -> memref<1x1x128xi32, #tpu.memory_space<vmem>>
        %dma_wait3A_890 = tpu.memref_squeeze %dma_wait3A_889 : memref<1x1x128xi32, #tpu.memory_space<vmem>> -> memref<128xi32, #tpu.memory_space<vmem>>
        %dma_wait3A_891 = tpu.memref_slice %arg2[%dma_wait3A_884, %multiple_of3A_883] : memref<2x320000xi32, #tpu.memory_space<hbm>> -> memref<1x128xi32, #tpu.memory_space<hbm>>
        %dma_wait3A_892 = tpu.memref_squeeze %dma_wait3A_891 : memref<1x128xi32, #tpu.memory_space<hbm>> -> memref<128xi32, #tpu.memory_space<hbm>>
        %dma_wait3A_893 = tpu.memref_slice %arg10[%dma_wait3A_887] : memref<2x!tpu.dma_semaphore, #tpu.memory_space<semaphore_mem>> -> memref<1x!tpu.dma_semaphore, #tpu.memory_space<semaphore_mem>>
        %dma_wait3A_894 = tpu.memref_squeeze %dma_wait3A_893 : memref<1x!tpu.dma_semaphore, #tpu.memory_space<semaphore_mem>> -> memref<!tpu.dma_semaphore, #tpu.memory_space<semaphore_mem>>
        %dma_wait3A_895 = arith.constant 0 : i32
        %dma_wait3A_896 = tpu.memref_slice %arg6[%dma_wait3A_885, %dma_wait3A_886, %dma_wait3A_895] : memref<2x3x128xi32, #tpu.memory_space<vmem>> -> memref<1x1x128xi32, #tpu.memory_space<vmem>>
        %dma_wait3A_897 = tpu.memref_squeeze %dma_wait3A_896 : memref<1x1x128xi32, #tpu.memory_space<vmem>> -> memref<128xi32, #tpu.memory_space<vmem>>
        %dma_wait3A_898 = tpu.memref_slice %arg2[%dma_wait3A_884, %multiple_of3A_883] : memref<2x320000xi32, #tpu.memory_space<hbm>> -> memref<1x128xi32, #tpu.memory_space<hbm>>
        %dma_wait3A_899 = tpu.memref_squeeze %dma_wait3A_898 : memref<1x128xi32, #tpu.memory_space<hbm>> -> memref<128xi32, #tpu.memory_space<hbm>>
        tpu.wait_dma2 semaphore(%dma_wait3A_894 : memref<!tpu.dma_semaphore, #tpu.memory_space<semaphore_mem>>) src(%dma_wait3A_899 : memref<128xi32, #tpu.memory_space<hbm>>) dst(%dma_wait3A_897 : memref<128xi32, #tpu.memory_space<vmem>>)
        %mul3A_900 = arith.constant 128 : i32
        %mul3A_901 = arith.muli %add3A_880, %mul3A_900 : i32
        %multiple_of3A_902 = tpu.assume_multiple %mul3A_901, 128 : i32
        %dma_wait3A_903 = arith.constant 1 : i32
        %dma_wait3A_904 = arith.constant 1 : i32
        %dma_wait3A_905 = arith.constant 1 : i32
        %dma_wait3A_906 = arith.constant 1 : i32
        %dma_wait3A_907 = arith.constant 0 : i32
        %dma_wait3A_908 = tpu.memref_slice %arg7[%dma_wait3A_904, %dma_wait3A_905, %dma_wait3A_907] : memref<2x3x128xi32, #tpu.memory_space<vmem>> -> memref<1x1x128xi32, #tpu.memory_space<vmem>>
        %dma_wait3A_909 = tpu.memref_squeeze %dma_wait3A_908 : memref<1x1x128xi32, #tpu.memory_space<vmem>> -> memref<128xi32, #tpu.memory_space<vmem>>
        %dma_wait3A_910 = tpu.memref_slice %arg2[%dma_wait3A_903, %multiple_of3A_902] : memref<2x320000xi32, #tpu.memory_space<hbm>> -> memref<1x128xi32, #tpu.memory_space<hbm>>
        %dma_wait3A_911 = tpu.memref_squeeze %dma_wait3A_910 : memref<1x128xi32, #tpu.memory_space<hbm>> -> memref<128xi32, #tpu.memory_space<hbm>>
        %dma_wait3A_912 = tpu.memref_slice %arg10[%dma_wait3A_906] : memref<2x!tpu.dma_semaphore, #tpu.memory_space<semaphore_mem>> -> memref<1x!tpu.dma_semaphore, #tpu.memory_space<semaphore_mem>>
        %dma_wait3A_913 = tpu.memref_squeeze %dma_wait3A_912 : memref<1x!tpu.dma_semaphore, #tpu.memory_space<semaphore_mem>> -> memref<!tpu.dma_semaphore, #tpu.memory_space<semaphore_mem>>
        %dma_wait3A_914 = arith.constant 0 : i32
        %dma_wait3A_915 = tpu.memref_slice %arg7[%dma_wait3A_904, %dma_wait3A_905, %dma_wait3A_914] : memref<2x3x128xi32, #tpu.memory_space<vmem>> -> memref<1x1x128xi32, #tpu.memory_space<vmem>>
        %dma_wait3A_916 = tpu.memref_squeeze %dma_wait3A_915 : memref<1x1x128xi32, #tpu.memory_space<vmem>> -> memref<128xi32, #tpu.memory_space<vmem>>
        %dma_wait3A_917 = tpu.memref_slice %arg2[%dma_wait3A_903, %multiple_of3A_902] : memref<2x320000xi32, #tpu.memory_space<hbm>> -> memref<1x128xi32, #tpu.memory_space<hbm>>
        %dma_wait3A_918 = tpu.memref_squeeze %dma_wait3A_917 : memref<1x128xi32, #tpu.memory_space<hbm>> -> memref<128xi32, #tpu.memory_space<hbm>>
        tpu.wait_dma2 semaphore(%dma_wait3A_913 : memref<!tpu.dma_semaphore, #tpu.memory_space<semaphore_mem>>) src(%dma_wait3A_918 : memref<128xi32, #tpu.memory_space<hbm>>) dst(%dma_wait3A_916 : memref<128xi32, #tpu.memory_space<vmem>>)
        %mul3A_919 = arith.constant 78 : i32
        %mul3A_920 = arith.muli %add3A, %mul3A_919 : i32
        %mul3A_921 = arith.constant 3 : i32
        %mul3A_922 = arith.muli %add3A_828, %mul3A_921 : i32
        %add3A_923 = arith.addi %mul3A_920, %mul3A_922 : i32
        %add3A_924 = arith.constant 2 : i32
        %add3A_925 = arith.addi %add3A_923, %add3A_924 : i32
        %mul3A_926 = arith.constant 128 : i32
        %mul3A_927 = arith.muli %add3A_925, %mul3A_926 : i32
        %multiple_of3A_928 = tpu.assume_multiple %mul3A_927, 128 : i32
        %dma_wait3A_929 = arith.constant 0 : i32
        %dma_wait3A_930 = arith.constant 1 : i32
        %dma_wait3A_931 = arith.constant 2 : i32
        %dma_wait3A_932 = arith.constant 1 : i32
        %dma_wait3A_933 = arith.constant 0 : i32
        %dma_wait3A_934 = tpu.memref_slice %arg6[%dma_wait3A_930, %dma_wait3A_931, %dma_wait3A_933] : memref<2x3x128xi32, #tpu.memory_space<vmem>> -> memref<1x1x128xi32, #tpu.memory_space<vmem>>
        %dma_wait3A_935 = tpu.memref_squeeze %dma_wait3A_934 : memref<1x1x128xi32, #tpu.memory_space<vmem>> -> memref<128xi32, #tpu.memory_space<vmem>>
        %dma_wait3A_936 = tpu.memref_slice %arg2[%dma_wait3A_929, %multiple_of3A_928] : memref<2x320000xi32, #tpu.memory_space<hbm>> -> memref<1x128xi32, #tpu.memory_space<hbm>>
        %dma_wait3A_937 = tpu.memref_squeeze %dma_wait3A_936 : memref<1x128xi32, #tpu.memory_space<hbm>> -> memref<128xi32, #tpu.memory_space<hbm>>
        %dma_wait3A_938 = tpu.memref_slice %arg10[%dma_wait3A_932] : memref<2x!tpu.dma_semaphore, #tpu.memory_space<semaphore_mem>> -> memref<1x!tpu.dma_semaphore, #tpu.memory_space<semaphore_mem>>
        %dma_wait3A_939 = tpu.memref_squeeze %dma_wait3A_938 : memref<1x!tpu.dma_semaphore, #tpu.memory_space<semaphore_mem>> -> memref<!tpu.dma_semaphore, #tpu.memory_space<semaphore_mem>>
        %dma_wait3A_940 = arith.constant 0 : i32
        %dma_wait3A_941 = tpu.memref_slice %arg6[%dma_wait3A_930, %dma_wait3A_931, %dma_wait3A_940] : memref<2x3x128xi32, #tpu.memory_space<vmem>> -> memref<1x1x128xi32, #tpu.memory_space<vmem>>
        %dma_wait3A_942 = tpu.memref_squeeze %dma_wait3A_941 : memref<1x1x128xi32, #tpu.memory_space<vmem>> -> memref<128xi32, #tpu.memory_space<vmem>>
        %dma_wait3A_943 = tpu.memref_slice %arg2[%dma_wait3A_929, %multiple_of3A_928] : memref<2x320000xi32, #tpu.memory_space<hbm>> -> memref<1x128xi32, #tpu.memory_space<hbm>>
        %dma_wait3A_944 = tpu.memref_squeeze %dma_wait3A_943 : memref<1x128xi32, #tpu.memory_space<hbm>> -> memref<128xi32, #tpu.memory_space<hbm>>
        tpu.wait_dma2 semaphore(%dma_wait3A_939 : memref<!tpu.dma_semaphore, #tpu.memory_space<semaphore_mem>>) src(%dma_wait3A_944 : memref<128xi32, #tpu.memory_space<hbm>>) dst(%dma_wait3A_942 : memref<128xi32, #tpu.memory_space<vmem>>)
        %mul3A_945 = arith.constant 128 : i32
        %mul3A_946 = arith.muli %add3A_925, %mul3A_945 : i32
        %multiple_of3A_947 = tpu.assume_multiple %mul3A_946, 128 : i32
        %dma_wait3A_948 = arith.constant 1 : i32
        %dma_wait3A_949 = arith.constant 1 : i32
        %dma_wait3A_950 = arith.constant 2 : i32
        %dma_wait3A_951 = arith.constant 1 : i32
        %dma_wait3A_952 = arith.constant 0 : i32
        %dma_wait3A_953 = tpu.memref_slice %arg7[%dma_wait3A_949, %dma_wait3A_950, %dma_wait3A_952] : memref<2x3x128xi32, #tpu.memory_space<vmem>> -> memref<1x1x128xi32, #tpu.memory_space<vmem>>
        %dma_wait3A_954 = tpu.memref_squeeze %dma_wait3A_953 : memref<1x1x128xi32, #tpu.memory_space<vmem>> -> memref<128xi32, #tpu.memory_space<vmem>>
        %dma_wait3A_955 = tpu.memref_slice %arg2[%dma_wait3A_948, %multiple_of3A_947] : memref<2x320000xi32, #tpu.memory_space<hbm>> -> memref<1x128xi32, #tpu.memory_space<hbm>>
        %dma_wait3A_956 = tpu.memref_squeeze %dma_wait3A_955 : memref<1x128xi32, #tpu.memory_space<hbm>> -> memref<128xi32, #tpu.memory_space<hbm>>
        %dma_wait3A_957 = tpu.memref_slice %arg10[%dma_wait3A_951] : memref<2x!tpu.dma_semaphore, #tpu.memory_space<semaphore_mem>> -> memref<1x!tpu.dma_semaphore, #tpu.memory_space<semaphore_mem>>
        %dma_wait3A_958 = tpu.memref_squeeze %dma_wait3A_957 : memref<1x!tpu.dma_semaphore, #tpu.memory_space<semaphore_mem>> -> memref<!tpu.dma_semaphore, #tpu.memory_space<semaphore_mem>>
        %dma_wait3A_959 = arith.constant 0 : i32
        %dma_wait3A_960 = tpu.memref_slice %arg7[%dma_wait3A_949, %dma_wait3A_950, %dma_wait3A_959] : memref<2x3x128xi32, #tpu.memory_space<vmem>> -> memref<1x1x128xi32, #tpu.memory_space<vmem>>
        %dma_wait3A_961 = tpu.memref_squeeze %dma_wait3A_960 : memref<1x1x128xi32, #tpu.memory_space<vmem>> -> memref<128xi32, #tpu.memory_space<vmem>>
        %dma_wait3A_962 = tpu.memref_slice %arg2[%dma_wait3A_948, %multiple_of3A_947] : memref<2x320000xi32, #tpu.memory_space<hbm>> -> memref<1x128xi32, #tpu.memory_space<hbm>>
        %dma_wait3A_963 = tpu.memref_squeeze %dma_wait3A_962 : memref<1x128xi32, #tpu.memory_space<hbm>> -> memref<128xi32, #tpu.memory_space<hbm>>
        tpu.wait_dma2 semaphore(%dma_wait3A_958 : memref<!tpu.dma_semaphore, #tpu.memory_space<semaphore_mem>>) src(%dma_wait3A_963 : memref<128xi32, #tpu.memory_space<hbm>>) dst(%dma_wait3A_961 : memref<128xi32, #tpu.memory_space<vmem>>)
        %dma_start3A_964 = arith.constant 1 : i32
        %dma_start3A_965 = arith.constant 0 : i32
        %dma_start3A_966 = arith.constant 1 : i32
        %dma_start3A_967 = arith.constant 1 : i32
        %dma_start3A_968 = arith.constant 0 : i32
        %dma_start3A_969 = arith.constant 0 : i32
        %dma_start3A_970 = tpu.memref_slice %arg8[%dma_start3A_966, %dma_start3A_968, %dma_start3A_969] : memref<2x128x128xf32, #tpu.memory_space<vmem>> -> memref<1x128x128xf32, #tpu.memory_space<vmem>>
        %dma_start3A_971 = tpu.memref_squeeze %dma_start3A_970 : memref<1x128x128xf32, #tpu.memory_space<vmem>> -> memref<128x128xf32, #tpu.memory_space<vmem>>
        %dma_start3A_972 = arith.constant 0 : i32
        %dma_start3A_973 = tpu.memref_slice %arg6[%dma_start3A_964, %dma_start3A_965, %dma_start3A_972] : memref<2x3x128xi32, #tpu.memory_space<vmem>> -> memref<1x1x128xi32, #tpu.memory_space<vmem>>
        %dma_start3A_974 = tpu.memref_squeeze %dma_start3A_973 : memref<1x1x128xi32, #tpu.memory_space<vmem>> -> memref<128xi32, #tpu.memory_space<vmem>>
        %dma_start3A_975 = arith.constant 0 : i32
        %dma_start3A_976 = arith.constant 0 : i32
        %dma_start3A_977 = tpu.memref_slice %arg3[%dma_start3A_975, %dma_start3A_976] : memref<10000x128xf32, #tpu.memory_space<hbm>> -> memref<10000x128xf32, #tpu.memory_space<hbm>>
        %dma_start3A_978 = tpu.memref_slice %arg11[%dma_start3A_967] : memref<2x!tpu.dma_semaphore, #tpu.memory_space<semaphore_mem>> -> memref<1x!tpu.dma_semaphore, #tpu.memory_space<semaphore_mem>>
        %dma_start3A_979 = tpu.memref_squeeze %dma_start3A_978 : memref<1x!tpu.dma_semaphore, #tpu.memory_space<semaphore_mem>> -> memref<!tpu.dma_semaphore, #tpu.memory_space<semaphore_mem>>
        tpu.enqueue_indirect_dma source(%dma_start3A_977 : memref<10000x128xf32, #tpu.memory_space<hbm>>) target(%dma_start3A_971 : memref<128x128xf32, #tpu.memory_space<vmem>>) offsets(%dma_start3A_974 : memref<128xi32, #tpu.memory_space<vmem>>) semaphore(%dma_start3A_979 : memref<!tpu.dma_semaphore, #tpu.memory_space<semaphore_mem>>)
      } else {
      }
      %dma_wait3A_618 = arith.constant 0 : i32
      %dma_wait3A_619 = arith.constant 2 : i32
      %dma_wait3A_620 = arith.constant 0 : i32
      %dma_wait3A_621 = arith.constant 0 : i32
      %dma_wait3A_622 = arith.constant 0 : i32
      %dma_wait3A_623 = arith.constant 0 : i32
      %dma_wait3A_624 = tpu.memref_slice %arg8[%dma_wait3A_620, %dma_wait3A_622, %dma_wait3A_623] : memref<2x128x128xf32, #tpu.memory_space<vmem>> -> memref<1x128x128xf32, #tpu.memory_space<vmem>>
      %dma_wait3A_625 = tpu.memref_squeeze %dma_wait3A_624 : memref<1x128x128xf32, #tpu.memory_space<vmem>> -> memref<128x128xf32, #tpu.memory_space<vmem>>
      %dma_wait3A_626 = arith.constant 0 : i32
      %dma_wait3A_627 = tpu.memref_slice %arg6[%dma_wait3A_618, %dma_wait3A_619, %dma_wait3A_626] : memref<2x3x128xi32, #tpu.memory_space<vmem>> -> memref<1x1x128xi32, #tpu.memory_space<vmem>>
      %dma_wait3A_628 = tpu.memref_squeeze %dma_wait3A_627 : memref<1x1x128xi32, #tpu.memory_space<vmem>> -> memref<128xi32, #tpu.memory_space<vmem>>
      %dma_wait3A_629 = arith.constant 0 : i32
      %dma_wait3A_630 = arith.constant 0 : i32
      %dma_wait3A_631 = tpu.memref_slice %arg3[%dma_wait3A_629, %dma_wait3A_630] : memref<10000x128xf32, #tpu.memory_space<hbm>> -> memref<10000x128xf32, #tpu.memory_space<hbm>>
      %dma_wait3A_632 = tpu.memref_slice %arg11[%dma_wait3A_621] : memref<2x!tpu.dma_semaphore, #tpu.memory_space<semaphore_mem>> -> memref<1x!tpu.dma_semaphore, #tpu.memory_space<semaphore_mem>>
      %dma_wait3A_633 = tpu.memref_squeeze %dma_wait3A_632 : memref<1x!tpu.dma_semaphore, #tpu.memory_space<semaphore_mem>> -> memref<!tpu.dma_semaphore, #tpu.memory_space<semaphore_mem>>
      tpu.wait_indirect_dma semaphore(%dma_wait3A_633 : memref<!tpu.dma_semaphore, #tpu.memory_space<semaphore_mem>>) src(%dma_wait3A_631 : memref<10000x128xf32, #tpu.memory_space<hbm>>) dst(%dma_wait3A_625 : memref<128x128xf32, #tpu.memory_space<vmem>>)
      %dma_start3A_634 = arith.constant 0 : i32
      %dma_start3A_635 = arith.constant 0 : i32
      %dma_start3A_636 = arith.constant 2 : i32
      %dma_start3A_637 = arith.constant 0 : i32
      %dma_start3A_638 = arith.constant 0 : i32
      %dma_start3A_639 = arith.constant 0 : i32
      %dma_start3A_640 = tpu.memref_slice %arg8[%dma_start3A_634, %dma_start3A_638, %dma_start3A_639] : memref<2x128x128xf32, #tpu.memory_space<vmem>> -> memref<1x128x128xf32, #tpu.memory_space<vmem>>
      %dma_start3A_641 = tpu.memref_squeeze %dma_start3A_640 : memref<1x128x128xf32, #tpu.memory_space<vmem>> -> memref<128x128xf32, #tpu.memory_space<vmem>>
      %dma_start3A_642 = arith.constant 0 : i32
      %dma_start3A_643 = tpu.memref_slice %arg7[%dma_start3A_635, %dma_start3A_636, %dma_start3A_642] : memref<2x3x128xi32, #tpu.memory_space<vmem>> -> memref<1x1x128xi32, #tpu.memory_space<vmem>>
      %dma_start3A_644 = tpu.memref_squeeze %dma_start3A_643 : memref<1x1x128xi32, #tpu.memory_space<vmem>> -> memref<128xi32, #tpu.memory_space<vmem>>
      %dma_start3A_645 = arith.constant 0 : i32
      %dma_start3A_646 = arith.constant 0 : i32
      %dma_start3A_647 = tpu.memref_slice %arg9[%dma_start3A_645, %dma_start3A_646] : memref<10240x128xf32, #tpu.memory_space<vmem_shared>> -> memref<10240x128xf32, #tpu.memory_space<vmem_shared>>
      %dma_start3A_648 = tpu.memref_slice %arg12[%dma_start3A_637] : memref<2x!tpu.dma_semaphore, #tpu.memory_space<semaphore_mem>> -> memref<1x!tpu.dma_semaphore, #tpu.memory_space<semaphore_mem>>
      %dma_start3A_649 = tpu.memref_squeeze %dma_start3A_648 : memref<1x!tpu.dma_semaphore, #tpu.memory_space<semaphore_mem>> -> memref<!tpu.dma_semaphore, #tpu.memory_space<semaphore_mem>>
      tpu.enqueue_indirect_dma source(%dma_start3A_641 : memref<128x128xf32, #tpu.memory_space<vmem>>) target(%dma_start3A_647 : memref<10240x128xf32, #tpu.memory_space<vmem_shared>>) offsets(%dma_start3A_644 : memref<128xi32, #tpu.memory_space<vmem>>) semaphore(%dma_start3A_649 : memref<!tpu.dma_semaphore, #tpu.memory_space<semaphore_mem>>) {add = true}
      %mul3A_650 = arith.constant 2 : i32
      %mul3A_651 = arith.muli %scan3A_475, %mul3A_650 : i32
      %add3A_652 = arith.constant 1 : i32
      %add3A_653 = arith.addi %mul3A_651, %add3A_652 : i32
      %mul3A_654 = arith.constant 3 : i32
      %mul3A_655 = arith.muli %add3A_653, %mul3A_654 : i32
      %add3A_656 = arith.constant 0 : i32
      %add3A_657 = arith.addi %mul3A_655, %add3A_656 : i32
      %gt3A_658 = arith.constant 0 : i32
      %gt3A_659 = arith.cmpi sgt, %add3A_657, %gt3A_658 : i32
      %convert_element_type3A_660 = arith.extui %gt3A_659 : i1 to i32
      %cond3A_661 = arith.constant 0 : i32
      %cond3A_662 = arith.cmpi ne, %convert_element_type3A_660, %cond3A_661 : i32
      scf.if %cond3A_662 {
        %dma_wait3A_827 = arith.constant 0 : i32
        %dma_wait3A_828 = arith.constant 0 : i32
        %dma_wait3A_829 = arith.constant 2 : i32
        %dma_wait3A_830 = arith.constant 0 : i32
        %dma_wait3A_831 = arith.constant 0 : i32
        %dma_wait3A_832 = arith.constant 0 : i32
        %dma_wait3A_833 = tpu.memref_slice %arg8[%dma_wait3A_827, %dma_wait3A_831, %dma_wait3A_832] : memref<2x128x128xf32, #tpu.memory_space<vmem>> -> memref<1x128x128xf32, #tpu.memory_space<vmem>>
        %dma_wait3A_834 = tpu.memref_squeeze %dma_wait3A_833 : memref<1x128x128xf32, #tpu.memory_space<vmem>> -> memref<128x128xf32, #tpu.memory_space<vmem>>
        %dma_wait3A_835 = arith.constant 0 : i32
        %dma_wait3A_836 = tpu.memref_slice %arg7[%dma_wait3A_828, %dma_wait3A_829, %dma_wait3A_835] : memref<2x3x128xi32, #tpu.memory_space<vmem>> -> memref<1x1x128xi32, #tpu.memory_space<vmem>>
        %dma_wait3A_837 = tpu.memref_squeeze %dma_wait3A_836 : memref<1x1x128xi32, #tpu.memory_space<vmem>> -> memref<128xi32, #tpu.memory_space<vmem>>
        %dma_wait3A_838 = arith.constant 0 : i32
        %dma_wait3A_839 = arith.constant 0 : i32
        %dma_wait3A_840 = tpu.memref_slice %arg9[%dma_wait3A_838, %dma_wait3A_839] : memref<10240x128xf32, #tpu.memory_space<vmem_shared>> -> memref<10240x128xf32, #tpu.memory_space<vmem_shared>>
        %dma_wait3A_841 = tpu.memref_slice %arg12[%dma_wait3A_830] : memref<2x!tpu.dma_semaphore, #tpu.memory_space<semaphore_mem>> -> memref<1x!tpu.dma_semaphore, #tpu.memory_space<semaphore_mem>>
        %dma_wait3A_842 = tpu.memref_squeeze %dma_wait3A_841 : memref<1x!tpu.dma_semaphore, #tpu.memory_space<semaphore_mem>> -> memref<!tpu.dma_semaphore, #tpu.memory_space<semaphore_mem>>
        tpu.wait_indirect_dma semaphore(%dma_wait3A_842 : memref<!tpu.dma_semaphore, #tpu.memory_space<semaphore_mem>>) src(%dma_wait3A_834 : memref<128x128xf32, #tpu.memory_space<vmem>>) dst(%dma_wait3A_840 : memref<10240x128xf32, #tpu.memory_space<vmem_shared>>)
      } else {
      }
      %ge3A_663 = arith.constant 1 : i32
      %ge3A_664 = arith.cmpi sge, %add3A_653, %ge3A_663 : i32
      %add3A_665 = arith.constant 1 : i32
      %add3A_666 = arith.addi %add3A_653, %add3A_665 : i32
      %lt3A_667 = arith.constant 26 : i32
      %lt3A_668 = arith.cmpi slt, %add3A_666, %lt3A_667 : i32
      %and3A_669 = arith.andi %ge3A_664, %lt3A_668 : i1
      %convert_element_type3A_670 = arith.extui %and3A_669 : i1 to i32
      %cond3A_671 = arith.constant 0 : i32
      %cond3A_672 = arith.cmpi ne, %convert_element_type3A_670, %cond3A_671 : i32
      scf.if %cond3A_672 {
        %add3A_827 = arith.constant 1 : i32
        %add3A_828 = arith.addi %add3A_653, %add3A_827 : i32
        %mul3A_829 = arith.constant 78 : i32
        %mul3A_830 = arith.muli %add3A, %mul3A_829 : i32
        %mul3A_831 = arith.constant 3 : i32
        %mul3A_832 = arith.muli %add3A_828, %mul3A_831 : i32
        %add3A_833 = arith.addi %mul3A_830, %mul3A_832 : i32
        %add3A_834 = arith.constant 0 : i32
        %add3A_835 = arith.addi %add3A_833, %add3A_834 : i32
        %mul3A_836 = arith.constant 128 : i32
        %mul3A_837 = arith.muli %add3A_835, %mul3A_836 : i32
        %multiple_of3A_838 = tpu.assume_multiple %mul3A_837, 128 : i32
        %dma_start3A_839 = arith.constant 0 : i32
        %dma_start3A_840 = arith.constant 0 : i32
        %dma_start3A_841 = arith.constant 0 : i32
        %dma_start3A_842 = arith.constant 0 : i32
        %dma_start3A_843 = arith.constant 0 : i32
        %dma_start3A_844 = tpu.memref_slice %arg6[%dma_start3A_840, %dma_start3A_841, %dma_start3A_843] : memref<2x3x128xi32, #tpu.memory_space<vmem>> -> memref<1x1x128xi32, #tpu.memory_space<vmem>>
        %dma_start3A_845 = tpu.memref_squeeze %dma_start3A_844 : memref<1x1x128xi32, #tpu.memory_space<vmem>> -> memref<128xi32, #tpu.memory_space<vmem>>
        %dma_start3A_846 = tpu.memref_slice %arg2[%dma_start3A_839, %multiple_of3A_838] : memref<2x320000xi32, #tpu.memory_space<hbm>> -> memref<1x128xi32, #tpu.memory_space<hbm>>
        %dma_start3A_847 = tpu.memref_squeeze %dma_start3A_846 : memref<1x128xi32, #tpu.memory_space<hbm>> -> memref<128xi32, #tpu.memory_space<hbm>>
        %dma_start3A_848 = tpu.memref_slice %arg10[%dma_start3A_842] : memref<2x!tpu.dma_semaphore, #tpu.memory_space<semaphore_mem>> -> memref<1x!tpu.dma_semaphore, #tpu.memory_space<semaphore_mem>>
        %dma_start3A_849 = tpu.memref_squeeze %dma_start3A_848 : memref<1x!tpu.dma_semaphore, #tpu.memory_space<semaphore_mem>> -> memref<!tpu.dma_semaphore, #tpu.memory_space<semaphore_mem>>
        %dma_start3A_850 = arith.constant 0 : i32
        %dma_start3A_851 = tpu.memref_slice %arg6[%dma_start3A_840, %dma_start3A_841, %dma_start3A_850] : memref<2x3x128xi32, #tpu.memory_space<vmem>> -> memref<1x1x128xi32, #tpu.memory_space<vmem>>
        %dma_start3A_852 = tpu.memref_squeeze %dma_start3A_851 : memref<1x1x128xi32, #tpu.memory_space<vmem>> -> memref<128xi32, #tpu.memory_space<vmem>>
        %dma_start3A_853 = tpu.memref_slice %arg2[%dma_start3A_839, %multiple_of3A_838] : memref<2x320000xi32, #tpu.memory_space<hbm>> -> memref<1x128xi32, #tpu.memory_space<hbm>>
        %dma_start3A_854 = tpu.memref_squeeze %dma_start3A_853 : memref<1x128xi32, #tpu.memory_space<hbm>> -> memref<128xi32, #tpu.memory_space<hbm>>
        tpu.enqueue_dma source(%dma_start3A_854 : memref<128xi32, #tpu.memory_space<hbm>>) target(%dma_start3A_852 : memref<128xi32, #tpu.memory_space<vmem>>) target_semaphore(%dma_start3A_849 : memref<!tpu.dma_semaphore, #tpu.memory_space<semaphore_mem>>)
        %mul3A_855 = arith.constant 128 : i32
        %mul3A_856 = arith.muli %add3A_835, %mul3A_855 : i32
        %multiple_of3A_857 = tpu.assume_multiple %mul3A_856, 128 : i32
        %dma_start3A_858 = arith.constant 1 : i32
        %dma_start3A_859 = arith.constant 0 : i32
        %dma_start3A_860 = arith.constant 0 : i32
        %dma_start3A_861 = arith.constant 0 : i32
        %dma_start3A_862 = arith.constant 0 : i32
        %dma_start3A_863 = tpu.memref_slice %arg7[%dma_start3A_859, %dma_start3A_860, %dma_start3A_862] : memref<2x3x128xi32, #tpu.memory_space<vmem>> -> memref<1x1x128xi32, #tpu.memory_space<vmem>>
        %dma_start3A_864 = tpu.memref_squeeze %dma_start3A_863 : memref<1x1x128xi32, #tpu.memory_space<vmem>> -> memref<128xi32, #tpu.memory_space<vmem>>
        %dma_start3A_865 = tpu.memref_slice %arg2[%dma_start3A_858, %multiple_of3A_857] : memref<2x320000xi32, #tpu.memory_space<hbm>> -> memref<1x128xi32, #tpu.memory_space<hbm>>
        %dma_start3A_866 = tpu.memref_squeeze %dma_start3A_865 : memref<1x128xi32, #tpu.memory_space<hbm>> -> memref<128xi32, #tpu.memory_space<hbm>>
        %dma_start3A_867 = tpu.memref_slice %arg10[%dma_start3A_861] : memref<2x!tpu.dma_semaphore, #tpu.memory_space<semaphore_mem>> -> memref<1x!tpu.dma_semaphore, #tpu.memory_space<semaphore_mem>>
        %dma_start3A_868 = tpu.memref_squeeze %dma_start3A_867 : memref<1x!tpu.dma_semaphore, #tpu.memory_space<semaphore_mem>> -> memref<!tpu.dma_semaphore, #tpu.memory_space<semaphore_mem>>
        %dma_start3A_869 = arith.constant 0 : i32
        %dma_start3A_870 = tpu.memref_slice %arg7[%dma_start3A_859, %dma_start3A_860, %dma_start3A_869] : memref<2x3x128xi32, #tpu.memory_space<vmem>> -> memref<1x1x128xi32, #tpu.memory_space<vmem>>
        %dma_start3A_871 = tpu.memref_squeeze %dma_start3A_870 : memref<1x1x128xi32, #tpu.memory_space<vmem>> -> memref<128xi32, #tpu.memory_space<vmem>>
        %dma_start3A_872 = tpu.memref_slice %arg2[%dma_start3A_858, %multiple_of3A_857] : memref<2x320000xi32, #tpu.memory_space<hbm>> -> memref<1x128xi32, #tpu.memory_space<hbm>>
        %dma_start3A_873 = tpu.memref_squeeze %dma_start3A_872 : memref<1x128xi32, #tpu.memory_space<hbm>> -> memref<128xi32, #tpu.memory_space<hbm>>
        tpu.enqueue_dma source(%dma_start3A_873 : memref<128xi32, #tpu.memory_space<hbm>>) target(%dma_start3A_871 : memref<128xi32, #tpu.memory_space<vmem>>) target_semaphore(%dma_start3A_868 : memref<!tpu.dma_semaphore, #tpu.memory_space<semaphore_mem>>)
        %mul3A_874 = arith.constant 78 : i32
        %mul3A_875 = arith.muli %add3A, %mul3A_874 : i32
        %mul3A_876 = arith.constant 3 : i32
        %mul3A_877 = arith.muli %add3A_828, %mul3A_876 : i32
        %add3A_878 = arith.addi %mul3A_875, %mul3A_877 : i32
        %add3A_879 = arith.constant 1 : i32
        %add3A_880 = arith.addi %add3A_878, %add3A_879 : i32
        %mul3A_881 = arith.constant 128 : i32
        %mul3A_882 = arith.muli %add3A_880, %mul3A_881 : i32
        %multiple_of3A_883 = tpu.assume_multiple %mul3A_882, 128 : i32
        %dma_start3A_884 = arith.constant 0 : i32
        %dma_start3A_885 = arith.constant 0 : i32
        %dma_start3A_886 = arith.constant 1 : i32
        %dma_start3A_887 = arith.constant 0 : i32
        %dma_start3A_888 = arith.constant 0 : i32
        %dma_start3A_889 = tpu.memref_slice %arg6[%dma_start3A_885, %dma_start3A_886, %dma_start3A_888] : memref<2x3x128xi32, #tpu.memory_space<vmem>> -> memref<1x1x128xi32, #tpu.memory_space<vmem>>
        %dma_start3A_890 = tpu.memref_squeeze %dma_start3A_889 : memref<1x1x128xi32, #tpu.memory_space<vmem>> -> memref<128xi32, #tpu.memory_space<vmem>>
        %dma_start3A_891 = tpu.memref_slice %arg2[%dma_start3A_884, %multiple_of3A_883] : memref<2x320000xi32, #tpu.memory_space<hbm>> -> memref<1x128xi32, #tpu.memory_space<hbm>>
        %dma_start3A_892 = tpu.memref_squeeze %dma_start3A_891 : memref<1x128xi32, #tpu.memory_space<hbm>> -> memref<128xi32, #tpu.memory_space<hbm>>
        %dma_start3A_893 = tpu.memref_slice %arg10[%dma_start3A_887] : memref<2x!tpu.dma_semaphore, #tpu.memory_space<semaphore_mem>> -> memref<1x!tpu.dma_semaphore, #tpu.memory_space<semaphore_mem>>
        %dma_start3A_894 = tpu.memref_squeeze %dma_start3A_893 : memref<1x!tpu.dma_semaphore, #tpu.memory_space<semaphore_mem>> -> memref<!tpu.dma_semaphore, #tpu.memory_space<semaphore_mem>>
        %dma_start3A_895 = arith.constant 0 : i32
        %dma_start3A_896 = tpu.memref_slice %arg6[%dma_start3A_885, %dma_start3A_886, %dma_start3A_895] : memref<2x3x128xi32, #tpu.memory_space<vmem>> -> memref<1x1x128xi32, #tpu.memory_space<vmem>>
        %dma_start3A_897 = tpu.memref_squeeze %dma_start3A_896 : memref<1x1x128xi32, #tpu.memory_space<vmem>> -> memref<128xi32, #tpu.memory_space<vmem>>
        %dma_start3A_898 = tpu.memref_slice %arg2[%dma_start3A_884, %multiple_of3A_883] : memref<2x320000xi32, #tpu.memory_space<hbm>> -> memref<1x128xi32, #tpu.memory_space<hbm>>
        %dma_start3A_899 = tpu.memref_squeeze %dma_start3A_898 : memref<1x128xi32, #tpu.memory_space<hbm>> -> memref<128xi32, #tpu.memory_space<hbm>>
        tpu.enqueue_dma source(%dma_start3A_899 : memref<128xi32, #tpu.memory_space<hbm>>) target(%dma_start3A_897 : memref<128xi32, #tpu.memory_space<vmem>>) target_semaphore(%dma_start3A_894 : memref<!tpu.dma_semaphore, #tpu.memory_space<semaphore_mem>>)
        %mul3A_900 = arith.constant 128 : i32
        %mul3A_901 = arith.muli %add3A_880, %mul3A_900 : i32
        %multiple_of3A_902 = tpu.assume_multiple %mul3A_901, 128 : i32
        %dma_start3A_903 = arith.constant 1 : i32
        %dma_start3A_904 = arith.constant 0 : i32
        %dma_start3A_905 = arith.constant 1 : i32
        %dma_start3A_906 = arith.constant 0 : i32
        %dma_start3A_907 = arith.constant 0 : i32
        %dma_start3A_908 = tpu.memref_slice %arg7[%dma_start3A_904, %dma_start3A_905, %dma_start3A_907] : memref<2x3x128xi32, #tpu.memory_space<vmem>> -> memref<1x1x128xi32, #tpu.memory_space<vmem>>
        %dma_start3A_909 = tpu.memref_squeeze %dma_start3A_908 : memref<1x1x128xi32, #tpu.memory_space<vmem>> -> memref<128xi32, #tpu.memory_space<vmem>>
        %dma_start3A_910 = tpu.memref_slice %arg2[%dma_start3A_903, %multiple_of3A_902] : memref<2x320000xi32, #tpu.memory_space<hbm>> -> memref<1x128xi32, #tpu.memory_space<hbm>>
        %dma_start3A_911 = tpu.memref_squeeze %dma_start3A_910 : memref<1x128xi32, #tpu.memory_space<hbm>> -> memref<128xi32, #tpu.memory_space<hbm>>
        %dma_start3A_912 = tpu.memref_slice %arg10[%dma_start3A_906] : memref<2x!tpu.dma_semaphore, #tpu.memory_space<semaphore_mem>> -> memref<1x!tpu.dma_semaphore, #tpu.memory_space<semaphore_mem>>
        %dma_start3A_913 = tpu.memref_squeeze %dma_start3A_912 : memref<1x!tpu.dma_semaphore, #tpu.memory_space<semaphore_mem>> -> memref<!tpu.dma_semaphore, #tpu.memory_space<semaphore_mem>>
        %dma_start3A_914 = arith.constant 0 : i32
        %dma_start3A_915 = tpu.memref_slice %arg7[%dma_start3A_904, %dma_start3A_905, %dma_start3A_914] : memref<2x3x128xi32, #tpu.memory_space<vmem>> -> memref<1x1x128xi32, #tpu.memory_space<vmem>>
        %dma_start3A_916 = tpu.memref_squeeze %dma_start3A_915 : memref<1x1x128xi32, #tpu.memory_space<vmem>> -> memref<128xi32, #tpu.memory_space<vmem>>
        %dma_start3A_917 = tpu.memref_slice %arg2[%dma_start3A_903, %multiple_of3A_902] : memref<2x320000xi32, #tpu.memory_space<hbm>> -> memref<1x128xi32, #tpu.memory_space<hbm>>
        %dma_start3A_918 = tpu.memref_squeeze %dma_start3A_917 : memref<1x128xi32, #tpu.memory_space<hbm>> -> memref<128xi32, #tpu.memory_space<hbm>>
        tpu.enqueue_dma source(%dma_start3A_918 : memref<128xi32, #tpu.memory_space<hbm>>) target(%dma_start3A_916 : memref<128xi32, #tpu.memory_space<vmem>>) target_semaphore(%dma_start3A_913 : memref<!tpu.dma_semaphore, #tpu.memory_space<semaphore_mem>>)
        %mul3A_919 = arith.constant 78 : i32
        %mul3A_920 = arith.muli %add3A, %mul3A_919 : i32
        %mul3A_921 = arith.constant 3 : i32
        %mul3A_922 = arith.muli %add3A_828, %mul3A_921 : i32
        %add3A_923 = arith.addi %mul3A_920, %mul3A_922 : i32
        %add3A_924 = arith.constant 2 : i32
        %add3A_925 = arith.addi %add3A_923, %add3A_924 : i32
        %mul3A_926 = arith.constant 128 : i32
        %mul3A_927 = arith.muli %add3A_925, %mul3A_926 : i32
        %multiple_of3A_928 = tpu.assume_multiple %mul3A_927, 128 : i32
        %dma_start3A_929 = arith.constant 0 : i32
        %dma_start3A_930 = arith.constant 0 : i32
        %dma_start3A_931 = arith.constant 2 : i32
        %dma_start3A_932 = arith.constant 0 : i32
        %dma_start3A_933 = arith.constant 0 : i32
        %dma_start3A_934 = tpu.memref_slice %arg6[%dma_start3A_930, %dma_start3A_931, %dma_start3A_933] : memref<2x3x128xi32, #tpu.memory_space<vmem>> -> memref<1x1x128xi32, #tpu.memory_space<vmem>>
        %dma_start3A_935 = tpu.memref_squeeze %dma_start3A_934 : memref<1x1x128xi32, #tpu.memory_space<vmem>> -> memref<128xi32, #tpu.memory_space<vmem>>
        %dma_start3A_936 = tpu.memref_slice %arg2[%dma_start3A_929, %multiple_of3A_928] : memref<2x320000xi32, #tpu.memory_space<hbm>> -> memref<1x128xi32, #tpu.memory_space<hbm>>
        %dma_start3A_937 = tpu.memref_squeeze %dma_start3A_936 : memref<1x128xi32, #tpu.memory_space<hbm>> -> memref<128xi32, #tpu.memory_space<hbm>>
        %dma_start3A_938 = tpu.memref_slice %arg10[%dma_start3A_932] : memref<2x!tpu.dma_semaphore, #tpu.memory_space<semaphore_mem>> -> memref<1x!tpu.dma_semaphore, #tpu.memory_space<semaphore_mem>>
        %dma_start3A_939 = tpu.memref_squeeze %dma_start3A_938 : memref<1x!tpu.dma_semaphore, #tpu.memory_space<semaphore_mem>> -> memref<!tpu.dma_semaphore, #tpu.memory_space<semaphore_mem>>
        %dma_start3A_940 = arith.constant 0 : i32
        %dma_start3A_941 = tpu.memref_slice %arg6[%dma_start3A_930, %dma_start3A_931, %dma_start3A_940] : memref<2x3x128xi32, #tpu.memory_space<vmem>> -> memref<1x1x128xi32, #tpu.memory_space<vmem>>
        %dma_start3A_942 = tpu.memref_squeeze %dma_start3A_941 : memref<1x1x128xi32, #tpu.memory_space<vmem>> -> memref<128xi32, #tpu.memory_space<vmem>>
        %dma_start3A_943 = tpu.memref_slice %arg2[%dma_start3A_929, %multiple_of3A_928] : memref<2x320000xi32, #tpu.memory_space<hbm>> -> memref<1x128xi32, #tpu.memory_space<hbm>>
        %dma_start3A_944 = tpu.memref_squeeze %dma_start3A_943 : memref<1x128xi32, #tpu.memory_space<hbm>> -> memref<128xi32, #tpu.memory_space<hbm>>
        tpu.enqueue_dma source(%dma_start3A_944 : memref<128xi32, #tpu.memory_space<hbm>>) target(%dma_start3A_942 : memref<128xi32, #tpu.memory_space<vmem>>) target_semaphore(%dma_start3A_939 : memref<!tpu.dma_semaphore, #tpu.memory_space<semaphore_mem>>)
        %mul3A_945 = arith.constant 128 : i32
        %mul3A_946 = arith.muli %add3A_925, %mul3A_945 : i32
        %multiple_of3A_947 = tpu.assume_multiple %mul3A_946, 128 : i32
        %dma_start3A_948 = arith.constant 1 : i32
        %dma_start3A_949 = arith.constant 0 : i32
        %dma_start3A_950 = arith.constant 2 : i32
        %dma_start3A_951 = arith.constant 0 : i32
        %dma_start3A_952 = arith.constant 0 : i32
        %dma_start3A_953 = tpu.memref_slice %arg7[%dma_start3A_949, %dma_start3A_950, %dma_start3A_952] : memref<2x3x128xi32, #tpu.memory_space<vmem>> -> memref<1x1x128xi32, #tpu.memory_space<vmem>>
        %dma_start3A_954 = tpu.memref_squeeze %dma_start3A_953 : memref<1x1x128xi32, #tpu.memory_space<vmem>> -> memref<128xi32, #tpu.memory_space<vmem>>
        %dma_start3A_955 = tpu.memref_slice %arg2[%dma_start3A_948, %multiple_of3A_947] : memref<2x320000xi32, #tpu.memory_space<hbm>> -> memref<1x128xi32, #tpu.memory_space<hbm>>
        %dma_start3A_956 = tpu.memref_squeeze %dma_start3A_955 : memref<1x128xi32, #tpu.memory_space<hbm>> -> memref<128xi32, #tpu.memory_space<hbm>>
        %dma_start3A_957 = tpu.memref_slice %arg10[%dma_start3A_951] : memref<2x!tpu.dma_semaphore, #tpu.memory_space<semaphore_mem>> -> memref<1x!tpu.dma_semaphore, #tpu.memory_space<semaphore_mem>>
        %dma_start3A_958 = tpu.memref_squeeze %dma_start3A_957 : memref<1x!tpu.dma_semaphore, #tpu.memory_space<semaphore_mem>> -> memref<!tpu.dma_semaphore, #tpu.memory_space<semaphore_mem>>
        %dma_start3A_959 = arith.constant 0 : i32
        %dma_start3A_960 = tpu.memref_slice %arg7[%dma_start3A_949, %dma_start3A_950, %dma_start3A_959] : memref<2x3x128xi32, #tpu.memory_space<vmem>> -> memref<1x1x128xi32, #tpu.memory_space<vmem>>
        %dma_start3A_961 = tpu.memref_squeeze %dma_start3A_960 : memref<1x1x128xi32, #tpu.memory_space<vmem>> -> memref<128xi32, #tpu.memory_space<vmem>>
        %dma_start3A_962 = tpu.memref_slice %arg2[%dma_start3A_948, %multiple_of3A_947] : memref<2x320000xi32, #tpu.memory_space<hbm>> -> memref<1x128xi32, #tpu.memory_space<hbm>>
        %dma_start3A_963 = tpu.memref_squeeze %dma_start3A_962 : memref<1x128xi32, #tpu.memory_space<hbm>> -> memref<128xi32, #tpu.memory_space<hbm>>
        tpu.enqueue_dma source(%dma_start3A_963 : memref<128xi32, #tpu.memory_space<hbm>>) target(%dma_start3A_961 : memref<128xi32, #tpu.memory_space<vmem>>) target_semaphore(%dma_start3A_958 : memref<!tpu.dma_semaphore, #tpu.memory_space<semaphore_mem>>)
      } else {
      }
      %dma_start3A_673 = arith.constant 1 : i32
      %dma_start3A_674 = arith.constant 1 : i32
      %dma_start3A_675 = arith.constant 0 : i32
      %dma_start3A_676 = arith.constant 0 : i32
      %dma_start3A_677 = arith.constant 0 : i32
      %dma_start3A_678 = arith.constant 0 : i32
      %dma_start3A_679 = tpu.memref_slice %arg8[%dma_start3A_675, %dma_start3A_677, %dma_start3A_678] : memref<2x128x128xf32, #tpu.memory_space<vmem>> -> memref<1x128x128xf32, #tpu.memory_space<vmem>>
      %dma_start3A_680 = tpu.memref_squeeze %dma_start3A_679 : memref<1x128x128xf32, #tpu.memory_space<vmem>> -> memref<128x128xf32, #tpu.memory_space<vmem>>
      %dma_start3A_681 = arith.constant 0 : i32
      %dma_start3A_682 = tpu.memref_slice %arg6[%dma_start3A_673, %dma_start3A_674, %dma_start3A_681] : memref<2x3x128xi32, #tpu.memory_space<vmem>> -> memref<1x1x128xi32, #tpu.memory_space<vmem>>
      %dma_start3A_683 = tpu.memref_squeeze %dma_start3A_682 : memref<1x1x128xi32, #tpu.memory_space<vmem>> -> memref<128xi32, #tpu.memory_space<vmem>>
      %dma_start3A_684 = arith.constant 0 : i32
      %dma_start3A_685 = arith.constant 0 : i32
      %dma_start3A_686 = tpu.memref_slice %arg3[%dma_start3A_684, %dma_start3A_685] : memref<10000x128xf32, #tpu.memory_space<hbm>> -> memref<10000x128xf32, #tpu.memory_space<hbm>>
      %dma_start3A_687 = tpu.memref_slice %arg11[%dma_start3A_676] : memref<2x!tpu.dma_semaphore, #tpu.memory_space<semaphore_mem>> -> memref<1x!tpu.dma_semaphore, #tpu.memory_space<semaphore_mem>>
      %dma_start3A_688 = tpu.memref_squeeze %dma_start3A_687 : memref<1x!tpu.dma_semaphore, #tpu.memory_space<semaphore_mem>> -> memref<!tpu.dma_semaphore, #tpu.memory_space<semaphore_mem>>
      tpu.enqueue_indirect_dma source(%dma_start3A_686 : memref<10000x128xf32, #tpu.memory_space<hbm>>) target(%dma_start3A_680 : memref<128x128xf32, #tpu.memory_space<vmem>>) offsets(%dma_start3A_683 : memref<128xi32, #tpu.memory_space<vmem>>) semaphore(%dma_start3A_688 : memref<!tpu.dma_semaphore, #tpu.memory_space<semaphore_mem>>)
      %dma_wait3A_689 = arith.constant 1 : i32
      %dma_wait3A_690 = arith.constant 0 : i32
      %dma_wait3A_691 = arith.constant 1 : i32
      %dma_wait3A_692 = arith.constant 1 : i32
      %dma_wait3A_693 = arith.constant 0 : i32
      %dma_wait3A_694 = arith.constant 0 : i32
      %dma_wait3A_695 = tpu.memref_slice %arg8[%dma_wait3A_691, %dma_wait3A_693, %dma_wait3A_694] : memref<2x128x128xf32, #tpu.memory_space<vmem>> -> memref<1x128x128xf32, #tpu.memory_space<vmem>>
      %dma_wait3A_696 = tpu.memref_squeeze %dma_wait3A_695 : memref<1x128x128xf32, #tpu.memory_space<vmem>> -> memref<128x128xf32, #tpu.memory_space<vmem>>
      %dma_wait3A_697 = arith.constant 0 : i32
      %dma_wait3A_698 = tpu.memref_slice %arg6[%dma_wait3A_689, %dma_wait3A_690, %dma_wait3A_697] : memref<2x3x128xi32, #tpu.memory_space<vmem>> -> memref<1x1x128xi32, #tpu.memory_space<vmem>>
      %dma_wait3A_699 = tpu.memref_squeeze %dma_wait3A_698 : memref<1x1x128xi32, #tpu.memory_space<vmem>> -> memref<128xi32, #tpu.memory_space<vmem>>
      %dma_wait3A_700 = arith.constant 0 : i32
      %dma_wait3A_701 = arith.constant 0 : i32
      %dma_wait3A_702 = tpu.memref_slice %arg3[%dma_wait3A_700, %dma_wait3A_701] : memref<10000x128xf32, #tpu.memory_space<hbm>> -> memref<10000x128xf32, #tpu.memory_space<hbm>>
      %dma_wait3A_703 = tpu.memref_slice %arg11[%dma_wait3A_692] : memref<2x!tpu.dma_semaphore, #tpu.memory_space<semaphore_mem>> -> memref<1x!tpu.dma_semaphore, #tpu.memory_space<semaphore_mem>>
      %dma_wait3A_704 = tpu.memref_squeeze %dma_wait3A_703 : memref<1x!tpu.dma_semaphore, #tpu.memory_space<semaphore_mem>> -> memref<!tpu.dma_semaphore, #tpu.memory_space<semaphore_mem>>
      tpu.wait_indirect_dma semaphore(%dma_wait3A_704 : memref<!tpu.dma_semaphore, #tpu.memory_space<semaphore_mem>>) src(%dma_wait3A_702 : memref<10000x128xf32, #tpu.memory_space<hbm>>) dst(%dma_wait3A_696 : memref<128x128xf32, #tpu.memory_space<vmem>>)
      %dma_start3A_705 = arith.constant 1 : i32
      %dma_start3A_706 = arith.constant 1 : i32
      %dma_start3A_707 = arith.constant 0 : i32
      %dma_start3A_708 = arith.constant 1 : i32
      %dma_start3A_709 = arith.constant 0 : i32
      %dma_start3A_710 = arith.constant 0 : i32
      %dma_start3A_711 = tpu.memref_slice %arg8[%dma_start3A_705, %dma_start3A_709, %dma_start3A_710] : memref<2x128x128xf32, #tpu.memory_space<vmem>> -> memref<1x128x128xf32, #tpu.memory_space<vmem>>
      %dma_start3A_712 = tpu.memref_squeeze %dma_start3A_711 : memref<1x128x128xf32, #tpu.memory_space<vmem>> -> memref<128x128xf32, #tpu.memory_space<vmem>>
      %dma_start3A_713 = arith.constant 0 : i32
      %dma_start3A_714 = tpu.memref_slice %arg7[%dma_start3A_706, %dma_start3A_707, %dma_start3A_713] : memref<2x3x128xi32, #tpu.memory_space<vmem>> -> memref<1x1x128xi32, #tpu.memory_space<vmem>>
      %dma_start3A_715 = tpu.memref_squeeze %dma_start3A_714 : memref<1x1x128xi32, #tpu.memory_space<vmem>> -> memref<128xi32, #tpu.memory_space<vmem>>
      %dma_start3A_716 = arith.constant 0 : i32
      %dma_start3A_717 = arith.constant 0 : i32
      %dma_start3A_718 = tpu.memref_slice %arg9[%dma_start3A_716, %dma_start3A_717] : memref<10240x128xf32, #tpu.memory_space<vmem_shared>> -> memref<10240x128xf32, #tpu.memory_space<vmem_shared>>
      %dma_start3A_719 = tpu.memref_slice %arg12[%dma_start3A_708] : memref<2x!tpu.dma_semaphore, #tpu.memory_space<semaphore_mem>> -> memref<1x!tpu.dma_semaphore, #tpu.memory_space<semaphore_mem>>
      %dma_start3A_720 = tpu.memref_squeeze %dma_start3A_719 : memref<1x!tpu.dma_semaphore, #tpu.memory_space<semaphore_mem>> -> memref<!tpu.dma_semaphore, #tpu.memory_space<semaphore_mem>>
      tpu.enqueue_indirect_dma source(%dma_start3A_712 : memref<128x128xf32, #tpu.memory_space<vmem>>) target(%dma_start3A_718 : memref<10240x128xf32, #tpu.memory_space<vmem_shared>>) offsets(%dma_start3A_715 : memref<128xi32, #tpu.memory_space<vmem>>) semaphore(%dma_start3A_720 : memref<!tpu.dma_semaphore, #tpu.memory_space<semaphore_mem>>) {add = true}
      %mul3A_721 = arith.constant 3 : i32
      %mul3A_722 = arith.muli %add3A_653, %mul3A_721 : i32
      %add3A_723 = arith.constant 1 : i32
      %add3A_724 = arith.addi %mul3A_722, %add3A_723 : i32
      %gt3A_725 = arith.constant 0 : i32
      %gt3A_726 = arith.cmpi sgt, %add3A_724, %gt3A_725 : i32
      %convert_element_type3A_727 = arith.extui %gt3A_726 : i1 to i32
      %cond3A_728 = arith.constant 0 : i32
      %cond3A_729 = arith.cmpi ne, %convert_element_type3A_727, %cond3A_728 : i32
      scf.if %cond3A_729 {
        %dma_wait3A_827 = arith.constant 1 : i32
        %dma_wait3A_828 = arith.constant 1 : i32
        %dma_wait3A_829 = arith.constant 0 : i32
        %dma_wait3A_830 = arith.constant 1 : i32
        %dma_wait3A_831 = arith.constant 0 : i32
        %dma_wait3A_832 = arith.constant 0 : i32
        %dma_wait3A_833 = tpu.memref_slice %arg8[%dma_wait3A_827, %dma_wait3A_831, %dma_wait3A_832] : memref<2x128x128xf32, #tpu.memory_space<vmem>> -> memref<1x128x128xf32, #tpu.memory_space<vmem>>
        %dma_wait3A_834 = tpu.memref_squeeze %dma_wait3A_833 : memref<1x128x128xf32, #tpu.memory_space<vmem>> -> memref<128x128xf32, #tpu.memory_space<vmem>>
        %dma_wait3A_835 = arith.constant 0 : i32
        %dma_wait3A_836 = tpu.memref_slice %arg7[%dma_wait3A_828, %dma_wait3A_829, %dma_wait3A_835] : memref<2x3x128xi32, #tpu.memory_space<vmem>> -> memref<1x1x128xi32, #tpu.memory_space<vmem>>
        %dma_wait3A_837 = tpu.memref_squeeze %dma_wait3A_836 : memref<1x1x128xi32, #tpu.memory_space<vmem>> -> memref<128xi32, #tpu.memory_space<vmem>>
        %dma_wait3A_838 = arith.constant 0 : i32
        %dma_wait3A_839 = arith.constant 0 : i32
        %dma_wait3A_840 = tpu.memref_slice %arg9[%dma_wait3A_838, %dma_wait3A_839] : memref<10240x128xf32, #tpu.memory_space<vmem_shared>> -> memref<10240x128xf32, #tpu.memory_space<vmem_shared>>
        %dma_wait3A_841 = tpu.memref_slice %arg12[%dma_wait3A_830] : memref<2x!tpu.dma_semaphore, #tpu.memory_space<semaphore_mem>> -> memref<1x!tpu.dma_semaphore, #tpu.memory_space<semaphore_mem>>
        %dma_wait3A_842 = tpu.memref_squeeze %dma_wait3A_841 : memref<1x!tpu.dma_semaphore, #tpu.memory_space<semaphore_mem>> -> memref<!tpu.dma_semaphore, #tpu.memory_space<semaphore_mem>>
        tpu.wait_indirect_dma semaphore(%dma_wait3A_842 : memref<!tpu.dma_semaphore, #tpu.memory_space<semaphore_mem>>) src(%dma_wait3A_834 : memref<128x128xf32, #tpu.memory_space<vmem>>) dst(%dma_wait3A_840 : memref<10240x128xf32, #tpu.memory_space<vmem_shared>>)
      } else {
      }
      %dma_start3A_730 = arith.constant 1 : i32
      %dma_start3A_731 = arith.constant 2 : i32
      %dma_start3A_732 = arith.constant 1 : i32
      %dma_start3A_733 = arith.constant 1 : i32
      %dma_start3A_734 = arith.constant 0 : i32
      %dma_start3A_735 = arith.constant 0 : i32
      %dma_start3A_736 = tpu.memref_slice %arg8[%dma_start3A_732, %dma_start3A_734, %dma_start3A_735] : memref<2x128x128xf32, #tpu.memory_space<vmem>> -> memref<1x128x128xf32, #tpu.memory_space<vmem>>
      %dma_start3A_737 = tpu.memref_squeeze %dma_start3A_736 : memref<1x128x128xf32, #tpu.memory_space<vmem>> -> memref<128x128xf32, #tpu.memory_space<vmem>>
      %dma_start3A_738 = arith.constant 0 : i32
      %dma_start3A_739 = tpu.memref_slice %arg6[%dma_start3A_730, %dma_start3A_731, %dma_start3A_738] : memref<2x3x128xi32, #tpu.memory_space<vmem>> -> memref<1x1x128xi32, #tpu.memory_space<vmem>>
      %dma_start3A_740 = tpu.memref_squeeze %dma_start3A_739 : memref<1x1x128xi32, #tpu.memory_space<vmem>> -> memref<128xi32, #tpu.memory_space<vmem>>
      %dma_start3A_741 = arith.constant 0 : i32
      %dma_start3A_742 = arith.constant 0 : i32
      %dma_start3A_743 = tpu.memref_slice %arg3[%dma_start3A_741, %dma_start3A_742] : memref<10000x128xf32, #tpu.memory_space<hbm>> -> memref<10000x128xf32, #tpu.memory_space<hbm>>
      %dma_start3A_744 = tpu.memref_slice %arg11[%dma_start3A_733] : memref<2x!tpu.dma_semaphore, #tpu.memory_space<semaphore_mem>> -> memref<1x!tpu.dma_semaphore, #tpu.memory_space<semaphore_mem>>
      %dma_start3A_745 = tpu.memref_squeeze %dma_start3A_744 : memref<1x!tpu.dma_semaphore, #tpu.memory_space<semaphore_mem>> -> memref<!tpu.dma_semaphore, #tpu.memory_space<semaphore_mem>>
      tpu.enqueue_indirect_dma source(%dma_start3A_743 : memref<10000x128xf32, #tpu.memory_space<hbm>>) target(%dma_start3A_737 : memref<128x128xf32, #tpu.memory_space<vmem>>) offsets(%dma_start3A_740 : memref<128xi32, #tpu.memory_space<vmem>>) semaphore(%dma_start3A_745 : memref<!tpu.dma_semaphore, #tpu.memory_space<semaphore_mem>>)
      %dma_wait3A_746 = arith.constant 1 : i32
      %dma_wait3A_747 = arith.constant 1 : i32
      %dma_wait3A_748 = arith.constant 0 : i32
      %dma_wait3A_749 = arith.constant 0 : i32
      %dma_wait3A_750 = arith.constant 0 : i32
      %dma_wait3A_751 = arith.constant 0 : i32
      %dma_wait3A_752 = tpu.memref_slice %arg8[%dma_wait3A_748, %dma_wait3A_750, %dma_wait3A_751] : memref<2x128x128xf32, #tpu.memory_space<vmem>> -> memref<1x128x128xf32, #tpu.memory_space<vmem>>
      %dma_wait3A_753 = tpu.memref_squeeze %dma_wait3A_752 : memref<1x128x128xf32, #tpu.memory_space<vmem>> -> memref<128x128xf32, #tpu.memory_space<vmem>>
      %dma_wait3A_754 = arith.constant 0 : i32
      %dma_wait3A_755 = tpu.memref_slice %arg6[%dma_wait3A_746, %dma_wait3A_747, %dma_wait3A_754] : memref<2x3x128xi32, #tpu.memory_space<vmem>> -> memref<1x1x128xi32, #tpu.memory_space<vmem>>
      %dma_wait3A_756 = tpu.memref_squeeze %dma_wait3A_755 : memref<1x1x128xi32, #tpu.memory_space<vmem>> -> memref<128xi32, #tpu.memory_space<vmem>>
      %dma_wait3A_757 = arith.constant 0 : i32
      %dma_wait3A_758 = arith.constant 0 : i32
      %dma_wait3A_759 = tpu.memref_slice %arg3[%dma_wait3A_757, %dma_wait3A_758] : memref<10000x128xf32, #tpu.memory_space<hbm>> -> memref<10000x128xf32, #tpu.memory_space<hbm>>
      %dma_wait3A_760 = tpu.memref_slice %arg11[%dma_wait3A_749] : memref<2x!tpu.dma_semaphore, #tpu.memory_space<semaphore_mem>> -> memref<1x!tpu.dma_semaphore, #tpu.memory_space<semaphore_mem>>
      %dma_wait3A_761 = tpu.memref_squeeze %dma_wait3A_760 : memref<1x!tpu.dma_semaphore, #tpu.memory_space<semaphore_mem>> -> memref<!tpu.dma_semaphore, #tpu.memory_space<semaphore_mem>>
      tpu.wait_indirect_dma semaphore(%dma_wait3A_761 : memref<!tpu.dma_semaphore, #tpu.memory_space<semaphore_mem>>) src(%dma_wait3A_759 : memref<10000x128xf32, #tpu.memory_space<hbm>>) dst(%dma_wait3A_753 : memref<128x128xf32, #tpu.memory_space<vmem>>)
      %dma_start3A_762 = arith.constant 0 : i32
      %dma_start3A_763 = arith.constant 1 : i32
      %dma_start3A_764 = arith.constant 1 : i32
      %dma_start3A_765 = arith.constant 0 : i32
      %dma_start3A_766 = arith.constant 0 : i32
      %dma_start3A_767 = arith.constant 0 : i32
      %dma_start3A_768 = tpu.memref_slice %arg8[%dma_start3A_762, %dma_start3A_766, %dma_start3A_767] : memref<2x128x128xf32, #tpu.memory_space<vmem>> -> memref<1x128x128xf32, #tpu.memory_space<vmem>>
      %dma_start3A_769 = tpu.memref_squeeze %dma_start3A_768 : memref<1x128x128xf32, #tpu.memory_space<vmem>> -> memref<128x128xf32, #tpu.memory_space<vmem>>
      %dma_start3A_770 = arith.constant 0 : i32
      %dma_start3A_771 = tpu.memref_slice %arg7[%dma_start3A_763, %dma_start3A_764, %dma_start3A_770] : memref<2x3x128xi32, #tpu.memory_space<vmem>> -> memref<1x1x128xi32, #tpu.memory_space<vmem>>
      %dma_start3A_772 = tpu.memref_squeeze %dma_start3A_771 : memref<1x1x128xi32, #tpu.memory_space<vmem>> -> memref<128xi32, #tpu.memory_space<vmem>>
      %dma_start3A_773 = arith.constant 0 : i32
      %dma_start3A_774 = arith.constant 0 : i32
      %dma_start3A_775 = tpu.memref_slice %arg9[%dma_start3A_773, %dma_start3A_774] : memref<10240x128xf32, #tpu.memory_space<vmem_shared>> -> memref<10240x128xf32, #tpu.memory_space<vmem_shared>>
      %dma_start3A_776 = tpu.memref_slice %arg12[%dma_start3A_765] : memref<2x!tpu.dma_semaphore, #tpu.memory_space<semaphore_mem>> -> memref<1x!tpu.dma_semaphore, #tpu.memory_space<semaphore_mem>>
      %dma_start3A_777 = tpu.memref_squeeze %dma_start3A_776 : memref<1x!tpu.dma_semaphore, #tpu.memory_space<semaphore_mem>> -> memref<!tpu.dma_semaphore, #tpu.memory_space<semaphore_mem>>
      tpu.enqueue_indirect_dma source(%dma_start3A_769 : memref<128x128xf32, #tpu.memory_space<vmem>>) target(%dma_start3A_775 : memref<10240x128xf32, #tpu.memory_space<vmem_shared>>) offsets(%dma_start3A_772 : memref<128xi32, #tpu.memory_space<vmem>>) semaphore(%dma_start3A_777 : memref<!tpu.dma_semaphore, #tpu.memory_space<semaphore_mem>>) {add = true}
      %mul3A_778 = arith.constant 3 : i32
      %mul3A_779 = arith.muli %add3A_653, %mul3A_778 : i32
      %add3A_780 = arith.constant 2 : i32
      %add3A_781 = arith.addi %mul3A_779, %add3A_780 : i32
      %gt3A_782 = arith.constant 0 : i32
      %gt3A_783 = arith.cmpi sgt, %add3A_781, %gt3A_782 : i32
      %convert_element_type3A_784 = arith.extui %gt3A_783 : i1 to i32
      %cond3A_785 = arith.constant 0 : i32
      %cond3A_786 = arith.cmpi ne, %convert_element_type3A_784, %cond3A_785 : i32
      scf.if %cond3A_786 {
        %dma_wait3A_827 = arith.constant 0 : i32
        %dma_wait3A_828 = arith.constant 1 : i32
        %dma_wait3A_829 = arith.constant 1 : i32
        %dma_wait3A_830 = arith.constant 0 : i32
        %dma_wait3A_831 = arith.constant 0 : i32
        %dma_wait3A_832 = arith.constant 0 : i32
        %dma_wait3A_833 = tpu.memref_slice %arg8[%dma_wait3A_827, %dma_wait3A_831, %dma_wait3A_832] : memref<2x128x128xf32, #tpu.memory_space<vmem>> -> memref<1x128x128xf32, #tpu.memory_space<vmem>>
        %dma_wait3A_834 = tpu.memref_squeeze %dma_wait3A_833 : memref<1x128x128xf32, #tpu.memory_space<vmem>> -> memref<128x128xf32, #tpu.memory_space<vmem>>
        %dma_wait3A_835 = arith.constant 0 : i32
        %dma_wait3A_836 = tpu.memref_slice %arg7[%dma_wait3A_828, %dma_wait3A_829, %dma_wait3A_835] : memref<2x3x128xi32, #tpu.memory_space<vmem>> -> memref<1x1x128xi32, #tpu.memory_space<vmem>>
        %dma_wait3A_837 = tpu.memref_squeeze %dma_wait3A_836 : memref<1x1x128xi32, #tpu.memory_space<vmem>> -> memref<128xi32, #tpu.memory_space<vmem>>
        %dma_wait3A_838 = arith.constant 0 : i32
        %dma_wait3A_839 = arith.constant 0 : i32
        %dma_wait3A_840 = tpu.memref_slice %arg9[%dma_wait3A_838, %dma_wait3A_839] : memref<10240x128xf32, #tpu.memory_space<vmem_shared>> -> memref<10240x128xf32, #tpu.memory_space<vmem_shared>>
        %dma_wait3A_841 = tpu.memref_slice %arg12[%dma_wait3A_830] : memref<2x!tpu.dma_semaphore, #tpu.memory_space<semaphore_mem>> -> memref<1x!tpu.dma_semaphore, #tpu.memory_space<semaphore_mem>>
        %dma_wait3A_842 = tpu.memref_squeeze %dma_wait3A_841 : memref<1x!tpu.dma_semaphore, #tpu.memory_space<semaphore_mem>> -> memref<!tpu.dma_semaphore, #tpu.memory_space<semaphore_mem>>
        tpu.wait_indirect_dma semaphore(%dma_wait3A_842 : memref<!tpu.dma_semaphore, #tpu.memory_space<semaphore_mem>>) src(%dma_wait3A_834 : memref<128x128xf32, #tpu.memory_space<vmem>>) dst(%dma_wait3A_840 : memref<10240x128xf32, #tpu.memory_space<vmem_shared>>)
      } else {
      }
      %add3A_787 = arith.constant 1 : i32
      %add3A_788 = arith.addi %add3A_653, %add3A_787 : i32
      %lt3A_789 = arith.constant 26 : i32
      %lt3A_790 = arith.cmpi slt, %add3A_788, %lt3A_789 : i32
      %convert_element_type3A_791 = arith.extui %lt3A_790 : i1 to i32
      %cond3A_792 = arith.constant 0 : i32
      %cond3A_793 = arith.cmpi ne, %convert_element_type3A_791, %cond3A_792 : i32
      scf.if %cond3A_793 {
        %add3A_827 = arith.constant 1 : i32
        %add3A_828 = arith.addi %add3A_653, %add3A_827 : i32
        %mul3A_829 = arith.constant 78 : i32
        %mul3A_830 = arith.muli %add3A, %mul3A_829 : i32
        %mul3A_831 = arith.constant 3 : i32
        %mul3A_832 = arith.muli %add3A_828, %mul3A_831 : i32
        %add3A_833 = arith.addi %mul3A_830, %mul3A_832 : i32
        %add3A_834 = arith.constant 0 : i32
        %add3A_835 = arith.addi %add3A_833, %add3A_834 : i32
        %mul3A_836 = arith.constant 128 : i32
        %mul3A_837 = arith.muli %add3A_835, %mul3A_836 : i32
        %multiple_of3A_838 = tpu.assume_multiple %mul3A_837, 128 : i32
        %dma_wait3A_839 = arith.constant 0 : i32
        %dma_wait3A_840 = arith.constant 0 : i32
        %dma_wait3A_841 = arith.constant 0 : i32
        %dma_wait3A_842 = arith.constant 0 : i32
        %dma_wait3A_843 = arith.constant 0 : i32
        %dma_wait3A_844 = tpu.memref_slice %arg6[%dma_wait3A_840, %dma_wait3A_841, %dma_wait3A_843] : memref<2x3x128xi32, #tpu.memory_space<vmem>> -> memref<1x1x128xi32, #tpu.memory_space<vmem>>
        %dma_wait3A_845 = tpu.memref_squeeze %dma_wait3A_844 : memref<1x1x128xi32, #tpu.memory_space<vmem>> -> memref<128xi32, #tpu.memory_space<vmem>>
        %dma_wait3A_846 = tpu.memref_slice %arg2[%dma_wait3A_839, %multiple_of3A_838] : memref<2x320000xi32, #tpu.memory_space<hbm>> -> memref<1x128xi32, #tpu.memory_space<hbm>>
        %dma_wait3A_847 = tpu.memref_squeeze %dma_wait3A_846 : memref<1x128xi32, #tpu.memory_space<hbm>> -> memref<128xi32, #tpu.memory_space<hbm>>
        %dma_wait3A_848 = tpu.memref_slice %arg10[%dma_wait3A_842] : memref<2x!tpu.dma_semaphore, #tpu.memory_space<semaphore_mem>> -> memref<1x!tpu.dma_semaphore, #tpu.memory_space<semaphore_mem>>
        %dma_wait3A_849 = tpu.memref_squeeze %dma_wait3A_848 : memref<1x!tpu.dma_semaphore, #tpu.memory_space<semaphore_mem>> -> memref<!tpu.dma_semaphore, #tpu.memory_space<semaphore_mem>>
        %dma_wait3A_850 = arith.constant 0 : i32
        %dma_wait3A_851 = tpu.memref_slice %arg6[%dma_wait3A_840, %dma_wait3A_841, %dma_wait3A_850] : memref<2x3x128xi32, #tpu.memory_space<vmem>> -> memref<1x1x128xi32, #tpu.memory_space<vmem>>
        %dma_wait3A_852 = tpu.memref_squeeze %dma_wait3A_851 : memref<1x1x128xi32, #tpu.memory_space<vmem>> -> memref<128xi32, #tpu.memory_space<vmem>>
        %dma_wait3A_853 = tpu.memref_slice %arg2[%dma_wait3A_839, %multiple_of3A_838] : memref<2x320000xi32, #tpu.memory_space<hbm>> -> memref<1x128xi32, #tpu.memory_space<hbm>>
        %dma_wait3A_854 = tpu.memref_squeeze %dma_wait3A_853 : memref<1x128xi32, #tpu.memory_space<hbm>> -> memref<128xi32, #tpu.memory_space<hbm>>
        tpu.wait_dma2 semaphore(%dma_wait3A_849 : memref<!tpu.dma_semaphore, #tpu.memory_space<semaphore_mem>>) src(%dma_wait3A_854 : memref<128xi32, #tpu.memory_space<hbm>>) dst(%dma_wait3A_852 : memref<128xi32, #tpu.memory_space<vmem>>)
        %mul3A_855 = arith.constant 128 : i32
        %mul3A_856 = arith.muli %add3A_835, %mul3A_855 : i32
        %multiple_of3A_857 = tpu.assume_multiple %mul3A_856, 128 : i32
        %dma_wait3A_858 = arith.constant 1 : i32
        %dma_wait3A_859 = arith.constant 0 : i32
        %dma_wait3A_860 = arith.constant 0 : i32
        %dma_wait3A_861 = arith.constant 0 : i32
        %dma_wait3A_862 = arith.constant 0 : i32
        %dma_wait3A_863 = tpu.memref_slice %arg7[%dma_wait3A_859, %dma_wait3A_860, %dma_wait3A_862] : memref<2x3x128xi32, #tpu.memory_space<vmem>> -> memref<1x1x128xi32, #tpu.memory_space<vmem>>
        %dma_wait3A_864 = tpu.memref_squeeze %dma_wait3A_863 : memref<1x1x128xi32, #tpu.memory_space<vmem>> -> memref<128xi32, #tpu.memory_space<vmem>>
        %dma_wait3A_865 = tpu.memref_slice %arg2[%dma_wait3A_858, %multiple_of3A_857] : memref<2x320000xi32, #tpu.memory_space<hbm>> -> memref<1x128xi32, #tpu.memory_space<hbm>>
        %dma_wait3A_866 = tpu.memref_squeeze %dma_wait3A_865 : memref<1x128xi32, #tpu.memory_space<hbm>> -> memref<128xi32, #tpu.memory_space<hbm>>
        %dma_wait3A_867 = tpu.memref_slice %arg10[%dma_wait3A_861] : memref<2x!tpu.dma_semaphore, #tpu.memory_space<semaphore_mem>> -> memref<1x!tpu.dma_semaphore, #tpu.memory_space<semaphore_mem>>
        %dma_wait3A_868 = tpu.memref_squeeze %dma_wait3A_867 : memref<1x!tpu.dma_semaphore, #tpu.memory_space<semaphore_mem>> -> memref<!tpu.dma_semaphore, #tpu.memory_space<semaphore_mem>>
        %dma_wait3A_869 = arith.constant 0 : i32
        %dma_wait3A_870 = tpu.memref_slice %arg7[%dma_wait3A_859, %dma_wait3A_860, %dma_wait3A_869] : memref<2x3x128xi32, #tpu.memory_space<vmem>> -> memref<1x1x128xi32, #tpu.memory_space<vmem>>
        %dma_wait3A_871 = tpu.memref_squeeze %dma_wait3A_870 : memref<1x1x128xi32, #tpu.memory_space<vmem>> -> memref<128xi32, #tpu.memory_space<vmem>>
        %dma_wait3A_872 = tpu.memref_slice %arg2[%dma_wait3A_858, %multiple_of3A_857] : memref<2x320000xi32, #tpu.memory_space<hbm>> -> memref<1x128xi32, #tpu.memory_space<hbm>>
        %dma_wait3A_873 = tpu.memref_squeeze %dma_wait3A_872 : memref<1x128xi32, #tpu.memory_space<hbm>> -> memref<128xi32, #tpu.memory_space<hbm>>
        tpu.wait_dma2 semaphore(%dma_wait3A_868 : memref<!tpu.dma_semaphore, #tpu.memory_space<semaphore_mem>>) src(%dma_wait3A_873 : memref<128xi32, #tpu.memory_space<hbm>>) dst(%dma_wait3A_871 : memref<128xi32, #tpu.memory_space<vmem>>)
        %mul3A_874 = arith.constant 78 : i32
        %mul3A_875 = arith.muli %add3A, %mul3A_874 : i32
        %mul3A_876 = arith.constant 3 : i32
        %mul3A_877 = arith.muli %add3A_828, %mul3A_876 : i32
        %add3A_878 = arith.addi %mul3A_875, %mul3A_877 : i32
        %add3A_879 = arith.constant 1 : i32
        %add3A_880 = arith.addi %add3A_878, %add3A_879 : i32
        %mul3A_881 = arith.constant 128 : i32
        %mul3A_882 = arith.muli %add3A_880, %mul3A_881 : i32
        %multiple_of3A_883 = tpu.assume_multiple %mul3A_882, 128 : i32
        %dma_wait3A_884 = arith.constant 0 : i32
        %dma_wait3A_885 = arith.constant 0 : i32
        %dma_wait3A_886 = arith.constant 1 : i32
        %dma_wait3A_887 = arith.constant 0 : i32
        %dma_wait3A_888 = arith.constant 0 : i32
        %dma_wait3A_889 = tpu.memref_slice %arg6[%dma_wait3A_885, %dma_wait3A_886, %dma_wait3A_888] : memref<2x3x128xi32, #tpu.memory_space<vmem>> -> memref<1x1x128xi32, #tpu.memory_space<vmem>>
        %dma_wait3A_890 = tpu.memref_squeeze %dma_wait3A_889 : memref<1x1x128xi32, #tpu.memory_space<vmem>> -> memref<128xi32, #tpu.memory_space<vmem>>
        %dma_wait3A_891 = tpu.memref_slice %arg2[%dma_wait3A_884, %multiple_of3A_883] : memref<2x320000xi32, #tpu.memory_space<hbm>> -> memref<1x128xi32, #tpu.memory_space<hbm>>
        %dma_wait3A_892 = tpu.memref_squeeze %dma_wait3A_891 : memref<1x128xi32, #tpu.memory_space<hbm>> -> memref<128xi32, #tpu.memory_space<hbm>>
        %dma_wait3A_893 = tpu.memref_slice %arg10[%dma_wait3A_887] : memref<2x!tpu.dma_semaphore, #tpu.memory_space<semaphore_mem>> -> memref<1x!tpu.dma_semaphore, #tpu.memory_space<semaphore_mem>>
        %dma_wait3A_894 = tpu.memref_squeeze %dma_wait3A_893 : memref<1x!tpu.dma_semaphore, #tpu.memory_space<semaphore_mem>> -> memref<!tpu.dma_semaphore, #tpu.memory_space<semaphore_mem>>
        %dma_wait3A_895 = arith.constant 0 : i32
        %dma_wait3A_896 = tpu.memref_slice %arg6[%dma_wait3A_885, %dma_wait3A_886, %dma_wait3A_895] : memref<2x3x128xi32, #tpu.memory_space<vmem>> -> memref<1x1x128xi32, #tpu.memory_space<vmem>>
        %dma_wait3A_897 = tpu.memref_squeeze %dma_wait3A_896 : memref<1x1x128xi32, #tpu.memory_space<vmem>> -> memref<128xi32, #tpu.memory_space<vmem>>
        %dma_wait3A_898 = tpu.memref_slice %arg2[%dma_wait3A_884, %multiple_of3A_883] : memref<2x320000xi32, #tpu.memory_space<hbm>> -> memref<1x128xi32, #tpu.memory_space<hbm>>
        %dma_wait3A_899 = tpu.memref_squeeze %dma_wait3A_898 : memref<1x128xi32, #tpu.memory_space<hbm>> -> memref<128xi32, #tpu.memory_space<hbm>>
        tpu.wait_dma2 semaphore(%dma_wait3A_894 : memref<!tpu.dma_semaphore, #tpu.memory_space<semaphore_mem>>) src(%dma_wait3A_899 : memref<128xi32, #tpu.memory_space<hbm>>) dst(%dma_wait3A_897 : memref<128xi32, #tpu.memory_space<vmem>>)
        %mul3A_900 = arith.constant 128 : i32
        %mul3A_901 = arith.muli %add3A_880, %mul3A_900 : i32
        %multiple_of3A_902 = tpu.assume_multiple %mul3A_901, 128 : i32
        %dma_wait3A_903 = arith.constant 1 : i32
        %dma_wait3A_904 = arith.constant 0 : i32
        %dma_wait3A_905 = arith.constant 1 : i32
        %dma_wait3A_906 = arith.constant 0 : i32
        %dma_wait3A_907 = arith.constant 0 : i32
        %dma_wait3A_908 = tpu.memref_slice %arg7[%dma_wait3A_904, %dma_wait3A_905, %dma_wait3A_907] : memref<2x3x128xi32, #tpu.memory_space<vmem>> -> memref<1x1x128xi32, #tpu.memory_space<vmem>>
        %dma_wait3A_909 = tpu.memref_squeeze %dma_wait3A_908 : memref<1x1x128xi32, #tpu.memory_space<vmem>> -> memref<128xi32, #tpu.memory_space<vmem>>
        %dma_wait3A_910 = tpu.memref_slice %arg2[%dma_wait3A_903, %multiple_of3A_902] : memref<2x320000xi32, #tpu.memory_space<hbm>> -> memref<1x128xi32, #tpu.memory_space<hbm>>
        %dma_wait3A_911 = tpu.memref_squeeze %dma_wait3A_910 : memref<1x128xi32, #tpu.memory_space<hbm>> -> memref<128xi32, #tpu.memory_space<hbm>>
        %dma_wait3A_912 = tpu.memref_slice %arg10[%dma_wait3A_906] : memref<2x!tpu.dma_semaphore, #tpu.memory_space<semaphore_mem>> -> memref<1x!tpu.dma_semaphore, #tpu.memory_space<semaphore_mem>>
        %dma_wait3A_913 = tpu.memref_squeeze %dma_wait3A_912 : memref<1x!tpu.dma_semaphore, #tpu.memory_space<semaphore_mem>> -> memref<!tpu.dma_semaphore, #tpu.memory_space<semaphore_mem>>
        %dma_wait3A_914 = arith.constant 0 : i32
        %dma_wait3A_915 = tpu.memref_slice %arg7[%dma_wait3A_904, %dma_wait3A_905, %dma_wait3A_914] : memref<2x3x128xi32, #tpu.memory_space<vmem>> -> memref<1x1x128xi32, #tpu.memory_space<vmem>>
        %dma_wait3A_916 = tpu.memref_squeeze %dma_wait3A_915 : memref<1x1x128xi32, #tpu.memory_space<vmem>> -> memref<128xi32, #tpu.memory_space<vmem>>
        %dma_wait3A_917 = tpu.memref_slice %arg2[%dma_wait3A_903, %multiple_of3A_902] : memref<2x320000xi32, #tpu.memory_space<hbm>> -> memref<1x128xi32, #tpu.memory_space<hbm>>
        %dma_wait3A_918 = tpu.memref_squeeze %dma_wait3A_917 : memref<1x128xi32, #tpu.memory_space<hbm>> -> memref<128xi32, #tpu.memory_space<hbm>>
        tpu.wait_dma2 semaphore(%dma_wait3A_913 : memref<!tpu.dma_semaphore, #tpu.memory_space<semaphore_mem>>) src(%dma_wait3A_918 : memref<128xi32, #tpu.memory_space<hbm>>) dst(%dma_wait3A_916 : memref<128xi32, #tpu.memory_space<vmem>>)
        %mul3A_919 = arith.constant 78 : i32
        %mul3A_920 = arith.muli %add3A, %mul3A_919 : i32
        %mul3A_921 = arith.constant 3 : i32
        %mul3A_922 = arith.muli %add3A_828, %mul3A_921 : i32
        %add3A_923 = arith.addi %mul3A_920, %mul3A_922 : i32
        %add3A_924 = arith.constant 2 : i32
        %add3A_925 = arith.addi %add3A_923, %add3A_924 : i32
        %mul3A_926 = arith.constant 128 : i32
        %mul3A_927 = arith.muli %add3A_925, %mul3A_926 : i32
        %multiple_of3A_928 = tpu.assume_multiple %mul3A_927, 128 : i32
        %dma_wait3A_929 = arith.constant 0 : i32
        %dma_wait3A_930 = arith.constant 0 : i32
        %dma_wait3A_931 = arith.constant 2 : i32
        %dma_wait3A_932 = arith.constant 0 : i32
        %dma_wait3A_933 = arith.constant 0 : i32
        %dma_wait3A_934 = tpu.memref_slice %arg6[%dma_wait3A_930, %dma_wait3A_931, %dma_wait3A_933] : memref<2x3x128xi32, #tpu.memory_space<vmem>> -> memref<1x1x128xi32, #tpu.memory_space<vmem>>
        %dma_wait3A_935 = tpu.memref_squeeze %dma_wait3A_934 : memref<1x1x128xi32, #tpu.memory_space<vmem>> -> memref<128xi32, #tpu.memory_space<vmem>>
        %dma_wait3A_936 = tpu.memref_slice %arg2[%dma_wait3A_929, %multiple_of3A_928] : memref<2x320000xi32, #tpu.memory_space<hbm>> -> memref<1x128xi32, #tpu.memory_space<hbm>>
        %dma_wait3A_937 = tpu.memref_squeeze %dma_wait3A_936 : memref<1x128xi32, #tpu.memory_space<hbm>> -> memref<128xi32, #tpu.memory_space<hbm>>
        %dma_wait3A_938 = tpu.memref_slice %arg10[%dma_wait3A_932] : memref<2x!tpu.dma_semaphore, #tpu.memory_space<semaphore_mem>> -> memref<1x!tpu.dma_semaphore, #tpu.memory_space<semaphore_mem>>
        %dma_wait3A_939 = tpu.memref_squeeze %dma_wait3A_938 : memref<1x!tpu.dma_semaphore, #tpu.memory_space<semaphore_mem>> -> memref<!tpu.dma_semaphore, #tpu.memory_space<semaphore_mem>>
        %dma_wait3A_940 = arith.constant 0 : i32
        %dma_wait3A_941 = tpu.memref_slice %arg6[%dma_wait3A_930, %dma_wait3A_931, %dma_wait3A_940] : memref<2x3x128xi32, #tpu.memory_space<vmem>> -> memref<1x1x128xi32, #tpu.memory_space<vmem>>
        %dma_wait3A_942 = tpu.memref_squeeze %dma_wait3A_941 : memref<1x1x128xi32, #tpu.memory_space<vmem>> -> memref<128xi32, #tpu.memory_space<vmem>>
        %dma_wait3A_943 = tpu.memref_slice %arg2[%dma_wait3A_929, %multiple_of3A_928] : memref<2x320000xi32, #tpu.memory_space<hbm>> -> memref<1x128xi32, #tpu.memory_space<hbm>>
        %dma_wait3A_944 = tpu.memref_squeeze %dma_wait3A_943 : memref<1x128xi32, #tpu.memory_space<hbm>> -> memref<128xi32, #tpu.memory_space<hbm>>
        tpu.wait_dma2 semaphore(%dma_wait3A_939 : memref<!tpu.dma_semaphore, #tpu.memory_space<semaphore_mem>>) src(%dma_wait3A_944 : memref<128xi32, #tpu.memory_space<hbm>>) dst(%dma_wait3A_942 : memref<128xi32, #tpu.memory_space<vmem>>)
        %mul3A_945 = arith.constant 128 : i32
        %mul3A_946 = arith.muli %add3A_925, %mul3A_945 : i32
        %multiple_of3A_947 = tpu.assume_multiple %mul3A_946, 128 : i32
        %dma_wait3A_948 = arith.constant 1 : i32
        %dma_wait3A_949 = arith.constant 0 : i32
        %dma_wait3A_950 = arith.constant 2 : i32
        %dma_wait3A_951 = arith.constant 0 : i32
        %dma_wait3A_952 = arith.constant 0 : i32
        %dma_wait3A_953 = tpu.memref_slice %arg7[%dma_wait3A_949, %dma_wait3A_950, %dma_wait3A_952] : memref<2x3x128xi32, #tpu.memory_space<vmem>> -> memref<1x1x128xi32, #tpu.memory_space<vmem>>
        %dma_wait3A_954 = tpu.memref_squeeze %dma_wait3A_953 : memref<1x1x128xi32, #tpu.memory_space<vmem>> -> memref<128xi32, #tpu.memory_space<vmem>>
        %dma_wait3A_955 = tpu.memref_slice %arg2[%dma_wait3A_948, %multiple_of3A_947] : memref<2x320000xi32, #tpu.memory_space<hbm>> -> memref<1x128xi32, #tpu.memory_space<hbm>>
        %dma_wait3A_956 = tpu.memref_squeeze %dma_wait3A_955 : memref<1x128xi32, #tpu.memory_space<hbm>> -> memref<128xi32, #tpu.memory_space<hbm>>
        %dma_wait3A_957 = tpu.memref_slice %arg10[%dma_wait3A_951] : memref<2x!tpu.dma_semaphore, #tpu.memory_space<semaphore_mem>> -> memref<1x!tpu.dma_semaphore, #tpu.memory_space<semaphore_mem>>
        %dma_wait3A_958 = tpu.memref_squeeze %dma_wait3A_957 : memref<1x!tpu.dma_semaphore, #tpu.memory_space<semaphore_mem>> -> memref<!tpu.dma_semaphore, #tpu.memory_space<semaphore_mem>>
        %dma_wait3A_959 = arith.constant 0 : i32
        %dma_wait3A_960 = tpu.memref_slice %arg7[%dma_wait3A_949, %dma_wait3A_950, %dma_wait3A_959] : memref<2x3x128xi32, #tpu.memory_space<vmem>> -> memref<1x1x128xi32, #tpu.memory_space<vmem>>
        %dma_wait3A_961 = tpu.memref_squeeze %dma_wait3A_960 : memref<1x1x128xi32, #tpu.memory_space<vmem>> -> memref<128xi32, #tpu.memory_space<vmem>>
        %dma_wait3A_962 = tpu.memref_slice %arg2[%dma_wait3A_948, %multiple_of3A_947] : memref<2x320000xi32, #tpu.memory_space<hbm>> -> memref<1x128xi32, #tpu.memory_space<hbm>>
        %dma_wait3A_963 = tpu.memref_squeeze %dma_wait3A_962 : memref<1x128xi32, #tpu.memory_space<hbm>> -> memref<128xi32, #tpu.memory_space<hbm>>
        tpu.wait_dma2 semaphore(%dma_wait3A_958 : memref<!tpu.dma_semaphore, #tpu.memory_space<semaphore_mem>>) src(%dma_wait3A_963 : memref<128xi32, #tpu.memory_space<hbm>>) dst(%dma_wait3A_961 : memref<128xi32, #tpu.memory_space<vmem>>)
        %dma_start3A_964 = arith.constant 0 : i32
        %dma_start3A_965 = arith.constant 0 : i32
        %dma_start3A_966 = arith.constant 0 : i32
        %dma_start3A_967 = arith.constant 0 : i32
        %dma_start3A_968 = arith.constant 0 : i32
        %dma_start3A_969 = arith.constant 0 : i32
        %dma_start3A_970 = tpu.memref_slice %arg8[%dma_start3A_966, %dma_start3A_968, %dma_start3A_969] : memref<2x128x128xf32, #tpu.memory_space<vmem>> -> memref<1x128x128xf32, #tpu.memory_space<vmem>>
        %dma_start3A_971 = tpu.memref_squeeze %dma_start3A_970 : memref<1x128x128xf32, #tpu.memory_space<vmem>> -> memref<128x128xf32, #tpu.memory_space<vmem>>
        %dma_start3A_972 = arith.constant 0 : i32
        %dma_start3A_973 = tpu.memref_slice %arg6[%dma_start3A_964, %dma_start3A_965, %dma_start3A_972] : memref<2x3x128xi32, #tpu.memory_space<vmem>> -> memref<1x1x128xi32, #tpu.memory_space<vmem>>
        %dma_start3A_974 = tpu.memref_squeeze %dma_start3A_973 : memref<1x1x128xi32, #tpu.memory_space<vmem>> -> memref<128xi32, #tpu.memory_space<vmem>>
        %dma_start3A_975 = arith.constant 0 : i32
        %dma_start3A_976 = arith.constant 0 : i32
        %dma_start3A_977 = tpu.memref_slice %arg3[%dma_start3A_975, %dma_start3A_976] : memref<10000x128xf32, #tpu.memory_space<hbm>> -> memref<10000x128xf32, #tpu.memory_space<hbm>>
        %dma_start3A_978 = tpu.memref_slice %arg11[%dma_start3A_967] : memref<2x!tpu.dma_semaphore, #tpu.memory_space<semaphore_mem>> -> memref<1x!tpu.dma_semaphore, #tpu.memory_space<semaphore_mem>>
        %dma_start3A_979 = tpu.memref_squeeze %dma_start3A_978 : memref<1x!tpu.dma_semaphore, #tpu.memory_space<semaphore_mem>> -> memref<!tpu.dma_semaphore, #tpu.memory_space<semaphore_mem>>
        tpu.enqueue_indirect_dma source(%dma_start3A_977 : memref<10000x128xf32, #tpu.memory_space<hbm>>) target(%dma_start3A_971 : memref<128x128xf32, #tpu.memory_space<vmem>>) offsets(%dma_start3A_974 : memref<128xi32, #tpu.memory_space<vmem>>) semaphore(%dma_start3A_979 : memref<!tpu.dma_semaphore, #tpu.memory_space<semaphore_mem>>)
      } else {
      }
      %dma_wait3A_794 = arith.constant 1 : i32
      %dma_wait3A_795 = arith.constant 2 : i32
      %dma_wait3A_796 = arith.constant 1 : i32
      %dma_wait3A_797 = arith.constant 1 : i32
      %dma_wait3A_798 = arith.constant 0 : i32
      %dma_wait3A_799 = arith.constant 0 : i32
      %dma_wait3A_800 = tpu.memref_slice %arg8[%dma_wait3A_796, %dma_wait3A_798, %dma_wait3A_799] : memref<2x128x128xf32, #tpu.memory_space<vmem>> -> memref<1x128x128xf32, #tpu.memory_space<vmem>>
      %dma_wait3A_801 = tpu.memref_squeeze %dma_wait3A_800 : memref<1x128x128xf32, #tpu.memory_space<vmem>> -> memref<128x128xf32, #tpu.memory_space<vmem>>
      %dma_wait3A_802 = arith.constant 0 : i32
      %dma_wait3A_803 = tpu.memref_slice %arg6[%dma_wait3A_794, %dma_wait3A_795, %dma_wait3A_802] : memref<2x3x128xi32, #tpu.memory_space<vmem>> -> memref<1x1x128xi32, #tpu.memory_space<vmem>>
      %dma_wait3A_804 = tpu.memref_squeeze %dma_wait3A_803 : memref<1x1x128xi32, #tpu.memory_space<vmem>> -> memref<128xi32, #tpu.memory_space<vmem>>
      %dma_wait3A_805 = arith.constant 0 : i32
      %dma_wait3A_806 = arith.constant 0 : i32
      %dma_wait3A_807 = tpu.memref_slice %arg3[%dma_wait3A_805, %dma_wait3A_806] : memref<10000x128xf32, #tpu.memory_space<hbm>> -> memref<10000x128xf32, #tpu.memory_space<hbm>>
      %dma_wait3A_808 = tpu.memref_slice %arg11[%dma_wait3A_797] : memref<2x!tpu.dma_semaphore, #tpu.memory_space<semaphore_mem>> -> memref<1x!tpu.dma_semaphore, #tpu.memory_space<semaphore_mem>>
      %dma_wait3A_809 = tpu.memref_squeeze %dma_wait3A_808 : memref<1x!tpu.dma_semaphore, #tpu.memory_space<semaphore_mem>> -> memref<!tpu.dma_semaphore, #tpu.memory_space<semaphore_mem>>
      tpu.wait_indirect_dma semaphore(%dma_wait3A_809 : memref<!tpu.dma_semaphore, #tpu.memory_space<semaphore_mem>>) src(%dma_wait3A_807 : memref<10000x128xf32, #tpu.memory_space<hbm>>) dst(%dma_wait3A_801 : memref<128x128xf32, #tpu.memory_space<vmem>>)
      %dma_start3A_810 = arith.constant 1 : i32
      %dma_start3A_811 = arith.constant 1 : i32
      %dma_start3A_812 = arith.constant 2 : i32
      %dma_start3A_813 = arith.constant 1 : i32
      %dma_start3A_814 = arith.constant 0 : i32
      %dma_start3A_815 = arith.constant 0 : i32
      %dma_start3A_816 = tpu.memref_slice %arg8[%dma_start3A_810, %dma_start3A_814, %dma_start3A_815] : memref<2x128x128xf32, #tpu.memory_space<vmem>> -> memref<1x128x128xf32, #tpu.memory_space<vmem>>
      %dma_start3A_817 = tpu.memref_squeeze %dma_start3A_816 : memref<1x128x128xf32, #tpu.memory_space<vmem>> -> memref<128x128xf32, #tpu.memory_space<vmem>>
      %dma_start3A_818 = arith.constant 0 : i32
      %dma_start3A_819 = tpu.memref_slice %arg7[%dma_start3A_811, %dma_start3A_812, %dma_start3A_818] : memref<2x3x128xi32, #tpu.memory_space<vmem>> -> memref<1x1x128xi32, #tpu.memory_space<vmem>>
      %dma_start3A_820 = tpu.memref_squeeze %dma_start3A_819 : memref<1x1x128xi32, #tpu.memory_space<vmem>> -> memref<128xi32, #tpu.memory_space<vmem>>
      %dma_start3A_821 = arith.constant 0 : i32
      %dma_start3A_822 = arith.constant 0 : i32
      %dma_start3A_823 = tpu.memref_slice %arg9[%dma_start3A_821, %dma_start3A_822] : memref<10240x128xf32, #tpu.memory_space<vmem_shared>> -> memref<10240x128xf32, #tpu.memory_space<vmem_shared>>
      %dma_start3A_824 = tpu.memref_slice %arg12[%dma_start3A_813] : memref<2x!tpu.dma_semaphore, #tpu.memory_space<semaphore_mem>> -> memref<1x!tpu.dma_semaphore, #tpu.memory_space<semaphore_mem>>
      %dma_start3A_825 = tpu.memref_squeeze %dma_start3A_824 : memref<1x!tpu.dma_semaphore, #tpu.memory_space<semaphore_mem>> -> memref<!tpu.dma_semaphore, #tpu.memory_space<semaphore_mem>>
      tpu.enqueue_indirect_dma source(%dma_start3A_817 : memref<128x128xf32, #tpu.memory_space<vmem>>) target(%dma_start3A_823 : memref<10240x128xf32, #tpu.memory_space<vmem_shared>>) offsets(%dma_start3A_820 : memref<128xi32, #tpu.memory_space<vmem>>) semaphore(%dma_start3A_825 : memref<!tpu.dma_semaphore, #tpu.memory_space<semaphore_mem>>) {add = true}
      %scan3A_826 = arith.constant 0 : i32
      scf.yield %scan3A_826 : i32
    }
    %scan3A_446 = arith.constant 13 : i32
    %dma_wait3A_447 = arith.constant 1 : i32
    %dma_wait3A_448 = arith.constant 1 : i32
    %dma_wait3A_449 = arith.constant 2 : i32
    %dma_wait3A_450 = arith.constant 1 : i32
    %dma_wait3A_451 = arith.constant 0 : i32
    %dma_wait3A_452 = arith.constant 0 : i32
    %dma_wait3A_453 = tpu.memref_slice %arg8[%dma_wait3A_447, %dma_wait3A_451, %dma_wait3A_452] : memref<2x128x128xf32, #tpu.memory_space<vmem>> -> memref<1x128x128xf32, #tpu.memory_space<vmem>>
    %dma_wait3A_454 = tpu.memref_squeeze %dma_wait3A_453 : memref<1x128x128xf32, #tpu.memory_space<vmem>> -> memref<128x128xf32, #tpu.memory_space<vmem>>
    %dma_wait3A_455 = arith.constant 0 : i32
    %dma_wait3A_456 = tpu.memref_slice %arg7[%dma_wait3A_448, %dma_wait3A_449, %dma_wait3A_455] : memref<2x3x128xi32, #tpu.memory_space<vmem>> -> memref<1x1x128xi32, #tpu.memory_space<vmem>>
    %dma_wait3A_457 = tpu.memref_squeeze %dma_wait3A_456 : memref<1x1x128xi32, #tpu.memory_space<vmem>> -> memref<128xi32, #tpu.memory_space<vmem>>
    %dma_wait3A_458 = arith.constant 0 : i32
    %dma_wait3A_459 = arith.constant 0 : i32
    %dma_wait3A_460 = tpu.memref_slice %arg9[%dma_wait3A_458, %dma_wait3A_459] : memref<10240x128xf32, #tpu.memory_space<vmem_shared>> -> memref<10240x128xf32, #tpu.memory_space<vmem_shared>>
    %dma_wait3A_461 = tpu.memref_slice %arg12[%dma_wait3A_450] : memref<2x!tpu.dma_semaphore, #tpu.memory_space<semaphore_mem>> -> memref<1x!tpu.dma_semaphore, #tpu.memory_space<semaphore_mem>>
    %dma_wait3A_462 = tpu.memref_squeeze %dma_wait3A_461 : memref<1x!tpu.dma_semaphore, #tpu.memory_space<semaphore_mem>> -> memref<!tpu.dma_semaphore, #tpu.memory_space<semaphore_mem>>
    tpu.wait_indirect_dma semaphore(%dma_wait3A_462 : memref<!tpu.dma_semaphore, #tpu.memory_space<semaphore_mem>>) src(%dma_wait3A_454 : memref<128x128xf32, #tpu.memory_space<vmem>>) dst(%dma_wait3A_460 : memref<10240x128xf32, #tpu.memory_space<vmem_shared>>)
    %lt3A = arith.constant 4 : i32
    %lt3A_463 = arith.cmpi slt, %add3A, %lt3A : i32
    %convert_element_type3A = arith.extui %lt3A_463 : i1 to i32
    %cond3A = arith.constant 0 : i32
    %cond3A_464 = arith.cmpi ne, %convert_element_type3A, %cond3A : i32
    scf.if %cond3A_464 {
      %add3A_475 = arith.constant 2496 : i32
      %add3A_476 = arith.addi %add3A_475, %add3A : i32
      %mul3A_477 = arith.constant 128 : i32
      %mul3A_478 = arith.muli %add3A_476, %mul3A_477 : i32
      %multiple_of3A_479 = tpu.assume_multiple %mul3A_478, 128 : i32
      %dma_start3A_480 = arith.constant 0 : i32
      %dma_start3A_481 = arith.constant 0 : i32
      %dma_start3A_482 = arith.constant 0 : i32
      %dma_start3A_483 = arith.constant 0 : i32
      %dma_start3A_484 = arith.constant 0 : i32
      %dma_start3A_485 = tpu.memref_slice %arg6[%dma_start3A_481, %dma_start3A_482, %dma_start3A_484] : memref<2x3x128xi32, #tpu.memory_space<vmem>> -> memref<1x1x128xi32, #tpu.memory_space<vmem>>
      %dma_start3A_486 = tpu.memref_squeeze %dma_start3A_485 : memref<1x1x128xi32, #tpu.memory_space<vmem>> -> memref<128xi32, #tpu.memory_space<vmem>>
      %dma_start3A_487 = tpu.memref_slice %arg2[%dma_start3A_480, %multiple_of3A_479] : memref<2x320000xi32, #tpu.memory_space<hbm>> -> memref<1x128xi32, #tpu.memory_space<hbm>>
      %dma_start3A_488 = tpu.memref_squeeze %dma_start3A_487 : memref<1x128xi32, #tpu.memory_space<hbm>> -> memref<128xi32, #tpu.memory_space<hbm>>
      %dma_start3A_489 = tpu.memref_slice %arg10[%dma_start3A_483] : memref<2x!tpu.dma_semaphore, #tpu.memory_space<semaphore_mem>> -> memref<1x!tpu.dma_semaphore, #tpu.memory_space<semaphore_mem>>
      %dma_start3A_490 = tpu.memref_squeeze %dma_start3A_489 : memref<1x!tpu.dma_semaphore, #tpu.memory_space<semaphore_mem>> -> memref<!tpu.dma_semaphore, #tpu.memory_space<semaphore_mem>>
      %dma_start3A_491 = arith.constant 0 : i32
      %dma_start3A_492 = tpu.memref_slice %arg6[%dma_start3A_481, %dma_start3A_482, %dma_start3A_491] : memref<2x3x128xi32, #tpu.memory_space<vmem>> -> memref<1x1x128xi32, #tpu.memory_space<vmem>>
      %dma_start3A_493 = tpu.memref_squeeze %dma_start3A_492 : memref<1x1x128xi32, #tpu.memory_space<vmem>> -> memref<128xi32, #tpu.memory_space<vmem>>
      %dma_start3A_494 = tpu.memref_slice %arg2[%dma_start3A_480, %multiple_of3A_479] : memref<2x320000xi32, #tpu.memory_space<hbm>> -> memref<1x128xi32, #tpu.memory_space<hbm>>
      %dma_start3A_495 = tpu.memref_squeeze %dma_start3A_494 : memref<1x128xi32, #tpu.memory_space<hbm>> -> memref<128xi32, #tpu.memory_space<hbm>>
      tpu.enqueue_dma source(%dma_start3A_495 : memref<128xi32, #tpu.memory_space<hbm>>) target(%dma_start3A_493 : memref<128xi32, #tpu.memory_space<vmem>>) target_semaphore(%dma_start3A_490 : memref<!tpu.dma_semaphore, #tpu.memory_space<semaphore_mem>>)
      %mul3A_496 = arith.constant 128 : i32
      %mul3A_497 = arith.muli %add3A_476, %mul3A_496 : i32
      %multiple_of3A_498 = tpu.assume_multiple %mul3A_497, 128 : i32
      %dma_start3A_499 = arith.constant 1 : i32
      %dma_start3A_500 = arith.constant 0 : i32
      %dma_start3A_501 = arith.constant 0 : i32
      %dma_start3A_502 = arith.constant 0 : i32
      %dma_start3A_503 = arith.constant 0 : i32
      %dma_start3A_504 = tpu.memref_slice %arg7[%dma_start3A_500, %dma_start3A_501, %dma_start3A_503] : memref<2x3x128xi32, #tpu.memory_space<vmem>> -> memref<1x1x128xi32, #tpu.memory_space<vmem>>
      %dma_start3A_505 = tpu.memref_squeeze %dma_start3A_504 : memref<1x1x128xi32, #tpu.memory_space<vmem>> -> memref<128xi32, #tpu.memory_space<vmem>>
      %dma_start3A_506 = tpu.memref_slice %arg2[%dma_start3A_499, %multiple_of3A_498] : memref<2x320000xi32, #tpu.memory_space<hbm>> -> memref<1x128xi32, #tpu.memory_space<hbm>>
      %dma_start3A_507 = tpu.memref_squeeze %dma_start3A_506 : memref<1x128xi32, #tpu.memory_space<hbm>> -> memref<128xi32, #tpu.memory_space<hbm>>
      %dma_start3A_508 = tpu.memref_slice %arg10[%dma_start3A_502] : memref<2x!tpu.dma_semaphore, #tpu.memory_space<semaphore_mem>> -> memref<1x!tpu.dma_semaphore, #tpu.memory_space<semaphore_mem>>
      %dma_start3A_509 = tpu.memref_squeeze %dma_start3A_508 : memref<1x!tpu.dma_semaphore, #tpu.memory_space<semaphore_mem>> -> memref<!tpu.dma_semaphore, #tpu.memory_space<semaphore_mem>>
      %dma_start3A_510 = arith.constant 0 : i32
      %dma_start3A_511 = tpu.memref_slice %arg7[%dma_start3A_500, %dma_start3A_501, %dma_start3A_510] : memref<2x3x128xi32, #tpu.memory_space<vmem>> -> memref<1x1x128xi32, #tpu.memory_space<vmem>>
      %dma_start3A_512 = tpu.memref_squeeze %dma_start3A_511 : memref<1x1x128xi32, #tpu.memory_space<vmem>> -> memref<128xi32, #tpu.memory_space<vmem>>
      %dma_start3A_513 = tpu.memref_slice %arg2[%dma_start3A_499, %multiple_of3A_498] : memref<2x320000xi32, #tpu.memory_space<hbm>> -> memref<1x128xi32, #tpu.memory_space<hbm>>
      %dma_start3A_514 = tpu.memref_squeeze %dma_start3A_513 : memref<1x128xi32, #tpu.memory_space<hbm>> -> memref<128xi32, #tpu.memory_space<hbm>>
      tpu.enqueue_dma source(%dma_start3A_514 : memref<128xi32, #tpu.memory_space<hbm>>) target(%dma_start3A_512 : memref<128xi32, #tpu.memory_space<vmem>>) target_semaphore(%dma_start3A_509 : memref<!tpu.dma_semaphore, #tpu.memory_space<semaphore_mem>>)
      %mul3A_515 = arith.constant 128 : i32
      %mul3A_516 = arith.muli %add3A_476, %mul3A_515 : i32
      %multiple_of3A_517 = tpu.assume_multiple %mul3A_516, 128 : i32
      %dma_wait3A_518 = arith.constant 0 : i32
      %dma_wait3A_519 = arith.constant 0 : i32
      %dma_wait3A_520 = arith.constant 0 : i32
      %dma_wait3A_521 = arith.constant 0 : i32
      %dma_wait3A_522 = arith.constant 0 : i32
      %dma_wait3A_523 = tpu.memref_slice %arg6[%dma_wait3A_519, %dma_wait3A_520, %dma_wait3A_522] : memref<2x3x128xi32, #tpu.memory_space<vmem>> -> memref<1x1x128xi32, #tpu.memory_space<vmem>>
      %dma_wait3A_524 = tpu.memref_squeeze %dma_wait3A_523 : memref<1x1x128xi32, #tpu.memory_space<vmem>> -> memref<128xi32, #tpu.memory_space<vmem>>
      %dma_wait3A_525 = tpu.memref_slice %arg2[%dma_wait3A_518, %multiple_of3A_517] : memref<2x320000xi32, #tpu.memory_space<hbm>> -> memref<1x128xi32, #tpu.memory_space<hbm>>
      %dma_wait3A_526 = tpu.memref_squeeze %dma_wait3A_525 : memref<1x128xi32, #tpu.memory_space<hbm>> -> memref<128xi32, #tpu.memory_space<hbm>>
      %dma_wait3A_527 = tpu.memref_slice %arg10[%dma_wait3A_521] : memref<2x!tpu.dma_semaphore, #tpu.memory_space<semaphore_mem>> -> memref<1x!tpu.dma_semaphore, #tpu.memory_space<semaphore_mem>>
      %dma_wait3A_528 = tpu.memref_squeeze %dma_wait3A_527 : memref<1x!tpu.dma_semaphore, #tpu.memory_space<semaphore_mem>> -> memref<!tpu.dma_semaphore, #tpu.memory_space<semaphore_mem>>
      %dma_wait3A_529 = arith.constant 0 : i32
      %dma_wait3A_530 = tpu.memref_slice %arg6[%dma_wait3A_519, %dma_wait3A_520, %dma_wait3A_529] : memref<2x3x128xi32, #tpu.memory_space<vmem>> -> memref<1x1x128xi32, #tpu.memory_space<vmem>>
      %dma_wait3A_531 = tpu.memref_squeeze %dma_wait3A_530 : memref<1x1x128xi32, #tpu.memory_space<vmem>> -> memref<128xi32, #tpu.memory_space<vmem>>
      %dma_wait3A_532 = tpu.memref_slice %arg2[%dma_wait3A_518, %multiple_of3A_517] : memref<2x320000xi32, #tpu.memory_space<hbm>> -> memref<1x128xi32, #tpu.memory_space<hbm>>
      %dma_wait3A_533 = tpu.memref_squeeze %dma_wait3A_532 : memref<1x128xi32, #tpu.memory_space<hbm>> -> memref<128xi32, #tpu.memory_space<hbm>>
      tpu.wait_dma2 semaphore(%dma_wait3A_528 : memref<!tpu.dma_semaphore, #tpu.memory_space<semaphore_mem>>) src(%dma_wait3A_533 : memref<128xi32, #tpu.memory_space<hbm>>) dst(%dma_wait3A_531 : memref<128xi32, #tpu.memory_space<vmem>>)
      %mul3A_534 = arith.constant 128 : i32
      %mul3A_535 = arith.muli %add3A_476, %mul3A_534 : i32
      %multiple_of3A_536 = tpu.assume_multiple %mul3A_535, 128 : i32
      %dma_wait3A_537 = arith.constant 1 : i32
      %dma_wait3A_538 = arith.constant 0 : i32
      %dma_wait3A_539 = arith.constant 0 : i32
      %dma_wait3A_540 = arith.constant 0 : i32
      %dma_wait3A_541 = arith.constant 0 : i32
      %dma_wait3A_542 = tpu.memref_slice %arg7[%dma_wait3A_538, %dma_wait3A_539, %dma_wait3A_541] : memref<2x3x128xi32, #tpu.memory_space<vmem>> -> memref<1x1x128xi32, #tpu.memory_space<vmem>>
      %dma_wait3A_543 = tpu.memref_squeeze %dma_wait3A_542 : memref<1x1x128xi32, #tpu.memory_space<vmem>> -> memref<128xi32, #tpu.memory_space<vmem>>
      %dma_wait3A_544 = tpu.memref_slice %arg2[%dma_wait3A_537, %multiple_of3A_536] : memref<2x320000xi32, #tpu.memory_space<hbm>> -> memref<1x128xi32, #tpu.memory_space<hbm>>
      %dma_wait3A_545 = tpu.memref_squeeze %dma_wait3A_544 : memref<1x128xi32, #tpu.memory_space<hbm>> -> memref<128xi32, #tpu.memory_space<hbm>>
      %dma_wait3A_546 = tpu.memref_slice %arg10[%dma_wait3A_540] : memref<2x!tpu.dma_semaphore, #tpu.memory_space<semaphore_mem>> -> memref<1x!tpu.dma_semaphore, #tpu.memory_space<semaphore_mem>>
      %dma_wait3A_547 = tpu.memref_squeeze %dma_wait3A_546 : memref<1x!tpu.dma_semaphore, #tpu.memory_space<semaphore_mem>> -> memref<!tpu.dma_semaphore, #tpu.memory_space<semaphore_mem>>
      %dma_wait3A_548 = arith.constant 0 : i32
      %dma_wait3A_549 = tpu.memref_slice %arg7[%dma_wait3A_538, %dma_wait3A_539, %dma_wait3A_548] : memref<2x3x128xi32, #tpu.memory_space<vmem>> -> memref<1x1x128xi32, #tpu.memory_space<vmem>>
      %dma_wait3A_550 = tpu.memref_squeeze %dma_wait3A_549 : memref<1x1x128xi32, #tpu.memory_space<vmem>> -> memref<128xi32, #tpu.memory_space<vmem>>
      %dma_wait3A_551 = tpu.memref_slice %arg2[%dma_wait3A_537, %multiple_of3A_536] : memref<2x320000xi32, #tpu.memory_space<hbm>> -> memref<1x128xi32, #tpu.memory_space<hbm>>
      %dma_wait3A_552 = tpu.memref_squeeze %dma_wait3A_551 : memref<1x128xi32, #tpu.memory_space<hbm>> -> memref<128xi32, #tpu.memory_space<hbm>>
      tpu.wait_dma2 semaphore(%dma_wait3A_547 : memref<!tpu.dma_semaphore, #tpu.memory_space<semaphore_mem>>) src(%dma_wait3A_552 : memref<128xi32, #tpu.memory_space<hbm>>) dst(%dma_wait3A_550 : memref<128xi32, #tpu.memory_space<vmem>>)
      %dma_start3A_553 = arith.constant 0 : i32
      %dma_start3A_554 = arith.constant 0 : i32
      %dma_start3A_555 = arith.constant 0 : i32
      %dma_start3A_556 = arith.constant 0 : i32
      %dma_start3A_557 = arith.constant 0 : i32
      %dma_start3A_558 = arith.constant 0 : i32
      %dma_start3A_559 = tpu.memref_slice %arg8[%dma_start3A_555, %dma_start3A_557, %dma_start3A_558] : memref<2x128x128xf32, #tpu.memory_space<vmem>> -> memref<1x128x128xf32, #tpu.memory_space<vmem>>
      %dma_start3A_560 = tpu.memref_squeeze %dma_start3A_559 : memref<1x128x128xf32, #tpu.memory_space<vmem>> -> memref<128x128xf32, #tpu.memory_space<vmem>>
      %dma_start3A_561 = arith.constant 0 : i32
      %dma_start3A_562 = tpu.memref_slice %arg6[%dma_start3A_553, %dma_start3A_554, %dma_start3A_561] : memref<2x3x128xi32, #tpu.memory_space<vmem>> -> memref<1x1x128xi32, #tpu.memory_space<vmem>>
      %dma_start3A_563 = tpu.memref_squeeze %dma_start3A_562 : memref<1x1x128xi32, #tpu.memory_space<vmem>> -> memref<128xi32, #tpu.memory_space<vmem>>
      %dma_start3A_564 = arith.constant 0 : i32
      %dma_start3A_565 = arith.constant 0 : i32
      %dma_start3A_566 = tpu.memref_slice %arg3[%dma_start3A_564, %dma_start3A_565] : memref<10000x128xf32, #tpu.memory_space<hbm>> -> memref<10000x128xf32, #tpu.memory_space<hbm>>
      %dma_start3A_567 = tpu.memref_slice %arg11[%dma_start3A_556] : memref<2x!tpu.dma_semaphore, #tpu.memory_space<semaphore_mem>> -> memref<1x!tpu.dma_semaphore, #tpu.memory_space<semaphore_mem>>
      %dma_start3A_568 = tpu.memref_squeeze %dma_start3A_567 : memref<1x!tpu.dma_semaphore, #tpu.memory_space<semaphore_mem>> -> memref<!tpu.dma_semaphore, #tpu.memory_space<semaphore_mem>>
      tpu.enqueue_indirect_dma source(%dma_start3A_566 : memref<10000x128xf32, #tpu.memory_space<hbm>>) target(%dma_start3A_560 : memref<128x128xf32, #tpu.memory_space<vmem>>) offsets(%dma_start3A_563 : memref<128xi32, #tpu.memory_space<vmem>>) semaphore(%dma_start3A_568 : memref<!tpu.dma_semaphore, #tpu.memory_space<semaphore_mem>>)
      %dma_wait3A_569 = arith.constant 0 : i32
      %dma_wait3A_570 = arith.constant 0 : i32
      %dma_wait3A_571 = arith.constant 0 : i32
      %dma_wait3A_572 = arith.constant 0 : i32
      %dma_wait3A_573 = arith.constant 0 : i32
      %dma_wait3A_574 = arith.constant 0 : i32
      %dma_wait3A_575 = tpu.memref_slice %arg8[%dma_wait3A_571, %dma_wait3A_573, %dma_wait3A_574] : memref<2x128x128xf32, #tpu.memory_space<vmem>> -> memref<1x128x128xf32, #tpu.memory_space<vmem>>
      %dma_wait3A_576 = tpu.memref_squeeze %dma_wait3A_575 : memref<1x128x128xf32, #tpu.memory_space<vmem>> -> memref<128x128xf32, #tpu.memory_space<vmem>>
      %dma_wait3A_577 = arith.constant 0 : i32
      %dma_wait3A_578 = tpu.memref_slice %arg6[%dma_wait3A_569, %dma_wait3A_570, %dma_wait3A_577] : memref<2x3x128xi32, #tpu.memory_space<vmem>> -> memref<1x1x128xi32, #tpu.memory_space<vmem>>
      %dma_wait3A_579 = tpu.memref_squeeze %dma_wait3A_578 : memref<1x1x128xi32, #tpu.memory_space<vmem>> -> memref<128xi32, #tpu.memory_space<vmem>>
      %dma_wait3A_580 = arith.constant 0 : i32
      %dma_wait3A_581 = arith.constant 0 : i32
      %dma_wait3A_582 = tpu.memref_slice %arg3[%dma_wait3A_580, %dma_wait3A_581] : memref<10000x128xf32, #tpu.memory_space<hbm>> -> memref<10000x128xf32, #tpu.memory_space<hbm>>
      %dma_wait3A_583 = tpu.memref_slice %arg11[%dma_wait3A_572] : memref<2x!tpu.dma_semaphore, #tpu.memory_space<semaphore_mem>> -> memref<1x!tpu.dma_semaphore, #tpu.memory_space<semaphore_mem>>
      %dma_wait3A_584 = tpu.memref_squeeze %dma_wait3A_583 : memref<1x!tpu.dma_semaphore, #tpu.memory_space<semaphore_mem>> -> memref<!tpu.dma_semaphore, #tpu.memory_space<semaphore_mem>>
      tpu.wait_indirect_dma semaphore(%dma_wait3A_584 : memref<!tpu.dma_semaphore, #tpu.memory_space<semaphore_mem>>) src(%dma_wait3A_582 : memref<10000x128xf32, #tpu.memory_space<hbm>>) dst(%dma_wait3A_576 : memref<128x128xf32, #tpu.memory_space<vmem>>)
      %run_scoped3A_585 = arith.constant 0 : i32
      %run_scoped3A_586 = arith.constant 0 : i32
      %run_scoped3A_587 = arith.constant 0 : i32
      "tpu.region"() ({
        %run_scoped3A_588 = tpu.sem_alloc : memref<!tpu.dma_semaphore, #tpu.memory_space<semaphore_mem>>
        %dma_start3A_589 = arith.constant 0 : i32
        %dma_start3A_590 = arith.constant 0 : i32
        %dma_start3A_591 = tpu.memref_slice %arg8[%run_scoped3A_585, %dma_start3A_589, %dma_start3A_590] : memref<2x128x128xf32, #tpu.memory_space<vmem>> -> memref<1x128x128xf32, #tpu.memory_space<vmem>>
        %dma_start3A_592 = tpu.memref_squeeze %dma_start3A_591 : memref<1x128x128xf32, #tpu.memory_space<vmem>> -> memref<128x128xf32, #tpu.memory_space<vmem>>
        %dma_start3A_593 = arith.constant 0 : i32
        %dma_start3A_594 = tpu.memref_slice %arg7[%run_scoped3A_586, %run_scoped3A_587, %dma_start3A_593] : memref<2x3x128xi32, #tpu.memory_space<vmem>> -> memref<1x1x128xi32, #tpu.memory_space<vmem>>
        %dma_start3A_595 = tpu.memref_squeeze %dma_start3A_594 : memref<1x1x128xi32, #tpu.memory_space<vmem>> -> memref<128xi32, #tpu.memory_space<vmem>>
        %dma_start3A_596 = arith.constant 0 : i32
        %dma_start3A_597 = arith.constant 0 : i32
        %dma_start3A_598 = tpu.memref_slice %arg9[%dma_start3A_596, %dma_start3A_597] : memref<10240x128xf32, #tpu.memory_space<vmem_shared>> -> memref<10240x128xf32, #tpu.memory_space<vmem_shared>>
        tpu.enqueue_indirect_dma source(%dma_start3A_592 : memref<128x128xf32, #tpu.memory_space<vmem>>) target(%dma_start3A_598 : memref<10240x128xf32, #tpu.memory_space<vmem_shared>>) offsets(%dma_start3A_595 : memref<128xi32, #tpu.memory_space<vmem>>) semaphore(%run_scoped3A_588 : memref<!tpu.dma_semaphore, #tpu.memory_space<semaphore_mem>>) {add = true}
        %dma_wait3A_599 = arith.constant 0 : i32
        %dma_wait3A_600 = arith.constant 0 : i32
        %dma_wait3A_601 = tpu.memref_slice %arg8[%run_scoped3A_585, %dma_wait3A_599, %dma_wait3A_600] : memref<2x128x128xf32, #tpu.memory_space<vmem>> -> memref<1x128x128xf32, #tpu.memory_space<vmem>>
        %dma_wait3A_602 = tpu.memref_squeeze %dma_wait3A_601 : memref<1x128x128xf32, #tpu.memory_space<vmem>> -> memref<128x128xf32, #tpu.memory_space<vmem>>
        %dma_wait3A_603 = arith.constant 0 : i32
        %dma_wait3A_604 = tpu.memref_slice %arg7[%run_scoped3A_586, %run_scoped3A_587, %dma_wait3A_603] : memref<2x3x128xi32, #tpu.memory_space<vmem>> -> memref<1x1x128xi32, #tpu.memory_space<vmem>>
        %dma_wait3A_605 = tpu.memref_squeeze %dma_wait3A_604 : memref<1x1x128xi32, #tpu.memory_space<vmem>> -> memref<128xi32, #tpu.memory_space<vmem>>
        %dma_wait3A_606 = arith.constant 0 : i32
        %dma_wait3A_607 = arith.constant 0 : i32
        %dma_wait3A_608 = tpu.memref_slice %arg9[%dma_wait3A_606, %dma_wait3A_607] : memref<10240x128xf32, #tpu.memory_space<vmem_shared>> -> memref<10240x128xf32, #tpu.memory_space<vmem_shared>>
        tpu.wait_indirect_dma semaphore(%run_scoped3A_588 : memref<!tpu.dma_semaphore, #tpu.memory_space<semaphore_mem>>) src(%dma_wait3A_602 : memref<128x128xf32, #tpu.memory_space<vmem>>) dst(%dma_wait3A_608 : memref<10240x128xf32, #tpu.memory_space<vmem_shared>>)
        tpu.yield
      }) : () -> ()
    } else {
    }
    %barrier3A_465 = arith.constant 0 : index
    tpu.barrier barrier_id(%barrier3A_465)
    %eq3A = arith.constant 0 : i32
    %eq3A_466 = arith.cmpi eq, %arg0, %eq3A : i32
    %convert_element_type3A_467 = arith.extui %eq3A_466 : i1 to i32
    %cond3A_468 = arith.constant 0 : i32
    %cond3A_469 = arith.cmpi ne, %convert_element_type3A_467, %cond3A_468 : i32
    scf.if %cond3A_469 {
      %mul3A_475 = arith.constant 640 : i32
      %mul3A_476 = arith.muli %arg1, %mul3A_475 : i32
      %mul3A_477 = arith.constant 640 : i32
      %mul3A_478 = arith.muli %arg1, %mul3A_477 : i32
      "tpu.region"() ({
        %run_scoped3A_479 = tpu.sem_alloc : memref<!tpu.dma_semaphore, #tpu.memory_space<semaphore_mem>>
        %dma_start3A_480 = arith.constant 0 : i32
        %dma_start3A_481 = tpu.memref_slice %arg4[%mul3A_478, %dma_start3A_480] : memref<10240x128xf32, #tpu.memory_space<hbm>> -> memref<640x128xf32, #tpu.memory_space<hbm>>
        %dma_start3A_482 = arith.constant 0 : i32
        %dma_start3A_483 = tpu.memref_slice %arg9[%mul3A_476, %dma_start3A_482] : memref<10240x128xf32, #tpu.memory_space<vmem_shared>> -> memref<640x128xf32, #tpu.memory_space<vmem_shared>>
        tpu.enqueue_dma source(%dma_start3A_483 : memref<640x128xf32, #tpu.memory_space<vmem_shared>>) target(%dma_start3A_481 : memref<640x128xf32, #tpu.memory_space<hbm>>) target_semaphore(%run_scoped3A_479 : memref<!tpu.dma_semaphore, #tpu.memory_space<semaphore_mem>>)
        %dma_wait3A_484 = arith.constant 0 : i32
        %dma_wait3A_485 = tpu.memref_slice %arg4[%mul3A_478, %dma_wait3A_484] : memref<10240x128xf32, #tpu.memory_space<hbm>> -> memref<640x128xf32, #tpu.memory_space<hbm>>
        %dma_wait3A_486 = arith.constant 0 : i32
        %dma_wait3A_487 = tpu.memref_slice %arg9[%mul3A_476, %dma_wait3A_486] : memref<10240x128xf32, #tpu.memory_space<vmem_shared>> -> memref<640x128xf32, #tpu.memory_space<vmem_shared>>
        tpu.wait_dma2 semaphore(%run_scoped3A_479 : memref<!tpu.dma_semaphore, #tpu.memory_space<semaphore_mem>>) src(%dma_wait3A_487 : memref<640x128xf32, #tpu.memory_space<vmem_shared>>) dst(%dma_wait3A_485 : memref<640x128xf32, #tpu.memory_space<hbm>>)
        tpu.yield
      }) : () -> ()
    } else {
    }
    %eq3A_470 = arith.constant 1 : i32
    %eq3A_471 = arith.cmpi eq, %arg0, %eq3A_470 : i32
    %convert_element_type3A_472 = arith.extui %eq3A_471 : i1 to i32
    %cond3A_473 = arith.constant 0 : i32
    %cond3A_474 = arith.cmpi ne, %convert_element_type3A_472, %cond3A_473 : i32
    scf.if %cond3A_474 {
      %mul3A_475 = arith.constant 640 : i32
      %mul3A_476 = arith.muli %arg1, %mul3A_475 : i32
      %mul3A_477 = arith.constant 640 : i32
      %mul3A_478 = arith.muli %arg1, %mul3A_477 : i32
      "tpu.region"() ({
        %run_scoped3A_479 = tpu.sem_alloc : memref<!tpu.dma_semaphore, #tpu.memory_space<semaphore_mem>>
        %dma_start3A_480 = arith.constant 0 : i32
        %dma_start3A_481 = tpu.memref_slice %arg5[%mul3A_478, %dma_start3A_480] : memref<10240x128xf32, #tpu.memory_space<hbm>> -> memref<640x128xf32, #tpu.memory_space<hbm>>
        %dma_start3A_482 = arith.constant 0 : i32
        %dma_start3A_483 = tpu.memref_slice %arg9[%mul3A_476, %dma_start3A_482] : memref<10240x128xf32, #tpu.memory_space<vmem_shared>> -> memref<640x128xf32, #tpu.memory_space<vmem_shared>>
        tpu.enqueue_dma source(%dma_start3A_483 : memref<640x128xf32, #tpu.memory_space<vmem_shared>>) target(%dma_start3A_481 : memref<640x128xf32, #tpu.memory_space<hbm>>) target_semaphore(%run_scoped3A_479 : memref<!tpu.dma_semaphore, #tpu.memory_space<semaphore_mem>>)
        %dma_wait3A_484 = arith.constant 0 : i32
        %dma_wait3A_485 = tpu.memref_slice %arg5[%mul3A_478, %dma_wait3A_484] : memref<10240x128xf32, #tpu.memory_space<hbm>> -> memref<640x128xf32, #tpu.memory_space<hbm>>
        %dma_wait3A_486 = arith.constant 0 : i32
        %dma_wait3A_487 = tpu.memref_slice %arg9[%mul3A_476, %dma_wait3A_486] : memref<10240x128xf32, #tpu.memory_space<vmem_shared>> -> memref<640x128xf32, #tpu.memory_space<vmem_shared>>
        tpu.wait_dma2 semaphore(%run_scoped3A_479 : memref<!tpu.dma_semaphore, #tpu.memory_space<semaphore_mem>>) src(%dma_wait3A_487 : memref<640x128xf32, #tpu.memory_space<vmem_shared>>) dst(%dma_wait3A_485 : memref<640x128xf32, #tpu.memory_space<hbm>>)
        tpu.yield
      }) : () -> ()
    } else {
    }
    return
  }
}

module attributes {stable_mosaic.version = 14 : i64} {
  func.func @_comb_body(%arg0: i32, %arg1: memref<2000x128xf32, #tpu.memory_space<vmem>>, %arg2: memref<2000x128xf32, #tpu.memory_space<vmem>>, %arg3: memref<2000x128xf32, #tpu.memory_space<vmem>>, %arg4: memref<2000x1xf32, #tpu.memory_space<vmem>>, %arg5: memref<1x128xf32, #tpu.memory_space<vmem>>, %arg6: memref<2000x128xf32, #tpu.memory_space<vmem>>) attributes {dimension_semantics = [#tpu.dimension_semantics<arbitrary>], iteration_bounds = array<i64: 5>, scalar_prefetch = 0 : i64, scratch_operands = 0 : i64, tpu.core_type = #tpu.core_type<tc>, window_params = [{transform_indices = @transform_0, window_bounds = array<i64: 2000, 128>}, {transform_indices = @transform_1, window_bounds = array<i64: 2000, 128>}, {transform_indices = @transform_2, window_bounds = array<i64: 2000, 128>}, {transform_indices = @transform_3, window_bounds = array<i64: 2000, 1>}, {pipeline_mode = #tpu.pipeline_mode<synchronous>, transform_indices = @transform_4, window_bounds = array<i64: 1, 128>}, {transform_indices = @transform_5, window_bounds = array<i64: 2000, 128>}]} {
    %get3A = arith.constant 0 : index
    %get3A_0 = arith.constant 0 : index
    %get3A_1 = vector.load %arg4[%get3A, %get3A_0] : memref<2000x1xf32, #tpu.memory_space<vmem>>, vector<2000x1xf32>
    %get3A_2 = arith.constant 0 : index
    %get3A_3 = arith.constant 0 : index
    %get3A_4 = vector.load %arg1[%get3A_2, %get3A_3] : memref<2000x128xf32, #tpu.memory_space<vmem>>, vector<2000x128xf32>
    %get3A_5 = arith.constant 0 : index
    %get3A_6 = arith.constant 0 : index
    %get3A_7 = vector.load %arg2[%get3A_5, %get3A_6] : memref<2000x128xf32, #tpu.memory_space<vmem>>, vector<2000x128xf32>
    %add3A = arith.addf %get3A_4, %get3A_7 : vector<2000x128xf32>
    %get3A_8 = arith.constant 0 : index
    %get3A_9 = arith.constant 0 : index
    %get3A_10 = vector.load %arg3[%get3A_8, %get3A_9] : memref<2000x128xf32, #tpu.memory_space<vmem>>, vector<2000x128xf32>
    %add3A_11 = arith.addf %add3A, %get3A_10 : vector<2000x128xf32>
    %mul3A = vector.broadcast %get3A_1 : vector<2000x1xf32> to vector<2000x128xf32>
    %mul3A_12 = arith.mulf %mul3A, %add3A_11 : vector<2000x128xf32>
    %get3A_13 = arith.constant 0 : index
    %get3A_14 = arith.constant 0 : index
    %get3A_15 = vector.load %arg5[%get3A_13, %get3A_14] : memref<1x128xf32, #tpu.memory_space<vmem>>, vector<1x128xf32>
    %add3A_16 = vector.broadcast %get3A_15 : vector<1x128xf32> to vector<2000x128xf32>
    %add3A_17 = arith.addf %mul3A_12, %add3A_16 : vector<2000x128xf32>
    %swap3A = arith.constant 0 : index
    %swap3A_18 = arith.constant 0 : index
    %swap3A_19 = vector.load %arg6[%swap3A, %swap3A_18] : memref<2000x128xf32, #tpu.memory_space<vmem>>, vector<2000x128xf32>
    tpu.vector_store %arg6[%swap3A, %swap3A_18], %add3A_17 {strides = array<i32>} : memref<2000x128xf32, #tpu.memory_space<vmem>>, vector<2000x128xf32>,
    return
  }
  func.func @transform_0(%arg0: i32) -> (i32, i32) {
    %c0_i32 = arith.constant 0 : i32
    %c0_i32_0 = arith.constant 0 : i32
    return %arg0, %c0_i32 : i32, i32
  }
  func.func @transform_1(%arg0: i32) -> (i32, i32) {
    %c0_i32 = arith.constant 0 : i32
    %c0_i32_0 = arith.constant 0 : i32
    return %arg0, %c0_i32 : i32, i32
  }
  func.func @transform_2(%arg0: i32) -> (i32, i32) {
    %c0_i32 = arith.constant 0 : i32
    %c0_i32_0 = arith.constant 0 : i32
    return %arg0, %c0_i32 : i32, i32
  }
  func.func @transform_3(%arg0: i32) -> (i32, i32) {
    %c0_i32 = arith.constant 0 : i32
    %c0_i32_0 = arith.constant 0 : i32
    return %arg0, %c0_i32 : i32, i32
  }
  func.func @transform_4(%arg0: i32) -> (i32, i32) {
    %c0_i32 = arith.constant 0 : i32
    %c0_i32_0 = arith.constant 0 : i32
    %c0_i32_1 = arith.constant 0 : i32
    return %c0_i32, %c0_i32_0 : i32, i32
  }
  func.func @transform_5(%arg0: i32) -> (i32, i32) {
    %c0_i32 = arith.constant 0 : i32
    %c0_i32_0 = arith.constant 0 : i32
    return %arg0, %c0_i32 : i32, i32
  }
}

module attributes {stable_mosaic.version = 14 : i64} {
  func.func @_mm_body(%arg0: i32, %arg1: memref<2000x128xf32, #tpu.memory_space<vmem>>, %arg2: memref<128x128xf32, #tpu.memory_space<vmem>>, %arg3: memref<2000x1xf32, #tpu.memory_space<vmem>>, %arg4: memref<2000x1xf32, #tpu.memory_space<vmem>>, %arg5: memref<2000x128xf32, #tpu.memory_space<vmem>>, %arg6: memref<2000x1xf32, #tpu.memory_space<vmem>>) attributes {dimension_semantics = [#tpu.dimension_semantics<arbitrary>], iteration_bounds = array<i64: 5>, scalar_prefetch = 0 : i64, scratch_operands = 0 : i64, tpu.core_type = #tpu.core_type<tc>, window_params = [{transform_indices = @transform_0, window_bounds = array<i64: 2000, 128>}, {pipeline_mode = #tpu.pipeline_mode<synchronous>, transform_indices = @transform_1, window_bounds = array<i64: 128, 128>}, {transform_indices = @transform_2, window_bounds = array<i64: 2000, 1>}, {transform_indices = @transform_3, window_bounds = array<i64: 2000, 1>}, {transform_indices = @transform_4, window_bounds = array<i64: 2000, 128>}, {transform_indices = @transform_5, window_bounds = array<i64: 2000, 1>}]} {
    %get3A = arith.constant 0 : index
    %get3A_0 = arith.constant 0 : index
    %get3A_1 = vector.load %arg3[%get3A, %get3A_0] : memref<2000x1xf32, #tpu.memory_space<vmem>>, vector<2000x1xf32>
    %get3A_2 = arith.constant 0 : index
    %get3A_3 = arith.constant 0 : index
    %get3A_4 = vector.load %arg4[%get3A_2, %get3A_3] : memref<2000x1xf32, #tpu.memory_space<vmem>>, vector<2000x1xf32>
    %add3A = arith.addf %get3A_1, %get3A_4 : vector<2000x1xf32>
    %add3A_5 = arith.constant 1.000000e+00 : f32
    %add3A_6 = vector.broadcast %add3A_5 : f32 to vector<2000x1xf32>
    %add3A_7 = arith.addf %add3A, %add3A_6 : vector<2000x1xf32>
    %rsqrt3A = math.rsqrt %add3A_7 : vector<2000x1xf32>
    %get3A_8 = arith.constant 0 : index
    %get3A_9 = arith.constant 0 : index
    %get3A_10 = vector.load %arg1[%get3A_8, %get3A_9] : memref<2000x128xf32, #tpu.memory_space<vmem>>, vector<2000x128xf32>
    %get3A_11 = arith.constant 0 : index
    %get3A_12 = arith.constant 0 : index
    %get3A_13 = vector.load %arg2[%get3A_11, %get3A_12] : memref<128x128xf32, #tpu.memory_space<vmem>>, vector<128x128xf32>
    %dot_general3A = arith.constant dense<0.000000e+00> : vector<2000x128xf32>
    %dot_general3A_14 = tpu.matmul %get3A_10, %get3A_13, %dot_general3A {dimension_numbers = #tpu.dot_dimension_numbers<[1], [0], [0], [1], [0, 0, 1, 1], [], []>, transpose_lhs_hint = false} : vector<2000x128xf32>, vector<128x128xf32>, vector<2000x128xf32> -> vector<2000x128xf32>
    %mul3A = vector.broadcast %rsqrt3A : vector<2000x1xf32> to vector<2000x128xf32>
    %mul3A_15 = arith.mulf %dot_general3A_14, %mul3A : vector<2000x128xf32>
    %swap3A = arith.constant 0 : index
    %swap3A_16 = arith.constant 0 : index
    %swap3A_17 = vector.load %arg5[%swap3A, %swap3A_16] : memref<2000x128xf32, #tpu.memory_space<vmem>>, vector<2000x128xf32>
    tpu.vector_store %arg5[%swap3A, %swap3A_16], %mul3A_15 {strides = array<i32>} : memref<2000x128xf32, #tpu.memory_space<vmem>>, vector<2000x128xf32>,
    %swap3A_18 = arith.constant 0 : index
    %swap3A_19 = arith.constant 0 : index
    %swap3A_20 = vector.load %arg6[%swap3A_18, %swap3A_19] : memref<2000x1xf32, #tpu.memory_space<vmem>>, vector<2000x1xf32>
    tpu.vector_store %arg6[%swap3A_18, %swap3A_19], %rsqrt3A {strides = array<i32>} : memref<2000x1xf32, #tpu.memory_space<vmem>>, vector<2000x1xf32>,
    return
  }
  func.func @transform_0(%arg0: i32) -> (i32, i32) {
    %c0_i32 = arith.constant 0 : i32
    %c0_i32_0 = arith.constant 0 : i32
    return %arg0, %c0_i32 : i32, i32
  }
  func.func @transform_1(%arg0: i32) -> (i32, i32) {
    %c0_i32 = arith.constant 0 : i32
    %c0_i32_0 = arith.constant 0 : i32
    %c0_i32_1 = arith.constant 0 : i32
    return %c0_i32, %c0_i32_0 : i32, i32
  }
  func.func @transform_2(%arg0: i32) -> (i32, i32) {
    %c0_i32 = arith.constant 0 : i32
    %c0_i32_0 = arith.constant 0 : i32
    return %arg0, %c0_i32 : i32, i32
  }
  func.func @transform_3(%arg0: i32) -> (i32, i32) {
    %c0_i32 = arith.constant 0 : i32
    %c0_i32_0 = arith.constant 0 : i32
    return %arg0, %c0_i32 : i32, i32
  }
  func.func @transform_4(%arg0: i32) -> (i32, i32) {
    %c0_i32 = arith.constant 0 : i32
    %c0_i32_0 = arith.constant 0 : i32
    return %arg0, %c0_i32 : i32, i32
  }
  func.func @transform_5(%arg0: i32) -> (i32, i32) {
    %c0_i32 = arith.constant 0 : i32
    %c0_i32_0 = arith.constant 0 : i32
    return %arg0, %c0_i32 : i32, i32
  }
}

</mosaic_0001>

<sc_bundles>
// kernel: kernel.6.cloned.1.call-start
scs
__scs_entry_jumppad:
0x0: {  	(pc) =	sbr.rel $0x88, $3  }
0x1: {  	(tag) =	ssettag $0x0;
	lr =	simm.s32 $0x1  }
0x2: {  	[smem:$0x3F9D] =	sst lr;
	_ =	strace $0xD0000000  }
0x3: {  	_ = 	snop  }
0x4: {  	_ = 	snop  }
0x5: {  	_ = 	snop  }
0x6: {  	_ = 	snop  }
0x7: {  	_ = 	snop  }
__scs_overlays_trampoline_lowered:
0x8: {  	[smem:$0x3FAC] =	sst s0  }
0x9: {  	[smem:$0x3FAD] =	sst s1  }
0xa: {  	[smem:$0x3FAE] =	sst s2  }
0xb: {  	[smem:$0x3FAF] =	sst s3  }
0xc: {  	[smem:$0x3FB0] =	sst s4  }
0xd: {  	[smem:$0x3FB1] =	sst s5  }
0xe: {  	[smem:$0x3FB2] =	sst s6  }
0xf: {  	[smem:$0x3FB3] =	sst s7  }
0x10: {  	[smem:$0x3FB4] =	sst s8  }
0x11: {  	[smem:$0x3FB5] =	sst s9;
	s0 =	simm.s32 @!p0 $0x0  }
0x12: {  	s1 =	sld [smem:$0x3F9B];
	s0 =	simm.s32 @p0 $0x1  }
0x13: {  	[smem:$0x3FB6] =	sst s0;
	s0 =	simm.s32 @!p1 $0x0  }
0x14: {  	s2 =	sld [smem:$0x3F9A];
	s0 =	simm.s32 @p1 $0x1  }
0x15: {  	[smem:$0x3FB7] =	sst s0;
	s0 =	simm.s32 @!p2 $0x0  }
0x16: {  	s3 =	sld [smem:$0x3FDB];
	s0 =	simm.s32 @p2 $0x1  }
0x17: {  	s4 =	simm.s32 $0x1BF5;
	[smem:$0x3FB9] =	sst s0  }
0x18: {  	s0 =	sld [smem:$0x3F9C];
	_ =	swait.ge [sflag:s4], $0x0  }
0x19: {  	s7 =	sld [smem:$0x3F9D]  }
0x1a: {  	s8 =	sadd.s32 $0xFFFFE003, lr  }
0x1b: {  	s9 =	sadd.s32 $0xFFFFFEF7, lr;
	s5 =	simm.s32 $0xFFFFFFFF;
	p2 =	slt.u32 s8, $0xFFFFF086  }
0x1c: {  	p1 =	slt.u32 s9, $0xF7A;
	s5 =	simm.s32 @!p2 $0x0  }
0x1d: {  	s5 =	simm.s32 @p1 $0x1;
	p0 =	seq.s32 s7, s2  }
0x1e: {  	s7 =	smul.u32 @!p0 $0xF7A, s2;
	p2 =	seq.s32 @!p0 s5, $0x0  }
0x1f: {  	s9 =	smul.u32 $0xF7A, s1;
	s8 =	simm.s32 @!p0 $0x1BF5;
	p2 =	por !p2, p0  }
0x20: {  	[sflag:s8] =	ssyncset.s32 @!p0 $0xFFFFF086;
	s6 =	sadd.s32 @!p0 s3, s7;
	s7 =	simm.s32 @!p0 $0x108  }
0x21: {  	s3 =	sadd.s32 s3, s9;
	s6 =	sadd.s32 @!p0 $0x88, s6;
	s7 =	simm.s32 @p2 $0x1082  }
0x22: {  	[simem:s7], [sflag:s8] =	dma.local @!p0 [hbm:s6], $0xF7A  }
0x23: {  	s9 =	sor.u32 $0xD0000000, s2;
	s6 =	simm.s32 $0x108;
	_ =	swait.ge @!p0 [sflag:s8], $0x0  }
0x24: {  	s3 =	sadd.s32 $0x88, s3;
	s6 =	simm.s32 @!p1 $0x1082;
	[sflag:s4] =	ssyncset.s32 $0xFFFFF086  }
0x25: {  	[simem:s6], [sflag:s4] =	dma.local [hbm:s3], $0xF7A  }
0x26: {  	[smem:$0x3F9D] =	sst s1;
	(tag) =	ssettag s2;
	_ =	strace s9  }
0x27: {  	s1 =	sld [smem:$0x3FAD]  }
0x28: {  	s2 =	sld [smem:$0x3FAE]  }
0x29: {  	s4 =	sld [smem:$0x3FB0]  }
0x2a: {  	p0 =	seq.s32 s5, $0x0;
	s5 =	sld [smem:$0x3FB1]  }
0x2b: {  	s6 =	sld [smem:$0x3FB2]  }
0x2c: {  	s7 =	sld [smem:$0x3FB3]  }
0x2d: {  	s3 =	simm.s32 $0x108;
	s8 =	sld [smem:$0x3FB4]  }
0x2e: {  	s3 =	simm.s32 @!p0 $0x1082;
	s9 =	sld [smem:$0x3FB5]  }
0x2f: {  	lr =	sadd.s32 s0, s3;
	s0 =	sld [smem:$0x3FAC]  }
0x30: {  	s3 =	sld [smem:$0x3FAF]  }
0x31: {  	[smem:$0x3FB8] =	sst s10  }
0x32: {  	s10 =	sld [smem:$0x3FB6];
	_ =	sdelay $0x3  }
0x33: {  	p0 =	seq.s32 s10, $0x1;
	s10 =	sld [smem:$0x3FB8];
	_ =	sdelay $0x3  }
0x34: {  	[smem:$0x3FB8] =	sst s10  }
0x35: {  	s10 =	sld [smem:$0x3FB7];
	_ =	sdelay $0x3  }
0x36: {  	p1 =	seq.s32 s10, $0x1;
	s10 =	sld [smem:$0x3FB8];
	_ =	sdelay $0x3  }
0x37: {  	[smem:$0x3FB8] =	sst s10  }
0x38: {  	s10 =	sld [smem:$0x3FB9]  }
0x39: {  	_ = 	snop;
	(pc) =	sbr.ind lr, $3  }
0x3a: {  	_ = 	snop  }
0x3b: {  	_ = 	snop  }
0x3c: {  	p2 =	seq.s32 s10, $0x1;
	s10 =	sld [smem:$0x3FB8]  }
0x3d: {  	_ =	shalt  }
0x3e: {  	_ =	shalt  }
0x3f: {  	_ =	shalt  }
0x40: {  	_ =	shalt  }
0x41: {  	_ =	shalt  }
0x42: {  	_ =	shalt  }
0x43: {  	_ =	shalt  }
0x44: {  	_ =	shalt  }
0x45: {  	_ =	shalt  }
0x46: {  	_ =	shalt  }
0x47: {  	_ =	shalt  }
0x48: {  	_ =	shalt  }
0x49: {  	_ =	shalt  }
0x4a: {  	_ =	shalt  }
0x4b: {  	_ =	shalt  }
0x4c: {  	_ =	shalt  }
0x4d: {  	_ =	shalt  }
0x4e: {  	_ =	shalt  }
0x4f: {  	_ =	shalt  }
0x50: {  	_ =	shalt  }
0x51: {  	_ =	shalt  }
0x52: {  	_ =	shalt  }
0x53: {  	_ =	shalt  }
0x54: {  	_ =	shalt  }
0x55: {  	_ =	shalt  }
0x56: {  	_ =	shalt  }
0x57: {  	_ =	shalt  }
0x58: {  	_ =	shalt  }
0x59: {  	_ =	shalt  }
0x5a: {  	_ =	shalt  }
0x5b: {  	_ =	shalt  }
0x5c: {  	_ =	shalt  }
0x5d: {  	_ =	shalt  }
0x5e: {  	_ =	shalt  }
0x5f: {  	_ =	shalt  }
0x60: {  	_ =	shalt  }
0x61: {  	_ =	shalt  }
0x62: {  	_ =	shalt  }
0x63: {  	_ =	shalt  }
0x64: {  	_ =	shalt  }
0x65: {  	_ =	shalt  }
0x66: {  	_ =	shalt  }
0x67: {  	_ =	shalt  }
0x68: {  	_ =	shalt  }
0x69: {  	_ =	shalt  }
0x6a: {  	_ =	shalt  }
0x6b: {  	_ =	shalt  }
0x6c: {  	_ =	shalt  }
0x6d: {  	_ =	shalt  }
0x6e: {  	_ =	shalt  }
0x6f: {  	_ =	shalt  }
0x70: {  	_ =	shalt  }
0x71: {  	_ =	shalt  }
0x72: {  	_ =	shalt  }
0x73: {  	_ =	shalt  }
0x74: {  	_ =	shalt  }
0x75: {  	_ =	shalt  }
0x76: {  	_ =	shalt  }
0x77: {  	_ =	shalt  }
0x78: {  	_ =	shalt  }
0x79: {  	_ =	shalt  }
0x7a: {  	_ =	shalt  }
0x7b: {  	_ =	shalt  }
0x7c: {  	_ =	shalt  }
0x7d: {  	_ =	shalt  }
0x7e: {  	_ =	shalt  }
0x7f: {  	_ =	shalt  }
0x80: {  	_ =	shalt  }
0x81: {  	_ =	shalt  }
0x82: {  	_ =	shalt  }
0x83: {  	_ =	shalt  }
0x84: {  	_ =	shalt  }
0x85: {  	_ =	shalt  }
0x86: {  	_ =	shalt  }
0x87: {  	_ =	shalt  }
.Lfunc_end0:
.L_simem_size_0:
called_computation_lowered:
.L_overlay_start_0:
0x88: {  	s2 =	sld [smem:$0x3FD9]  }
0x89: {  	s3 =	sld [smem:$0x3FFE];
	_ =	sdelay $0x1  }
0x8a: {  	s1 =	srdreg.scid  }
0x8b: {  	s0 =	sand.u32 $0x1, s1  }
0x8c: {  	s17 =	sshll.u32 s0, $0xA;
	s2 =	sadd.s32 s3, s2  }
0x8d: {  	s2 =	sadd.s32 s2, s17  }
0x8e: {  	[smem:$0x3FC4] =	sst s2  }
0x8f: {  	_ = 	snop  }
0x90: {  	s2 =	sld [smem:$0x3FC8]  }
0x91: {  	s18 =	sld [smem:$0x3FD0];
	(tm) =	ssettm $0x1  }
0x92: {  	s4 =	sld [smem:$0x3FFB];
	_ =	sdelay $0x3  }
0x93: {  	_ =	strace s4  }
0x94: {  	s4 =	sld [smem:$0x3FFC];
	_ =	sdelay $0x3  }
0x95: {  	_ =	strace s4  }
0x96: {  	s4 =	sld [smem:$0x3FFD];
	_ =	sdelay $0x3  }
0x97: {  	_ =	strace s4  }
0x98: {  	_ =	strace $0x8FFFFFFF  }
0x99: {  	s19 =	sld [smem:$0x3FDB];
	_ =	sdelay $0x1  }
0x9a: {  	s5 =	simm.s32 $_scs_section_size  }
0x9b: {  	s6 =	simm.s32 $_size__tile_overlayer_lowered;
	s7 =	simm.s32 $_tile_overlayer_lowered  }
0x9c: {  	s22 =	simm.s32 $0x1BFF;
	s21 =	sshll.u32 s7, $0x1;
	s4 =	sadd.s32 s5, s19  }
0x9d: {  	s8 =	simm.s32 $0x0;
	s20 =	sshll.u32 s6, $0x1;
	s6 =	sadd.s32 s21, s4  }
0x9e: {  	[timem:s8], [sflag:s22] =	dma.local [hbm:s6], s20  }
0x9f: {  	_ =	swait.ge [sflag:s22], s20  }
0xa0: {  	s5 =	ssub.s32 $0x0, s20;
	[sflag:s22] =	ssyncset.done $0x0  }
0xa1: {  	[sflag:s22] =	ssyncadd.s32 s5;
	_ =	sdelay $0x1  }
0xa2: {  	s23 =	simm.s32 $0x1B8B  }
0xa3: {  	_ =	swait.ge [sflag:s23], $0x1  }
0xa4: {  	[sflag:s23] =	ssyncset.done $0x0  }
0xa5: {  	s25 =	simm.s32 $0x1B8E;
	s24 =	sld [smem:$0x3FFE];
	[sflag:s23] =	ssyncadd.s32 $0xFFFFFFFF  }
0xa6: {  	s26 =	simm.s32 $execute0_lowered;
	[smem:$0x3FD2] =	sst s25  }
0xa7: {  	s6 =	sshll.u32 s26, $0x1;
	_ =	strace $0x80000046;
	[dreg:$0x1] =	wrdreg $0xFFFFFFFF  }
0xa8: {  	s28 =	simm.s32 $_size_execute0_lowered;
	s4 =	sadd.s32 s4, s6;
	[dreg:$0x0] =	wrdreg $0x0  }
0xa9: {  	s6 =	sshll.u32 s28, $0x1;
	[dreg:$0x2] =	wrdreg s4  }
0xaa: {  	[dreg:$0x3] =	wrdreg s6  }
0xab: {  	[dreg:$0x4] =	wrdreg $0xC0  }
0xac: {  	_ =	task [dreg:s8], $0x5FFFF  }
0xad: {  	[dreg:$0x1] =	wrdreg $0xFFFFFFFF  }
0xae: {  	[dreg:$0x0] =	wrdreg $0x60  }
0xaf: {  	[dreg:$0x2] =	wrdreg s2  }
0xb0: {  	[dreg:$0x3] =	wrdreg s18  }
0xb1: {  	[dreg:$0x4] =	wrdreg s24  }
0xb2: {  	[dreg:$0x5] =	wrdreg $0x29000  }
0xb3: {  	[dreg:$0x6] =	wrdreg $0x9  }
0xb4: {  	_ =	task.clear_ibuf [dreg:s8], $0x7FFFF;
	_ =	strace $0x90000046  }
0xb5: {  	s29 =	simm.s32 $0x9;
	_ =	strace $0x80000048  }
0xb6: {  	_ =	swait.ge [sflag:s29], $0x1  }
0xb7: {  	[sflag:s29] =	ssyncadd.s32 $0xFFFFFFFF  }
0xb8: {  	_ =	strace $0x90000048  }
0xb9: {  	_ =	sfence  }
0xba: {  	s30 =	sld [smem:$0x0];
	_ =	sdelay $0x2  }
0xbb: {  	s31 =	sshll.u32 s1, $0xD;
	s1 =	sshrl.u32 s1, $0x2  }
0xbc: {  	s3 =	sand.u32 $0x4000, s31;
	s1 =	sadd.s32 s1, s30  }
0xbd: {  	s0 =	sor.u32 s3, s0;
	s1 =	sshll.u32 s1, $0x11  }
0xbe: {  	s0 =	sor.u32 s1, s0  }
0xbf: {  	s0 =	sadd.s32 $0x8F2B, s0  }
0xc0: {  	[sflag:s0] =	ssyncadd.remote.s32 $0x1  }
0xc1: {  	_ =	sfence.sel $0xFFFF  }
0xc2: {  	[dreg:$0x0] =	wrdreg $0xFFFFFFFF;
	(pc) =	sbr.abs _section_cstart, $3  }
0xc3: {  	[dreg:$0x1] =	wrdreg $0xFFFFFFFF  }
0xc4: {  	_ =	task.clear_ibuf [dreg:s8], $0x2FFFF;
	_ =	strace $0x9FFFFFFF  }
0xc5: {  	(tm) =	ssettm $0x7FFFFFFF  }
tec
execute0_lowered:
.L_overlay_start_1:
0x0: {  	(tag) =	ssettag $0x1  }
0x1: {  	s13 =	rddreg [dreg:$0x0]  }
0x2: {  	s12 =	rddreg [dreg:$0x1]  }
0x3: {  	s5 =	rddreg [dreg:$0x2]  }
0x4: {  	s1 =	rddreg [dreg:$0x3]  }
0x5: {  	s0 =	rddreg [dreg:$0x4];
	s3 =	simm.s32 $0x0;
	s4 =	srdreg.scid  }
0x6: {  	s2 =	stileid.u32;
	s17 =	simm.s32 $0x80;
	s18 =	simm.s32 $0x2  }
0x7: {  	s20 =	simm.s32 $0x0;
	[smem:$0x7FF] =	sst s3;
	s8 =	smul.u32 $0x280, s2  }
0x8: {  	s11 =	sand.u32 $0x1, s4;
	s4 =	sshll.u32 s2, $0x6;
	s10 =	smul.u32 $0xA00, s2  }
0x9: {  	s14 =	sadd.s32 $0x2800, s5;
	s16 =	smul.u32 $0x1380, s2;
	_ =	strace $0x80000047  }
0xa: {  	s6 =	sshll.u32 s11, $0x5;
	s7 =	ssub.s32 $0x2, s11;
	p0 =	seq.s32 s11, $0x1  }
0xb: {  	s31 =	smul.u32 $0x9C0, s11;
	s6 =	sor.u32 s6, s4;
	s9 =	sshrl.u32 s7, $0x1  }
0xc: {  	s15 =	sshrl.u32 s8, $0x3;
	s30 =	sshrl.u32 s10, $0x2;
	s19 =	sadd.s32 s8, s1  }
0xd: {  	s12 =	smov.u32 @p0 s14;
	p0 =	sgt.u32 s2, $0x1;
	s14 =	simm.s32 $0x2880  }
0xe: {  	s6 =	sadd.s32 s6, s13;
	s7 =	ssub.s32 s7, s9;
	s12 =	sadd.s32 s12, s15  }
0xf: {  	s13 =	sadd.s32 s16, s13;
	s15 =	simm.s32 $0x3;
	s16 =	simm.s32 $0x1  }
0x10: {  	s5 =	sadd.s32 $0x13810, s6;
	s6 =	smax.u32 s7, $0x1;
	s7 =	sadd.s32 s30, s1  }
0x11: {  	s19 =	sshrl.u32 s19, $0x3;
	s13 =	sadd.s32 s31, s13;
	s8 =	sadd.s32 $0x80, s7  }
0x12: {  	v0 =	vimm.f32 $1.000000000e+00;
	v1 =	vimm.f32 $0.0e+00;
	s9 =	sadd.s32 $0x100, s7;
	s10 =	sadd.s32 $0x180, s7;
	s11 =	sadd.s32 $0x200, s7  }
.LBB2_1:
0x13: {  	[tilespmem:$0x0] =	vst v0  }
0x14: {  	[tilespmem:$0x2880] =	vst v1  }
0x15: {  	[tilespmem:$0x10] =	vst v0  }
0x16: {  	[tilespmem:$0x2890] =	vst v1  }
0x17: {  	[tilespmem:$0x20] =	vst v0  }
0x18: {  	[tilespmem:$0x28A0] =	vst v1  }
0x19: {  	[tilespmem:$0x30] =	vst v0  }
0x1a: {  	[tilespmem:$0x28B0] =	vst v1  }
0x1b: {  	[tilespmem:$0x40] =	vst v0  }
0x1c: {  	[tilespmem:$0x28C0] =	vst v1  }
0x1d: {  	[tilespmem:$0x50] =	vst v0  }
0x1e: {  	[tilespmem:$0x28D0] =	vst v1  }
0x1f: {  	[tilespmem:$0x60] =	vst v0  }
0x20: {  	[tilespmem:$0x28E0] =	vst v1  }
0x21: {  	[tilespmem:$0x70] =	vst v0;
	s21 =	simm.s32 $0x30  }
0x22: {  	[tilespmem:$0x28F0] =	vst v1;
	s24 =	sadd.s32 $0x10, s13;
	s22 =	simm.s32 $0x100;
	s23 =	simm.s32 $0x80  }
.LBB2_2:
0x23: {  	[tilespmem:s23], [sflag:$0x1] =	stream.linear.gather [hbm4b:s24+s3], $0x80, $0x38;
	[tilespmem:$0x2B80] =	vst v63  }
0x24: {  	s24 =	smov.u32 s21;
	s23 =	smov.u32 s22;
	p1 =	sne.s32 s21, $0x9B0  }
.Ltmp0:
0x25: {  	s21 =	sadd.s32 $0x20, s21;
	(pc) =	sbr.rel @p1 .LBB2_2-.Ltmp0, $2  }
0x26: {  	_ =	sdelay $0x2  }
0x27: {  	s22 =	sadd.s32 $0x80, s22;
	s24 =	sadd.s32 s24, s13  }
0x28: {  	[tilespmem:s23], [sflag:$0x1] =	stream.linear.gather [hbm4b:s24+s3], $0x80, $0x38;
	[tilespmem:$0x2B80] =	vst v63  }
0x29: {  	s21 =	simm.s32 @!p0 $0x0;
	s22 =	simm.s32 @!p0 $0x2780  }
0x2a: {  	[tilespmem:s22], [sflag:$0x1] =	stream.linear.gather @!p0 [hbm4b:s5+s21], $0x80, $0x38;
	[tilespmem:$0x2B80] =	vst v63  }
0x2b: {  	_ = 	snop  }
0x2c: {  	[spmem:s7] =	stream.linear.scatter [tilespmem:s14], [sflag:$0x3], $0x80, $0x38;
	[tilespmem:$0x2B80] =	vst v63  }
0x2d: {  	_ =	swait.ge [sflag:s15], $0x80  }
0x2e: {  	[sflag:s15] =	ssyncset.done $0x0  }
0x2f: {  	[sflag:s15] =	ssyncadd.s32 $0xFFFFFF80  }
0x30: {  	[spmem:s8] =	stream.linear.scatter [tilespmem:s14], [sflag:$0x3], $0x80, $0x38;
	[tilespmem:$0x2B80] =	vst v63  }
0x31: {  	_ =	swait.ge [sflag:s15], $0x80  }
0x32: {  	[sflag:s15] =	ssyncset.done $0x0  }
0x33: {  	[sflag:s15] =	ssyncadd.s32 $0xFFFFFF80  }
0x34: {  	[spmem:s9] =	stream.linear.scatter [tilespmem:s14], [sflag:$0x3], $0x80, $0x38;
	[tilespmem:$0x2B80] =	vst v63  }
0x35: {  	_ =	swait.ge [sflag:s15], $0x80  }
0x36: {  	[sflag:s15] =	ssyncset.done $0x0  }
0x37: {  	[sflag:s15] =	ssyncadd.s32 $0xFFFFFF80  }
0x38: {  	[spmem:s10] =	stream.linear.scatter [tilespmem:s14], [sflag:$0x3], $0x80, $0x38;
	[tilespmem:$0x2B80] =	vst v63  }
0x39: {  	_ =	swait.ge [sflag:s15], $0x80  }
0x3a: {  	[sflag:s15] =	ssyncset.done $0x0  }
0x3b: {  	[sflag:s15] =	ssyncadd.s32 $0xFFFFFF80  }
0x3c: {  	[spmem:s11] =	stream.linear.scatter [tilespmem:s14], [sflag:$0x3], $0x80, $0x38;
	[tilespmem:$0x2B80] =	vst v63  }
0x3d: {  	_ =	swait.ge [sflag:s15], $0x80  }
0x3e: {  	[sflag:s15] =	ssyncset.done $0x0  }
0x3f: {  	[sflag:s15] =	ssyncadd.s32 $0xFFFFFF80  }
0x40: {  	_ =	swait.ge [sflag:s16], $0x80  }
0x41: {  	s21 =	simm.s32 $0x4D;
	[sflag:s16] =	ssyncset.done $0x0  }
.LBB2_4:
0x42: {  	p1 =	sne.s32 s21, $0x1;
	s21 =	sadd.s32 $0xFFFFFFFF, s21;
	[sflag:s16] =	ssyncadd.s32 $0xFFFFFF80  }
.Ltmp1:
0x43: {  	(pc) =	sbr.rel @p1 .LBB2_4-.Ltmp1, $3  }
0x44: {  	_ =	sdelay $0x1  }
0x45: {  	_ =	swait.ge [sflag:s16], $0x80  }
0x46: {  	[sflag:s16] =	ssyncset.done $0x0  }
0x47: {  	[sflag:s16] =	ssyncadd.s32 $0xFFFFFF80;
	s21 =	simm.s32 @!p0 $0x1  }
0x48: {  	_ =	swait.ge @!p0 [sflag:s21], $0x80  }
0x49: {  	[sflag:s21] =	ssyncset.done @!p0 $0x0  }
0x4a: {  	[sflag:s21] =	ssyncadd.s32 @!p0 $0xFFFFFF80  }
0x4b: {  	s22 =	simm.s32 $0x80;
	s21 =	simm.s32 $0x200;
	[bflag:$0x0] =	sbarrier.arrive $0xFFFF  }
.LBB2_6:
0x4c: {  	[spmem:s1] =	stream.indirect.scatter.add.f32 [tilespmem:s3], [sflag:$0x2], $0x1, s22, s17, $0xb8;
	[tilespmem:$0x2B80] =	vst v63  }
0x4d: {  	s22 =	smov.u32 s21;
	p1 =	sne.s32 s21, $0x9A00  }
.Ltmp2:
0x4e: {  	s21 =	sadd.s32 $0x200, s21;
	(pc) =	sbr.rel @p1 .LBB2_6-.Ltmp2, $3  }
0x4f: {  	_ =	sdelay $0x1  }
0x50: {  	s22 =	sshra.s32 s22, $0x2  }
0x51: {  	s22 =	sadd.s32 $0x80, s22  }
0x52: {  	[spmem:s1] =	stream.indirect.scatter.add.f32 [tilespmem:s3], [sflag:$0x2], $0x1, s22, s17, $0xb8;
	[tilespmem:$0x2B80] =	vst v63  }
0x53: {  	s21 =	simm.s32 @!p0 $0x80;
	s22 =	simm.s32 @!p0 $0x2780;
	s23 =	simm.s32 @!p0 $0x0  }
0x54: {  	[spmem:s1] =	stream.indirect.scatter.add.f32 @!p0 [tilespmem:s23], [sflag:$0x2], $0x1, s22, s21, $0xb8;
	[tilespmem:$0x2B80] =	vst v63  }
0x55: {  	_ =	swait.ge [sflag:s18], $0x80  }
0x56: {  	s21 =	simm.s32 $0x4D;
	[sflag:s18] =	ssyncset.done $0x0  }
.LBB2_8:
0x57: {  	p1 =	sne.s32 s21, $0x1;
	s21 =	sadd.s32 $0xFFFFFFFF, s21;
	[sflag:s18] =	ssyncadd.s32 $0xFFFFFF80  }
.Ltmp3:
0x58: {  	(pc) =	sbr.rel @p1 .LBB2_8-.Ltmp3, $3  }
0x59: {  	_ =	sdelay $0x1  }
0x5a: {  	_ =	swait.ge [sflag:s18], $0x80  }
0x5b: {  	[sflag:s18] =	ssyncset.done $0x0  }
0x5c: {  	[sflag:s18] =	ssyncadd.s32 $0xFFFFFF80;
	s21 =	simm.s32 @!p0 $0x2  }
0x5d: {  	_ =	swait.ge @!p0 [sflag:s21], $0x80  }
0x5e: {  	s20 =	sadd.s32 $0x1, s20;
	[sflag:s21] =	ssyncset.done @!p0 $0x0  }
0x5f: {  	p1 =	sne.s32 s20, s6;
	[sflag:s21] =	ssyncadd.s32 @!p0 $0xFFFFFF80  }
.Ltmp4:
0x60: {  	s31 =	sor.u32 $0x1C03, s4;
	[bflag:$0x0] =	sbarrier.arrive $0xFFFF;
	(pc) =	sbr.rel @p1 .LBB2_1-.Ltmp4, $4  }
0x61: {  	[hbm:s12], [sflag:s31] =	dma.local [spmem:s19], $0x50  }
0x62: {  	_ =	swait.ge [sflag:s15], $0x50  }
0x63: {  	[sflag:s15] =	ssyncset.done $0x0  }
0x64: {  	[sflag:s15] =	ssyncadd.s32 $0xFFFFFFB0  }
0x65: {  	_ =	sfence.sel $0x180000  }
0x66: {  	[bflag:$0x0] =	sbarrier.arrive $0xFFFF  }
0x67: {  	p0 =	sne.s32 s2, $0x0;
	_ =	strace $0x90000047  }
0x68: {  	s0 =	sadd.s32 @!p0 $0x100000, s0;
	[bflag:$0x2] =	sbarrier.arrive $0xFFFF  }
0x69: {  	[sflag:s0] =	ssyncadd.tile.s32 @!p0 $0x1;
	_ =	shalt  }
.Lfunc_end2:
_tile_overlayer_lowered:
.L_overlay_start_2:
0x6a: {  	(tag) =	ssettag $0x2  }
0x6b: {  	s0 =	rddreg [dreg:$0x0];
	s2 =	stileid.u32  }
0x6c: {  	s1 =	rddreg [dreg:$0x1];
	p0 =	sne.s32 s2, $0x0  }
0x6d: {  	s3 =	rddreg [dreg:$0x2];
	[bflag:$0x3] =	sbarrier.arrive $0xFFFF;
	s2 =	simm.s32 @!p0 $0x1C03  }
0x6e: {  	[timem:s3], [sflag:s2] =	dma.local @!p0 [hbm:s0], s1  }
0x6f: {  	s0 =	simm.s32 @!p0 $0x3  }
0x70: {  	_ =	swait.ge @!p0 [sflag:s0], s1  }
0x71: {  	s1 =	ssub.s32 @!p0 $0x0, s1;
	[sflag:s0] =	ssyncset.done @!p0 $0x0  }
0x72: {  	[sflag:s0] =	ssyncadd.s32 @!p0 s1  }
0x73: {  	[bflag:$0x3] =	sbarrier.arrive $0xFFFF  }
0x74: {  	_ =	shalt  }

// kernel: kernel.9.cloned.1.call-start
scs
__scs_entry_jumppad:
0x0: {  	(pc) =	sbr.rel $0x88, $3  }
0x1: {  	(tag) =	ssettag $0x0;
	lr =	simm.s32 $0x1  }
0x2: {  	[smem:$0x3F9D] =	sst lr;
	_ =	strace $0xD0000000  }
0x3: {  	_ = 	snop  }
0x4: {  	_ = 	snop  }
0x5: {  	_ = 	snop  }
0x6: {  	_ = 	snop  }
0x7: {  	_ = 	snop  }
__scs_overlays_trampoline_lowered:
0x8: {  	[smem:$0x3FAC] =	sst s0  }
0x9: {  	[smem:$0x3FAD] =	sst s1  }
0xa: {  	[smem:$0x3FAE] =	sst s2  }
0xb: {  	[smem:$0x3FAF] =	sst s3  }
0xc: {  	[smem:$0x3FB0] =	sst s4  }
0xd: {  	[smem:$0x3FB1] =	sst s5  }
0xe: {  	[smem:$0x3FB2] =	sst s6  }
0xf: {  	[smem:$0x3FB3] =	sst s7  }
0x10: {  	[smem:$0x3FB4] =	sst s8  }
0x11: {  	[smem:$0x3FB5] =	sst s9;
	s0 =	simm.s32 @!p0 $0x0  }
0x12: {  	s1 =	sld [smem:$0x3F9B];
	s0 =	simm.s32 @p0 $0x1  }
0x13: {  	[smem:$0x3FB6] =	sst s0;
	s0 =	simm.s32 @!p1 $0x0  }
0x14: {  	s2 =	sld [smem:$0x3F9A];
	s0 =	simm.s32 @p1 $0x1  }
0x15: {  	[smem:$0x3FB7] =	sst s0;
	s0 =	simm.s32 @!p2 $0x0  }
0x16: {  	s3 =	sld [smem:$0x3FDB];
	s0 =	simm.s32 @p2 $0x1  }
0x17: {  	s4 =	simm.s32 $0x1BF5;
	[smem:$0x3FB9] =	sst s0  }
0x18: {  	s0 =	sld [smem:$0x3F9C];
	_ =	swait.ge [sflag:s4], $0x0  }
0x19: {  	s7 =	sld [smem:$0x3F9D]  }
0x1a: {  	s8 =	sadd.s32 $0xFFFFE003, lr  }
0x1b: {  	s9 =	sadd.s32 $0xFFFFFEF7, lr;
	s5 =	simm.s32 $0xFFFFFFFF;
	p2 =	slt.u32 s8, $0xFFFFF086  }
0x1c: {  	p1 =	slt.u32 s9, $0xF7A;
	s5 =	simm.s32 @!p2 $0x0  }
0x1d: {  	s5 =	simm.s32 @p1 $0x1;
	p0 =	seq.s32 s7, s2  }
0x1e: {  	s7 =	smul.u32 @!p0 $0xF7A, s2;
	p2 =	seq.s32 @!p0 s5, $0x0  }
0x1f: {  	s9 =	smul.u32 $0xF7A, s1;
	s8 =	simm.s32 @!p0 $0x1BF5;
	p2 =	por !p2, p0  }
0x20: {  	[sflag:s8] =	ssyncset.s32 @!p0 $0xFFFFF086;
	s6 =	sadd.s32 @!p0 s3, s7;
	s7 =	simm.s32 @!p0 $0x108  }
0x21: {  	s3 =	sadd.s32 s3, s9;
	s6 =	sadd.s32 @!p0 $0x88, s6;
	s7 =	simm.s32 @p2 $0x1082  }
0x22: {  	[simem:s7], [sflag:s8] =	dma.local @!p0 [hbm:s6], $0xF7A  }
0x23: {  	s9 =	sor.u32 $0xD0000000, s2;
	s6 =	simm.s32 $0x108;
	_ =	swait.ge @!p0 [sflag:s8], $0x0  }
0x24: {  	s3 =	sadd.s32 $0x88, s3;
	s6 =	simm.s32 @!p1 $0x1082;
	[sflag:s4] =	ssyncset.s32 $0xFFFFF086  }
0x25: {  	[simem:s6], [sflag:s4] =	dma.local [hbm:s3], $0xF7A  }
0x26: {  	[smem:$0x3F9D] =	sst s1;
	(tag) =	ssettag s2;
	_ =	strace s9  }
0x27: {  	s1 =	sld [smem:$0x3FAD]  }
0x28: {  	s2 =	sld [smem:$0x3FAE]  }
0x29: {  	s4 =	sld [smem:$0x3FB0]  }
0x2a: {  	p0 =	seq.s32 s5, $0x0;
	s5 =	sld [smem:$0x3FB1]  }
0x2b: {  	s6 =	sld [smem:$0x3FB2]  }
0x2c: {  	s7 =	sld [smem:$0x3FB3]  }
0x2d: {  	s3 =	simm.s32 $0x108;
	s8 =	sld [smem:$0x3FB4]  }
0x2e: {  	s3 =	simm.s32 @!p0 $0x1082;
	s9 =	sld [smem:$0x3FB5]  }
0x2f: {  	lr =	sadd.s32 s0, s3;
	s0 =	sld [smem:$0x3FAC]  }
0x30: {  	s3 =	sld [smem:$0x3FAF]  }
0x31: {  	[smem:$0x3FB8] =	sst s10  }
0x32: {  	s10 =	sld [smem:$0x3FB6];
	_ =	sdelay $0x3  }
0x33: {  	p0 =	seq.s32 s10, $0x1;
	s10 =	sld [smem:$0x3FB8];
	_ =	sdelay $0x3  }
0x34: {  	[smem:$0x3FB8] =	sst s10  }
0x35: {  	s10 =	sld [smem:$0x3FB7];
	_ =	sdelay $0x3  }
0x36: {  	p1 =	seq.s32 s10, $0x1;
	s10 =	sld [smem:$0x3FB8];
	_ =	sdelay $0x3  }
0x37: {  	[smem:$0x3FB8] =	sst s10  }
0x38: {  	s10 =	sld [smem:$0x3FB9]  }
0x39: {  	_ = 	snop;
	(pc) =	sbr.ind lr, $3  }
0x3a: {  	_ = 	snop  }
0x3b: {  	_ = 	snop  }
0x3c: {  	p2 =	seq.s32 s10, $0x1;
	s10 =	sld [smem:$0x3FB8]  }
0x3d: {  	_ =	shalt  }
0x3e: {  	_ =	shalt  }
0x3f: {  	_ =	shalt  }
0x40: {  	_ =	shalt  }
0x41: {  	_ =	shalt  }
0x42: {  	_ =	shalt  }
0x43: {  	_ =	shalt  }
0x44: {  	_ =	shalt  }
0x45: {  	_ =	shalt  }
0x46: {  	_ =	shalt  }
0x47: {  	_ =	shalt  }
0x48: {  	_ =	shalt  }
0x49: {  	_ =	shalt  }
0x4a: {  	_ =	shalt  }
0x4b: {  	_ =	shalt  }
0x4c: {  	_ =	shalt  }
0x4d: {  	_ =	shalt  }
0x4e: {  	_ =	shalt  }
0x4f: {  	_ =	shalt  }
0x50: {  	_ =	shalt  }
0x51: {  	_ =	shalt  }
0x52: {  	_ =	shalt  }
0x53: {  	_ =	shalt  }
0x54: {  	_ =	shalt  }
0x55: {  	_ =	shalt  }
0x56: {  	_ =	shalt  }
0x57: {  	_ =	shalt  }
0x58: {  	_ =	shalt  }
0x59: {  	_ =	shalt  }
0x5a: {  	_ =	shalt  }
0x5b: {  	_ =	shalt  }
0x5c: {  	_ =	shalt  }
0x5d: {  	_ =	shalt  }
0x5e: {  	_ =	shalt  }
0x5f: {  	_ =	shalt  }
0x60: {  	_ =	shalt  }
0x61: {  	_ =	shalt  }
0x62: {  	_ =	shalt  }
0x63: {  	_ =	shalt  }
0x64: {  	_ =	shalt  }
0x65: {  	_ =	shalt  }
0x66: {  	_ =	shalt  }
0x67: {  	_ =	shalt  }
0x68: {  	_ =	shalt  }
0x69: {  	_ =	shalt  }
0x6a: {  	_ =	shalt  }
0x6b: {  	_ =	shalt  }
0x6c: {  	_ =	shalt  }
0x6d: {  	_ =	shalt  }
0x6e: {  	_ =	shalt  }
0x6f: {  	_ =	shalt  }
0x70: {  	_ =	shalt  }
0x71: {  	_ =	shalt  }
0x72: {  	_ =	shalt  }
0x73: {  	_ =	shalt  }
0x74: {  	_ =	shalt  }
0x75: {  	_ =	shalt  }
0x76: {  	_ =	shalt  }
0x77: {  	_ =	shalt  }
0x78: {  	_ =	shalt  }
0x79: {  	_ =	shalt  }
0x7a: {  	_ =	shalt  }
0x7b: {  	_ =	shalt  }
0x7c: {  	_ =	shalt  }
0x7d: {  	_ =	shalt  }
0x7e: {  	_ =	shalt  }
0x7f: {  	_ =	shalt  }
0x80: {  	_ =	shalt  }
0x81: {  	_ =	shalt  }
0x82: {  	_ =	shalt  }
0x83: {  	_ =	shalt  }
0x84: {  	_ =	shalt  }
0x85: {  	_ =	shalt  }
0x86: {  	_ =	shalt  }
0x87: {  	_ =	shalt  }
.Lfunc_end0:
.L_simem_size_0:
called_computation.1_lowered:
.L_overlay_start_0:
0x88: {  	s2 =	sld [smem:$0x3FD9]  }
0x89: {  	s3 =	sld [smem:$0x3FFE];
	_ =	sdelay $0x1  }
0x8a: {  	s1 =	srdreg.scid  }
0x8b: {  	s0 =	sand.u32 $0x1, s1  }
0x8c: {  	s17 =	sshll.u32 s0, $0xA;
	s2 =	sadd.s32 s3, s2  }
0x8d: {  	s2 =	sadd.s32 s2, s17  }
0x8e: {  	[smem:$0x3FC4] =	sst s2  }
0x8f: {  	_ = 	snop  }
0x90: {  	s2 =	sld [smem:$0x3FC8]  }
0x91: {  	s18 =	sld [smem:$0x3FD0];
	(tm) =	ssettm $0x1  }
0x92: {  	s4 =	sld [smem:$0x3FFB];
	_ =	sdelay $0x3  }
0x93: {  	_ =	strace s4  }
0x94: {  	s4 =	sld [smem:$0x3FFC];
	_ =	sdelay $0x3  }
0x95: {  	_ =	strace s4  }
0x96: {  	s4 =	sld [smem:$0x3FFD];
	_ =	sdelay $0x3  }
0x97: {  	_ =	strace s4  }
0x98: {  	_ =	strace $0x8FFFFFFF  }
0x99: {  	s19 =	sld [smem:$0x3FDB];
	_ =	sdelay $0x1  }
0x9a: {  	s5 =	simm.s32 $_scs_section_size  }
0x9b: {  	s6 =	simm.s32 $_size__tile_overlayer_lowered;
	s7 =	simm.s32 $_tile_overlayer_lowered  }
0x9c: {  	s22 =	simm.s32 $0x1BFF;
	s21 =	sshll.u32 s7, $0x1;
	s4 =	sadd.s32 s5, s19  }
0x9d: {  	s8 =	simm.s32 $0x0;
	s20 =	sshll.u32 s6, $0x1;
	s6 =	sadd.s32 s21, s4  }
0x9e: {  	[timem:s8], [sflag:s22] =	dma.local [hbm:s6], s20  }
0x9f: {  	_ =	swait.ge [sflag:s22], s20  }
0xa0: {  	s5 =	ssub.s32 $0x0, s20;
	[sflag:s22] =	ssyncset.done $0x0  }
0xa1: {  	[sflag:s22] =	ssyncadd.s32 s5;
	_ =	sdelay $0x1  }
0xa2: {  	s23 =	simm.s32 $0x1B8B  }
0xa3: {  	_ =	swait.ge [sflag:s23], $0x1  }
0xa4: {  	[sflag:s23] =	ssyncset.done $0x0  }
0xa5: {  	s25 =	simm.s32 $0x1B8E;
	s24 =	sld [smem:$0x3FFE];
	[sflag:s23] =	ssyncadd.s32 $0xFFFFFFFF  }
0xa6: {  	s26 =	simm.s32 $execute0_lowered;
	[smem:$0x3FD2] =	sst s25  }
0xa7: {  	s6 =	sshll.u32 s26, $0x1;
	_ =	strace $0x80000049;
	[dreg:$0x1] =	wrdreg $0xFFFFFFFF  }
0xa8: {  	s28 =	simm.s32 $_size_execute0_lowered;
	s4 =	sadd.s32 s4, s6;
	[dreg:$0x0] =	wrdreg $0x0  }
0xa9: {  	s6 =	sshll.u32 s28, $0x1;
	[dreg:$0x2] =	wrdreg s4  }
0xaa: {  	[dreg:$0x3] =	wrdreg s6  }
0xab: {  	[dreg:$0x4] =	wrdreg $0xC0  }
0xac: {  	_ =	task [dreg:s8], $0x5FFFF  }
0xad: {  	[dreg:$0x1] =	wrdreg $0xFFFFFFFF  }
0xae: {  	[dreg:$0x0] =	wrdreg $0x60  }
0xaf: {  	[dreg:$0x2] =	wrdreg s2  }
0xb0: {  	[dreg:$0x3] =	wrdreg s18  }
0xb1: {  	[dreg:$0x4] =	wrdreg s24  }
0xb2: {  	[dreg:$0x5] =	wrdreg $0x88000  }
0xb3: {  	[dreg:$0x6] =	wrdreg $0x9  }
0xb4: {  	_ =	task.clear_ibuf [dreg:s8], $0x7FFFF;
	_ =	strace $0x90000049  }
0xb5: {  	s29 =	simm.s32 $0x9;
	_ =	strace $0x8000004B  }
0xb6: {  	_ =	swait.ge [sflag:s29], $0x1  }
0xb7: {  	[sflag:s29] =	ssyncadd.s32 $0xFFFFFFFF  }
0xb8: {  	_ =	strace $0x9000004B  }
0xb9: {  	_ =	sfence  }
0xba: {  	s30 =	sld [smem:$0x0];
	_ =	sdelay $0x2  }
0xbb: {  	s31 =	sshll.u32 s1, $0xD;
	s1 =	sshrl.u32 s1, $0x2  }
0xbc: {  	s3 =	sand.u32 $0x4000, s31;
	s1 =	sadd.s32 s1, s30  }
0xbd: {  	s0 =	sor.u32 s3, s0;
	s1 =	sshll.u32 s1, $0x11  }
0xbe: {  	s0 =	sor.u32 s1, s0  }
0xbf: {  	s0 =	sadd.s32 $0x8F2B, s0  }
0xc0: {  	[sflag:s0] =	ssyncadd.remote.s32 $0x1  }
0xc1: {  	_ =	sfence.sel $0xFFFF  }
0xc2: {  	[dreg:$0x0] =	wrdreg $0xFFFFFFFF;
	(pc) =	sbr.abs _section_cstart, $3  }
0xc3: {  	[dreg:$0x1] =	wrdreg $0xFFFFFFFF  }
0xc4: {  	_ =	task.clear_ibuf [dreg:s8], $0x2FFFF;
	_ =	strace $0x9FFFFFFF  }
0xc5: {  	(tm) =	ssettm $0x7FFFFFFF  }
tec
execute0_lowered:
.L_overlay_start_1:
0x0: {  	(tag) =	ssettag $0x1  }
0x1: {  	s0 =	rddreg [dreg:$0x0];
	s2 =	srdreg.scid  }
0x2: {  	s4 =	stileid.u32;
	s1 =	rddreg [dreg:$0x1]  }
0x3: {  	s5 =	rddreg [dreg:$0x2];
	s2 =	sand.u32 $0x1, s2;
	s3 =	sshll.u32 s4, $0x1  }
0x4: {  	s9 =	simm.s32 $0x0;
	s28 =	simm.s32 $0x400;
	s6 =	sor.u32 s2, s3  }
0x5: {  	s29 =	simm.s32 $0x80;
	s30 =	simm.s32 $0x480;
	s7 =	smul.u32 $0x4E00, s6  }
0x6: {  	s31 =	simm.s32 $0x100;
	[smem:$0x7FF] =	sst s9;
	s12 =	smul.u32 $0x9C00, s4  }
0x7: {  	s17 =	smul.u32 $0x2800, s4;
	s3 =	rddreg [dreg:$0x3];
	s7 =	sshrl.u32 s7, $0x3  }
0x8: {  	s8 =	ssub.s32 $0x2, s2;
	_ =	strace $0x8000004A;
	s10 =	sadd.s32 s0, s7  }
0x9: {  	s15 =	smul.u32 $0x4E00, s2;
	s23 =	sadd.s32 $0x10, s10;
	[dreg:$0xb] =	wrdreg s10  }
0xa: {  	p0 =	seq.s32 s2, $0x1;
	s24 =	sadd.s32 $0x20, s10;
	[dreg:$0xc] =	wrdreg s23  }
0xb: {  	s2 =	smul.u32 $0x9C0, s2;
	s25 =	sadd.s32 $0x30, s10;
	[dreg:$0xd] =	wrdreg s24  }
0xc: {  	s22 =	sshrl.u32 s8, $0x1;
	s26 =	sadd.s32 $0x40, s10;
	[dreg:$0xe] =	wrdreg s25  }
0xd: {  	s7 =	ssub.s32 s8, s22;
	s9 =	sadd.s32 $0x50, s10;
	[dreg:$0xf] =	wrdreg s26  }
0xe: {  	s8 =	sadd.s32 s15, s12;
	s11 =	sadd.s32 $0x60, s10;
	[dreg:$0x10] =	wrdreg s9  }
0xf: {  	s13 =	sadd.s32 $0x70, s10;
	s14 =	sadd.s32 $0x80, s10;
	[dreg:$0x11] =	wrdreg s11  }
0x10: {  	s16 =	sadd.s32 $0xA0, s10;
	s18 =	sadd.s32 $0x880, s8;
	[dreg:$0x12] =	wrdreg s13  }
0x11: {  	s20 =	sadd.s32 $0x800, s8;
	[dreg:$0x13] =	wrdreg s14;
	s11 =	sadd.s32 $0x90, s10  }
0x12: {  	[dreg:$0x15] =	wrdreg s16;
	s10 =	sadd.s32 $0xB0, s10;
	s19 =	sshrl.u32 s18, $0x3  }
0x13: {  	s22 =	sshrl.u32 s20, $0x3;
	s24 =	smul.u32 $0x1380, s4;
	s25 =	sadd.s32 $0x500, s8  }
0x14: {  	s26 =	smul.u32 $0x50000, s4;
	s13 =	sadd.s32 $0x480, s8;
	[dreg:$0x14] =	wrdreg s11  }
0x15: {  	[dreg:$0x16] =	wrdreg s10;
	s10 =	simm.s32 $0x2A800;
	s21 =	sadd.s32 s19, s0  }
0x16: {  	s23 =	sadd.s32 s22, s0;
	s11 =	sadd.s32 $0x580, s8;
	[dreg:$0x5] =	wrdreg s21  }
0x17: {  	s10 =	simm.s32 @!p0 $0x2800;
	[dreg:$0x6] =	wrdreg s23;
	s9 =	sadd.s32 s24, s0  }
0x18: {  	s12 =	sshrl.u32 s11, $0x3;
	s14 =	sshrl.u32 s26, $0x2;
	s21 =	sshll.u32 s6, $0x5  }
0x19: {  	p0 =	sgt.u32 s4, $0x1;
	s6 =	simm.s32 $0x600;
	s11 =	simm.s32 $0x800  }
0x1a: {  	s5 =	sadd.s32 s10, s5;
	s18 =	sadd.s32 s2, s9;
	s2 =	sadd.s32 s12, s0  }
0x1b: {  	s19 =	sadd.s32 s14, s3;
	s10 =	simm.s32 $0x700;
	[dreg:$0x8] =	wrdreg s2  }
0x1c: {  	s12 =	simm.s32 $0x7;
	s5 =	sadd.s32 s5, s17;
	[dreg:$0x18] =	wrdreg s19  }
0x1d: {  	s14 =	simm.s32 $0x4800;
	s16 =	sadd.s32 $0x4000, s19;
	[dreg:$0x17] =	wrdreg s5  }
0x1e: {  	s17 =	sadd.s32 $0x400, s8;
	s20 =	sadd.s32 $0x8000, s19;
	[dreg:$0x19] =	wrdreg s16  }
0x1f: {  	s22 =	sadd.s32 $0xC000, s19;
	s26 =	sadd.s32 $0x10000, s19;
	[dreg:$0x1a] =	wrdreg s20  }
0x20: {  	s8 =	simm.s32 $0x680;
	s5 =	sshrl.u32 s25, $0x3;
	[dreg:$0x1b] =	wrdreg s22  }
0x21: {  	s2 =	sshrl.u32 s17, $0x3;
	s25 =	smax.u32 s7, $0x1;
	[dreg:$0x1f] =	wrdreg s26  }
0x22: {  	s7 =	simm.s32 $0x280;
	s16 =	simm.s32 $0x5;
	s17 =	simm.s32 $0x4  }
0x23: {  	s20 =	simm.s32 $0x6;
	s9 =	sadd.s32 s5, s0;
	[dreg:$0x1e] =	wrdreg s25  }
0x24: {  	s5 =	sshrl.u32 s13, $0x3;
	s13 =	simm.s32 $0x1;
	[dreg:$0x7] =	wrdreg s9  }
0x25: {  	s15 =	sadd.s32 s5, s0;
	s5 =	sadd.s32 s21, s0;
	s0 =	sadd.s32 s2, s0  }
0x26: {  	s2 =	simm.s32 $0x500;
	s9 =	simm.s32 $0x300;
	[dreg:$0x9] =	wrdreg s15  }
0x27: {  	s21 =	simm.s32 $0x2;
	[dreg:$0xa] =	wrdreg s0;
	s23 =	sadd.s32 $0x13800, s5  }
0x28: {  	s24 =	sadd.s32 $0x13810, s5;
	s0 =	simm.s32 $0x200;
	[dreg:$0x1c] =	wrdreg s23  }
0x29: {  	v0 =	vimm.f32 $0.0e+00;
	s15 =	simm.s32 $0x3;
	s5 =	simm.s32 $0x0;
	[dreg:$0x1d] =	wrdreg s24  }
.LBB2_1:
0x2a: {  	[smem:$0x7FD] =	sst s5  }
0x2b: {  	s4 =	simm.s32 $0x0;
	s25 =	rddreg [dreg:$0xb]  }
0x2c: {  	[tilespmem:s4], [sflag:$0x1] =	stream.linear.gather [hbm4b:s25+s4], $0x80, $0x38;
	[tilespmem:$0x1C800] =	vst v63  }
0x2d: {  	s26 =	rddreg [dreg:$0xc]  }
0x2e: {  	[tilespmem:s28], [sflag:$0x1] =	stream.linear.gather [hbm4b:s26+s4], $0x80, $0x38;
	[tilespmem:$0x1C800] =	vst v63  }
0x2f: {  	s22 =	rddreg [dreg:$0xd]  }
0x30: {  	[tilespmem:s29], [sflag:$0x1] =	stream.linear.gather [hbm4b:s22+s4], $0x80, $0x38;
	[tilespmem:$0x1C800] =	vst v63  }
0x31: {  	s23 =	rddreg [dreg:$0xe]  }
0x32: {  	[tilespmem:s30], [sflag:$0x1] =	stream.linear.gather [hbm4b:s23+s4], $0x80, $0x38;
	[tilespmem:$0x1C800] =	vst v63  }
0x33: {  	s24 =	rddreg [dreg:$0xf]  }
0x34: {  	[tilespmem:s31], [sflag:$0x1] =	stream.linear.gather [hbm4b:s24+s4], $0x80, $0x38;
	[tilespmem:$0x1C800] =	vst v63  }
0x35: {  	s25 =	rddreg [dreg:$0x10]  }
0x36: {  	[tilespmem:s2], [sflag:$0x1] =	stream.linear.gather [hbm4b:s25+s4], $0x80, $0x38;
	[tilespmem:$0x1C800] =	vst v63  }
0x37: {  	s26 =	rddreg [dreg:$0x11]  }
0x38: {  	[tilespmem:s0], [sflag:$0x2] =	stream.linear.gather [hbm4b:s26+s4], $0x80, $0x38;
	[tilespmem:$0x1C800] =	vst v63  }
0x39: {  	s22 =	rddreg [dreg:$0x12]  }
0x3a: {  	[tilespmem:s6], [sflag:$0x2] =	stream.linear.gather [hbm4b:s22+s4], $0x80, $0x38;
	[tilespmem:$0x1C800] =	vst v63  }
0x3b: {  	s23 =	rddreg [dreg:$0x13]  }
0x3c: {  	[tilespmem:s7], [sflag:$0x2] =	stream.linear.gather [hbm4b:s23+s4], $0x80, $0x38;
	[tilespmem:$0x1C800] =	vst v63  }
0x3d: {  	s24 =	rddreg [dreg:$0x14]  }
0x3e: {  	[tilespmem:s8], [sflag:$0x2] =	stream.linear.gather [hbm4b:s24+s4], $0x80, $0x38;
	[tilespmem:$0x1C800] =	vst v63  }
0x3f: {  	s25 =	rddreg [dreg:$0x15]  }
0x40: {  	[tilespmem:s9], [sflag:$0x2] =	stream.linear.gather [hbm4b:s25+s4], $0x80, $0x38;
	[tilespmem:$0x1C800] =	vst v63  }
0x41: {  	s5 =	simm.s32 $0x0;
	s26 =	rddreg [dreg:$0x16];
	s23 =	simm.s32 $0x200  }
0x42: {  	[tilespmem:s10], [sflag:$0x2] =	stream.linear.gather [hbm4b:s26+s4], $0x80, $0x38;
	[tilespmem:$0x1C800] =	vst v63  }
.LBB2_2:
0x43: {  	p1 =	sne.s32 s23, $0xFE00;
	[tilespmem:s5+$0x870] =	vst v0  }
0x44: {  	[tilespmem:s5+$0x800] =	vst v0  }
0x45: {  	[tilespmem:s5+$0x810] =	vst v0  }
.Ltmp0:
0x46: {  	[tilespmem:s5+$0x820] =	vst v0;
	(pc) =	sbr.rel @p1 .LBB2_2-.Ltmp0, $4  }
0x47: {  	[tilespmem:s5+$0x830] =	vst v0  }
0x48: {  	[tilespmem:s5+$0x840] =	vst v0  }
0x49: {  	[tilespmem:s5+$0x850] =	vst v0  }
0x4a: {  	[tilespmem:s5+$0x860] =	vst v0;
	s5 =	sshra.s32 s23, $0x2;
	s23 =	sadd.s32 $0x200, s23  }
0x4b: {  	[tilespmem:s5+$0x870] =	vst v0  }
0x4c: {  	[tilespmem:s5+$0x800] =	vst v0  }
0x4d: {  	[tilespmem:s5+$0x810] =	vst v0  }
0x4e: {  	[tilespmem:s5+$0x820] =	vst v0  }
0x4f: {  	[tilespmem:s5+$0x830] =	vst v0  }
0x50: {  	[tilespmem:s5+$0x840] =	vst v0  }
0x51: {  	[tilespmem:s5+$0x850] =	vst v0  }
0x52: {  	[tilespmem:s5+$0x860] =	vst v0  }
0x53: {  	[spmem:s19] =	stream.linear.scatter [tilespmem:s11], [sflag:$0x7], $0x4000, $0x38;
	[tilespmem:$0x1C800] =	vst v63  }
0x54: {  	_ =	swait.ge [sflag:s12], $0x4000  }
0x55: {  	[sflag:s12] =	ssyncset.done $0x0  }
0x56: {  	s4 =	rddreg [dreg:$0x19];
	[sflag:s12] =	ssyncadd.s32 $0xFFFFC000  }
0x57: {  	[spmem:s4] =	stream.linear.scatter [tilespmem:s11], [sflag:$0x7], $0x4000, $0x38;
	[tilespmem:$0x1C800] =	vst v63  }
0x58: {  	_ =	swait.ge [sflag:s12], $0x4000  }
0x59: {  	[sflag:s12] =	ssyncset.done $0x0  }
0x5a: {  	s23 =	rddreg [dreg:$0x1a];
	[sflag:s12] =	ssyncadd.s32 $0xFFFFC000  }
0x5b: {  	[spmem:s23] =	stream.linear.scatter [tilespmem:s11], [sflag:$0x7], $0x4000, $0x38;
	[tilespmem:$0x1C800] =	vst v63  }
0x5c: {  	_ =	swait.ge [sflag:s12], $0x4000  }
0x5d: {  	[sflag:s12] =	ssyncset.done $0x0  }
0x5e: {  	s24 =	rddreg [dreg:$0x1b];
	[sflag:s12] =	ssyncadd.s32 $0xFFFFC000  }
0x5f: {  	[spmem:s24] =	stream.linear.scatter [tilespmem:s11], [sflag:$0x7], $0x4000, $0x38;
	[tilespmem:$0x1C800] =	vst v63  }
0x60: {  	_ =	swait.ge [sflag:s12], $0x4000  }
0x61: {  	[sflag:s12] =	ssyncset.done $0x0  }
0x62: {  	s25 =	rddreg [dreg:$0x1f];
	[sflag:s12] =	ssyncadd.s32 $0xFFFFC000  }
0x63: {  	[spmem:s25] =	stream.linear.scatter [tilespmem:s11], [sflag:$0x7], $0x4000, $0x38;
	[tilespmem:$0x1C800] =	vst v63  }
0x64: {  	_ =	swait.ge [sflag:s12], $0x4000  }
0x65: {  	[sflag:s12] =	ssyncset.done $0x0  }
0x66: {  	[sflag:s12] =	ssyncadd.s32 $0xFFFFC000  }
0x67: {  	[bflag:$0x0] =	sbarrier.arrive $0xFFFF  }
0x68: {  	_ =	swait.ge [sflag:s13], $0x80  }
0x69: {  	[sflag:s13] =	ssyncset.done $0x0  }
0x6a: {  	[sflag:s13] =	ssyncadd.s32 $0xFFFFFF80  }
0x6b: {  	_ =	swait.ge [sflag:s13], $0x80  }
0x6c: {  	[sflag:s13] =	ssyncset.done $0x0  }
0x6d: {  	[sflag:s13] =	ssyncadd.s32 $0xFFFFFF80  }
0x6e: {  	_ =	swait.ge [sflag:s13], $0x80  }
0x6f: {  	[sflag:s13] =	ssyncset.done $0x0  }
0x70: {  	[sflag:s13] =	ssyncadd.s32 $0xFFFFFF80  }
0x71: {  	_ =	swait.ge [sflag:s13], $0x80  }
0x72: {  	[sflag:s13] =	ssyncset.done $0x0  }
0x73: {  	[sflag:s13] =	ssyncadd.s32 $0xFFFFFF80  }
0x74: {  	_ =	swait.ge [sflag:s13], $0x80  }
0x75: {  	[sflag:s13] =	ssyncset.done $0x0  }
0x76: {  	[sflag:s13] =	ssyncadd.s32 $0xFFFFFF80  }
0x77: {  	_ =	swait.ge [sflag:s13], $0x80  }
0x78: {  	p1 =	por $0x1, $0x1;
	[sflag:s13] =	ssyncset.done $0x0  }
0x79: {  	s26 =	simm.s32 $0x0;
	s5 =	simm.s32 @!p1 $0x6;
	[sflag:s13] =	ssyncadd.s32 $0xFFFFFF80  }
0x7a: {  	[tilespmem:s11], [sflag:$0x3] =	stream.indirect.gather [hbm4b:s1+s29], $0x80, s26, s29, $0xb8;
	[tilespmem:$0x1C800] =	vst v63  }
0x7b: {  	_ =	swait.ge @!p1 [sflag:s5], $0x4000  }
0x7c: {  	s23 =	simm.s32 @!p1 $0x200;
	s24 =	sadd.s32 @!p1 $0x0, s18;
	[sflag:s5] =	ssyncset.done @!p1 $0x0  }
0x7d: {  	s25 =	simm.s32 @!p1 $0x0;
	[sflag:s5] =	ssyncadd.s32 @!p1 $0xFFFFC000;
	s5 =	sadd.s32 @!p1 $0x60, s24  }
0x7e: {  	[tilespmem:s23], [sflag:$0x2] =	stream.linear.gather @!p1 [hbm4b:s5+s25], $0x80, $0x38;
	[tilespmem:$0x1C800] =	vst v63  }
0x7f: {  	s26 =	rddreg [dreg:$0xa];
	s5 =	sadd.s32 @!p1 $0x70, s24;
	s23 =	simm.s32 @!p1 $0x600  }
0x80: {  	[tilespmem:s23], [sflag:$0x2] =	stream.linear.gather @!p1 [hbm4b:s5+s25], $0x80, $0x38;
	[tilespmem:$0x1C800] =	vst v63  }
0x81: {  	s24 =	rddreg [dreg:$0x9];
	s5 =	sadd.s32 @!p1 $0x0, s26;
	s23 =	simm.s32 @!p1 $0x280  }
0x82: {  	[tilespmem:s23], [sflag:$0x2] =	stream.linear.gather @!p1 [hbm4b:s5+s25], $0x80, $0x38;
	[tilespmem:$0x1C800] =	vst v63  }
0x83: {  	s26 =	rddreg [dreg:$0x7];
	s5 =	sadd.s32 @!p1 $0x0, s24;
	s23 =	simm.s32 @!p1 $0x680  }
0x84: {  	[tilespmem:s23], [sflag:$0x2] =	stream.linear.gather @!p1 [hbm4b:s5+s25], $0x80, $0x38;
	[tilespmem:$0x1C800] =	vst v63  }
0x85: {  	s24 =	rddreg [dreg:$0x8];
	s5 =	sadd.s32 @!p1 $0x0, s26;
	s23 =	simm.s32 @!p1 $0x300  }
0x86: {  	[tilespmem:s23], [sflag:$0x2] =	stream.linear.gather @!p1 [hbm4b:s5+s25], $0x80, $0x38;
	[tilespmem:$0x1C800] =	vst v63  }
0x87: {  	s5 =	sadd.s32 @!p1 $0x0, s24;
	s23 =	simm.s32 @!p1 $0x700  }
0x88: {  	[tilespmem:s23], [sflag:$0x2] =	stream.linear.gather @!p1 [hbm4b:s5+s25], $0x80, $0x38;
	[tilespmem:$0x1C800] =	vst v63  }
0x89: {  	_ = 	snop  }
0x8a: {  	[tilespmem:s14], [sflag:$0x4] =	stream.indirect.gather [hbm4b:s1+s29], $0x80, s29, s29, $0xb8;
	[tilespmem:$0x1C800] =	vst v63  }
0x8b: {  	_ =	swait.ge [sflag:s15], $0x4000  }
0x8c: {  	[sflag:s15] =	ssyncset.done $0x0  }
0x8d: {  	[sflag:s15] =	ssyncadd.s32 $0xFFFFC000  }
0x8e: {  	[spmem:s3] =	stream.indirect.scatter.add.f32 [tilespmem:s11], [sflag:$0x5], $0x80, s28, s29, $0xb8;
	[tilespmem:$0x1C800] =	vst v63  }
0x8f: {  	_ =	swait.ge [sflag:s16], $0x4000  }
0x90: {  	[sflag:s16] =	ssyncset.done $0x0  }
0x91: {  	[sflag:s16] =	ssyncadd.s32 $0xFFFFC000  }
0x92: {  	[tilespmem:s11], [sflag:$0x3] =	stream.indirect.gather [hbm4b:s1+s29], $0x80, s31, s29, $0xb8;
	[tilespmem:$0x1C800] =	vst v63  }
0x93: {  	_ =	swait.ge [sflag:s17], $0x4000  }
0x94: {  	[sflag:s17] =	ssyncset.done $0x0  }
0x95: {  	[sflag:s17] =	ssyncadd.s32 $0xFFFFC000  }
0x96: {  	[spmem:s3] =	stream.indirect.scatter.add.f32 [tilespmem:s14], [sflag:$0x6], $0x80, s30, s29, $0xb8;
	[tilespmem:$0x1C800] =	vst v63  }
0x97: {  	_ =	swait.ge [sflag:s20], $0x4000  }
0x98: {  	[sflag:s20] =	ssyncset.done $0x0  }
0x99: {  	[sflag:s20] =	ssyncadd.s32 $0xFFFFC000  }
0x9a: {  	_ =	swait.ge [sflag:s21], $0x80  }
0x9b: {  	[sflag:s21] =	ssyncset.done $0x0  }
0x9c: {  	[sflag:s21] =	ssyncadd.s32 $0xFFFFFF80  }
0x9d: {  	_ =	swait.ge [sflag:s21], $0x80  }
0x9e: {  	[sflag:s21] =	ssyncset.done $0x0  }
0x9f: {  	[sflag:s21] =	ssyncadd.s32 $0xFFFFFF80  }
0xa0: {  	_ =	swait.ge [sflag:s21], $0x80  }
0xa1: {  	[sflag:s21] =	ssyncset.done $0x0  }
0xa2: {  	[sflag:s21] =	ssyncadd.s32 $0xFFFFFF80  }
0xa3: {  	_ =	swait.ge [sflag:s21], $0x80  }
0xa4: {  	[sflag:s21] =	ssyncset.done $0x0  }
0xa5: {  	[sflag:s21] =	ssyncadd.s32 $0xFFFFFF80  }
0xa6: {  	_ =	swait.ge [sflag:s21], $0x80  }
0xa7: {  	[sflag:s21] =	ssyncset.done $0x0  }
0xa8: {  	[sflag:s21] =	ssyncadd.s32 $0xFFFFFF80  }
0xa9: {  	_ =	swait.ge [sflag:s21], $0x80  }
0xaa: {  	[sflag:s21] =	ssyncset.done $0x0  }
0xab: {  	[sflag:s21] =	ssyncadd.s32 $0xFFFFFF80  }
0xac: {  	[tilespmem:s14], [sflag:$0x4] =	stream.indirect.gather [hbm4b:s1+s29], $0x80, s0, s29, $0xb8;
	[tilespmem:$0x1C800] =	vst v63  }
0xad: {  	_ =	swait.ge [sflag:s15], $0x4000  }
0xae: {  	[sflag:s15] =	ssyncset.done $0x0  }
0xaf: {  	[sflag:s15] =	ssyncadd.s32 $0xFFFFC000  }
0xb0: {  	[spmem:s3] =	stream.indirect.scatter.add.f32 [tilespmem:s11], [sflag:$0x5], $0x80, s2, s29, $0xb8;
	[tilespmem:$0x1C800] =	vst v63  }
0xb1: {  	p1 =	por $0x0, $0x0;
	_ =	swait.ge [sflag:s16], $0x4000  }
0xb2: {  	s5 =	sadd.s32 @!p1 $0x0, s18;
	[sflag:s16] =	ssyncset.done $0x0  }
0xb3: {  	s24 =	simm.s32 @!p1 $0x0;
	s23 =	sadd.s32 @!p1 $0xC0, s5;
	[sflag:s16] =	ssyncadd.s32 $0xFFFFC000  }
0xb4: {  	[tilespmem:s24], [sflag:$0x1] =	stream.linear.gather @!p1 [hbm4b:s23+s24], $0x80, $0x38;
	[tilespmem:$0x1C800] =	vst v63  }
0xb5: {  	s25 =	simm.s32 @!p1 $0x400;
	s23 =	sadd.s32 @!p1 $0xD0, s5  }
0xb6: {  	[tilespmem:s25], [sflag:$0x1] =	stream.linear.gather @!p1 [hbm4b:s23+s24], $0x80, $0x38;
	[tilespmem:$0x1C800] =	vst v63  }
0xb7: {  	s23 =	sadd.s32 @!p1 $0xE0, s5;
	s25 =	simm.s32 @!p1 $0x80  }
0xb8: {  	[tilespmem:s25], [sflag:$0x1] =	stream.linear.gather @!p1 [hbm4b:s23+s24], $0x80, $0x38;
	[tilespmem:$0x1C800] =	vst v63  }
0xb9: {  	s26 =	simm.s32 @!p1 $0x480;
	s5 =	sadd.s32 @!p1 $0xF0, s5;
	s23 =	rddreg [dreg:$0x6]  }
0xba: {  	[tilespmem:s26], [sflag:$0x1] =	stream.linear.gather @!p1 [hbm4b:s5+s24], $0x80, $0x38;
	[tilespmem:$0x1C800] =	vst v63  }
0xbb: {  	s23 =	sadd.s32 @!p1 $0x0, s23;
	s5 =	rddreg [dreg:$0x5];
	s26 =	simm.s32 @!p1 $0x100  }
0xbc: {  	[tilespmem:s26], [sflag:$0x1] =	stream.linear.gather @!p1 [hbm4b:s23+s24], $0x80, $0x38;
	[tilespmem:$0x1C800] =	vst v63  }
0xbd: {  	s5 =	sadd.s32 @!p1 $0x0, s5;
	s23 =	simm.s32 @!p1 $0x500  }
0xbe: {  	[tilespmem:s23], [sflag:$0x1] =	stream.linear.gather @!p1 [hbm4b:s5+s24], $0x80, $0x38;
	[tilespmem:$0x1C800] =	vst v63  }
0xbf: {  	_ = 	snop  }
0xc0: {  	[tilespmem:s11], [sflag:$0x3] =	stream.indirect.gather [hbm4b:s1+s29], $0x80, s7, s29, $0xb8;
	[tilespmem:$0x1C800] =	vst v63  }
0xc1: {  	_ =	swait.ge [sflag:s17], $0x4000  }
0xc2: {  	[sflag:s17] =	ssyncset.done $0x0  }
0xc3: {  	[sflag:s17] =	ssyncadd.s32 $0xFFFFC000  }
0xc4: {  	[spmem:s3] =	stream.indirect.scatter.add.f32 [tilespmem:s14], [sflag:$0x6], $0x80, s6, s29, $0xb8;
	[tilespmem:$0x1C800] =	vst v63  }
0xc5: {  	_ =	swait.ge [sflag:s20], $0x4000  }
0xc6: {  	[sflag:s20] =	ssyncset.done $0x0  }
0xc7: {  	[sflag:s20] =	ssyncadd.s32 $0xFFFFC000  }
0xc8: {  	[tilespmem:s14], [sflag:$0x4] =	stream.indirect.gather [hbm4b:s1+s29], $0x80, s9, s29, $0xb8;
	[tilespmem:$0x1C800] =	vst v63  }
0xc9: {  	_ =	swait.ge [sflag:s15], $0x4000  }
0xca: {  	[sflag:s15] =	ssyncset.done $0x0  }
0xcb: {  	[sflag:s15] =	ssyncadd.s32 $0xFFFFC000  }
0xcc: {  	[spmem:s3] =	stream.indirect.scatter.add.f32 [tilespmem:s11], [sflag:$0x5], $0x80, s8, s29, $0xb8;
	[tilespmem:$0x1C800] =	vst v63  }
0xcd: {  	_ =	swait.ge [sflag:s16], $0x4000  }
0xce: {  	[sflag:s16] =	ssyncset.done $0x0  }
0xcf: {  	s5 =	simm.s32 @!p1 $0x1;
	[sflag:s16] =	ssyncadd.s32 $0xFFFFC000  }
0xd0: {  	_ =	swait.ge @!p1 [sflag:s5], $0x80  }
0xd1: {  	[sflag:s5] =	ssyncset.done @!p1 $0x0  }
0xd2: {  	[sflag:s5] =	ssyncadd.s32 @!p1 $0xFFFFFF80  }
0xd3: {  	_ =	swait.ge @!p1 [sflag:s5], $0x80  }
0xd4: {  	[sflag:s5] =	ssyncset.done @!p1 $0x0  }
0xd5: {  	[sflag:s5] =	ssyncadd.s32 @!p1 $0xFFFFFF80  }
0xd6: {  	_ =	swait.ge @!p1 [sflag:s5], $0x80  }
0xd7: {  	[sflag:s5] =	ssyncset.done @!p1 $0x0  }
0xd8: {  	[sflag:s5] =	ssyncadd.s32 @!p1 $0xFFFFFF80  }
0xd9: {  	_ =	swait.ge @!p1 [sflag:s5], $0x80  }
0xda: {  	[sflag:s5] =	ssyncset.done @!p1 $0x0  }
0xdb: {  	[sflag:s5] =	ssyncadd.s32 @!p1 $0xFFFFFF80  }
0xdc: {  	_ =	swait.ge @!p1 [sflag:s5], $0x80  }
0xdd: {  	[sflag:s5] =	ssyncset.done @!p1 $0x0  }
0xde: {  	[sflag:s5] =	ssyncadd.s32 @!p1 $0xFFFFFF80  }
0xdf: {  	_ =	swait.ge @!p1 [sflag:s5], $0x80  }
0xe0: {  	[sflag:s5] =	ssyncset.done @!p1 $0x0  }
0xe1: {  	[sflag:s5] =	ssyncadd.s32 @!p1 $0xFFFFFF80;
	s5 =	simm.s32 @!p1 $0x800  }
0xe2: {  	[tilespmem:s5], [sflag:$0x3] =	stream.indirect.gather @!p1 [hbm4b:s1+s25], $0x80, s24, s25, $0xb8;
	[tilespmem:$0x1C800] =	vst v63  }
0xe3: {  	p2 =	por $0x0, $0x0;
	_ =	swait.ge [sflag:s17], $0x4000  }
0xe4: {  	s23 =	simm.s32 $0xC0;
	s24 =	simm.s32 $0x180;
	[sflag:s17] =	ssyncset.done $0x0  }
.LBB2_4:
0xe5: {  	s5 =	simm.s32 @!p2 $0x6;
	[sflag:s17] =	ssyncadd.s32 $0xFFFFC000  }
0xe6: {  	[spmem:s3] =	stream.indirect.scatter.add.f32 [tilespmem:s14], [sflag:$0x6], $0x80, s10, s29, $0xb8;
	[tilespmem:$0x1C800] =	vst v63  }
0xe7: {  	_ =	swait.ge @!p2 [sflag:s5], $0x4000  }
0xe8: {  	s26 =	simm.s32 @!p2 $0x200;
	s19 =	sadd.s32 @!p2 s23, s18;
	[sflag:s5] =	ssyncset.done @!p2 $0x0  }
0xe9: {  	s4 =	simm.s32 @!p2 $0x0;
	[sflag:s5] =	ssyncadd.s32 @!p2 $0xFFFFC000;
	s5 =	sadd.s32 @!p2 $0x60, s19  }
0xea: {  	[tilespmem:s26], [sflag:$0x2] =	stream.linear.gather @!p2 [hbm4b:s5+s4], $0x80, $0x38;
	[tilespmem:$0x1C800] =	vst v63  }
0xeb: {  	s22 =	rddreg [dreg:$0xa];
	s5 =	sadd.s32 @!p2 $0x70, s19;
	s19 =	simm.s32 @!p2 $0x600  }
0xec: {  	[tilespmem:s19], [sflag:$0x2] =	stream.linear.gather @!p2 [hbm4b:s5+s4], $0x80, $0x38;
	[tilespmem:$0x1C800] =	vst v63  }
0xed: {  	s26 =	rddreg [dreg:$0x9];
	s5 =	sadd.s32 @!p2 s23, s22;
	s19 =	simm.s32 @!p2 $0x280  }
0xee: {  	[tilespmem:s19], [sflag:$0x2] =	stream.linear.gather @!p2 [hbm4b:s5+s4], $0x80, $0x38;
	[tilespmem:$0x1C800] =	vst v63  }
0xef: {  	s22 =	rddreg [dreg:$0x7];
	s5 =	sadd.s32 @!p2 s23, s26;
	s19 =	simm.s32 @!p2 $0x680  }
0xf0: {  	[tilespmem:s19], [sflag:$0x2] =	stream.linear.gather @!p2 [hbm4b:s5+s4], $0x80, $0x38;
	[tilespmem:$0x1C800] =	vst v63  }
0xf1: {  	s26 =	rddreg [dreg:$0x8];
	s5 =	sadd.s32 @!p2 s23, s22;
	s19 =	simm.s32 @!p2 $0x300  }
0xf2: {  	[tilespmem:s19], [sflag:$0x2] =	stream.linear.gather @!p2 [hbm4b:s5+s4], $0x80, $0x38;
	[tilespmem:$0x1C800] =	vst v63  }
0xf3: {  	s5 =	sadd.s32 @!p2 s23, s26;
	s19 =	simm.s32 @!p2 $0x700  }
0xf4: {  	[tilespmem:s19], [sflag:$0x2] =	stream.linear.gather @!p2 [hbm4b:s5+s4], $0x80, $0x38;
	[tilespmem:$0x1C800] =	vst v63  }
0xf5: {  	_ = 	snop  }
0xf6: {  	[tilespmem:s14], [sflag:$0x4] =	stream.indirect.gather [hbm4b:s1+s29], $0x80, s29, s29, $0xb8;
	[tilespmem:$0x1C800] =	vst v63  }
0xf7: {  	_ =	swait.ge [sflag:s15], $0x4000  }
0xf8: {  	[sflag:s15] =	ssyncset.done $0x0  }
0xf9: {  	[sflag:s15] =	ssyncadd.s32 $0xFFFFC000  }
0xfa: {  	[spmem:s3] =	stream.indirect.scatter.add.f32 [tilespmem:s11], [sflag:$0x5], $0x80, s28, s29, $0xb8;
	[tilespmem:$0x1C800] =	vst v63  }
0xfb: {  	_ =	swait.ge [sflag:s16], $0x4000  }
0xfc: {  	[sflag:s16] =	ssyncset.done $0x0  }
0xfd: {  	[sflag:s16] =	ssyncadd.s32 $0xFFFFC000  }
0xfe: {  	[tilespmem:s11], [sflag:$0x3] =	stream.indirect.gather [hbm4b:s1+s29], $0x80, s31, s29, $0xb8;
	[tilespmem:$0x1C800] =	vst v63  }
0xff: {  	_ =	swait.ge [sflag:s17], $0x4000  }
0x100: {  	[sflag:s17] =	ssyncset.done $0x0  }
0x101: {  	[sflag:s17] =	ssyncadd.s32 $0xFFFFC000  }
0x102: {  	[spmem:s3] =	stream.indirect.scatter.add.f32 [tilespmem:s14], [sflag:$0x6], $0x80, s30, s29, $0xb8;
	[tilespmem:$0x1C800] =	vst v63  }
0x103: {  	_ =	swait.ge [sflag:s20], $0x4000  }
0x104: {  	[sflag:s20] =	ssyncset.done $0x0  }
0x105: {  	[sflag:s20] =	ssyncadd.s32 $0xFFFFC000  }
0x106: {  	_ =	swait.ge [sflag:s21], $0x80  }
0x107: {  	[sflag:s21] =	ssyncset.done $0x0  }
0x108: {  	[sflag:s21] =	ssyncadd.s32 $0xFFFFFF80  }
0x109: {  	_ =	swait.ge [sflag:s21], $0x80  }
0x10a: {  	[sflag:s21] =	ssyncset.done $0x0  }
0x10b: {  	[sflag:s21] =	ssyncadd.s32 $0xFFFFFF80  }
0x10c: {  	_ =	swait.ge [sflag:s21], $0x80  }
0x10d: {  	[sflag:s21] =	ssyncset.done $0x0  }
0x10e: {  	[sflag:s21] =	ssyncadd.s32 $0xFFFFFF80  }
0x10f: {  	_ =	swait.ge [sflag:s21], $0x80  }
0x110: {  	[sflag:s21] =	ssyncset.done $0x0  }
0x111: {  	[sflag:s21] =	ssyncadd.s32 $0xFFFFFF80  }
0x112: {  	_ =	swait.ge [sflag:s21], $0x80  }
0x113: {  	[sflag:s21] =	ssyncset.done $0x0  }
0x114: {  	[sflag:s21] =	ssyncadd.s32 $0xFFFFFF80  }
0x115: {  	_ =	swait.ge [sflag:s21], $0x80  }
0x116: {  	[sflag:s21] =	ssyncset.done $0x0  }
0x117: {  	[sflag:s21] =	ssyncadd.s32 $0xFFFFFF80  }
0x118: {  	[tilespmem:s14], [sflag:$0x4] =	stream.indirect.gather [hbm4b:s1+s29], $0x80, s0, s29, $0xb8;
	[tilespmem:$0x1C800] =	vst v63  }
0x119: {  	_ =	swait.ge [sflag:s15], $0x4000  }
0x11a: {  	[sflag:s15] =	ssyncset.done $0x0  }
0x11b: {  	[sflag:s15] =	ssyncadd.s32 $0xFFFFC000  }
0x11c: {  	[spmem:s3] =	stream.indirect.scatter.add.f32 [tilespmem:s11], [sflag:$0x5], $0x80, s2, s29, $0xb8;
	[tilespmem:$0x1C800] =	vst v63  }
0x11d: {  	p2 =	seq.s32 s23, $0x900;
	_ =	swait.ge [sflag:s16], $0x4000  }
0x11e: {  	s4 =	sadd.s32 @!p2 s23, s18;
	[sflag:s16] =	ssyncset.done $0x0  }
0x11f: {  	s26 =	simm.s32 @!p2 $0x0;
	s5 =	sadd.s32 @!p2 $0xC0, s4;
	[sflag:s16] =	ssyncadd.s32 $0xFFFFC000  }
0x120: {  	[tilespmem:s26], [sflag:$0x1] =	stream.linear.gather @!p2 [hbm4b:s5+s26], $0x80, $0x38;
	[tilespmem:$0x1C800] =	vst v63  }
0x121: {  	s19 =	simm.s32 @!p2 $0x400;
	s5 =	sadd.s32 @!p2 $0xD0, s4  }
0x122: {  	[tilespmem:s19], [sflag:$0x1] =	stream.linear.gather @!p2 [hbm4b:s5+s26], $0x80, $0x38;
	[tilespmem:$0x1C800] =	vst v63  }
0x123: {  	s22 =	sadd.s32 @!p2 $0xE0, s4;
	s5 =	simm.s32 @!p2 $0x80  }
0x124: {  	[tilespmem:s5], [sflag:$0x1] =	stream.linear.gather @!p2 [hbm4b:s22+s26], $0x80, $0x38;
	[tilespmem:$0x1C800] =	vst v63  }
0x125: {  	s4 =	sadd.s32 @!p2 $0xF0, s4;
	s19 =	rddreg [dreg:$0x6];
	s22 =	simm.s32 @!p2 $0x480  }
0x126: {  	[tilespmem:s22], [sflag:$0x1] =	stream.linear.gather @!p2 [hbm4b:s4+s26], $0x80, $0x38;
	[tilespmem:$0x1C800] =	vst v63  }
0x127: {  	s12 =	rddreg [dreg:$0x5];
	s4 =	sadd.s32 @!p2 s23, s19;
	s19 =	simm.s32 @!p2 $0x100  }
0x128: {  	[tilespmem:s19], [sflag:$0x1] =	stream.linear.gather @!p2 [hbm4b:s4+s26], $0x80, $0x38;
	[tilespmem:$0x1C800] =	vst v63  }
0x129: {  	s4 =	sadd.s32 @!p2 s23, s12;
	s12 =	simm.s32 @!p2 $0x500  }
0x12a: {  	[tilespmem:s12], [sflag:$0x1] =	stream.linear.gather @!p2 [hbm4b:s4+s26], $0x80, $0x38;
	[tilespmem:$0x1C800] =	vst v63  }
0x12b: {  	_ = 	snop  }
0x12c: {  	[tilespmem:s11], [sflag:$0x3] =	stream.indirect.gather [hbm4b:s1+s29], $0x80, s7, s29, $0xb8;
	[tilespmem:$0x1C800] =	vst v63  }
0x12d: {  	_ =	swait.ge [sflag:s17], $0x4000  }
0x12e: {  	[sflag:s17] =	ssyncset.done $0x0  }
0x12f: {  	[sflag:s17] =	ssyncadd.s32 $0xFFFFC000  }
0x130: {  	[spmem:s3] =	stream.indirect.scatter.add.f32 [tilespmem:s14], [sflag:$0x6], $0x80, s6, s29, $0xb8;
	[tilespmem:$0x1C800] =	vst v63  }
0x131: {  	_ =	swait.ge [sflag:s20], $0x4000  }
0x132: {  	[sflag:s20] =	ssyncset.done $0x0  }
0x133: {  	[sflag:s20] =	ssyncadd.s32 $0xFFFFC000  }
0x134: {  	[tilespmem:s14], [sflag:$0x4] =	stream.indirect.gather [hbm4b:s1+s29], $0x80, s9, s29, $0xb8;
	[tilespmem:$0x1C800] =	vst v63  }
0x135: {  	_ =	swait.ge [sflag:s15], $0x4000  }
0x136: {  	[sflag:s15] =	ssyncset.done $0x0  }
0x137: {  	[sflag:s15] =	ssyncadd.s32 $0xFFFFC000  }
0x138: {  	[spmem:s3] =	stream.indirect.scatter.add.f32 [tilespmem:s11], [sflag:$0x5], $0x80, s8, s29, $0xb8;
	[tilespmem:$0x1C800] =	vst v63  }
0x139: {  	_ =	swait.ge [sflag:s16], $0x4000  }
0x13a: {  	[sflag:s16] =	ssyncset.done $0x0  }
0x13b: {  	s4 =	simm.s32 @!p2 $0x1;
	[sflag:s16] =	ssyncadd.s32 $0xFFFFC000  }
0x13c: {  	_ =	swait.ge @!p2 [sflag:s4], $0x80  }
0x13d: {  	[sflag:s4] =	ssyncset.done @!p2 $0x0  }
0x13e: {  	[sflag:s4] =	ssyncadd.s32 @!p2 $0xFFFFFF80  }
0x13f: {  	_ =	swait.ge @!p2 [sflag:s4], $0x80  }
0x140: {  	[sflag:s4] =	ssyncset.done @!p2 $0x0  }
0x141: {  	[sflag:s4] =	ssyncadd.s32 @!p2 $0xFFFFFF80  }
0x142: {  	_ =	swait.ge @!p2 [sflag:s4], $0x80  }
0x143: {  	[sflag:s4] =	ssyncset.done @!p2 $0x0  }
0x144: {  	[sflag:s4] =	ssyncadd.s32 @!p2 $0xFFFFFF80  }
0x145: {  	_ =	swait.ge @!p2 [sflag:s4], $0x80  }
0x146: {  	[sflag:s4] =	ssyncset.done @!p2 $0x0  }
0x147: {  	[sflag:s4] =	ssyncadd.s32 @!p2 $0xFFFFFF80  }
0x148: {  	_ =	swait.ge @!p2 [sflag:s4], $0x80  }
0x149: {  	[sflag:s4] =	ssyncset.done @!p2 $0x0  }
0x14a: {  	s25 =	smov.u32 s24;
	s24 =	sadd.s32 $0xC0, s24;
	[sflag:s4] =	ssyncadd.s32 @!p2 $0xFFFFFF80  }
0x14b: {  	p1 =	sne.s32 s24, $0x9C0;
	_ =	swait.ge @!p2 [sflag:s4], $0x80  }
.Ltmp1:
0x14c: {  	[sflag:s4] =	ssyncset.done @!p2 $0x0;
	(pc) =	sbr.rel @p1 .LBB2_4-.Ltmp1, $4  }
0x14d: {  	[sflag:s4] =	ssyncadd.s32 @!p2 $0xFFFFFF80;
	s4 =	simm.s32 @!p2 $0x800  }
0x14e: {  	[tilespmem:s4], [sflag:$0x3] =	stream.indirect.gather @!p2 [hbm4b:s1+s5], $0x80, s26, s5, $0xb8;
	[tilespmem:$0x1C800] =	vst v63  }
0x14f: {  	s23 =	smov.u32 s25;
	_ =	swait.ge [sflag:s17], $0x4000  }
0x150: {  	p2 =	seq.s32 s23, $0x0;
	[sflag:s17] =	ssyncset.done $0x0  }
0x151: {  	s4 =	simm.s32 @!p2 $0x6;
	[sflag:s17] =	ssyncadd.s32 $0xFFFFC000  }
0x152: {  	[spmem:s3] =	stream.indirect.scatter.add.f32 [tilespmem:s14], [sflag:$0x6], $0x80, s10, s29, $0xb8;
	[tilespmem:$0x1C800] =	vst v63  }
0x153: {  	_ =	swait.ge @!p2 [sflag:s4], $0x4000  }
0x154: {  	s5 =	simm.s32 @!p2 $0x200;
	s12 =	sadd.s32 @!p2 s23, s18;
	[sflag:s4] =	ssyncset.done @!p2 $0x0  }
0x155: {  	s19 =	simm.s32 @!p2 $0x0;
	[sflag:s4] =	ssyncadd.s32 @!p2 $0xFFFFC000;
	s4 =	sadd.s32 @!p2 $0x60, s12  }
0x156: {  	[tilespmem:s5], [sflag:$0x2] =	stream.linear.gather @!p2 [hbm4b:s4+s19], $0x80, $0x38;
	[tilespmem:$0x1C800] =	vst v63  }
0x157: {  	s22 =	rddreg [dreg:$0xa];
	s4 =	sadd.s32 @!p2 $0x70, s12;
	s5 =	simm.s32 @!p2 $0x600  }
0x158: {  	[tilespmem:s5], [sflag:$0x2] =	stream.linear.gather @!p2 [hbm4b:s4+s19], $0x80, $0x38;
	[tilespmem:$0x1C800] =	vst v63  }
0x159: {  	s12 =	rddreg [dreg:$0x9];
	s4 =	sadd.s32 @!p2 s23, s22;
	s5 =	simm.s32 @!p2 $0x280  }
0x15a: {  	[tilespmem:s5], [sflag:$0x2] =	stream.linear.gather @!p2 [hbm4b:s4+s19], $0x80, $0x38;
	[tilespmem:$0x1C800] =	vst v63  }
0x15b: {  	s22 =	rddreg [dreg:$0x7];
	s4 =	sadd.s32 @!p2 s23, s12;
	s5 =	simm.s32 @!p2 $0x680  }
0x15c: {  	[tilespmem:s5], [sflag:$0x2] =	stream.linear.gather @!p2 [hbm4b:s4+s19], $0x80, $0x38;
	[tilespmem:$0x1C800] =	vst v63  }
0x15d: {  	s12 =	rddreg [dreg:$0x8];
	s4 =	sadd.s32 @!p2 s23, s22;
	s5 =	simm.s32 @!p2 $0x300  }
0x15e: {  	[tilespmem:s5], [sflag:$0x2] =	stream.linear.gather @!p2 [hbm4b:s4+s19], $0x80, $0x38;
	[tilespmem:$0x1C800] =	vst v63  }
0x15f: {  	s4 =	sadd.s32 @!p2 s23, s12;
	s5 =	simm.s32 @!p2 $0x700  }
0x160: {  	[tilespmem:s5], [sflag:$0x2] =	stream.linear.gather @!p2 [hbm4b:s4+s19], $0x80, $0x38;
	[tilespmem:$0x1C800] =	vst v63  }
0x161: {  	_ = 	snop  }
0x162: {  	[tilespmem:s14], [sflag:$0x4] =	stream.indirect.gather [hbm4b:s1+s29], $0x80, s29, s29, $0xb8;
	[tilespmem:$0x1C800] =	vst v63  }
0x163: {  	_ =	swait.ge [sflag:s15], $0x4000  }
0x164: {  	[sflag:s15] =	ssyncset.done $0x0  }
0x165: {  	[sflag:s15] =	ssyncadd.s32 $0xFFFFC000  }
0x166: {  	[spmem:s3] =	stream.indirect.scatter.add.f32 [tilespmem:s11], [sflag:$0x5], $0x80, s28, s29, $0xb8;
	[tilespmem:$0x1C800] =	vst v63  }
0x167: {  	_ =	swait.ge [sflag:s16], $0x4000  }
0x168: {  	[sflag:s16] =	ssyncset.done $0x0  }
0x169: {  	[sflag:s16] =	ssyncadd.s32 $0xFFFFC000  }
0x16a: {  	[tilespmem:s11], [sflag:$0x3] =	stream.indirect.gather [hbm4b:s1+s29], $0x80, s31, s29, $0xb8;
	[tilespmem:$0x1C800] =	vst v63  }
0x16b: {  	_ =	swait.ge [sflag:s17], $0x4000  }
0x16c: {  	[sflag:s17] =	ssyncset.done $0x0  }
0x16d: {  	[sflag:s17] =	ssyncadd.s32 $0xFFFFC000  }
0x16e: {  	[spmem:s3] =	stream.indirect.scatter.add.f32 [tilespmem:s14], [sflag:$0x6], $0x80, s30, s29, $0xb8;
	[tilespmem:$0x1C800] =	vst v63  }
0x16f: {  	_ =	swait.ge [sflag:s20], $0x4000  }
0x170: {  	[sflag:s20] =	ssyncset.done $0x0  }
0x171: {  	[sflag:s20] =	ssyncadd.s32 $0xFFFFC000  }
0x172: {  	_ =	swait.ge [sflag:s21], $0x80  }
0x173: {  	[sflag:s21] =	ssyncset.done $0x0  }
0x174: {  	[sflag:s21] =	ssyncadd.s32 $0xFFFFFF80  }
0x175: {  	_ =	swait.ge [sflag:s21], $0x80  }
0x176: {  	[sflag:s21] =	ssyncset.done $0x0  }
0x177: {  	[sflag:s21] =	ssyncadd.s32 $0xFFFFFF80  }
0x178: {  	_ =	swait.ge [sflag:s21], $0x80  }
0x179: {  	[sflag:s21] =	ssyncset.done $0x0  }
0x17a: {  	[sflag:s21] =	ssyncadd.s32 $0xFFFFFF80  }
0x17b: {  	_ =	swait.ge [sflag:s21], $0x80  }
0x17c: {  	[sflag:s21] =	ssyncset.done $0x0  }
0x17d: {  	[sflag:s21] =	ssyncadd.s32 $0xFFFFFF80  }
0x17e: {  	_ =	swait.ge [sflag:s21], $0x80  }
0x17f: {  	[sflag:s21] =	ssyncset.done $0x0  }
0x180: {  	[sflag:s21] =	ssyncadd.s32 $0xFFFFFF80  }
0x181: {  	_ =	swait.ge [sflag:s21], $0x80  }
0x182: {  	[sflag:s21] =	ssyncset.done $0x0  }
0x183: {  	[sflag:s21] =	ssyncadd.s32 $0xFFFFFF80  }
0x184: {  	[tilespmem:s14], [sflag:$0x4] =	stream.indirect.gather [hbm4b:s1+s29], $0x80, s0, s29, $0xb8;
	[tilespmem:$0x1C800] =	vst v63  }
0x185: {  	_ =	swait.ge [sflag:s15], $0x4000  }
0x186: {  	[sflag:s15] =	ssyncset.done $0x0  }
0x187: {  	[sflag:s15] =	ssyncadd.s32 $0xFFFFC000  }
0x188: {  	[spmem:s3] =	stream.indirect.scatter.add.f32 [tilespmem:s11], [sflag:$0x5], $0x80, s2, s29, $0xb8;
	[tilespmem:$0x1C800] =	vst v63  }
0x189: {  	p1 =	seq.s32 s23, $0x900;
	_ =	swait.ge [sflag:s16], $0x4000  }
0x18a: {  	s4 =	sadd.s32 @!p1 s23, s18;
	[sflag:s16] =	ssyncset.done $0x0  }
0x18b: {  	s12 =	simm.s32 @!p1 $0x0;
	s5 =	sadd.s32 @!p1 $0xC0, s4;
	[sflag:s16] =	ssyncadd.s32 $0xFFFFC000  }
0x18c: {  	[tilespmem:s12], [sflag:$0x1] =	stream.linear.gather @!p1 [hbm4b:s5+s12], $0x80, $0x38;
	[tilespmem:$0x1C800] =	vst v63  }
0x18d: {  	s19 =	simm.s32 @!p1 $0x400;
	s5 =	sadd.s32 @!p1 $0xD0, s4  }
0x18e: {  	[tilespmem:s19], [sflag:$0x1] =	stream.linear.gather @!p1 [hbm4b:s5+s12], $0x80, $0x38;
	[tilespmem:$0x1C800] =	vst v63  }
0x18f: {  	s5 =	sadd.s32 @!p1 $0xE0, s4;
	s19 =	simm.s32 @!p1 $0x80  }
0x190: {  	[tilespmem:s19], [sflag:$0x1] =	stream.linear.gather @!p1 [hbm4b:s5+s12], $0x80, $0x38;
	[tilespmem:$0x1C800] =	vst v63  }
0x191: {  	s22 =	simm.s32 @!p1 $0x480;
	s4 =	sadd.s32 @!p1 $0xF0, s4;
	s5 =	rddreg [dreg:$0x6]  }
0x192: {  	[tilespmem:s22], [sflag:$0x1] =	stream.linear.gather @!p1 [hbm4b:s4+s12], $0x80, $0x38;
	[tilespmem:$0x1C800] =	vst v63  }
0x193: {  	s5 =	sadd.s32 @!p1 s23, s5;
	s4 =	rddreg [dreg:$0x5];
	s22 =	simm.s32 @!p1 $0x100  }
0x194: {  	[tilespmem:s22], [sflag:$0x1] =	stream.linear.gather @!p1 [hbm4b:s5+s12], $0x80, $0x38;
	[tilespmem:$0x1C800] =	vst v63  }
0x195: {  	s4 =	sadd.s32 @!p1 s23, s4;
	s5 =	simm.s32 @!p1 $0x500  }
0x196: {  	[tilespmem:s5], [sflag:$0x1] =	stream.linear.gather @!p1 [hbm4b:s4+s12], $0x80, $0x38;
	[tilespmem:$0x1C800] =	vst v63  }
0x197: {  	_ = 	snop  }
0x198: {  	[tilespmem:s11], [sflag:$0x3] =	stream.indirect.gather [hbm4b:s1+s29], $0x80, s7, s29, $0xb8;
	[tilespmem:$0x1C800] =	vst v63  }
0x199: {  	_ =	swait.ge [sflag:s17], $0x4000  }
0x19a: {  	[sflag:s17] =	ssyncset.done $0x0  }
0x19b: {  	[sflag:s17] =	ssyncadd.s32 $0xFFFFC000  }
0x19c: {  	[spmem:s3] =	stream.indirect.scatter.add.f32 [tilespmem:s14], [sflag:$0x6], $0x80, s6, s29, $0xb8;
	[tilespmem:$0x1C800] =	vst v63  }
0x19d: {  	_ =	swait.ge [sflag:s20], $0x4000  }
0x19e: {  	[sflag:s20] =	ssyncset.done $0x0  }
0x19f: {  	[sflag:s20] =	ssyncadd.s32 $0xFFFFC000  }
0x1a0: {  	[tilespmem:s14], [sflag:$0x4] =	stream.indirect.gather [hbm4b:s1+s29], $0x80, s9, s29, $0xb8;
	[tilespmem:$0x1C800] =	vst v63  }
0x1a1: {  	_ =	swait.ge [sflag:s15], $0x4000  }
0x1a2: {  	[sflag:s15] =	ssyncset.done $0x0  }
0x1a3: {  	[sflag:s15] =	ssyncadd.s32 $0xFFFFC000  }
0x1a4: {  	[spmem:s3] =	stream.indirect.scatter.add.f32 [tilespmem:s11], [sflag:$0x5], $0x80, s8, s29, $0xb8;
	[tilespmem:$0x1C800] =	vst v63  }
0x1a5: {  	_ =	swait.ge [sflag:s16], $0x4000  }
0x1a6: {  	[sflag:s16] =	ssyncset.done $0x0  }
0x1a7: {  	s4 =	simm.s32 @!p1 $0x1;
	[sflag:s16] =	ssyncadd.s32 $0xFFFFC000  }
0x1a8: {  	_ =	swait.ge @!p1 [sflag:s4], $0x80  }
0x1a9: {  	[sflag:s4] =	ssyncset.done @!p1 $0x0  }
0x1aa: {  	[sflag:s4] =	ssyncadd.s32 @!p1 $0xFFFFFF80  }
0x1ab: {  	_ =	swait.ge @!p1 [sflag:s4], $0x80  }
0x1ac: {  	[sflag:s4] =	ssyncset.done @!p1 $0x0  }
0x1ad: {  	[sflag:s4] =	ssyncadd.s32 @!p1 $0xFFFFFF80  }
0x1ae: {  	_ =	swait.ge @!p1 [sflag:s4], $0x80  }
0x1af: {  	[sflag:s4] =	ssyncset.done @!p1 $0x0  }
0x1b0: {  	[sflag:s4] =	ssyncadd.s32 @!p1 $0xFFFFFF80  }
0x1b1: {  	_ =	swait.ge @!p1 [sflag:s4], $0x80  }
0x1b2: {  	[sflag:s4] =	ssyncset.done @!p1 $0x0  }
0x1b3: {  	[sflag:s4] =	ssyncadd.s32 @!p1 $0xFFFFFF80  }
0x1b4: {  	_ =	swait.ge @!p1 [sflag:s4], $0x80  }
0x1b5: {  	[sflag:s4] =	ssyncset.done @!p1 $0x0  }
0x1b6: {  	[sflag:s4] =	ssyncadd.s32 @!p1 $0xFFFFFF80  }
0x1b7: {  	_ =	swait.ge @!p1 [sflag:s4], $0x80  }
0x1b8: {  	[sflag:s4] =	ssyncset.done @!p1 $0x0  }
0x1b9: {  	[sflag:s4] =	ssyncadd.s32 @!p1 $0xFFFFFF80;
	s4 =	simm.s32 @!p1 $0x800  }
0x1ba: {  	[tilespmem:s4], [sflag:$0x3] =	stream.indirect.gather @!p1 [hbm4b:s1+s19], $0x80, s12, s19, $0xb8;
	[tilespmem:$0x1C800] =	vst v63  }
0x1bb: {  	_ =	swait.ge [sflag:s17], $0x4000  }
0x1bc: {  	[sflag:s17] =	ssyncset.done $0x0  }
0x1bd: {  	[sflag:s17] =	ssyncadd.s32 $0xFFFFC000  }
0x1be: {  	[spmem:s3] =	stream.indirect.scatter.add.f32 [tilespmem:s14], [sflag:$0x6], $0x80, s10, s29, $0xb8;
	[tilespmem:$0x1C800] =	vst v63  }
0x1bf: {  	_ =	swait.ge [sflag:s20], $0x4000  }
0x1c0: {  	[sflag:s20] =	ssyncset.done $0x0  }
0x1c1: {  	s4 =	simm.s32 @!p0 $0x0;
	s5 =	rddreg [dreg:$0x1c];
	[sflag:s20] =	ssyncadd.s32 $0xFFFFC000  }
0x1c2: {  	[tilespmem:s4], [sflag:$0x1] =	stream.linear.gather @!p0 [hbm4b:s5+s4], $0x80, $0x38;
	[tilespmem:$0x1C800] =	vst v63  }
0x1c3: {  	s12 =	rddreg [dreg:$0x1d];
	s5 =	simm.s32 @!p0 $0x400  }
0x1c4: {  	[tilespmem:s5], [sflag:$0x1] =	stream.linear.gather @!p0 [hbm4b:s12+s4], $0x80, $0x38;
	[tilespmem:$0x1C800] =	vst v63  }
0x1c5: {  	s12 =	simm.s32 @!p0 $0x1  }
0x1c6: {  	_ =	swait.ge @!p0 [sflag:s12], $0x80  }
0x1c7: {  	[sflag:s12] =	ssyncset.done @!p0 $0x0  }
0x1c8: {  	[sflag:s12] =	ssyncadd.s32 @!p0 $0xFFFFFF80  }
0x1c9: {  	_ =	swait.ge @!p0 [sflag:s12], $0x80  }
0x1ca: {  	[sflag:s12] =	ssyncset.done @!p0 $0x0  }
0x1cb: {  	s19 =	simm.s32 @!p0 $0x800;
	[sflag:s12] =	ssyncadd.s32 @!p0 $0xFFFFFF80;
	s12 =	simm.s32 @!p0 $0x80  }
0x1cc: {  	[tilespmem:s19], [sflag:$0x3] =	stream.indirect.gather @!p0 [hbm4b:s1+s12], $0x80, s4, s12, $0xb8;
	[tilespmem:$0x1C800] =	vst v63  }
0x1cd: {  	s4 =	simm.s32 @!p0 $0x3  }
0x1ce: {  	_ =	swait.ge @!p0 [sflag:s4], $0x4000  }
0x1cf: {  	[sflag:s4] =	ssyncset.done @!p0 $0x0  }
0x1d0: {  	[sflag:s4] =	ssyncadd.s32 @!p0 $0xFFFFC000;
	s4 =	simm.s32 @!p0 $0x7  }
0x1d1: {  	[spmem:s3] =	stream.indirect.scatter.add.f32 @!p0 [tilespmem:s19], [sflag:$0x7], $0x80, s5, s12, $0xb8;
	[tilespmem:$0x1C800] =	vst v63  }
0x1d2: {  	_ =	swait.ge @!p0 [sflag:s4], $0x4000  }
0x1d3: {  	[sflag:s4] =	ssyncset.done @!p0 $0x0  }
0x1d4: {  	[sflag:s4] =	ssyncadd.s32 @!p0 $0xFFFFC000  }
0x1d5: {  	s22 =	stileid.u32;
	[bflag:$0x0] =	sbarrier.arrive $0xFFFF  }
0x1d6: {  	s12 =	simm.s32 $0x7;
	s4 =	sshll.u32 s22, $0x6;
	s19 =	rddreg [dreg:$0x18]  }
0x1d7: {  	s4 =	sor.u32 $0x1C07, s4;
	s24 =	rddreg [dreg:$0x17];
	s23 =	sshrl.u32 s19, $0x3  }
0x1d8: {  	[hbm:s24], [sflag:s4] =	dma.local [spmem:s23], $0x2800  }
0x1d9: {  	_ =	swait.ge [sflag:s12], $0x2800  }
0x1da: {  	s25 =	sld [smem:$0x7FD];
	_ =	sdelay $0x2  }
0x1db: {  	s26 =	rddreg [dreg:$0x1e];
	s5 =	sadd.s32 $0x1, s25  }
0x1dc: {  	p1 =	sne.s32 s5, s26  }
.Ltmp2:
0x1dd: {  	_ = 	snop;
	(pc) =	sbr.rel @p1 .LBB2_1-.Ltmp2, $3  }
0x1de: {  	_ =	sdelay $0x1  }
0x1df: {  	[sflag:s12] =	ssyncset.done $0x0  }
0x1e0: {  	[sflag:s12] =	ssyncadd.s32 $0xFFFFD800  }
0x1e1: {  	_ =	sfence.sel $0x180000  }
0x1e2: {  	[bflag:$0x0] =	sbarrier.arrive $0xFFFF  }
0x1e3: {  	_ =	strace $0x9000004A  }
0x1e4: {  	s0 =	stileid.u32;
	[bflag:$0x2] =	sbarrier.arrive $0xFFFF  }
0x1e5: {  	p0 =	sne.s32 s0, $0x0;
	s0 =	rddreg [dreg:$0x4]  }
0x1e6: {  	s0 =	sadd.s32 @!p0 $0x100000, s0  }
0x1e7: {  	[sflag:s0] =	ssyncadd.tile.s32 @!p0 $0x1;
	_ =	shalt  }
.Lfunc_end2:
_tile_overlayer_lowered:
.L_overlay_start_2:
0x1e8: {  	(tag) =	ssettag $0x2  }
0x1e9: {  	s0 =	rddreg [dreg:$0x0];
	s2 =	stileid.u32  }
0x1ea: {  	s1 =	rddreg [dreg:$0x1];
	p0 =	sne.s32 s2, $0x0  }
0x1eb: {  	s3 =	rddreg [dreg:$0x2];
	[bflag:$0x3] =	sbarrier.arrive $0xFFFF;
	s2 =	simm.s32 @!p0 $0x1C07  }
0x1ec: {  	[timem:s3], [sflag:s2] =	dma.local @!p0 [hbm:s0], s1  }
0x1ed: {  	s0 =	simm.s32 @!p0 $0x7  }
0x1ee: {  	_ =	swait.ge @!p0 [sflag:s0], s1  }
0x1ef: {  	s1 =	ssub.s32 @!p0 $0x0, s1;
	[sflag:s0] =	ssyncset.done @!p0 $0x0  }
0x1f0: {  	[sflag:s0] =	ssyncadd.s32 @!p0 s1  }
0x1f1: {  	[bflag:$0x3] =	sbarrier.arrive $0xFFFF  }
0x1f2: {  	_ =	shalt  }

</sc_bundles>
